<compile_context>
chip_gen: v7x
topology: tpu7x:2x2x1
jax: 0.10.2.dev20260603
libtpu: 0.0.44.dev20260713+nightly
codegen_flags: <defaults>
</compile_context>

<pallas_src>
import jax
import jax.numpy as jnp
from jax.experimental import pallas as pl
from jax.experimental.pallas import tpu as pltpu

F = 64
NX = 512
NY = 512
C = NX * NY
P = 30000

ZCHUNK = 16384
BATCH = 64


def _scatter_body(coords_ref, pf_ref, out_ref, zbuf_ref, sem, rsem):
    zbuf_ref[...] = jnp.zeros_like(zbuf_ref)
    nz = C // ZCHUNK
    for k in range(nz):
        pltpu.make_async_copy(
            zbuf_ref, out_ref.at[pl.ds(k * ZCHUNK, ZCHUNK), :], sem
        ).start()
    for k in range(nz):
        pltpu.make_async_copy(
            zbuf_ref, out_ref.at[pl.ds(k * ZCHUNK, ZCHUNK), :], sem
        ).wait()

    def flat_idx(p):
        return (coords_ref[4 * p + 1]
                + coords_ref[4 * p + 2] * NX
                + coords_ref[4 * p + 3])

    def group(g, carry):
        base = g * BATCH
        for j in range(BATCH):
            p = base + j
            i = flat_idx(p)
            pltpu.make_async_copy(
                pf_ref.at[pl.ds(p, 1), :], out_ref.at[pl.ds(i, 1), :], rsem
            ).start()
        for j in range(BATCH):
            p = base + j
            i = flat_idx(p)
            pltpu.make_async_copy(
                pf_ref.at[pl.ds(p, 1), :], out_ref.at[pl.ds(i, 1), :], rsem
            ).wait()
        return carry

    jax.lax.fori_loop(0, P // BATCH, group, 0)
    for j in range(P % BATCH):
        p = (P // BATCH) * BATCH + j
        i = flat_idx(p)
        pltpu.make_async_copy(
            pf_ref.at[pl.ds(p, 1), :], out_ref.at[pl.ds(i, 1), :], rsem
        ).start()
        pltpu.make_async_copy(
            pf_ref.at[pl.ds(p, 1), :], out_ref.at[pl.ds(i, 1), :], rsem
        ).wait()


def _transpose_body(in_ref, out_ref):
    out_ref[...] = in_ref[...].T


TB = 2048


def kernel(pillar_features, coords):
    coords_flat = coords.reshape(-1).astype(jnp.int32)

    grid_spec = pltpu.PrefetchScalarGridSpec(
        num_scalar_prefetch=1,
        grid=(1,),
        in_specs=[pl.BlockSpec((P, F), lambda i, c: (0, 0))],
        out_specs=pl.BlockSpec(memory_space=pl.ANY),
        scratch_shapes=[
            pltpu.VMEM((ZCHUNK, F), jnp.float32),
            pltpu.SemaphoreType.DMA,
            pltpu.SemaphoreType.DMA,
        ],
    )
    scratch = pl.pallas_call(
        _scatter_body,
        grid_spec=grid_spec,
        out_shape=jax.ShapeDtypeStruct((C, F), jnp.float32),
    )(coords_flat, pillar_features)

    out = pl.pallas_call(
        _transpose_body,
        grid=(C // TB,),
        in_specs=[pl.BlockSpec((TB, F), lambda i: (i, 0))],
        out_specs=pl.BlockSpec((F, TB), lambda i: (0, i)),
        out_shape=jax.ShapeDtypeStruct((F, C), jnp.float32),
    )(scratch)
    return out.reshape(1, F, NY, NX)

# --- scband reference (transcript-rebuilt; emitter-appended) ---
"""Pipeline reference for scband-point-pillar-scatter-30709016166584 (READ-ONLY COPY).

The authoritative reference and input builder live on the scoring server;
editing this copy changes nothing except your own understanding.
"""

import jax, jax.numpy as jnp
import numpy as np

NUM_BEV_FEATURES = 64
NX, NY, NZ = 512, 512, 1
P = 30000

def setup_inputs(seed: int = 0) -> dict:
    key = jax.random.key(seed)
    k1, k2 = jax.random.split(key)
    pillar_features = jax.random.normal(k1, (P, NUM_BEV_FEATURES), dtype=jnp.float32)
    # coords layout: [batch_idx, z, y, x]; index = z + y*nx + x must be < nz*nx*ny.
    # max coord value 510 guarantees 509 + 509*512 + 509 = 261626 < 262144.
    coords = jax.random.randint(k2, (P, 4), 0, 510, dtype=jnp.int32)
    return {"pillar_features": pillar_features, "coords": coords}

def reference(pillar_features, coords):
    batch_size = 1
    indices = coords[:, 1] + coords[:, 2] * NX + coords[:, 3]
    indices = indices.astype(jnp.int32)
    # scatter-overwrite: spatial_feature[:, indices] = pillar_features.T
    spatial_feature = jnp.zeros((NUM_BEV_FEATURES, NZ * NX * NY), dtype=pillar_features.dtype)
    spatial_feature = spatial_feature.at[:, indices].set(pillar_features.T)
    batch_spatial_features = spatial_feature[None, ...]
    batch_spatial_features = batch_spatial_features.reshape(batch_size, NUM_BEV_FEATURES * NZ, NY, NX)
    return batch_spatial_features

if __name__ == "__main__":
    import jax
    _d = setup_inputs()
    print(jax.jit(kernel)(*tuple(_d.values())))

</pallas_src>

<mosaic_0001>
module attributes {stable_mosaic.version = 14 : i64} {
  func.func @_scatter_body(%arg0: i32, %arg1: memref<120000xi32, #tpu.memory_space<smem>>, %arg2: memref<30000x64xf32, #tpu.memory_space<vmem>>, %arg3: memref<262144x64xf32, #tpu.memory_space<any>>, %arg4: memref<16384x64xf32, #tpu.memory_space<vmem>>, %arg5: memref<!tpu.dma_semaphore, #tpu.memory_space<semaphore_mem>>, %arg6: memref<!tpu.dma_semaphore, #tpu.memory_space<semaphore_mem>>) attributes {dimension_semantics = [#tpu.dimension_semantics<arbitrary>], iteration_bounds = array<i64: 1>, scalar_prefetch = 1 : i64, scratch_operands = 3 : i64, tpu.core_type = #tpu.core_type<tc>, window_params = [{pipeline_mode = #tpu.pipeline_mode<synchronous>, transform_indices = @transform_0, window_bounds = array<i64: 30000, 64>}, {}]} {
    %broadcast_in_dim3A = arith.constant 0.000000e+00 : f32
    %broadcast_in_dim3A_0 = vector.broadcast %broadcast_in_dim3A : f32 to vector<16384x64xf32>
    %swap3A = arith.constant 0 : index
    %swap3A_1 = arith.constant 0 : index
    %swap3A_2 = vector.load %arg4[%swap3A, %swap3A_1] : memref<16384x64xf32, #tpu.memory_space<vmem>>, vector<16384x64xf32>
    tpu.vector_store %arg4[%swap3A, %swap3A_1], %broadcast_in_dim3A_0 {strides = array<i32>} : memref<16384x64xf32, #tpu.memory_space<vmem>>, vector<16384x64xf32>,
    %dma_start3A = arith.constant 0 : i32
    %dma_start3A_3 = arith.constant 0 : i32
    %dma_start3A_4 = tpu.memref_slice %arg3[%dma_start3A, %dma_start3A_3] : memref<262144x64xf32, #tpu.memory_space<any>> -> memref<16384x64xf32, #tpu.memory_space<any>>
    tpu.enqueue_dma source(%arg4 : memref<16384x64xf32, #tpu.memory_space<vmem>>) target(%dma_start3A_4 : memref<16384x64xf32, #tpu.memory_space<any>>) target_semaphore(%arg5 : memref<!tpu.dma_semaphore, #tpu.memory_space<semaphore_mem>>)
    %dma_start3A_5 = arith.constant 16384 : i32
    %dma_start3A_6 = arith.constant 0 : i32
    %dma_start3A_7 = tpu.memref_slice %arg3[%dma_start3A_5, %dma_start3A_6] : memref<262144x64xf32, #tpu.memory_space<any>> -> memref<16384x64xf32, #tpu.memory_space<any>>
    tpu.enqueue_dma source(%arg4 : memref<16384x64xf32, #tpu.memory_space<vmem>>) target(%dma_start3A_7 : memref<16384x64xf32, #tpu.memory_space<any>>) target_semaphore(%arg5 : memref<!tpu.dma_semaphore, #tpu.memory_space<semaphore_mem>>)
    %dma_start3A_8 = arith.constant 32768 : i32
    %dma_start3A_9 = arith.constant 0 : i32
    %dma_start3A_10 = tpu.memref_slice %arg3[%dma_start3A_8, %dma_start3A_9] : memref<262144x64xf32, #tpu.memory_space<any>> -> memref<16384x64xf32, #tpu.memory_space<any>>
    tpu.enqueue_dma source(%arg4 : memref<16384x64xf32, #tpu.memory_space<vmem>>) target(%dma_start3A_10 : memref<16384x64xf32, #tpu.memory_space<any>>) target_semaphore(%arg5 : memref<!tpu.dma_semaphore, #tpu.memory_space<semaphore_mem>>)
    %dma_start3A_11 = arith.constant 49152 : i32
    %dma_start3A_12 = arith.constant 0 : i32
    %dma_start3A_13 = tpu.memref_slice %arg3[%dma_start3A_11, %dma_start3A_12] : memref<262144x64xf32, #tpu.memory_space<any>> -> memref<16384x64xf32, #tpu.memory_space<any>>
    tpu.enqueue_dma source(%arg4 : memref<16384x64xf32, #tpu.memory_space<vmem>>) target(%dma_start3A_13 : memref<16384x64xf32, #tpu.memory_space<any>>) target_semaphore(%arg5 : memref<!tpu.dma_semaphore, #tpu.memory_space<semaphore_mem>>)
    %dma_start3A_14 = arith.constant 65536 : i32
    %dma_start3A_15 = arith.constant 0 : i32
    %dma_start3A_16 = tpu.memref_slice %arg3[%dma_start3A_14, %dma_start3A_15] : memref<262144x64xf32, #tpu.memory_space<any>> -> memref<16384x64xf32, #tpu.memory_space<any>>
    tpu.enqueue_dma source(%arg4 : memref<16384x64xf32, #tpu.memory_space<vmem>>) target(%dma_start3A_16 : memref<16384x64xf32, #tpu.memory_space<any>>) target_semaphore(%arg5 : memref<!tpu.dma_semaphore, #tpu.memory_space<semaphore_mem>>)
    %dma_start3A_17 = arith.constant 81920 : i32
    %dma_start3A_18 = arith.constant 0 : i32
    %dma_start3A_19 = tpu.memref_slice %arg3[%dma_start3A_17, %dma_start3A_18] : memref<262144x64xf32, #tpu.memory_space<any>> -> memref<16384x64xf32, #tpu.memory_space<any>>
    tpu.enqueue_dma source(%arg4 : memref<16384x64xf32, #tpu.memory_space<vmem>>) target(%dma_start3A_19 : memref<16384x64xf32, #tpu.memory_space<any>>) target_semaphore(%arg5 : memref<!tpu.dma_semaphore, #tpu.memory_space<semaphore_mem>>)
    %dma_start3A_20 = arith.constant 98304 : i32
    %dma_start3A_21 = arith.constant 0 : i32
    %dma_start3A_22 = tpu.memref_slice %arg3[%dma_start3A_20, %dma_start3A_21] : memref<262144x64xf32, #tpu.memory_space<any>> -> memref<16384x64xf32, #tpu.memory_space<any>>
    tpu.enqueue_dma source(%arg4 : memref<16384x64xf32, #tpu.memory_space<vmem>>) target(%dma_start3A_22 : memref<16384x64xf32, #tpu.memory_space<any>>) target_semaphore(%arg5 : memref<!tpu.dma_semaphore, #tpu.memory_space<semaphore_mem>>)
    %dma_start3A_23 = arith.constant 114688 : i32
    %dma_start3A_24 = arith.constant 0 : i32
    %dma_start3A_25 = tpu.memref_slice %arg3[%dma_start3A_23, %dma_start3A_24] : memref<262144x64xf32, #tpu.memory_space<any>> -> memref<16384x64xf32, #tpu.memory_space<any>>
    tpu.enqueue_dma source(%arg4 : memref<16384x64xf32, #tpu.memory_space<vmem>>) target(%dma_start3A_25 : memref<16384x64xf32, #tpu.memory_space<any>>) target_semaphore(%arg5 : memref<!tpu.dma_semaphore, #tpu.memory_space<semaphore_mem>>)
    %dma_start3A_26 = arith.constant 131072 : i32
    %dma_start3A_27 = arith.constant 0 : i32
    %dma_start3A_28 = tpu.memref_slice %arg3[%dma_start3A_26, %dma_start3A_27] : memref<262144x64xf32, #tpu.memory_space<any>> -> memref<16384x64xf32, #tpu.memory_space<any>>
    tpu.enqueue_dma source(%arg4 : memref<16384x64xf32, #tpu.memory_space<vmem>>) target(%dma_start3A_28 : memref<16384x64xf32, #tpu.memory_space<any>>) target_semaphore(%arg5 : memref<!tpu.dma_semaphore, #tpu.memory_space<semaphore_mem>>)
    %dma_start3A_29 = arith.constant 147456 : i32
    %dma_start3A_30 = arith.constant 0 : i32
    %dma_start3A_31 = tpu.memref_slice %arg3[%dma_start3A_29, %dma_start3A_30] : memref<262144x64xf32, #tpu.memory_space<any>> -> memref<16384x64xf32, #tpu.memory_space<any>>
    tpu.enqueue_dma source(%arg4 : memref<16384x64xf32, #tpu.memory_space<vmem>>) target(%dma_start3A_31 : memref<16384x64xf32, #tpu.memory_space<any>>) target_semaphore(%arg5 : memref<!tpu.dma_semaphore, #tpu.memory_space<semaphore_mem>>)
    %dma_start3A_32 = arith.constant 163840 : i32
    %dma_start3A_33 = arith.constant 0 : i32
    %dma_start3A_34 = tpu.memref_slice %arg3[%dma_start3A_32, %dma_start3A_33] : memref<262144x64xf32, #tpu.memory_space<any>> -> memref<16384x64xf32, #tpu.memory_space<any>>
    tpu.enqueue_dma source(%arg4 : memref<16384x64xf32, #tpu.memory_space<vmem>>) target(%dma_start3A_34 : memref<16384x64xf32, #tpu.memory_space<any>>) target_semaphore(%arg5 : memref<!tpu.dma_semaphore, #tpu.memory_space<semaphore_mem>>)
    %dma_start3A_35 = arith.constant 180224 : i32
    %dma_start3A_36 = arith.constant 0 : i32
    %dma_start3A_37 = tpu.memref_slice %arg3[%dma_start3A_35, %dma_start3A_36] : memref<262144x64xf32, #tpu.memory_space<any>> -> memref<16384x64xf32, #tpu.memory_space<any>>
    tpu.enqueue_dma source(%arg4 : memref<16384x64xf32, #tpu.memory_space<vmem>>) target(%dma_start3A_37 : memref<16384x64xf32, #tpu.memory_space<any>>) target_semaphore(%arg5 : memref<!tpu.dma_semaphore, #tpu.memory_space<semaphore_mem>>)
    %dma_start3A_38 = arith.constant 196608 : i32
    %dma_start3A_39 = arith.constant 0 : i32
    %dma_start3A_40 = tpu.memref_slice %arg3[%dma_start3A_38, %dma_start3A_39] : memref<262144x64xf32, #tpu.memory_space<any>> -> memref<16384x64xf32, #tpu.memory_space<any>>
    tpu.enqueue_dma source(%arg4 : memref<16384x64xf32, #tpu.memory_space<vmem>>) target(%dma_start3A_40 : memref<16384x64xf32, #tpu.memory_space<any>>) target_semaphore(%arg5 : memref<!tpu.dma_semaphore, #tpu.memory_space<semaphore_mem>>)
    %dma_start3A_41 = arith.constant 212992 : i32
    %dma_start3A_42 = arith.constant 0 : i32
    %dma_start3A_43 = tpu.memref_slice %arg3[%dma_start3A_41, %dma_start3A_42] : memref<262144x64xf32, #tpu.memory_space<any>> -> memref<16384x64xf32, #tpu.memory_space<any>>
    tpu.enqueue_dma source(%arg4 : memref<16384x64xf32, #tpu.memory_space<vmem>>) target(%dma_start3A_43 : memref<16384x64xf32, #tpu.memory_space<any>>) target_semaphore(%arg5 : memref<!tpu.dma_semaphore, #tpu.memory_space<semaphore_mem>>)
    %dma_start3A_44 = arith.constant 229376 : i32
    %dma_start3A_45 = arith.constant 0 : i32
    %dma_start3A_46 = tpu.memref_slice %arg3[%dma_start3A_44, %dma_start3A_45] : memref<262144x64xf32, #tpu.memory_space<any>> -> memref<16384x64xf32, #tpu.memory_space<any>>
    tpu.enqueue_dma source(%arg4 : memref<16384x64xf32, #tpu.memory_space<vmem>>) target(%dma_start3A_46 : memref<16384x64xf32, #tpu.memory_space<any>>) target_semaphore(%arg5 : memref<!tpu.dma_semaphore, #tpu.memory_space<semaphore_mem>>)
    %dma_start3A_47 = arith.constant 245760 : i32
    %dma_start3A_48 = arith.constant 0 : i32
    %dma_start3A_49 = tpu.memref_slice %arg3[%dma_start3A_47, %dma_start3A_48] : memref<262144x64xf32, #tpu.memory_space<any>> -> memref<16384x64xf32, #tpu.memory_space<any>>
    tpu.enqueue_dma source(%arg4 : memref<16384x64xf32, #tpu.memory_space<vmem>>) target(%dma_start3A_49 : memref<16384x64xf32, #tpu.memory_space<any>>) target_semaphore(%arg5 : memref<!tpu.dma_semaphore, #tpu.memory_space<semaphore_mem>>)
    %dma_wait3A = arith.constant 0 : i32
    %dma_wait3A_50 = arith.constant 0 : i32
    %dma_wait3A_51 = tpu.memref_slice %arg3[%dma_wait3A, %dma_wait3A_50] : memref<262144x64xf32, #tpu.memory_space<any>> -> memref<16384x64xf32, #tpu.memory_space<any>>
    tpu.wait_dma2 semaphore(%arg5 : memref<!tpu.dma_semaphore, #tpu.memory_space<semaphore_mem>>) src(%arg4 : memref<16384x64xf32, #tpu.memory_space<vmem>>) dst(%dma_wait3A_51 : memref<16384x64xf32, #tpu.memory_space<any>>)
    %dma_wait3A_52 = arith.constant 16384 : i32
    %dma_wait3A_53 = arith.constant 0 : i32
    %dma_wait3A_54 = tpu.memref_slice %arg3[%dma_wait3A_52, %dma_wait3A_53] : memref<262144x64xf32, #tpu.memory_space<any>> -> memref<16384x64xf32, #tpu.memory_space<any>>
    tpu.wait_dma2 semaphore(%arg5 : memref<!tpu.dma_semaphore, #tpu.memory_space<semaphore_mem>>) src(%arg4 : memref<16384x64xf32, #tpu.memory_space<vmem>>) dst(%dma_wait3A_54 : memref<16384x64xf32, #tpu.memory_space<any>>)
    %dma_wait3A_55 = arith.constant 32768 : i32
    %dma_wait3A_56 = arith.constant 0 : i32
    %dma_wait3A_57 = tpu.memref_slice %arg3[%dma_wait3A_55, %dma_wait3A_56] : memref<262144x64xf32, #tpu.memory_space<any>> -> memref<16384x64xf32, #tpu.memory_space<any>>
    tpu.wait_dma2 semaphore(%arg5 : memref<!tpu.dma_semaphore, #tpu.memory_space<semaphore_mem>>) src(%arg4 : memref<16384x64xf32, #tpu.memory_space<vmem>>) dst(%dma_wait3A_57 : memref<16384x64xf32, #tpu.memory_space<any>>)
    %dma_wait3A_58 = arith.constant 49152 : i32
    %dma_wait3A_59 = arith.constant 0 : i32
    %dma_wait3A_60 = tpu.memref_slice %arg3[%dma_wait3A_58, %dma_wait3A_59] : memref<262144x64xf32, #tpu.memory_space<any>> -> memref<16384x64xf32, #tpu.memory_space<any>>
    tpu.wait_dma2 semaphore(%arg5 : memref<!tpu.dma_semaphore, #tpu.memory_space<semaphore_mem>>) src(%arg4 : memref<16384x64xf32, #tpu.memory_space<vmem>>) dst(%dma_wait3A_60 : memref<16384x64xf32, #tpu.memory_space<any>>)
    %dma_wait3A_61 = arith.constant 65536 : i32
    %dma_wait3A_62 = arith.constant 0 : i32
    %dma_wait3A_63 = tpu.memref_slice %arg3[%dma_wait3A_61, %dma_wait3A_62] : memref<262144x64xf32, #tpu.memory_space<any>> -> memref<16384x64xf32, #tpu.memory_space<any>>
    tpu.wait_dma2 semaphore(%arg5 : memref<!tpu.dma_semaphore, #tpu.memory_space<semaphore_mem>>) src(%arg4 : memref<16384x64xf32, #tpu.memory_space<vmem>>) dst(%dma_wait3A_63 : memref<16384x64xf32, #tpu.memory_space<any>>)
    %dma_wait3A_64 = arith.constant 81920 : i32
    %dma_wait3A_65 = arith.constant 0 : i32
    %dma_wait3A_66 = tpu.memref_slice %arg3[%dma_wait3A_64, %dma_wait3A_65] : memref<262144x64xf32, #tpu.memory_space<any>> -> memref<16384x64xf32, #tpu.memory_space<any>>
    tpu.wait_dma2 semaphore(%arg5 : memref<!tpu.dma_semaphore, #tpu.memory_space<semaphore_mem>>) src(%arg4 : memref<16384x64xf32, #tpu.memory_space<vmem>>) dst(%dma_wait3A_66 : memref<16384x64xf32, #tpu.memory_space<any>>)
    %dma_wait3A_67 = arith.constant 98304 : i32
    %dma_wait3A_68 = arith.constant 0 : i32
    %dma_wait3A_69 = tpu.memref_slice %arg3[%dma_wait3A_67, %dma_wait3A_68] : memref<262144x64xf32, #tpu.memory_space<any>> -> memref<16384x64xf32, #tpu.memory_space<any>>
    tpu.wait_dma2 semaphore(%arg5 : memref<!tpu.dma_semaphore, #tpu.memory_space<semaphore_mem>>) src(%arg4 : memref<16384x64xf32, #tpu.memory_space<vmem>>) dst(%dma_wait3A_69 : memref<16384x64xf32, #tpu.memory_space<any>>)
    %dma_wait3A_70 = arith.constant 114688 : i32
    %dma_wait3A_71 = arith.constant 0 : i32
    %dma_wait3A_72 = tpu.memref_slice %arg3[%dma_wait3A_70, %dma_wait3A_71] : memref<262144x64xf32, #tpu.memory_space<any>> -> memref<16384x64xf32, #tpu.memory_space<any>>
    tpu.wait_dma2 semaphore(%arg5 : memref<!tpu.dma_semaphore, #tpu.memory_space<semaphore_mem>>) src(%arg4 : memref<16384x64xf32, #tpu.memory_space<vmem>>) dst(%dma_wait3A_72 : memref<16384x64xf32, #tpu.memory_space<any>>)
    %dma_wait3A_73 = arith.constant 131072 : i32
    %dma_wait3A_74 = arith.constant 0 : i32
    %dma_wait3A_75 = tpu.memref_slice %arg3[%dma_wait3A_73, %dma_wait3A_74] : memref<262144x64xf32, #tpu.memory_space<any>> -> memref<16384x64xf32, #tpu.memory_space<any>>
    tpu.wait_dma2 semaphore(%arg5 : memref<!tpu.dma_semaphore, #tpu.memory_space<semaphore_mem>>) src(%arg4 : memref<16384x64xf32, #tpu.memory_space<vmem>>) dst(%dma_wait3A_75 : memref<16384x64xf32, #tpu.memory_space<any>>)
    %dma_wait3A_76 = arith.constant 147456 : i32
    %dma_wait3A_77 = arith.constant 0 : i32
    %dma_wait3A_78 = tpu.memref_slice %arg3[%dma_wait3A_76, %dma_wait3A_77] : memref<262144x64xf32, #tpu.memory_space<any>> -> memref<16384x64xf32, #tpu.memory_space<any>>
    tpu.wait_dma2 semaphore(%arg5 : memref<!tpu.dma_semaphore, #tpu.memory_space<semaphore_mem>>) src(%arg4 : memref<16384x64xf32, #tpu.memory_space<vmem>>) dst(%dma_wait3A_78 : memref<16384x64xf32, #tpu.memory_space<any>>)
    %dma_wait3A_79 = arith.constant 163840 : i32
    %dma_wait3A_80 = arith.constant 0 : i32
    %dma_wait3A_81 = tpu.memref_slice %arg3[%dma_wait3A_79, %dma_wait3A_80] : memref<262144x64xf32, #tpu.memory_space<any>> -> memref<16384x64xf32, #tpu.memory_space<any>>
    tpu.wait_dma2 semaphore(%arg5 : memref<!tpu.dma_semaphore, #tpu.memory_space<semaphore_mem>>) src(%arg4 : memref<16384x64xf32, #tpu.memory_space<vmem>>) dst(%dma_wait3A_81 : memref<16384x64xf32, #tpu.memory_space<any>>)
    %dma_wait3A_82 = arith.constant 180224 : i32
    %dma_wait3A_83 = arith.constant 0 : i32
    %dma_wait3A_84 = tpu.memref_slice %arg3[%dma_wait3A_82, %dma_wait3A_83] : memref<262144x64xf32, #tpu.memory_space<any>> -> memref<16384x64xf32, #tpu.memory_space<any>>
    tpu.wait_dma2 semaphore(%arg5 : memref<!tpu.dma_semaphore, #tpu.memory_space<semaphore_mem>>) src(%arg4 : memref<16384x64xf32, #tpu.memory_space<vmem>>) dst(%dma_wait3A_84 : memref<16384x64xf32, #tpu.memory_space<any>>)
    %dma_wait3A_85 = arith.constant 196608 : i32
    %dma_wait3A_86 = arith.constant 0 : i32
    %dma_wait3A_87 = tpu.memref_slice %arg3[%dma_wait3A_85, %dma_wait3A_86] : memref<262144x64xf32, #tpu.memory_space<any>> -> memref<16384x64xf32, #tpu.memory_space<any>>
    tpu.wait_dma2 semaphore(%arg5 : memref<!tpu.dma_semaphore, #tpu.memory_space<semaphore_mem>>) src(%arg4 : memref<16384x64xf32, #tpu.memory_space<vmem>>) dst(%dma_wait3A_87 : memref<16384x64xf32, #tpu.memory_space<any>>)
    %dma_wait3A_88 = arith.constant 212992 : i32
    %dma_wait3A_89 = arith.constant 0 : i32
    %dma_wait3A_90 = tpu.memref_slice %arg3[%dma_wait3A_88, %dma_wait3A_89] : memref<262144x64xf32, #tpu.memory_space<any>> -> memref<16384x64xf32, #tpu.memory_space<any>>
    tpu.wait_dma2 semaphore(%arg5 : memref<!tpu.dma_semaphore, #tpu.memory_space<semaphore_mem>>) src(%arg4 : memref<16384x64xf32, #tpu.memory_space<vmem>>) dst(%dma_wait3A_90 : memref<16384x64xf32, #tpu.memory_space<any>>)
    %dma_wait3A_91 = arith.constant 229376 : i32
    %dma_wait3A_92 = arith.constant 0 : i32
    %dma_wait3A_93 = tpu.memref_slice %arg3[%dma_wait3A_91, %dma_wait3A_92] : memref<262144x64xf32, #tpu.memory_space<any>> -> memref<16384x64xf32, #tpu.memory_space<any>>
    tpu.wait_dma2 semaphore(%arg5 : memref<!tpu.dma_semaphore, #tpu.memory_space<semaphore_mem>>) src(%arg4 : memref<16384x64xf32, #tpu.memory_space<vmem>>) dst(%dma_wait3A_93 : memref<16384x64xf32, #tpu.memory_space<any>>)
    %dma_wait3A_94 = arith.constant 245760 : i32
    %dma_wait3A_95 = arith.constant 0 : i32
    %dma_wait3A_96 = tpu.memref_slice %arg3[%dma_wait3A_94, %dma_wait3A_95] : memref<262144x64xf32, #tpu.memory_space<any>> -> memref<16384x64xf32, #tpu.memory_space<any>>
    tpu.wait_dma2 semaphore(%arg5 : memref<!tpu.dma_semaphore, #tpu.memory_space<semaphore_mem>>) src(%arg4 : memref<16384x64xf32, #tpu.memory_space<vmem>>) dst(%dma_wait3A_96 : memref<16384x64xf32, #tpu.memory_space<any>>)
    %scan3A = arith.constant 0 : i32
    %scan3A_97 = arith.constant 468 : i32
    %scan3A_98 = arith.addi %scan3A, %scan3A_97 : i32
    %scan3A_99 = arith.constant 1 : i32
    scf.for %scan3A_1058 = %scan3A to %scan3A_98 step %scan3A_99  : i32 {
      %mul3A_1059 = arith.constant 64 : i32
      %mul3A_1060 = arith.muli %scan3A_1058, %mul3A_1059 : i32
      %add3A_1061 = arith.constant 0 : i32
      %add3A_1062 = arith.addi %mul3A_1060, %add3A_1061 : i32
      %mul3A_1063 = arith.constant 4 : i32
      %mul3A_1064 = arith.muli %mul3A_1063, %add3A_1062 : i32
      %add3A_1065 = arith.constant 1 : i32
      %add3A_1066 = arith.addi %mul3A_1064, %add3A_1065 : i32
      %get3A_1067 = arith.index_cast %add3A_1066 : i32 to index
      %get3A_1068 = memref.load %arg1[%get3A_1067] : memref<120000xi32, #tpu.memory_space<smem>>
      %mul3A_1069 = arith.constant 4 : i32
      %mul3A_1070 = arith.muli %mul3A_1069, %add3A_1062 : i32
      %add3A_1071 = arith.constant 2 : i32
      %add3A_1072 = arith.addi %mul3A_1070, %add3A_1071 : i32
      %get3A_1073 = arith.index_cast %add3A_1072 : i32 to index
      %get3A_1074 = memref.load %arg1[%get3A_1073] : memref<120000xi32, #tpu.memory_space<smem>>
      %mul3A_1075 = arith.constant 512 : i32
      %mul3A_1076 = arith.muli %get3A_1074, %mul3A_1075 : i32
      %add3A_1077 = arith.addi %get3A_1068, %mul3A_1076 : i32
      %mul3A_1078 = arith.constant 4 : i32
      %mul3A_1079 = arith.muli %mul3A_1078, %add3A_1062 : i32
      %add3A_1080 = arith.constant 3 : i32
      %add3A_1081 = arith.addi %mul3A_1079, %add3A_1080 : i32
      %get3A_1082 = arith.index_cast %add3A_1081 : i32 to index
      %get3A_1083 = memref.load %arg1[%get3A_1082] : memref<120000xi32, #tpu.memory_space<smem>>
      %add3A_1084 = arith.addi %add3A_1077, %get3A_1083 : i32
      %dma_start3A_1085 = arith.constant 0 : i32
      %dma_start3A_1086 = tpu.memref_slice %arg3[%add3A_1084, %dma_start3A_1085] : memref<262144x64xf32, #tpu.memory_space<any>> -> memref<1x64xf32, #tpu.memory_space<any>>
      %dma_start3A_1087 = arith.constant 0 : i32
      %dma_start3A_1088 = tpu.memref_slice %arg2[%add3A_1062, %dma_start3A_1087] : memref<30000x64xf32, #tpu.memory_space<vmem>> -> memref<1x64xf32, #tpu.memory_space<vmem>>
      tpu.enqueue_dma source(%dma_start3A_1088 : memref<1x64xf32, #tpu.memory_space<vmem>>) target(%dma_start3A_1086 : memref<1x64xf32, #tpu.memory_space<any>>) target_semaphore(%arg6 : memref<!tpu.dma_semaphore, #tpu.memory_space<semaphore_mem>>)
      %add3A_1089 = arith.constant 1 : i32
      %add3A_1090 = arith.addi %mul3A_1060, %add3A_1089 : i32
      %mul3A_1091 = arith.constant 4 : i32
      %mul3A_1092 = arith.muli %mul3A_1091, %add3A_1090 : i32
      %add3A_1093 = arith.constant 1 : i32
      %add3A_1094 = arith.addi %mul3A_1092, %add3A_1093 : i32
      %get3A_1095 = arith.index_cast %add3A_1094 : i32 to index
      %get3A_1096 = memref.load %arg1[%get3A_1095] : memref<120000xi32, #tpu.memory_space<smem>>
      %mul3A_1097 = arith.constant 4 : i32
      %mul3A_1098 = arith.muli %mul3A_1097, %add3A_1090 : i32
      %add3A_1099 = arith.constant 2 : i32
      %add3A_1100 = arith.addi %mul3A_1098, %add3A_1099 : i32
      %get3A_1101 = arith.index_cast %add3A_1100 : i32 to index
      %get3A_1102 = memref.load %arg1[%get3A_1101] : memref<120000xi32, #tpu.memory_space<smem>>
      %mul3A_1103 = arith.constant 512 : i32
      %mul3A_1104 = arith.muli %get3A_1102, %mul3A_1103 : i32
      %add3A_1105 = arith.addi %get3A_1096, %mul3A_1104 : i32
      %mul3A_1106 = arith.constant 4 : i32
      %mul3A_1107 = arith.muli %mul3A_1106, %add3A_1090 : i32
      %add3A_1108 = arith.constant 3 : i32
      %add3A_1109 = arith.addi %mul3A_1107, %add3A_1108 : i32
      %get3A_1110 = arith.index_cast %add3A_1109 : i32 to index
      %get3A_1111 = memref.load %arg1[%get3A_1110] : memref<120000xi32, #tpu.memory_space<smem>>
      %add3A_1112 = arith.addi %add3A_1105, %get3A_1111 : i32
      %dma_start3A_1113 = arith.constant 0 : i32
      %dma_start3A_1114 = tpu.memref_slice %arg3[%add3A_1112, %dma_start3A_1113] : memref<262144x64xf32, #tpu.memory_space<any>> -> memref<1x64xf32, #tpu.memory_space<any>>
      %dma_start3A_1115 = arith.constant 0 : i32
      %dma_start3A_1116 = tpu.memref_slice %arg2[%add3A_1090, %dma_start3A_1115] : memref<30000x64xf32, #tpu.memory_space<vmem>> -> memref<1x64xf32, #tpu.memory_space<vmem>>
      tpu.enqueue_dma source(%dma_start3A_1116 : memref<1x64xf32, #tpu.memory_space<vmem>>) target(%dma_start3A_1114 : memref<1x64xf32, #tpu.memory_space<any>>) target_semaphore(%arg6 : memref<!tpu.dma_semaphore, #tpu.memory_space<semaphore_mem>>)
      %add3A_1117 = arith.constant 2 : i32
      %add3A_1118 = arith.addi %mul3A_1060, %add3A_1117 : i32
      %mul3A_1119 = arith.constant 4 : i32
      %mul3A_1120 = arith.muli %mul3A_1119, %add3A_1118 : i32
      %add3A_1121 = arith.constant 1 : i32
      %add3A_1122 = arith.addi %mul3A_1120, %add3A_1121 : i32
      %get3A_1123 = arith.index_cast %add3A_1122 : i32 to index
      %get3A_1124 = memref.load %arg1[%get3A_1123] : memref<120000xi32, #tpu.memory_space<smem>>
      %mul3A_1125 = arith.constant 4 : i32
      %mul3A_1126 = arith.muli %mul3A_1125, %add3A_1118 : i32
      %add3A_1127 = arith.constant 2 : i32
      %add3A_1128 = arith.addi %mul3A_1126, %add3A_1127 : i32
      %get3A_1129 = arith.index_cast %add3A_1128 : i32 to index
      %get3A_1130 = memref.load %arg1[%get3A_1129] : memref<120000xi32, #tpu.memory_space<smem>>
      %mul3A_1131 = arith.constant 512 : i32
      %mul3A_1132 = arith.muli %get3A_1130, %mul3A_1131 : i32
      %add3A_1133 = arith.addi %get3A_1124, %mul3A_1132 : i32
      %mul3A_1134 = arith.constant 4 : i32
      %mul3A_1135 = arith.muli %mul3A_1134, %add3A_1118 : i32
      %add3A_1136 = arith.constant 3 : i32
      %add3A_1137 = arith.addi %mul3A_1135, %add3A_1136 : i32
      %get3A_1138 = arith.index_cast %add3A_1137 : i32 to index
      %get3A_1139 = memref.load %arg1[%get3A_1138] : memref<120000xi32, #tpu.memory_space<smem>>
      %add3A_1140 = arith.addi %add3A_1133, %get3A_1139 : i32
      %dma_start3A_1141 = arith.constant 0 : i32
      %dma_start3A_1142 = tpu.memref_slice %arg3[%add3A_1140, %dma_start3A_1141] : memref<262144x64xf32, #tpu.memory_space<any>> -> memref<1x64xf32, #tpu.memory_space<any>>
      %dma_start3A_1143 = arith.constant 0 : i32
      %dma_start3A_1144 = tpu.memref_slice %arg2[%add3A_1118, %dma_start3A_1143] : memref<30000x64xf32, #tpu.memory_space<vmem>> -> memref<1x64xf32, #tpu.memory_space<vmem>>
      tpu.enqueue_dma source(%dma_start3A_1144 : memref<1x64xf32, #tpu.memory_space<vmem>>) target(%dma_start3A_1142 : memref<1x64xf32, #tpu.memory_space<any>>) target_semaphore(%arg6 : memref<!tpu.dma_semaphore, #tpu.memory_space<semaphore_mem>>)
      %add3A_1145 = arith.constant 3 : i32
      %add3A_1146 = arith.addi %mul3A_1060, %add3A_1145 : i32
      %mul3A_1147 = arith.constant 4 : i32
      %mul3A_1148 = arith.muli %mul3A_1147, %add3A_1146 : i32
      %add3A_1149 = arith.constant 1 : i32
      %add3A_1150 = arith.addi %mul3A_1148, %add3A_1149 : i32
      %get3A_1151 = arith.index_cast %add3A_1150 : i32 to index
      %get3A_1152 = memref.load %arg1[%get3A_1151] : memref<120000xi32, #tpu.memory_space<smem>>
      %mul3A_1153 = arith.constant 4 : i32
      %mul3A_1154 = arith.muli %mul3A_1153, %add3A_1146 : i32
      %add3A_1155 = arith.constant 2 : i32
      %add3A_1156 = arith.addi %mul3A_1154, %add3A_1155 : i32
      %get3A_1157 = arith.index_cast %add3A_1156 : i32 to index
      %get3A_1158 = memref.load %arg1[%get3A_1157] : memref<120000xi32, #tpu.memory_space<smem>>
      %mul3A_1159 = arith.constant 512 : i32
      %mul3A_1160 = arith.muli %get3A_1158, %mul3A_1159 : i32
      %add3A_1161 = arith.addi %get3A_1152, %mul3A_1160 : i32
      %mul3A_1162 = arith.constant 4 : i32
      %mul3A_1163 = arith.muli %mul3A_1162, %add3A_1146 : i32
      %add3A_1164 = arith.constant 3 : i32
      %add3A_1165 = arith.addi %mul3A_1163, %add3A_1164 : i32
      %get3A_1166 = arith.index_cast %add3A_1165 : i32 to index
      %get3A_1167 = memref.load %arg1[%get3A_1166] : memref<120000xi32, #tpu.memory_space<smem>>
      %add3A_1168 = arith.addi %add3A_1161, %get3A_1167 : i32
      %dma_start3A_1169 = arith.constant 0 : i32
      %dma_start3A_1170 = tpu.memref_slice %arg3[%add3A_1168, %dma_start3A_1169] : memref<262144x64xf32, #tpu.memory_space<any>> -> memref<1x64xf32, #tpu.memory_space<any>>
      %dma_start3A_1171 = arith.constant 0 : i32
      %dma_start3A_1172 = tpu.memref_slice %arg2[%add3A_1146, %dma_start3A_1171] : memref<30000x64xf32, #tpu.memory_space<vmem>> -> memref<1x64xf32, #tpu.memory_space<vmem>>
      tpu.enqueue_dma source(%dma_start3A_1172 : memref<1x64xf32, #tpu.memory_space<vmem>>) target(%dma_start3A_1170 : memref<1x64xf32, #tpu.memory_space<any>>) target_semaphore(%arg6 : memref<!tpu.dma_semaphore, #tpu.memory_space<semaphore_mem>>)
      %add3A_1173 = arith.constant 4 : i32
      %add3A_1174 = arith.addi %mul3A_1060, %add3A_1173 : i32
      %mul3A_1175 = arith.constant 4 : i32
      %mul3A_1176 = arith.muli %mul3A_1175, %add3A_1174 : i32
      %add3A_1177 = arith.constant 1 : i32
      %add3A_1178 = arith.addi %mul3A_1176, %add3A_1177 : i32
      %get3A_1179 = arith.index_cast %add3A_1178 : i32 to index
      %get3A_1180 = memref.load %arg1[%get3A_1179] : memref<120000xi32, #tpu.memory_space<smem>>
      %mul3A_1181 = arith.constant 4 : i32
      %mul3A_1182 = arith.muli %mul3A_1181, %add3A_1174 : i32
      %add3A_1183 = arith.constant 2 : i32
      %add3A_1184 = arith.addi %mul3A_1182, %add3A_1183 : i32
      %get3A_1185 = arith.index_cast %add3A_1184 : i32 to index
      %get3A_1186 = memref.load %arg1[%get3A_1185] : memref<120000xi32, #tpu.memory_space<smem>>
      %mul3A_1187 = arith.constant 512 : i32
      %mul3A_1188 = arith.muli %get3A_1186, %mul3A_1187 : i32
      %add3A_1189 = arith.addi %get3A_1180, %mul3A_1188 : i32
      %mul3A_1190 = arith.constant 4 : i32
      %mul3A_1191 = arith.muli %mul3A_1190, %add3A_1174 : i32
      %add3A_1192 = arith.constant 3 : i32
      %add3A_1193 = arith.addi %mul3A_1191, %add3A_1192 : i32
      %get3A_1194 = arith.index_cast %add3A_1193 : i32 to index
      %get3A_1195 = memref.load %arg1[%get3A_1194] : memref<120000xi32, #tpu.memory_space<smem>>
      %add3A_1196 = arith.addi %add3A_1189, %get3A_1195 : i32
      %dma_start3A_1197 = arith.constant 0 : i32
      %dma_start3A_1198 = tpu.memref_slice %arg3[%add3A_1196, %dma_start3A_1197] : memref<262144x64xf32, #tpu.memory_space<any>> -> memref<1x64xf32, #tpu.memory_space<any>>
      %dma_start3A_1199 = arith.constant 0 : i32
      %dma_start3A_1200 = tpu.memref_slice %arg2[%add3A_1174, %dma_start3A_1199] : memref<30000x64xf32, #tpu.memory_space<vmem>> -> memref<1x64xf32, #tpu.memory_space<vmem>>
      tpu.enqueue_dma source(%dma_start3A_1200 : memref<1x64xf32, #tpu.memory_space<vmem>>) target(%dma_start3A_1198 : memref<1x64xf32, #tpu.memory_space<any>>) target_semaphore(%arg6 : memref<!tpu.dma_semaphore, #tpu.memory_space<semaphore_mem>>)
      %add3A_1201 = arith.constant 5 : i32
      %add3A_1202 = arith.addi %mul3A_1060, %add3A_1201 : i32
      %mul3A_1203 = arith.constant 4 : i32
      %mul3A_1204 = arith.muli %mul3A_1203, %add3A_1202 : i32
      %add3A_1205 = arith.constant 1 : i32
      %add3A_1206 = arith.addi %mul3A_1204, %add3A_1205 : i32
      %get3A_1207 = arith.index_cast %add3A_1206 : i32 to index
      %get3A_1208 = memref.load %arg1[%get3A_1207] : memref<120000xi32, #tpu.memory_space<smem>>
      %mul3A_1209 = arith.constant 4 : i32
      %mul3A_1210 = arith.muli %mul3A_1209, %add3A_1202 : i32
      %add3A_1211 = arith.constant 2 : i32
      %add3A_1212 = arith.addi %mul3A_1210, %add3A_1211 : i32
      %get3A_1213 = arith.index_cast %add3A_1212 : i32 to index
      %get3A_1214 = memref.load %arg1[%get3A_1213] : memref<120000xi32, #tpu.memory_space<smem>>
      %mul3A_1215 = arith.constant 512 : i32
      %mul3A_1216 = arith.muli %get3A_1214, %mul3A_1215 : i32
      %add3A_1217 = arith.addi %get3A_1208, %mul3A_1216 : i32
      %mul3A_1218 = arith.constant 4 : i32
      %mul3A_1219 = arith.muli %mul3A_1218, %add3A_1202 : i32
      %add3A_1220 = arith.constant 3 : i32
      %add3A_1221 = arith.addi %mul3A_1219, %add3A_1220 : i32
      %get3A_1222 = arith.index_cast %add3A_1221 : i32 to index
      %get3A_1223 = memref.load %arg1[%get3A_1222] : memref<120000xi32, #tpu.memory_space<smem>>
      %add3A_1224 = arith.addi %add3A_1217, %get3A_1223 : i32
      %dma_start3A_1225 = arith.constant 0 : i32
      %dma_start3A_1226 = tpu.memref_slice %arg3[%add3A_1224, %dma_start3A_1225] : memref<262144x64xf32, #tpu.memory_space<any>> -> memref<1x64xf32, #tpu.memory_space<any>>
      %dma_start3A_1227 = arith.constant 0 : i32
      %dma_start3A_1228 = tpu.memref_slice %arg2[%add3A_1202, %dma_start3A_1227] : memref<30000x64xf32, #tpu.memory_space<vmem>> -> memref<1x64xf32, #tpu.memory_space<vmem>>
      tpu.enqueue_dma source(%dma_start3A_1228 : memref<1x64xf32, #tpu.memory_space<vmem>>) target(%dma_start3A_1226 : memref<1x64xf32, #tpu.memory_space<any>>) target_semaphore(%arg6 : memref<!tpu.dma_semaphore, #tpu.memory_space<semaphore_mem>>)
      %add3A_1229 = arith.constant 6 : i32
      %add3A_1230 = arith.addi %mul3A_1060, %add3A_1229 : i32
      %mul3A_1231 = arith.constant 4 : i32
      %mul3A_1232 = arith.muli %mul3A_1231, %add3A_1230 : i32
      %add3A_1233 = arith.constant 1 : i32
      %add3A_1234 = arith.addi %mul3A_1232, %add3A_1233 : i32
      %get3A_1235 = arith.index_cast %add3A_1234 : i32 to index
      %get3A_1236 = memref.load %arg1[%get3A_1235] : memref<120000xi32, #tpu.memory_space<smem>>
      %mul3A_1237 = arith.constant 4 : i32
      %mul3A_1238 = arith.muli %mul3A_1237, %add3A_1230 : i32
      %add3A_1239 = arith.constant 2 : i32
      %add3A_1240 = arith.addi %mul3A_1238, %add3A_1239 : i32
      %get3A_1241 = arith.index_cast %add3A_1240 : i32 to index
      %get3A_1242 = memref.load %arg1[%get3A_1241] : memref<120000xi32, #tpu.memory_space<smem>>
      %mul3A_1243 = arith.constant 512 : i32
      %mul3A_1244 = arith.muli %get3A_1242, %mul3A_1243 : i32
      %add3A_1245 = arith.addi %get3A_1236, %mul3A_1244 : i32
      %mul3A_1246 = arith.constant 4 : i32
      %mul3A_1247 = arith.muli %mul3A_1246, %add3A_1230 : i32
      %add3A_1248 = arith.constant 3 : i32
      %add3A_1249 = arith.addi %mul3A_1247, %add3A_1248 : i32
      %get3A_1250 = arith.index_cast %add3A_1249 : i32 to index
      %get3A_1251 = memref.load %arg1[%get3A_1250] : memref<120000xi32, #tpu.memory_space<smem>>
      %add3A_1252 = arith.addi %add3A_1245, %get3A_1251 : i32
      %dma_start3A_1253 = arith.constant 0 : i32
      %dma_start3A_1254 = tpu.memref_slice %arg3[%add3A_1252, %dma_start3A_1253] : memref<262144x64xf32, #tpu.memory_space<any>> -> memref<1x64xf32, #tpu.memory_space<any>>
      %dma_start3A_1255 = arith.constant 0 : i32
      %dma_start3A_1256 = tpu.memref_slice %arg2[%add3A_1230, %dma_start3A_1255] : memref<30000x64xf32, #tpu.memory_space<vmem>> -> memref<1x64xf32, #tpu.memory_space<vmem>>
      tpu.enqueue_dma source(%dma_start3A_1256 : memref<1x64xf32, #tpu.memory_space<vmem>>) target(%dma_start3A_1254 : memref<1x64xf32, #tpu.memory_space<any>>) target_semaphore(%arg6 : memref<!tpu.dma_semaphore, #tpu.memory_space<semaphore_mem>>)
      %add3A_1257 = arith.constant 7 : i32
      %add3A_1258 = arith.addi %mul3A_1060, %add3A_1257 : i32
      %mul3A_1259 = arith.constant 4 : i32
      %mul3A_1260 = arith.muli %mul3A_1259, %add3A_1258 : i32
      %add3A_1261 = arith.constant 1 : i32
      %add3A_1262 = arith.addi %mul3A_1260, %add3A_1261 : i32
      %get3A_1263 = arith.index_cast %add3A_1262 : i32 to index
      %get3A_1264 = memref.load %arg1[%get3A_1263] : memref<120000xi32, #tpu.memory_space<smem>>
      %mul3A_1265 = arith.constant 4 : i32
      %mul3A_1266 = arith.muli %mul3A_1265, %add3A_1258 : i32
      %add3A_1267 = arith.constant 2 : i32
      %add3A_1268 = arith.addi %mul3A_1266, %add3A_1267 : i32
      %get3A_1269 = arith.index_cast %add3A_1268 : i32 to index
      %get3A_1270 = memref.load %arg1[%get3A_1269] : memref<120000xi32, #tpu.memory_space<smem>>
      %mul3A_1271 = arith.constant 512 : i32
      %mul3A_1272 = arith.muli %get3A_1270, %mul3A_1271 : i32
      %add3A_1273 = arith.addi %get3A_1264, %mul3A_1272 : i32
      %mul3A_1274 = arith.constant 4 : i32
      %mul3A_1275 = arith.muli %mul3A_1274, %add3A_1258 : i32
      %add3A_1276 = arith.constant 3 : i32
      %add3A_1277 = arith.addi %mul3A_1275, %add3A_1276 : i32
      %get3A_1278 = arith.index_cast %add3A_1277 : i32 to index
      %get3A_1279 = memref.load %arg1[%get3A_1278] : memref<120000xi32, #tpu.memory_space<smem>>
      %add3A_1280 = arith.addi %add3A_1273, %get3A_1279 : i32
      %dma_start3A_1281 = arith.constant 0 : i32
      %dma_start3A_1282 = tpu.memref_slice %arg3[%add3A_1280, %dma_start3A_1281] : memref<262144x64xf32, #tpu.memory_space<any>> -> memref<1x64xf32, #tpu.memory_space<any>>
      %dma_start3A_1283 = arith.constant 0 : i32
      %dma_start3A_1284 = tpu.memref_slice %arg2[%add3A_1258, %dma_start3A_1283] : memref<30000x64xf32, #tpu.memory_space<vmem>> -> memref<1x64xf32, #tpu.memory_space<vmem>>
      tpu.enqueue_dma source(%dma_start3A_1284 : memref<1x64xf32, #tpu.memory_space<vmem>>) target(%dma_start3A_1282 : memref<1x64xf32, #tpu.memory_space<any>>) target_semaphore(%arg6 : memref<!tpu.dma_semaphore, #tpu.memory_space<semaphore_mem>>)
      %add3A_1285 = arith.constant 8 : i32
      %add3A_1286 = arith.addi %mul3A_1060, %add3A_1285 : i32
      %mul3A_1287 = arith.constant 4 : i32
      %mul3A_1288 = arith.muli %mul3A_1287, %add3A_1286 : i32
      %add3A_1289 = arith.constant 1 : i32
      %add3A_1290 = arith.addi %mul3A_1288, %add3A_1289 : i32
      %get3A_1291 = arith.index_cast %add3A_1290 : i32 to index
      %get3A_1292 = memref.load %arg1[%get3A_1291] : memref<120000xi32, #tpu.memory_space<smem>>
      %mul3A_1293 = arith.constant 4 : i32
      %mul3A_1294 = arith.muli %mul3A_1293, %add3A_1286 : i32
      %add3A_1295 = arith.constant 2 : i32
      %add3A_1296 = arith.addi %mul3A_1294, %add3A_1295 : i32
      %get3A_1297 = arith.index_cast %add3A_1296 : i32 to index
      %get3A_1298 = memref.load %arg1[%get3A_1297] : memref<120000xi32, #tpu.memory_space<smem>>
      %mul3A_1299 = arith.constant 512 : i32
      %mul3A_1300 = arith.muli %get3A_1298, %mul3A_1299 : i32
      %add3A_1301 = arith.addi %get3A_1292, %mul3A_1300 : i32
      %mul3A_1302 = arith.constant 4 : i32
      %mul3A_1303 = arith.muli %mul3A_1302, %add3A_1286 : i32
      %add3A_1304 = arith.constant 3 : i32
      %add3A_1305 = arith.addi %mul3A_1303, %add3A_1304 : i32
      %get3A_1306 = arith.index_cast %add3A_1305 : i32 to index
      %get3A_1307 = memref.load %arg1[%get3A_1306] : memref<120000xi32, #tpu.memory_space<smem>>
      %add3A_1308 = arith.addi %add3A_1301, %get3A_1307 : i32
      %dma_start3A_1309 = arith.constant 0 : i32
      %dma_start3A_1310 = tpu.memref_slice %arg3[%add3A_1308, %dma_start3A_1309] : memref<262144x64xf32, #tpu.memory_space<any>> -> memref<1x64xf32, #tpu.memory_space<any>>
      %dma_start3A_1311 = arith.constant 0 : i32
      %dma_start3A_1312 = tpu.memref_slice %arg2[%add3A_1286, %dma_start3A_1311] : memref<30000x64xf32, #tpu.memory_space<vmem>> -> memref<1x64xf32, #tpu.memory_space<vmem>>
      tpu.enqueue_dma source(%dma_start3A_1312 : memref<1x64xf32, #tpu.memory_space<vmem>>) target(%dma_start3A_1310 : memref<1x64xf32, #tpu.memory_space<any>>) target_semaphore(%arg6 : memref<!tpu.dma_semaphore, #tpu.memory_space<semaphore_mem>>)
      %add3A_1313 = arith.constant 9 : i32
      %add3A_1314 = arith.addi %mul3A_1060, %add3A_1313 : i32
      %mul3A_1315 = arith.constant 4 : i32
      %mul3A_1316 = arith.muli %mul3A_1315, %add3A_1314 : i32
      %add3A_1317 = arith.constant 1 : i32
      %add3A_1318 = arith.addi %mul3A_1316, %add3A_1317 : i32
      %get3A_1319 = arith.index_cast %add3A_1318 : i32 to index
      %get3A_1320 = memref.load %arg1[%get3A_1319] : memref<120000xi32, #tpu.memory_space<smem>>
      %mul3A_1321 = arith.constant 4 : i32
      %mul3A_1322 = arith.muli %mul3A_1321, %add3A_1314 : i32
      %add3A_1323 = arith.constant 2 : i32
      %add3A_1324 = arith.addi %mul3A_1322, %add3A_1323 : i32
      %get3A_1325 = arith.index_cast %add3A_1324 : i32 to index
      %get3A_1326 = memref.load %arg1[%get3A_1325] : memref<120000xi32, #tpu.memory_space<smem>>
      %mul3A_1327 = arith.constant 512 : i32
      %mul3A_1328 = arith.muli %get3A_1326, %mul3A_1327 : i32
      %add3A_1329 = arith.addi %get3A_1320, %mul3A_1328 : i32
      %mul3A_1330 = arith.constant 4 : i32
      %mul3A_1331 = arith.muli %mul3A_1330, %add3A_1314 : i32
      %add3A_1332 = arith.constant 3 : i32
      %add3A_1333 = arith.addi %mul3A_1331, %add3A_1332 : i32
      %get3A_1334 = arith.index_cast %add3A_1333 : i32 to index
      %get3A_1335 = memref.load %arg1[%get3A_1334] : memref<120000xi32, #tpu.memory_space<smem>>
      %add3A_1336 = arith.addi %add3A_1329, %get3A_1335 : i32
      %dma_start3A_1337 = arith.constant 0 : i32
      %dma_start3A_1338 = tpu.memref_slice %arg3[%add3A_1336, %dma_start3A_1337] : memref<262144x64xf32, #tpu.memory_space<any>> -> memref<1x64xf32, #tpu.memory_space<any>>
      %dma_start3A_1339 = arith.constant 0 : i32
      %dma_start3A_1340 = tpu.memref_slice %arg2[%add3A_1314, %dma_start3A_1339] : memref<30000x64xf32, #tpu.memory_space<vmem>> -> memref<1x64xf32, #tpu.memory_space<vmem>>
      tpu.enqueue_dma source(%dma_start3A_1340 : memref<1x64xf32, #tpu.memory_space<vmem>>) target(%dma_start3A_1338 : memref<1x64xf32, #tpu.memory_space<any>>) target_semaphore(%arg6 : memref<!tpu.dma_semaphore, #tpu.memory_space<semaphore_mem>>)
      %add3A_1341 = arith.constant 10 : i32
      %add3A_1342 = arith.addi %mul3A_1060, %add3A_1341 : i32
      %mul3A_1343 = arith.constant 4 : i32
      %mul3A_1344 = arith.muli %mul3A_1343, %add3A_1342 : i32
      %add3A_1345 = arith.constant 1 : i32
      %add3A_1346 = arith.addi %mul3A_1344, %add3A_1345 : i32
      %get3A_1347 = arith.index_cast %add3A_1346 : i32 to index
      %get3A_1348 = memref.load %arg1[%get3A_1347] : memref<120000xi32, #tpu.memory_space<smem>>
      %mul3A_1349 = arith.constant 4 : i32
      %mul3A_1350 = arith.muli %mul3A_1349, %add3A_1342 : i32
      %add3A_1351 = arith.constant 2 : i32
      %add3A_1352 = arith.addi %mul3A_1350, %add3A_1351 : i32
      %get3A_1353 = arith.index_cast %add3A_1352 : i32 to index
      %get3A_1354 = memref.load %arg1[%get3A_1353] : memref<120000xi32, #tpu.memory_space<smem>>
      %mul3A_1355 = arith.constant 512 : i32
      %mul3A_1356 = arith.muli %get3A_1354, %mul3A_1355 : i32
      %add3A_1357 = arith.addi %get3A_1348, %mul3A_1356 : i32
      %mul3A_1358 = arith.constant 4 : i32
      %mul3A_1359 = arith.muli %mul3A_1358, %add3A_1342 : i32
      %add3A_1360 = arith.constant 3 : i32
      %add3A_1361 = arith.addi %mul3A_1359, %add3A_1360 : i32
      %get3A_1362 = arith.index_cast %add3A_1361 : i32 to index
      %get3A_1363 = memref.load %arg1[%get3A_1362] : memref<120000xi32, #tpu.memory_space<smem>>
      %add3A_1364 = arith.addi %add3A_1357, %get3A_1363 : i32
      %dma_start3A_1365 = arith.constant 0 : i32
      %dma_start3A_1366 = tpu.memref_slice %arg3[%add3A_1364, %dma_start3A_1365] : memref<262144x64xf32, #tpu.memory_space<any>> -> memref<1x64xf32, #tpu.memory_space<any>>
      %dma_start3A_1367 = arith.constant 0 : i32
      %dma_start3A_1368 = tpu.memref_slice %arg2[%add3A_1342, %dma_start3A_1367] : memref<30000x64xf32, #tpu.memory_space<vmem>> -> memref<1x64xf32, #tpu.memory_space<vmem>>
      tpu.enqueue_dma source(%dma_start3A_1368 : memref<1x64xf32, #tpu.memory_space<vmem>>) target(%dma_start3A_1366 : memref<1x64xf32, #tpu.memory_space<any>>) target_semaphore(%arg6 : memref<!tpu.dma_semaphore, #tpu.memory_space<semaphore_mem>>)
      %add3A_1369 = arith.constant 11 : i32
      %add3A_1370 = arith.addi %mul3A_1060, %add3A_1369 : i32
      %mul3A_1371 = arith.constant 4 : i32
      %mul3A_1372 = arith.muli %mul3A_1371, %add3A_1370 : i32
      %add3A_1373 = arith.constant 1 : i32
      %add3A_1374 = arith.addi %mul3A_1372, %add3A_1373 : i32
      %get3A_1375 = arith.index_cast %add3A_1374 : i32 to index
      %get3A_1376 = memref.load %arg1[%get3A_1375] : memref<120000xi32, #tpu.memory_space<smem>>
      %mul3A_1377 = arith.constant 4 : i32
      %mul3A_1378 = arith.muli %mul3A_1377, %add3A_1370 : i32
      %add3A_1379 = arith.constant 2 : i32
      %add3A_1380 = arith.addi %mul3A_1378, %add3A_1379 : i32
      %get3A_1381 = arith.index_cast %add3A_1380 : i32 to index
      %get3A_1382 = memref.load %arg1[%get3A_1381] : memref<120000xi32, #tpu.memory_space<smem>>
      %mul3A_1383 = arith.constant 512 : i32
      %mul3A_1384 = arith.muli %get3A_1382, %mul3A_1383 : i32
      %add3A_1385 = arith.addi %get3A_1376, %mul3A_1384 : i32
      %mul3A_1386 = arith.constant 4 : i32
      %mul3A_1387 = arith.muli %mul3A_1386, %add3A_1370 : i32
      %add3A_1388 = arith.constant 3 : i32
      %add3A_1389 = arith.addi %mul3A_1387, %add3A_1388 : i32
      %get3A_1390 = arith.index_cast %add3A_1389 : i32 to index
      %get3A_1391 = memref.load %arg1[%get3A_1390] : memref<120000xi32, #tpu.memory_space<smem>>
      %add3A_1392 = arith.addi %add3A_1385, %get3A_1391 : i32
      %dma_start3A_1393 = arith.constant 0 : i32
      %dma_start3A_1394 = tpu.memref_slice %arg3[%add3A_1392, %dma_start3A_1393] : memref<262144x64xf32, #tpu.memory_space<any>> -> memref<1x64xf32, #tpu.memory_space<any>>
      %dma_start3A_1395 = arith.constant 0 : i32
      %dma_start3A_1396 = tpu.memref_slice %arg2[%add3A_1370, %dma_start3A_1395] : memref<30000x64xf32, #tpu.memory_space<vmem>> -> memref<1x64xf32, #tpu.memory_space<vmem>>
      tpu.enqueue_dma source(%dma_start3A_1396 : memref<1x64xf32, #tpu.memory_space<vmem>>) target(%dma_start3A_1394 : memref<1x64xf32, #tpu.memory_space<any>>) target_semaphore(%arg6 : memref<!tpu.dma_semaphore, #tpu.memory_space<semaphore_mem>>)
      %add3A_1397 = arith.constant 12 : i32
      %add3A_1398 = arith.addi %mul3A_1060, %add3A_1397 : i32
      %mul3A_1399 = arith.constant 4 : i32
      %mul3A_1400 = arith.muli %mul3A_1399, %add3A_1398 : i32
      %add3A_1401 = arith.constant 1 : i32
      %add3A_1402 = arith.addi %mul3A_1400, %add3A_1401 : i32
      %get3A_1403 = arith.index_cast %add3A_1402 : i32 to index
      %get3A_1404 = memref.load %arg1[%get3A_1403] : memref<120000xi32, #tpu.memory_space<smem>>
      %mul3A_1405 = arith.constant 4 : i32
      %mul3A_1406 = arith.muli %mul3A_1405, %add3A_1398 : i32
      %add3A_1407 = arith.constant 2 : i32
      %add3A_1408 = arith.addi %mul3A_1406, %add3A_1407 : i32
      %get3A_1409 = arith.index_cast %add3A_1408 : i32 to index
      %get3A_1410 = memref.load %arg1[%get3A_1409] : memref<120000xi32, #tpu.memory_space<smem>>
      %mul3A_1411 = arith.constant 512 : i32
      %mul3A_1412 = arith.muli %get3A_1410, %mul3A_1411 : i32
      %add3A_1413 = arith.addi %get3A_1404, %mul3A_1412 : i32
      %mul3A_1414 = arith.constant 4 : i32
      %mul3A_1415 = arith.muli %mul3A_1414, %add3A_1398 : i32
      %add3A_1416 = arith.constant 3 : i32
      %add3A_1417 = arith.addi %mul3A_1415, %add3A_1416 : i32
      %get3A_1418 = arith.index_cast %add3A_1417 : i32 to index
      %get3A_1419 = memref.load %arg1[%get3A_1418] : memref<120000xi32, #tpu.memory_space<smem>>
      %add3A_1420 = arith.addi %add3A_1413, %get3A_1419 : i32
      %dma_start3A_1421 = arith.constant 0 : i32
      %dma_start3A_1422 = tpu.memref_slice %arg3[%add3A_1420, %dma_start3A_1421] : memref<262144x64xf32, #tpu.memory_space<any>> -> memref<1x64xf32, #tpu.memory_space<any>>
      %dma_start3A_1423 = arith.constant 0 : i32
      %dma_start3A_1424 = tpu.memref_slice %arg2[%add3A_1398, %dma_start3A_1423] : memref<30000x64xf32, #tpu.memory_space<vmem>> -> memref<1x64xf32, #tpu.memory_space<vmem>>
      tpu.enqueue_dma source(%dma_start3A_1424 : memref<1x64xf32, #tpu.memory_space<vmem>>) target(%dma_start3A_1422 : memref<1x64xf32, #tpu.memory_space<any>>) target_semaphore(%arg6 : memref<!tpu.dma_semaphore, #tpu.memory_space<semaphore_mem>>)
      %add3A_1425 = arith.constant 13 : i32
      %add3A_1426 = arith.addi %mul3A_1060, %add3A_1425 : i32
      %mul3A_1427 = arith.constant 4 : i32
      %mul3A_1428 = arith.muli %mul3A_1427, %add3A_1426 : i32
      %add3A_1429 = arith.constant 1 : i32
      %add3A_1430 = arith.addi %mul3A_1428, %add3A_1429 : i32
      %get3A_1431 = arith.index_cast %add3A_1430 : i32 to index
      %get3A_1432 = memref.load %arg1[%get3A_1431] : memref<120000xi32, #tpu.memory_space<smem>>
      %mul3A_1433 = arith.constant 4 : i32
      %mul3A_1434 = arith.muli %mul3A_1433, %add3A_1426 : i32
      %add3A_1435 = arith.constant 2 : i32
      %add3A_1436 = arith.addi %mul3A_1434, %add3A_1435 : i32
      %get3A_1437 = arith.index_cast %add3A_1436 : i32 to index
      %get3A_1438 = memref.load %arg1[%get3A_1437] : memref<120000xi32, #tpu.memory_space<smem>>
      %mul3A_1439 = arith.constant 512 : i32
      %mul3A_1440 = arith.muli %get3A_1438, %mul3A_1439 : i32
      %add3A_1441 = arith.addi %get3A_1432, %mul3A_1440 : i32
      %mul3A_1442 = arith.constant 4 : i32
      %mul3A_1443 = arith.muli %mul3A_1442, %add3A_1426 : i32
      %add3A_1444 = arith.constant 3 : i32
      %add3A_1445 = arith.addi %mul3A_1443, %add3A_1444 : i32
      %get3A_1446 = arith.index_cast %add3A_1445 : i32 to index
      %get3A_1447 = memref.load %arg1[%get3A_1446] : memref<120000xi32, #tpu.memory_space<smem>>
      %add3A_1448 = arith.addi %add3A_1441, %get3A_1447 : i32
      %dma_start3A_1449 = arith.constant 0 : i32
      %dma_start3A_1450 = tpu.memref_slice %arg3[%add3A_1448, %dma_start3A_1449] : memref<262144x64xf32, #tpu.memory_space<any>> -> memref<1x64xf32, #tpu.memory_space<any>>
      %dma_start3A_1451 = arith.constant 0 : i32
      %dma_start3A_1452 = tpu.memref_slice %arg2[%add3A_1426, %dma_start3A_1451] : memref<30000x64xf32, #tpu.memory_space<vmem>> -> memref<1x64xf32, #tpu.memory_space<vmem>>
      tpu.enqueue_dma source(%dma_start3A_1452 : memref<1x64xf32, #tpu.memory_space<vmem>>) target(%dma_start3A_1450 : memref<1x64xf32, #tpu.memory_space<any>>) target_semaphore(%arg6 : memref<!tpu.dma_semaphore, #tpu.memory_space<semaphore_mem>>)
      %add3A_1453 = arith.constant 14 : i32
      %add3A_1454 = arith.addi %mul3A_1060, %add3A_1453 : i32
      %mul3A_1455 = arith.constant 4 : i32
      %mul3A_1456 = arith.muli %mul3A_1455, %add3A_1454 : i32
      %add3A_1457 = arith.constant 1 : i32
      %add3A_1458 = arith.addi %mul3A_1456, %add3A_1457 : i32
      %get3A_1459 = arith.index_cast %add3A_1458 : i32 to index
      %get3A_1460 = memref.load %arg1[%get3A_1459] : memref<120000xi32, #tpu.memory_space<smem>>
      %mul3A_1461 = arith.constant 4 : i32
      %mul3A_1462 = arith.muli %mul3A_1461, %add3A_1454 : i32
      %add3A_1463 = arith.constant 2 : i32
      %add3A_1464 = arith.addi %mul3A_1462, %add3A_1463 : i32
      %get3A_1465 = arith.index_cast %add3A_1464 : i32 to index
      %get3A_1466 = memref.load %arg1[%get3A_1465] : memref<120000xi32, #tpu.memory_space<smem>>
      %mul3A_1467 = arith.constant 512 : i32
      %mul3A_1468 = arith.muli %get3A_1466, %mul3A_1467 : i32
      %add3A_1469 = arith.addi %get3A_1460, %mul3A_1468 : i32
      %mul3A_1470 = arith.constant 4 : i32
      %mul3A_1471 = arith.muli %mul3A_1470, %add3A_1454 : i32
      %add3A_1472 = arith.constant 3 : i32
      %add3A_1473 = arith.addi %mul3A_1471, %add3A_1472 : i32
      %get3A_1474 = arith.index_cast %add3A_1473 : i32 to index
      %get3A_1475 = memref.load %arg1[%get3A_1474] : memref<120000xi32, #tpu.memory_space<smem>>
      %add3A_1476 = arith.addi %add3A_1469, %get3A_1475 : i32
      %dma_start3A_1477 = arith.constant 0 : i32
      %dma_start3A_1478 = tpu.memref_slice %arg3[%add3A_1476, %dma_start3A_1477] : memref<262144x64xf32, #tpu.memory_space<any>> -> memref<1x64xf32, #tpu.memory_space<any>>
      %dma_start3A_1479 = arith.constant 0 : i32
      %dma_start3A_1480 = tpu.memref_slice %arg2[%add3A_1454, %dma_start3A_1479] : memref<30000x64xf32, #tpu.memory_space<vmem>> -> memref<1x64xf32, #tpu.memory_space<vmem>>
      tpu.enqueue_dma source(%dma_start3A_1480 : memref<1x64xf32, #tpu.memory_space<vmem>>) target(%dma_start3A_1478 : memref<1x64xf32, #tpu.memory_space<any>>) target_semaphore(%arg6 : memref<!tpu.dma_semaphore, #tpu.memory_space<semaphore_mem>>)
      %add3A_1481 = arith.constant 15 : i32
      %add3A_1482 = arith.addi %mul3A_1060, %add3A_1481 : i32
      %mul3A_1483 = arith.constant 4 : i32
      %mul3A_1484 = arith.muli %mul3A_1483, %add3A_1482 : i32
      %add3A_1485 = arith.constant 1 : i32
      %add3A_1486 = arith.addi %mul3A_1484, %add3A_1485 : i32
      %get3A_1487 = arith.index_cast %add3A_1486 : i32 to index
      %get3A_1488 = memref.load %arg1[%get3A_1487] : memref<120000xi32, #tpu.memory_space<smem>>
      %mul3A_1489 = arith.constant 4 : i32
      %mul3A_1490 = arith.muli %mul3A_1489, %add3A_1482 : i32
      %add3A_1491 = arith.constant 2 : i32
      %add3A_1492 = arith.addi %mul3A_1490, %add3A_1491 : i32
      %get3A_1493 = arith.index_cast %add3A_1492 : i32 to index
      %get3A_1494 = memref.load %arg1[%get3A_1493] : memref<120000xi32, #tpu.memory_space<smem>>
      %mul3A_1495 = arith.constant 512 : i32
      %mul3A_1496 = arith.muli %get3A_1494, %mul3A_1495 : i32
      %add3A_1497 = arith.addi %get3A_1488, %mul3A_1496 : i32
      %mul3A_1498 = arith.constant 4 : i32
      %mul3A_1499 = arith.muli %mul3A_1498, %add3A_1482 : i32
      %add3A_1500 = arith.constant 3 : i32
      %add3A_1501 = arith.addi %mul3A_1499, %add3A_1500 : i32
      %get3A_1502 = arith.index_cast %add3A_1501 : i32 to index
      %get3A_1503 = memref.load %arg1[%get3A_1502] : memref<120000xi32, #tpu.memory_space<smem>>
      %add3A_1504 = arith.addi %add3A_1497, %get3A_1503 : i32
      %dma_start3A_1505 = arith.constant 0 : i32
      %dma_start3A_1506 = tpu.memref_slice %arg3[%add3A_1504, %dma_start3A_1505] : memref<262144x64xf32, #tpu.memory_space<any>> -> memref<1x64xf32, #tpu.memory_space<any>>
      %dma_start3A_1507 = arith.constant 0 : i32
      %dma_start3A_1508 = tpu.memref_slice %arg2[%add3A_1482, %dma_start3A_1507] : memref<30000x64xf32, #tpu.memory_space<vmem>> -> memref<1x64xf32, #tpu.memory_space<vmem>>
      tpu.enqueue_dma source(%dma_start3A_1508 : memref<1x64xf32, #tpu.memory_space<vmem>>) target(%dma_start3A_1506 : memref<1x64xf32, #tpu.memory_space<any>>) target_semaphore(%arg6 : memref<!tpu.dma_semaphore, #tpu.memory_space<semaphore_mem>>)
      %add3A_1509 = arith.constant 16 : i32
      %add3A_1510 = arith.addi %mul3A_1060, %add3A_1509 : i32
      %mul3A_1511 = arith.constant 4 : i32
      %mul3A_1512 = arith.muli %mul3A_1511, %add3A_1510 : i32
      %add3A_1513 = arith.constant 1 : i32
      %add3A_1514 = arith.addi %mul3A_1512, %add3A_1513 : i32
      %get3A_1515 = arith.index_cast %add3A_1514 : i32 to index
      %get3A_1516 = memref.load %arg1[%get3A_1515] : memref<120000xi32, #tpu.memory_space<smem>>
      %mul3A_1517 = arith.constant 4 : i32
      %mul3A_1518 = arith.muli %mul3A_1517, %add3A_1510 : i32
      %add3A_1519 = arith.constant 2 : i32
      %add3A_1520 = arith.addi %mul3A_1518, %add3A_1519 : i32
      %get3A_1521 = arith.index_cast %add3A_1520 : i32 to index
      %get3A_1522 = memref.load %arg1[%get3A_1521] : memref<120000xi32, #tpu.memory_space<smem>>
      %mul3A_1523 = arith.constant 512 : i32
      %mul3A_1524 = arith.muli %get3A_1522, %mul3A_1523 : i32
      %add3A_1525 = arith.addi %get3A_1516, %mul3A_1524 : i32
      %mul3A_1526 = arith.constant 4 : i32
      %mul3A_1527 = arith.muli %mul3A_1526, %add3A_1510 : i32
      %add3A_1528 = arith.constant 3 : i32
      %add3A_1529 = arith.addi %mul3A_1527, %add3A_1528 : i32
      %get3A_1530 = arith.index_cast %add3A_1529 : i32 to index
      %get3A_1531 = memref.load %arg1[%get3A_1530] : memref<120000xi32, #tpu.memory_space<smem>>
      %add3A_1532 = arith.addi %add3A_1525, %get3A_1531 : i32
      %dma_start3A_1533 = arith.constant 0 : i32
      %dma_start3A_1534 = tpu.memref_slice %arg3[%add3A_1532, %dma_start3A_1533] : memref<262144x64xf32, #tpu.memory_space<any>> -> memref<1x64xf32, #tpu.memory_space<any>>
      %dma_start3A_1535 = arith.constant 0 : i32
      %dma_start3A_1536 = tpu.memref_slice %arg2[%add3A_1510, %dma_start3A_1535] : memref<30000x64xf32, #tpu.memory_space<vmem>> -> memref<1x64xf32, #tpu.memory_space<vmem>>
      tpu.enqueue_dma source(%dma_start3A_1536 : memref<1x64xf32, #tpu.memory_space<vmem>>) target(%dma_start3A_1534 : memref<1x64xf32, #tpu.memory_space<any>>) target_semaphore(%arg6 : memref<!tpu.dma_semaphore, #tpu.memory_space<semaphore_mem>>)
      %add3A_1537 = arith.constant 17 : i32
      %add3A_1538 = arith.addi %mul3A_1060, %add3A_1537 : i32
      %mul3A_1539 = arith.constant 4 : i32
      %mul3A_1540 = arith.muli %mul3A_1539, %add3A_1538 : i32
      %add3A_1541 = arith.constant 1 : i32
      %add3A_1542 = arith.addi %mul3A_1540, %add3A_1541 : i32
      %get3A_1543 = arith.index_cast %add3A_1542 : i32 to index
      %get3A_1544 = memref.load %arg1[%get3A_1543] : memref<120000xi32, #tpu.memory_space<smem>>
      %mul3A_1545 = arith.constant 4 : i32
      %mul3A_1546 = arith.muli %mul3A_1545, %add3A_1538 : i32
      %add3A_1547 = arith.constant 2 : i32
      %add3A_1548 = arith.addi %mul3A_1546, %add3A_1547 : i32
      %get3A_1549 = arith.index_cast %add3A_1548 : i32 to index
      %get3A_1550 = memref.load %arg1[%get3A_1549] : memref<120000xi32, #tpu.memory_space<smem>>
      %mul3A_1551 = arith.constant 512 : i32
      %mul3A_1552 = arith.muli %get3A_1550, %mul3A_1551 : i32
      %add3A_1553 = arith.addi %get3A_1544, %mul3A_1552 : i32
      %mul3A_1554 = arith.constant 4 : i32
      %mul3A_1555 = arith.muli %mul3A_1554, %add3A_1538 : i32
      %add3A_1556 = arith.constant 3 : i32
      %add3A_1557 = arith.addi %mul3A_1555, %add3A_1556 : i32
      %get3A_1558 = arith.index_cast %add3A_1557 : i32 to index
      %get3A_1559 = memref.load %arg1[%get3A_1558] : memref<120000xi32, #tpu.memory_space<smem>>
      %add3A_1560 = arith.addi %add3A_1553, %get3A_1559 : i32
      %dma_start3A_1561 = arith.constant 0 : i32
      %dma_start3A_1562 = tpu.memref_slice %arg3[%add3A_1560, %dma_start3A_1561] : memref<262144x64xf32, #tpu.memory_space<any>> -> memref<1x64xf32, #tpu.memory_space<any>>
      %dma_start3A_1563 = arith.constant 0 : i32
      %dma_start3A_1564 = tpu.memref_slice %arg2[%add3A_1538, %dma_start3A_1563] : memref<30000x64xf32, #tpu.memory_space<vmem>> -> memref<1x64xf32, #tpu.memory_space<vmem>>
      tpu.enqueue_dma source(%dma_start3A_1564 : memref<1x64xf32, #tpu.memory_space<vmem>>) target(%dma_start3A_1562 : memref<1x64xf32, #tpu.memory_space<any>>) target_semaphore(%arg6 : memref<!tpu.dma_semaphore, #tpu.memory_space<semaphore_mem>>)
      %add3A_1565 = arith.constant 18 : i32
      %add3A_1566 = arith.addi %mul3A_1060, %add3A_1565 : i32
      %mul3A_1567 = arith.constant 4 : i32
      %mul3A_1568 = arith.muli %mul3A_1567, %add3A_1566 : i32
      %add3A_1569 = arith.constant 1 : i32
      %add3A_1570 = arith.addi %mul3A_1568, %add3A_1569 : i32
      %get3A_1571 = arith.index_cast %add3A_1570 : i32 to index
      %get3A_1572 = memref.load %arg1[%get3A_1571] : memref<120000xi32, #tpu.memory_space<smem>>
      %mul3A_1573 = arith.constant 4 : i32
      %mul3A_1574 = arith.muli %mul3A_1573, %add3A_1566 : i32
      %add3A_1575 = arith.constant 2 : i32
      %add3A_1576 = arith.addi %mul3A_1574, %add3A_1575 : i32
      %get3A_1577 = arith.index_cast %add3A_1576 : i32 to index
      %get3A_1578 = memref.load %arg1[%get3A_1577] : memref<120000xi32, #tpu.memory_space<smem>>
      %mul3A_1579 = arith.constant 512 : i32
      %mul3A_1580 = arith.muli %get3A_1578, %mul3A_1579 : i32
      %add3A_1581 = arith.addi %get3A_1572, %mul3A_1580 : i32
      %mul3A_1582 = arith.constant 4 : i32
      %mul3A_1583 = arith.muli %mul3A_1582, %add3A_1566 : i32
      %add3A_1584 = arith.constant 3 : i32
      %add3A_1585 = arith.addi %mul3A_1583, %add3A_1584 : i32
      %get3A_1586 = arith.index_cast %add3A_1585 : i32 to index
      %get3A_1587 = memref.load %arg1[%get3A_1586] : memref<120000xi32, #tpu.memory_space<smem>>
      %add3A_1588 = arith.addi %add3A_1581, %get3A_1587 : i32
      %dma_start3A_1589 = arith.constant 0 : i32
      %dma_start3A_1590 = tpu.memref_slice %arg3[%add3A_1588, %dma_start3A_1589] : memref<262144x64xf32, #tpu.memory_space<any>> -> memref<1x64xf32, #tpu.memory_space<any>>
      %dma_start3A_1591 = arith.constant 0 : i32
      %dma_start3A_1592 = tpu.memref_slice %arg2[%add3A_1566, %dma_start3A_1591] : memref<30000x64xf32, #tpu.memory_space<vmem>> -> memref<1x64xf32, #tpu.memory_space<vmem>>
      tpu.enqueue_dma source(%dma_start3A_1592 : memref<1x64xf32, #tpu.memory_space<vmem>>) target(%dma_start3A_1590 : memref<1x64xf32, #tpu.memory_space<any>>) target_semaphore(%arg6 : memref<!tpu.dma_semaphore, #tpu.memory_space<semaphore_mem>>)
      %add3A_1593 = arith.constant 19 : i32
      %add3A_1594 = arith.addi %mul3A_1060, %add3A_1593 : i32
      %mul3A_1595 = arith.constant 4 : i32
      %mul3A_1596 = arith.muli %mul3A_1595, %add3A_1594 : i32
      %add3A_1597 = arith.constant 1 : i32
      %add3A_1598 = arith.addi %mul3A_1596, %add3A_1597 : i32
      %get3A_1599 = arith.index_cast %add3A_1598 : i32 to index
      %get3A_1600 = memref.load %arg1[%get3A_1599] : memref<120000xi32, #tpu.memory_space<smem>>
      %mul3A_1601 = arith.constant 4 : i32
      %mul3A_1602 = arith.muli %mul3A_1601, %add3A_1594 : i32
      %add3A_1603 = arith.constant 2 : i32
      %add3A_1604 = arith.addi %mul3A_1602, %add3A_1603 : i32
      %get3A_1605 = arith.index_cast %add3A_1604 : i32 to index
      %get3A_1606 = memref.load %arg1[%get3A_1605] : memref<120000xi32, #tpu.memory_space<smem>>
      %mul3A_1607 = arith.constant 512 : i32
      %mul3A_1608 = arith.muli %get3A_1606, %mul3A_1607 : i32
      %add3A_1609 = arith.addi %get3A_1600, %mul3A_1608 : i32
      %mul3A_1610 = arith.constant 4 : i32
      %mul3A_1611 = arith.muli %mul3A_1610, %add3A_1594 : i32
      %add3A_1612 = arith.constant 3 : i32
      %add3A_1613 = arith.addi %mul3A_1611, %add3A_1612 : i32
      %get3A_1614 = arith.index_cast %add3A_1613 : i32 to index
      %get3A_1615 = memref.load %arg1[%get3A_1614] : memref<120000xi32, #tpu.memory_space<smem>>
      %add3A_1616 = arith.addi %add3A_1609, %get3A_1615 : i32
      %dma_start3A_1617 = arith.constant 0 : i32
      %dma_start3A_1618 = tpu.memref_slice %arg3[%add3A_1616, %dma_start3A_1617] : memref<262144x64xf32, #tpu.memory_space<any>> -> memref<1x64xf32, #tpu.memory_space<any>>
      %dma_start3A_1619 = arith.constant 0 : i32
      %dma_start3A_1620 = tpu.memref_slice %arg2[%add3A_1594, %dma_start3A_1619] : memref<30000x64xf32, #tpu.memory_space<vmem>> -> memref<1x64xf32, #tpu.memory_space<vmem>>
      tpu.enqueue_dma source(%dma_start3A_1620 : memref<1x64xf32, #tpu.memory_space<vmem>>) target(%dma_start3A_1618 : memref<1x64xf32, #tpu.memory_space<any>>) target_semaphore(%arg6 : memref<!tpu.dma_semaphore, #tpu.memory_space<semaphore_mem>>)
      %add3A_1621 = arith.constant 20 : i32
      %add3A_1622 = arith.addi %mul3A_1060, %add3A_1621 : i32
      %mul3A_1623 = arith.constant 4 : i32
      %mul3A_1624 = arith.muli %mul3A_1623, %add3A_1622 : i32
      %add3A_1625 = arith.constant 1 : i32
      %add3A_1626 = arith.addi %mul3A_1624, %add3A_1625 : i32
      %get3A_1627 = arith.index_cast %add3A_1626 : i32 to index
      %get3A_1628 = memref.load %arg1[%get3A_1627] : memref<120000xi32, #tpu.memory_space<smem>>
      %mul3A_1629 = arith.constant 4 : i32
      %mul3A_1630 = arith.muli %mul3A_1629, %add3A_1622 : i32
      %add3A_1631 = arith.constant 2 : i32
      %add3A_1632 = arith.addi %mul3A_1630, %add3A_1631 : i32
      %get3A_1633 = arith.index_cast %add3A_1632 : i32 to index
      %get3A_1634 = memref.load %arg1[%get3A_1633] : memref<120000xi32, #tpu.memory_space<smem>>
      %mul3A_1635 = arith.constant 512 : i32
      %mul3A_1636 = arith.muli %get3A_1634, %mul3A_1635 : i32
      %add3A_1637 = arith.addi %get3A_1628, %mul3A_1636 : i32
      %mul3A_1638 = arith.constant 4 : i32
      %mul3A_1639 = arith.muli %mul3A_1638, %add3A_1622 : i32
      %add3A_1640 = arith.constant 3 : i32
      %add3A_1641 = arith.addi %mul3A_1639, %add3A_1640 : i32
      %get3A_1642 = arith.index_cast %add3A_1641 : i32 to index
      %get3A_1643 = memref.load %arg1[%get3A_1642] : memref<120000xi32, #tpu.memory_space<smem>>
      %add3A_1644 = arith.addi %add3A_1637, %get3A_1643 : i32
      %dma_start3A_1645 = arith.constant 0 : i32
      %dma_start3A_1646 = tpu.memref_slice %arg3[%add3A_1644, %dma_start3A_1645] : memref<262144x64xf32, #tpu.memory_space<any>> -> memref<1x64xf32, #tpu.memory_space<any>>
      %dma_start3A_1647 = arith.constant 0 : i32
      %dma_start3A_1648 = tpu.memref_slice %arg2[%add3A_1622, %dma_start3A_1647] : memref<30000x64xf32, #tpu.memory_space<vmem>> -> memref<1x64xf32, #tpu.memory_space<vmem>>
      tpu.enqueue_dma source(%dma_start3A_1648 : memref<1x64xf32, #tpu.memory_space<vmem>>) target(%dma_start3A_1646 : memref<1x64xf32, #tpu.memory_space<any>>) target_semaphore(%arg6 : memref<!tpu.dma_semaphore, #tpu.memory_space<semaphore_mem>>)
      %add3A_1649 = arith.constant 21 : i32
      %add3A_1650 = arith.addi %mul3A_1060, %add3A_1649 : i32
      %mul3A_1651 = arith.constant 4 : i32
      %mul3A_1652 = arith.muli %mul3A_1651, %add3A_1650 : i32
      %add3A_1653 = arith.constant 1 : i32
      %add3A_1654 = arith.addi %mul3A_1652, %add3A_1653 : i32
      %get3A_1655 = arith.index_cast %add3A_1654 : i32 to index
      %get3A_1656 = memref.load %arg1[%get3A_1655] : memref<120000xi32, #tpu.memory_space<smem>>
      %mul3A_1657 = arith.constant 4 : i32
      %mul3A_1658 = arith.muli %mul3A_1657, %add3A_1650 : i32
      %add3A_1659 = arith.constant 2 : i32
      %add3A_1660 = arith.addi %mul3A_1658, %add3A_1659 : i32
      %get3A_1661 = arith.index_cast %add3A_1660 : i32 to index
      %get3A_1662 = memref.load %arg1[%get3A_1661] : memref<120000xi32, #tpu.memory_space<smem>>
      %mul3A_1663 = arith.constant 512 : i32
      %mul3A_1664 = arith.muli %get3A_1662, %mul3A_1663 : i32
      %add3A_1665 = arith.addi %get3A_1656, %mul3A_1664 : i32
      %mul3A_1666 = arith.constant 4 : i32
      %mul3A_1667 = arith.muli %mul3A_1666, %add3A_1650 : i32
      %add3A_1668 = arith.constant 3 : i32
      %add3A_1669 = arith.addi %mul3A_1667, %add3A_1668 : i32
      %get3A_1670 = arith.index_cast %add3A_1669 : i32 to index
      %get3A_1671 = memref.load %arg1[%get3A_1670] : memref<120000xi32, #tpu.memory_space<smem>>
      %add3A_1672 = arith.addi %add3A_1665, %get3A_1671 : i32
      %dma_start3A_1673 = arith.constant 0 : i32
      %dma_start3A_1674 = tpu.memref_slice %arg3[%add3A_1672, %dma_start3A_1673] : memref<262144x64xf32, #tpu.memory_space<any>> -> memref<1x64xf32, #tpu.memory_space<any>>
      %dma_start3A_1675 = arith.constant 0 : i32
      %dma_start3A_1676 = tpu.memref_slice %arg2[%add3A_1650, %dma_start3A_1675] : memref<30000x64xf32, #tpu.memory_space<vmem>> -> memref<1x64xf32, #tpu.memory_space<vmem>>
      tpu.enqueue_dma source(%dma_start3A_1676 : memref<1x64xf32, #tpu.memory_space<vmem>>) target(%dma_start3A_1674 : memref<1x64xf32, #tpu.memory_space<any>>) target_semaphore(%arg6 : memref<!tpu.dma_semaphore, #tpu.memory_space<semaphore_mem>>)
      %add3A_1677 = arith.constant 22 : i32
      %add3A_1678 = arith.addi %mul3A_1060, %add3A_1677 : i32
      %mul3A_1679 = arith.constant 4 : i32
      %mul3A_1680 = arith.muli %mul3A_1679, %add3A_1678 : i32
      %add3A_1681 = arith.constant 1 : i32
      %add3A_1682 = arith.addi %mul3A_1680, %add3A_1681 : i32
      %get3A_1683 = arith.index_cast %add3A_1682 : i32 to index
      %get3A_1684 = memref.load %arg1[%get3A_1683] : memref<120000xi32, #tpu.memory_space<smem>>
      %mul3A_1685 = arith.constant 4 : i32
      %mul3A_1686 = arith.muli %mul3A_1685, %add3A_1678 : i32
      %add3A_1687 = arith.constant 2 : i32
      %add3A_1688 = arith.addi %mul3A_1686, %add3A_1687 : i32
      %get3A_1689 = arith.index_cast %add3A_1688 : i32 to index
      %get3A_1690 = memref.load %arg1[%get3A_1689] : memref<120000xi32, #tpu.memory_space<smem>>
      %mul3A_1691 = arith.constant 512 : i32
      %mul3A_1692 = arith.muli %get3A_1690, %mul3A_1691 : i32
      %add3A_1693 = arith.addi %get3A_1684, %mul3A_1692 : i32
      %mul3A_1694 = arith.constant 4 : i32
      %mul3A_1695 = arith.muli %mul3A_1694, %add3A_1678 : i32
      %add3A_1696 = arith.constant 3 : i32
      %add3A_1697 = arith.addi %mul3A_1695, %add3A_1696 : i32
      %get3A_1698 = arith.index_cast %add3A_1697 : i32 to index
      %get3A_1699 = memref.load %arg1[%get3A_1698] : memref<120000xi32, #tpu.memory_space<smem>>
      %add3A_1700 = arith.addi %add3A_1693, %get3A_1699 : i32
      %dma_start3A_1701 = arith.constant 0 : i32
      %dma_start3A_1702 = tpu.memref_slice %arg3[%add3A_1700, %dma_start3A_1701] : memref<262144x64xf32, #tpu.memory_space<any>> -> memref<1x64xf32, #tpu.memory_space<any>>
      %dma_start3A_1703 = arith.constant 0 : i32
      %dma_start3A_1704 = tpu.memref_slice %arg2[%add3A_1678, %dma_start3A_1703] : memref<30000x64xf32, #tpu.memory_space<vmem>> -> memref<1x64xf32, #tpu.memory_space<vmem>>
      tpu.enqueue_dma source(%dma_start3A_1704 : memref<1x64xf32, #tpu.memory_space<vmem>>) target(%dma_start3A_1702 : memref<1x64xf32, #tpu.memory_space<any>>) target_semaphore(%arg6 : memref<!tpu.dma_semaphore, #tpu.memory_space<semaphore_mem>>)
      %add3A_1705 = arith.constant 23 : i32
      %add3A_1706 = arith.addi %mul3A_1060, %add3A_1705 : i32
      %mul3A_1707 = arith.constant 4 : i32
      %mul3A_1708 = arith.muli %mul3A_1707, %add3A_1706 : i32
      %add3A_1709 = arith.constant 1 : i32
      %add3A_1710 = arith.addi %mul3A_1708, %add3A_1709 : i32
      %get3A_1711 = arith.index_cast %add3A_1710 : i32 to index
      %get3A_1712 = memref.load %arg1[%get3A_1711] : memref<120000xi32, #tpu.memory_space<smem>>
      %mul3A_1713 = arith.constant 4 : i32
      %mul3A_1714 = arith.muli %mul3A_1713, %add3A_1706 : i32
      %add3A_1715 = arith.constant 2 : i32
      %add3A_1716 = arith.addi %mul3A_1714, %add3A_1715 : i32
      %get3A_1717 = arith.index_cast %add3A_1716 : i32 to index
      %get3A_1718 = memref.load %arg1[%get3A_1717] : memref<120000xi32, #tpu.memory_space<smem>>
      %mul3A_1719 = arith.constant 512 : i32
      %mul3A_1720 = arith.muli %get3A_1718, %mul3A_1719 : i32
      %add3A_1721 = arith.addi %get3A_1712, %mul3A_1720 : i32
      %mul3A_1722 = arith.constant 4 : i32
      %mul3A_1723 = arith.muli %mul3A_1722, %add3A_1706 : i32
      %add3A_1724 = arith.constant 3 : i32
      %add3A_1725 = arith.addi %mul3A_1723, %add3A_1724 : i32
      %get3A_1726 = arith.index_cast %add3A_1725 : i32 to index
      %get3A_1727 = memref.load %arg1[%get3A_1726] : memref<120000xi32, #tpu.memory_space<smem>>
      %add3A_1728 = arith.addi %add3A_1721, %get3A_1727 : i32
      %dma_start3A_1729 = arith.constant 0 : i32
      %dma_start3A_1730 = tpu.memref_slice %arg3[%add3A_1728, %dma_start3A_1729] : memref<262144x64xf32, #tpu.memory_space<any>> -> memref<1x64xf32, #tpu.memory_space<any>>
      %dma_start3A_1731 = arith.constant 0 : i32
      %dma_start3A_1732 = tpu.memref_slice %arg2[%add3A_1706, %dma_start3A_1731] : memref<30000x64xf32, #tpu.memory_space<vmem>> -> memref<1x64xf32, #tpu.memory_space<vmem>>
      tpu.enqueue_dma source(%dma_start3A_1732 : memref<1x64xf32, #tpu.memory_space<vmem>>) target(%dma_start3A_1730 : memref<1x64xf32, #tpu.memory_space<any>>) target_semaphore(%arg6 : memref<!tpu.dma_semaphore, #tpu.memory_space<semaphore_mem>>)
      %add3A_1733 = arith.constant 24 : i32
      %add3A_1734 = arith.addi %mul3A_1060, %add3A_1733 : i32
      %mul3A_1735 = arith.constant 4 : i32
      %mul3A_1736 = arith.muli %mul3A_1735, %add3A_1734 : i32
      %add3A_1737 = arith.constant 1 : i32
      %add3A_1738 = arith.addi %mul3A_1736, %add3A_1737 : i32
      %get3A_1739 = arith.index_cast %add3A_1738 : i32 to index
      %get3A_1740 = memref.load %arg1[%get3A_1739] : memref<120000xi32, #tpu.memory_space<smem>>
      %mul3A_1741 = arith.constant 4 : i32
      %mul3A_1742 = arith.muli %mul3A_1741, %add3A_1734 : i32
      %add3A_1743 = arith.constant 2 : i32
      %add3A_1744 = arith.addi %mul3A_1742, %add3A_1743 : i32
      %get3A_1745 = arith.index_cast %add3A_1744 : i32 to index
      %get3A_1746 = memref.load %arg1[%get3A_1745] : memref<120000xi32, #tpu.memory_space<smem>>
      %mul3A_1747 = arith.constant 512 : i32
      %mul3A_1748 = arith.muli %get3A_1746, %mul3A_1747 : i32
      %add3A_1749 = arith.addi %get3A_1740, %mul3A_1748 : i32
      %mul3A_1750 = arith.constant 4 : i32
      %mul3A_1751 = arith.muli %mul3A_1750, %add3A_1734 : i32
      %add3A_1752 = arith.constant 3 : i32
      %add3A_1753 = arith.addi %mul3A_1751, %add3A_1752 : i32
      %get3A_1754 = arith.index_cast %add3A_1753 : i32 to index
      %get3A_1755 = memref.load %arg1[%get3A_1754] : memref<120000xi32, #tpu.memory_space<smem>>
      %add3A_1756 = arith.addi %add3A_1749, %get3A_1755 : i32
      %dma_start3A_1757 = arith.constant 0 : i32
      %dma_start3A_1758 = tpu.memref_slice %arg3[%add3A_1756, %dma_start3A_1757] : memref<262144x64xf32, #tpu.memory_space<any>> -> memref<1x64xf32, #tpu.memory_space<any>>
      %dma_start3A_1759 = arith.constant 0 : i32
      %dma_start3A_1760 = tpu.memref_slice %arg2[%add3A_1734, %dma_start3A_1759] : memref<30000x64xf32, #tpu.memory_space<vmem>> -> memref<1x64xf32, #tpu.memory_space<vmem>>
      tpu.enqueue_dma source(%dma_start3A_1760 : memref<1x64xf32, #tpu.memory_space<vmem>>) target(%dma_start3A_1758 : memref<1x64xf32, #tpu.memory_space<any>>) target_semaphore(%arg6 : memref<!tpu.dma_semaphore, #tpu.memory_space<semaphore_mem>>)
      %add3A_1761 = arith.constant 25 : i32
      %add3A_1762 = arith.addi %mul3A_1060, %add3A_1761 : i32
      %mul3A_1763 = arith.constant 4 : i32
      %mul3A_1764 = arith.muli %mul3A_1763, %add3A_1762 : i32
      %add3A_1765 = arith.constant 1 : i32
      %add3A_1766 = arith.addi %mul3A_1764, %add3A_1765 : i32
      %get3A_1767 = arith.index_cast %add3A_1766 : i32 to index
      %get3A_1768 = memref.load %arg1[%get3A_1767] : memref<120000xi32, #tpu.memory_space<smem>>
      %mul3A_1769 = arith.constant 4 : i32
      %mul3A_1770 = arith.muli %mul3A_1769, %add3A_1762 : i32
      %add3A_1771 = arith.constant 2 : i32
      %add3A_1772 = arith.addi %mul3A_1770, %add3A_1771 : i32
      %get3A_1773 = arith.index_cast %add3A_1772 : i32 to index
      %get3A_1774 = memref.load %arg1[%get3A_1773] : memref<120000xi32, #tpu.memory_space<smem>>
      %mul3A_1775 = arith.constant 512 : i32
      %mul3A_1776 = arith.muli %get3A_1774, %mul3A_1775 : i32
      %add3A_1777 = arith.addi %get3A_1768, %mul3A_1776 : i32
      %mul3A_1778 = arith.constant 4 : i32
      %mul3A_1779 = arith.muli %mul3A_1778, %add3A_1762 : i32
      %add3A_1780 = arith.constant 3 : i32
      %add3A_1781 = arith.addi %mul3A_1779, %add3A_1780 : i32
      %get3A_1782 = arith.index_cast %add3A_1781 : i32 to index
      %get3A_1783 = memref.load %arg1[%get3A_1782] : memref<120000xi32, #tpu.memory_space<smem>>
      %add3A_1784 = arith.addi %add3A_1777, %get3A_1783 : i32
      %dma_start3A_1785 = arith.constant 0 : i32
      %dma_start3A_1786 = tpu.memref_slice %arg3[%add3A_1784, %dma_start3A_1785] : memref<262144x64xf32, #tpu.memory_space<any>> -> memref<1x64xf32, #tpu.memory_space<any>>
      %dma_start3A_1787 = arith.constant 0 : i32
      %dma_start3A_1788 = tpu.memref_slice %arg2[%add3A_1762, %dma_start3A_1787] : memref<30000x64xf32, #tpu.memory_space<vmem>> -> memref<1x64xf32, #tpu.memory_space<vmem>>
      tpu.enqueue_dma source(%dma_start3A_1788 : memref<1x64xf32, #tpu.memory_space<vmem>>) target(%dma_start3A_1786 : memref<1x64xf32, #tpu.memory_space<any>>) target_semaphore(%arg6 : memref<!tpu.dma_semaphore, #tpu.memory_space<semaphore_mem>>)
      %add3A_1789 = arith.constant 26 : i32
      %add3A_1790 = arith.addi %mul3A_1060, %add3A_1789 : i32
      %mul3A_1791 = arith.constant 4 : i32
      %mul3A_1792 = arith.muli %mul3A_1791, %add3A_1790 : i32
      %add3A_1793 = arith.constant 1 : i32
      %add3A_1794 = arith.addi %mul3A_1792, %add3A_1793 : i32
      %get3A_1795 = arith.index_cast %add3A_1794 : i32 to index
      %get3A_1796 = memref.load %arg1[%get3A_1795] : memref<120000xi32, #tpu.memory_space<smem>>
      %mul3A_1797 = arith.constant 4 : i32
      %mul3A_1798 = arith.muli %mul3A_1797, %add3A_1790 : i32
      %add3A_1799 = arith.constant 2 : i32
      %add3A_1800 = arith.addi %mul3A_1798, %add3A_1799 : i32
      %get3A_1801 = arith.index_cast %add3A_1800 : i32 to index
      %get3A_1802 = memref.load %arg1[%get3A_1801] : memref<120000xi32, #tpu.memory_space<smem>>
      %mul3A_1803 = arith.constant 512 : i32
      %mul3A_1804 = arith.muli %get3A_1802, %mul3A_1803 : i32
      %add3A_1805 = arith.addi %get3A_1796, %mul3A_1804 : i32
      %mul3A_1806 = arith.constant 4 : i32
      %mul3A_1807 = arith.muli %mul3A_1806, %add3A_1790 : i32
      %add3A_1808 = arith.constant 3 : i32
      %add3A_1809 = arith.addi %mul3A_1807, %add3A_1808 : i32
      %get3A_1810 = arith.index_cast %add3A_1809 : i32 to index
      %get3A_1811 = memref.load %arg1[%get3A_1810] : memref<120000xi32, #tpu.memory_space<smem>>
      %add3A_1812 = arith.addi %add3A_1805, %get3A_1811 : i32
      %dma_start3A_1813 = arith.constant 0 : i32
      %dma_start3A_1814 = tpu.memref_slice %arg3[%add3A_1812, %dma_start3A_1813] : memref<262144x64xf32, #tpu.memory_space<any>> -> memref<1x64xf32, #tpu.memory_space<any>>
      %dma_start3A_1815 = arith.constant 0 : i32
      %dma_start3A_1816 = tpu.memref_slice %arg2[%add3A_1790, %dma_start3A_1815] : memref<30000x64xf32, #tpu.memory_space<vmem>> -> memref<1x64xf32, #tpu.memory_space<vmem>>
      tpu.enqueue_dma source(%dma_start3A_1816 : memref<1x64xf32, #tpu.memory_space<vmem>>) target(%dma_start3A_1814 : memref<1x64xf32, #tpu.memory_space<any>>) target_semaphore(%arg6 : memref<!tpu.dma_semaphore, #tpu.memory_space<semaphore_mem>>)
      %add3A_1817 = arith.constant 27 : i32
      %add3A_1818 = arith.addi %mul3A_1060, %add3A_1817 : i32
      %mul3A_1819 = arith.constant 4 : i32
      %mul3A_1820 = arith.muli %mul3A_1819, %add3A_1818 : i32
      %add3A_1821 = arith.constant 1 : i32
      %add3A_1822 = arith.addi %mul3A_1820, %add3A_1821 : i32
      %get3A_1823 = arith.index_cast %add3A_1822 : i32 to index
      %get3A_1824 = memref.load %arg1[%get3A_1823] : memref<120000xi32, #tpu.memory_space<smem>>
      %mul3A_1825 = arith.constant 4 : i32
      %mul3A_1826 = arith.muli %mul3A_1825, %add3A_1818 : i32
      %add3A_1827 = arith.constant 2 : i32
      %add3A_1828 = arith.addi %mul3A_1826, %add3A_1827 : i32
      %get3A_1829 = arith.index_cast %add3A_1828 : i32 to index
      %get3A_1830 = memref.load %arg1[%get3A_1829] : memref<120000xi32, #tpu.memory_space<smem>>
      %mul3A_1831 = arith.constant 512 : i32
      %mul3A_1832 = arith.muli %get3A_1830, %mul3A_1831 : i32
      %add3A_1833 = arith.addi %get3A_1824, %mul3A_1832 : i32
      %mul3A_1834 = arith.constant 4 : i32
      %mul3A_1835 = arith.muli %mul3A_1834, %add3A_1818 : i32
      %add3A_1836 = arith.constant 3 : i32
      %add3A_1837 = arith.addi %mul3A_1835, %add3A_1836 : i32
      %get3A_1838 = arith.index_cast %add3A_1837 : i32 to index
      %get3A_1839 = memref.load %arg1[%get3A_1838] : memref<120000xi32, #tpu.memory_space<smem>>
      %add3A_1840 = arith.addi %add3A_1833, %get3A_1839 : i32
      %dma_start3A_1841 = arith.constant 0 : i32
      %dma_start3A_1842 = tpu.memref_slice %arg3[%add3A_1840, %dma_start3A_1841] : memref<262144x64xf32, #tpu.memory_space<any>> -> memref<1x64xf32, #tpu.memory_space<any>>
      %dma_start3A_1843 = arith.constant 0 : i32
      %dma_start3A_1844 = tpu.memref_slice %arg2[%add3A_1818, %dma_start3A_1843] : memref<30000x64xf32, #tpu.memory_space<vmem>> -> memref<1x64xf32, #tpu.memory_space<vmem>>
      tpu.enqueue_dma source(%dma_start3A_1844 : memref<1x64xf32, #tpu.memory_space<vmem>>) target(%dma_start3A_1842 : memref<1x64xf32, #tpu.memory_space<any>>) target_semaphore(%arg6 : memref<!tpu.dma_semaphore, #tpu.memory_space<semaphore_mem>>)
      %add3A_1845 = arith.constant 28 : i32
      %add3A_1846 = arith.addi %mul3A_1060, %add3A_1845 : i32
      %mul3A_1847 = arith.constant 4 : i32
      %mul3A_1848 = arith.muli %mul3A_1847, %add3A_1846 : i32
      %add3A_1849 = arith.constant 1 : i32
      %add3A_1850 = arith.addi %mul3A_1848, %add3A_1849 : i32
      %get3A_1851 = arith.index_cast %add3A_1850 : i32 to index
      %get3A_1852 = memref.load %arg1[%get3A_1851] : memref<120000xi32, #tpu.memory_space<smem>>
      %mul3A_1853 = arith.constant 4 : i32
      %mul3A_1854 = arith.muli %mul3A_1853, %add3A_1846 : i32
      %add3A_1855 = arith.constant 2 : i32
      %add3A_1856 = arith.addi %mul3A_1854, %add3A_1855 : i32
      %get3A_1857 = arith.index_cast %add3A_1856 : i32 to index
      %get3A_1858 = memref.load %arg1[%get3A_1857] : memref<120000xi32, #tpu.memory_space<smem>>
      %mul3A_1859 = arith.constant 512 : i32
      %mul3A_1860 = arith.muli %get3A_1858, %mul3A_1859 : i32
      %add3A_1861 = arith.addi %get3A_1852, %mul3A_1860 : i32
      %mul3A_1862 = arith.constant 4 : i32
      %mul3A_1863 = arith.muli %mul3A_1862, %add3A_1846 : i32
      %add3A_1864 = arith.constant 3 : i32
      %add3A_1865 = arith.addi %mul3A_1863, %add3A_1864 : i32
      %get3A_1866 = arith.index_cast %add3A_1865 : i32 to index
      %get3A_1867 = memref.load %arg1[%get3A_1866] : memref<120000xi32, #tpu.memory_space<smem>>
      %add3A_1868 = arith.addi %add3A_1861, %get3A_1867 : i32
      %dma_start3A_1869 = arith.constant 0 : i32
      %dma_start3A_1870 = tpu.memref_slice %arg3[%add3A_1868, %dma_start3A_1869] : memref<262144x64xf32, #tpu.memory_space<any>> -> memref<1x64xf32, #tpu.memory_space<any>>
      %dma_start3A_1871 = arith.constant 0 : i32
      %dma_start3A_1872 = tpu.memref_slice %arg2[%add3A_1846, %dma_start3A_1871] : memref<30000x64xf32, #tpu.memory_space<vmem>> -> memref<1x64xf32, #tpu.memory_space<vmem>>
      tpu.enqueue_dma source(%dma_start3A_1872 : memref<1x64xf32, #tpu.memory_space<vmem>>) target(%dma_start3A_1870 : memref<1x64xf32, #tpu.memory_space<any>>) target_semaphore(%arg6 : memref<!tpu.dma_semaphore, #tpu.memory_space<semaphore_mem>>)
      %add3A_1873 = arith.constant 29 : i32
      %add3A_1874 = arith.addi %mul3A_1060, %add3A_1873 : i32
      %mul3A_1875 = arith.constant 4 : i32
      %mul3A_1876 = arith.muli %mul3A_1875, %add3A_1874 : i32
      %add3A_1877 = arith.constant 1 : i32
      %add3A_1878 = arith.addi %mul3A_1876, %add3A_1877 : i32
      %get3A_1879 = arith.index_cast %add3A_1878 : i32 to index
      %get3A_1880 = memref.load %arg1[%get3A_1879] : memref<120000xi32, #tpu.memory_space<smem>>
      %mul3A_1881 = arith.constant 4 : i32
      %mul3A_1882 = arith.muli %mul3A_1881, %add3A_1874 : i32
      %add3A_1883 = arith.constant 2 : i32
      %add3A_1884 = arith.addi %mul3A_1882, %add3A_1883 : i32
      %get3A_1885 = arith.index_cast %add3A_1884 : i32 to index
      %get3A_1886 = memref.load %arg1[%get3A_1885] : memref<120000xi32, #tpu.memory_space<smem>>
      %mul3A_1887 = arith.constant 512 : i32
      %mul3A_1888 = arith.muli %get3A_1886, %mul3A_1887 : i32
      %add3A_1889 = arith.addi %get3A_1880, %mul3A_1888 : i32
      %mul3A_1890 = arith.constant 4 : i32
      %mul3A_1891 = arith.muli %mul3A_1890, %add3A_1874 : i32
      %add3A_1892 = arith.constant 3 : i32
      %add3A_1893 = arith.addi %mul3A_1891, %add3A_1892 : i32
      %get3A_1894 = arith.index_cast %add3A_1893 : i32 to index
      %get3A_1895 = memref.load %arg1[%get3A_1894] : memref<120000xi32, #tpu.memory_space<smem>>
      %add3A_1896 = arith.addi %add3A_1889, %get3A_1895 : i32
      %dma_start3A_1897 = arith.constant 0 : i32
      %dma_start3A_1898 = tpu.memref_slice %arg3[%add3A_1896, %dma_start3A_1897] : memref<262144x64xf32, #tpu.memory_space<any>> -> memref<1x64xf32, #tpu.memory_space<any>>
      %dma_start3A_1899 = arith.constant 0 : i32
      %dma_start3A_1900 = tpu.memref_slice %arg2[%add3A_1874, %dma_start3A_1899] : memref<30000x64xf32, #tpu.memory_space<vmem>> -> memref<1x64xf32, #tpu.memory_space<vmem>>
      tpu.enqueue_dma source(%dma_start3A_1900 : memref<1x64xf32, #tpu.memory_space<vmem>>) target(%dma_start3A_1898 : memref<1x64xf32, #tpu.memory_space<any>>) target_semaphore(%arg6 : memref<!tpu.dma_semaphore, #tpu.memory_space<semaphore_mem>>)
      %add3A_1901 = arith.constant 30 : i32
      %add3A_1902 = arith.addi %mul3A_1060, %add3A_1901 : i32
      %mul3A_1903 = arith.constant 4 : i32
      %mul3A_1904 = arith.muli %mul3A_1903, %add3A_1902 : i32
      %add3A_1905 = arith.constant 1 : i32
      %add3A_1906 = arith.addi %mul3A_1904, %add3A_1905 : i32
      %get3A_1907 = arith.index_cast %add3A_1906 : i32 to index
      %get3A_1908 = memref.load %arg1[%get3A_1907] : memref<120000xi32, #tpu.memory_space<smem>>
      %mul3A_1909 = arith.constant 4 : i32
      %mul3A_1910 = arith.muli %mul3A_1909, %add3A_1902 : i32
      %add3A_1911 = arith.constant 2 : i32
      %add3A_1912 = arith.addi %mul3A_1910, %add3A_1911 : i32
      %get3A_1913 = arith.index_cast %add3A_1912 : i32 to index
      %get3A_1914 = memref.load %arg1[%get3A_1913] : memref<120000xi32, #tpu.memory_space<smem>>
      %mul3A_1915 = arith.constant 512 : i32
      %mul3A_1916 = arith.muli %get3A_1914, %mul3A_1915 : i32
      %add3A_1917 = arith.addi %get3A_1908, %mul3A_1916 : i32
      %mul3A_1918 = arith.constant 4 : i32
      %mul3A_1919 = arith.muli %mul3A_1918, %add3A_1902 : i32
      %add3A_1920 = arith.constant 3 : i32
      %add3A_1921 = arith.addi %mul3A_1919, %add3A_1920 : i32
      %get3A_1922 = arith.index_cast %add3A_1921 : i32 to index
      %get3A_1923 = memref.load %arg1[%get3A_1922] : memref<120000xi32, #tpu.memory_space<smem>>
      %add3A_1924 = arith.addi %add3A_1917, %get3A_1923 : i32
      %dma_start3A_1925 = arith.constant 0 : i32
      %dma_start3A_1926 = tpu.memref_slice %arg3[%add3A_1924, %dma_start3A_1925] : memref<262144x64xf32, #tpu.memory_space<any>> -> memref<1x64xf32, #tpu.memory_space<any>>
      %dma_start3A_1927 = arith.constant 0 : i32
      %dma_start3A_1928 = tpu.memref_slice %arg2[%add3A_1902, %dma_start3A_1927] : memref<30000x64xf32, #tpu.memory_space<vmem>> -> memref<1x64xf32, #tpu.memory_space<vmem>>
      tpu.enqueue_dma source(%dma_start3A_1928 : memref<1x64xf32, #tpu.memory_space<vmem>>) target(%dma_start3A_1926 : memref<1x64xf32, #tpu.memory_space<any>>) target_semaphore(%arg6 : memref<!tpu.dma_semaphore, #tpu.memory_space<semaphore_mem>>)
      %add3A_1929 = arith.constant 31 : i32
      %add3A_1930 = arith.addi %mul3A_1060, %add3A_1929 : i32
      %mul3A_1931 = arith.constant 4 : i32
      %mul3A_1932 = arith.muli %mul3A_1931, %add3A_1930 : i32
      %add3A_1933 = arith.constant 1 : i32
      %add3A_1934 = arith.addi %mul3A_1932, %add3A_1933 : i32
      %get3A_1935 = arith.index_cast %add3A_1934 : i32 to index
      %get3A_1936 = memref.load %arg1[%get3A_1935] : memref<120000xi32, #tpu.memory_space<smem>>
      %mul3A_1937 = arith.constant 4 : i32
      %mul3A_1938 = arith.muli %mul3A_1937, %add3A_1930 : i32
      %add3A_1939 = arith.constant 2 : i32
      %add3A_1940 = arith.addi %mul3A_1938, %add3A_1939 : i32
      %get3A_1941 = arith.index_cast %add3A_1940 : i32 to index
      %get3A_1942 = memref.load %arg1[%get3A_1941] : memref<120000xi32, #tpu.memory_space<smem>>
      %mul3A_1943 = arith.constant 512 : i32
      %mul3A_1944 = arith.muli %get3A_1942, %mul3A_1943 : i32
      %add3A_1945 = arith.addi %get3A_1936, %mul3A_1944 : i32
      %mul3A_1946 = arith.constant 4 : i32
      %mul3A_1947 = arith.muli %mul3A_1946, %add3A_1930 : i32
      %add3A_1948 = arith.constant 3 : i32
      %add3A_1949 = arith.addi %mul3A_1947, %add3A_1948 : i32
      %get3A_1950 = arith.index_cast %add3A_1949 : i32 to index
      %get3A_1951 = memref.load %arg1[%get3A_1950] : memref<120000xi32, #tpu.memory_space<smem>>
      %add3A_1952 = arith.addi %add3A_1945, %get3A_1951 : i32
      %dma_start3A_1953 = arith.constant 0 : i32
      %dma_start3A_1954 = tpu.memref_slice %arg3[%add3A_1952, %dma_start3A_1953] : memref<262144x64xf32, #tpu.memory_space<any>> -> memref<1x64xf32, #tpu.memory_space<any>>
      %dma_start3A_1955 = arith.constant 0 : i32
      %dma_start3A_1956 = tpu.memref_slice %arg2[%add3A_1930, %dma_start3A_1955] : memref<30000x64xf32, #tpu.memory_space<vmem>> -> memref<1x64xf32, #tpu.memory_space<vmem>>
      tpu.enqueue_dma source(%dma_start3A_1956 : memref<1x64xf32, #tpu.memory_space<vmem>>) target(%dma_start3A_1954 : memref<1x64xf32, #tpu.memory_space<any>>) target_semaphore(%arg6 : memref<!tpu.dma_semaphore, #tpu.memory_space<semaphore_mem>>)
      %add3A_1957 = arith.constant 32 : i32
      %add3A_1958 = arith.addi %mul3A_1060, %add3A_1957 : i32
      %mul3A_1959 = arith.constant 4 : i32
      %mul3A_1960 = arith.muli %mul3A_1959, %add3A_1958 : i32
      %add3A_1961 = arith.constant 1 : i32
      %add3A_1962 = arith.addi %mul3A_1960, %add3A_1961 : i32
      %get3A_1963 = arith.index_cast %add3A_1962 : i32 to index
      %get3A_1964 = memref.load %arg1[%get3A_1963] : memref<120000xi32, #tpu.memory_space<smem>>
      %mul3A_1965 = arith.constant 4 : i32
      %mul3A_1966 = arith.muli %mul3A_1965, %add3A_1958 : i32
      %add3A_1967 = arith.constant 2 : i32
      %add3A_1968 = arith.addi %mul3A_1966, %add3A_1967 : i32
      %get3A_1969 = arith.index_cast %add3A_1968 : i32 to index
      %get3A_1970 = memref.load %arg1[%get3A_1969] : memref<120000xi32, #tpu.memory_space<smem>>
      %mul3A_1971 = arith.constant 512 : i32
      %mul3A_1972 = arith.muli %get3A_1970, %mul3A_1971 : i32
      %add3A_1973 = arith.addi %get3A_1964, %mul3A_1972 : i32
      %mul3A_1974 = arith.constant 4 : i32
      %mul3A_1975 = arith.muli %mul3A_1974, %add3A_1958 : i32
      %add3A_1976 = arith.constant 3 : i32
      %add3A_1977 = arith.addi %mul3A_1975, %add3A_1976 : i32
      %get3A_1978 = arith.index_cast %add3A_1977 : i32 to index
      %get3A_1979 = memref.load %arg1[%get3A_1978] : memref<120000xi32, #tpu.memory_space<smem>>
      %add3A_1980 = arith.addi %add3A_1973, %get3A_1979 : i32
      %dma_start3A_1981 = arith.constant 0 : i32
      %dma_start3A_1982 = tpu.memref_slice %arg3[%add3A_1980, %dma_start3A_1981] : memref<262144x64xf32, #tpu.memory_space<any>> -> memref<1x64xf32, #tpu.memory_space<any>>
      %dma_start3A_1983 = arith.constant 0 : i32
      %dma_start3A_1984 = tpu.memref_slice %arg2[%add3A_1958, %dma_start3A_1983] : memref<30000x64xf32, #tpu.memory_space<vmem>> -> memref<1x64xf32, #tpu.memory_space<vmem>>
      tpu.enqueue_dma source(%dma_start3A_1984 : memref<1x64xf32, #tpu.memory_space<vmem>>) target(%dma_start3A_1982 : memref<1x64xf32, #tpu.memory_space<any>>) target_semaphore(%arg6 : memref<!tpu.dma_semaphore, #tpu.memory_space<semaphore_mem>>)
      %add3A_1985 = arith.constant 33 : i32
      %add3A_1986 = arith.addi %mul3A_1060, %add3A_1985 : i32
      %mul3A_1987 = arith.constant 4 : i32
      %mul3A_1988 = arith.muli %mul3A_1987, %add3A_1986 : i32
      %add3A_1989 = arith.constant 1 : i32
      %add3A_1990 = arith.addi %mul3A_1988, %add3A_1989 : i32
      %get3A_1991 = arith.index_cast %add3A_1990 : i32 to index
      %get3A_1992 = memref.load %arg1[%get3A_1991] : memref<120000xi32, #tpu.memory_space<smem>>
      %mul3A_1993 = arith.constant 4 : i32
      %mul3A_1994 = arith.muli %mul3A_1993, %add3A_1986 : i32
      %add3A_1995 = arith.constant 2 : i32
      %add3A_1996 = arith.addi %mul3A_1994, %add3A_1995 : i32
      %get3A_1997 = arith.index_cast %add3A_1996 : i32 to index
      %get3A_1998 = memref.load %arg1[%get3A_1997] : memref<120000xi32, #tpu.memory_space<smem>>
      %mul3A_1999 = arith.constant 512 : i32
      %mul3A_2000 = arith.muli %get3A_1998, %mul3A_1999 : i32
      %add3A_2001 = arith.addi %get3A_1992, %mul3A_2000 : i32
      %mul3A_2002 = arith.constant 4 : i32
      %mul3A_2003 = arith.muli %mul3A_2002, %add3A_1986 : i32
      %add3A_2004 = arith.constant 3 : i32
      %add3A_2005 = arith.addi %mul3A_2003, %add3A_2004 : i32
      %get3A_2006 = arith.index_cast %add3A_2005 : i32 to index
      %get3A_2007 = memref.load %arg1[%get3A_2006] : memref<120000xi32, #tpu.memory_space<smem>>
      %add3A_2008 = arith.addi %add3A_2001, %get3A_2007 : i32
      %dma_start3A_2009 = arith.constant 0 : i32
      %dma_start3A_2010 = tpu.memref_slice %arg3[%add3A_2008, %dma_start3A_2009] : memref<262144x64xf32, #tpu.memory_space<any>> -> memref<1x64xf32, #tpu.memory_space<any>>
      %dma_start3A_2011 = arith.constant 0 : i32
      %dma_start3A_2012 = tpu.memref_slice %arg2[%add3A_1986, %dma_start3A_2011] : memref<30000x64xf32, #tpu.memory_space<vmem>> -> memref<1x64xf32, #tpu.memory_space<vmem>>
      tpu.enqueue_dma source(%dma_start3A_2012 : memref<1x64xf32, #tpu.memory_space<vmem>>) target(%dma_start3A_2010 : memref<1x64xf32, #tpu.memory_space<any>>) target_semaphore(%arg6 : memref<!tpu.dma_semaphore, #tpu.memory_space<semaphore_mem>>)
      %add3A_2013 = arith.constant 34 : i32
      %add3A_2014 = arith.addi %mul3A_1060, %add3A_2013 : i32
      %mul3A_2015 = arith.constant 4 : i32
      %mul3A_2016 = arith.muli %mul3A_2015, %add3A_2014 : i32
      %add3A_2017 = arith.constant 1 : i32
      %add3A_2018 = arith.addi %mul3A_2016, %add3A_2017 : i32
      %get3A_2019 = arith.index_cast %add3A_2018 : i32 to index
      %get3A_2020 = memref.load %arg1[%get3A_2019] : memref<120000xi32, #tpu.memory_space<smem>>
      %mul3A_2021 = arith.constant 4 : i32
      %mul3A_2022 = arith.muli %mul3A_2021, %add3A_2014 : i32
      %add3A_2023 = arith.constant 2 : i32
      %add3A_2024 = arith.addi %mul3A_2022, %add3A_2023 : i32
      %get3A_2025 = arith.index_cast %add3A_2024 : i32 to index
      %get3A_2026 = memref.load %arg1[%get3A_2025] : memref<120000xi32, #tpu.memory_space<smem>>
      %mul3A_2027 = arith.constant 512 : i32
      %mul3A_2028 = arith.muli %get3A_2026, %mul3A_2027 : i32
      %add3A_2029 = arith.addi %get3A_2020, %mul3A_2028 : i32
      %mul3A_2030 = arith.constant 4 : i32
      %mul3A_2031 = arith.muli %mul3A_2030, %add3A_2014 : i32
      %add3A_2032 = arith.constant 3 : i32
      %add3A_2033 = arith.addi %mul3A_2031, %add3A_2032 : i32
      %get3A_2034 = arith.index_cast %add3A_2033 : i32 to index
      %get3A_2035 = memref.load %arg1[%get3A_2034] : memref<120000xi32, #tpu.memory_space<smem>>
      %add3A_2036 = arith.addi %add3A_2029, %get3A_2035 : i32
      %dma_start3A_2037 = arith.constant 0 : i32
      %dma_start3A_2038 = tpu.memref_slice %arg3[%add3A_2036, %dma_start3A_2037] : memref<262144x64xf32, #tpu.memory_space<any>> -> memref<1x64xf32, #tpu.memory_space<any>>
      %dma_start3A_2039 = arith.constant 0 : i32
      %dma_start3A_2040 = tpu.memref_slice %arg2[%add3A_2014, %dma_start3A_2039] : memref<30000x64xf32, #tpu.memory_space<vmem>> -> memref<1x64xf32, #tpu.memory_space<vmem>>
      tpu.enqueue_dma source(%dma_start3A_2040 : memref<1x64xf32, #tpu.memory_space<vmem>>) target(%dma_start3A_2038 : memref<1x64xf32, #tpu.memory_space<any>>) target_semaphore(%arg6 : memref<!tpu.dma_semaphore, #tpu.memory_space<semaphore_mem>>)
      %add3A_2041 = arith.constant 35 : i32
      %add3A_2042 = arith.addi %mul3A_1060, %add3A_2041 : i32
      %mul3A_2043 = arith.constant 4 : i32
      %mul3A_2044 = arith.muli %mul3A_2043, %add3A_2042 : i32
      %add3A_2045 = arith.constant 1 : i32
      %add3A_2046 = arith.addi %mul3A_2044, %add3A_2045 : i32
      %get3A_2047 = arith.index_cast %add3A_2046 : i32 to index
      %get3A_2048 = memref.load %arg1[%get3A_2047] : memref<120000xi32, #tpu.memory_space<smem>>
      %mul3A_2049 = arith.constant 4 : i32
      %mul3A_2050 = arith.muli %mul3A_2049, %add3A_2042 : i32
      %add3A_2051 = arith.constant 2 : i32
      %add3A_2052 = arith.addi %mul3A_2050, %add3A_2051 : i32
      %get3A_2053 = arith.index_cast %add3A_2052 : i32 to index
      %get3A_2054 = memref.load %arg1[%get3A_2053] : memref<120000xi32, #tpu.memory_space<smem>>
      %mul3A_2055 = arith.constant 512 : i32
      %mul3A_2056 = arith.muli %get3A_2054, %mul3A_2055 : i32
      %add3A_2057 = arith.addi %get3A_2048, %mul3A_2056 : i32
      %mul3A_2058 = arith.constant 4 : i32
      %mul3A_2059 = arith.muli %mul3A_2058, %add3A_2042 : i32
      %add3A_2060 = arith.constant 3 : i32
      %add3A_2061 = arith.addi %mul3A_2059, %add3A_2060 : i32
      %get3A_2062 = arith.index_cast %add3A_2061 : i32 to index
      %get3A_2063 = memref.load %arg1[%get3A_2062] : memref<120000xi32, #tpu.memory_space<smem>>
      %add3A_2064 = arith.addi %add3A_2057, %get3A_2063 : i32
      %dma_start3A_2065 = arith.constant 0 : i32
      %dma_start3A_2066 = tpu.memref_slice %arg3[%add3A_2064, %dma_start3A_2065] : memref<262144x64xf32, #tpu.memory_space<any>> -> memref<1x64xf32, #tpu.memory_space<any>>
      %dma_start3A_2067 = arith.constant 0 : i32
      %dma_start3A_2068 = tpu.memref_slice %arg2[%add3A_2042, %dma_start3A_2067] : memref<30000x64xf32, #tpu.memory_space<vmem>> -> memref<1x64xf32, #tpu.memory_space<vmem>>
      tpu.enqueue_dma source(%dma_start3A_2068 : memref<1x64xf32, #tpu.memory_space<vmem>>) target(%dma_start3A_2066 : memref<1x64xf32, #tpu.memory_space<any>>) target_semaphore(%arg6 : memref<!tpu.dma_semaphore, #tpu.memory_space<semaphore_mem>>)
      %add3A_2069 = arith.constant 36 : i32
      %add3A_2070 = arith.addi %mul3A_1060, %add3A_2069 : i32
      %mul3A_2071 = arith.constant 4 : i32
      %mul3A_2072 = arith.muli %mul3A_2071, %add3A_2070 : i32
      %add3A_2073 = arith.constant 1 : i32
      %add3A_2074 = arith.addi %mul3A_2072, %add3A_2073 : i32
      %get3A_2075 = arith.index_cast %add3A_2074 : i32 to index
      %get3A_2076 = memref.load %arg1[%get3A_2075] : memref<120000xi32, #tpu.memory_space<smem>>
      %mul3A_2077 = arith.constant 4 : i32
      %mul3A_2078 = arith.muli %mul3A_2077, %add3A_2070 : i32
      %add3A_2079 = arith.constant 2 : i32
      %add3A_2080 = arith.addi %mul3A_2078, %add3A_2079 : i32
      %get3A_2081 = arith.index_cast %add3A_2080 : i32 to index
      %get3A_2082 = memref.load %arg1[%get3A_2081] : memref<120000xi32, #tpu.memory_space<smem>>
      %mul3A_2083 = arith.constant 512 : i32
      %mul3A_2084 = arith.muli %get3A_2082, %mul3A_2083 : i32
      %add3A_2085 = arith.addi %get3A_2076, %mul3A_2084 : i32
      %mul3A_2086 = arith.constant 4 : i32
      %mul3A_2087 = arith.muli %mul3A_2086, %add3A_2070 : i32
      %add3A_2088 = arith.constant 3 : i32
      %add3A_2089 = arith.addi %mul3A_2087, %add3A_2088 : i32
      %get3A_2090 = arith.index_cast %add3A_2089 : i32 to index
      %get3A_2091 = memref.load %arg1[%get3A_2090] : memref<120000xi32, #tpu.memory_space<smem>>
      %add3A_2092 = arith.addi %add3A_2085, %get3A_2091 : i32
      %dma_start3A_2093 = arith.constant 0 : i32
      %dma_start3A_2094 = tpu.memref_slice %arg3[%add3A_2092, %dma_start3A_2093] : memref<262144x64xf32, #tpu.memory_space<any>> -> memref<1x64xf32, #tpu.memory_space<any>>
      %dma_start3A_2095 = arith.constant 0 : i32
      %dma_start3A_2096 = tpu.memref_slice %arg2[%add3A_2070, %dma_start3A_2095] : memref<30000x64xf32, #tpu.memory_space<vmem>> -> memref<1x64xf32, #tpu.memory_space<vmem>>
      tpu.enqueue_dma source(%dma_start3A_2096 : memref<1x64xf32, #tpu.memory_space<vmem>>) target(%dma_start3A_2094 : memref<1x64xf32, #tpu.memory_space<any>>) target_semaphore(%arg6 : memref<!tpu.dma_semaphore, #tpu.memory_space<semaphore_mem>>)
      %add3A_2097 = arith.constant 37 : i32
      %add3A_2098 = arith.addi %mul3A_1060, %add3A_2097 : i32
      %mul3A_2099 = arith.constant 4 : i32
      %mul3A_2100 = arith.muli %mul3A_2099, %add3A_2098 : i32
      %add3A_2101 = arith.constant 1 : i32
      %add3A_2102 = arith.addi %mul3A_2100, %add3A_2101 : i32
      %get3A_2103 = arith.index_cast %add3A_2102 : i32 to index
      %get3A_2104 = memref.load %arg1[%get3A_2103] : memref<120000xi32, #tpu.memory_space<smem>>
      %mul3A_2105 = arith.constant 4 : i32
      %mul3A_2106 = arith.muli %mul3A_2105, %add3A_2098 : i32
      %add3A_2107 = arith.constant 2 : i32
      %add3A_2108 = arith.addi %mul3A_2106, %add3A_2107 : i32
      %get3A_2109 = arith.index_cast %add3A_2108 : i32 to index
      %get3A_2110 = memref.load %arg1[%get3A_2109] : memref<120000xi32, #tpu.memory_space<smem>>
      %mul3A_2111 = arith.constant 512 : i32
      %mul3A_2112 = arith.muli %get3A_2110, %mul3A_2111 : i32
      %add3A_2113 = arith.addi %get3A_2104, %mul3A_2112 : i32
      %mul3A_2114 = arith.constant 4 : i32
      %mul3A_2115 = arith.muli %mul3A_2114, %add3A_2098 : i32
      %add3A_2116 = arith.constant 3 : i32
      %add3A_2117 = arith.addi %mul3A_2115, %add3A_2116 : i32
      %get3A_2118 = arith.index_cast %add3A_2117 : i32 to index
      %get3A_2119 = memref.load %arg1[%get3A_2118] : memref<120000xi32, #tpu.memory_space<smem>>
      %add3A_2120 = arith.addi %add3A_2113, %get3A_2119 : i32
      %dma_start3A_2121 = arith.constant 0 : i32
      %dma_start3A_2122 = tpu.memref_slice %arg3[%add3A_2120, %dma_start3A_2121] : memref<262144x64xf32, #tpu.memory_space<any>> -> memref<1x64xf32, #tpu.memory_space<any>>
      %dma_start3A_2123 = arith.constant 0 : i32
      %dma_start3A_2124 = tpu.memref_slice %arg2[%add3A_2098, %dma_start3A_2123] : memref<30000x64xf32, #tpu.memory_space<vmem>> -> memref<1x64xf32, #tpu.memory_space<vmem>>
      tpu.enqueue_dma source(%dma_start3A_2124 : memref<1x64xf32, #tpu.memory_space<vmem>>) target(%dma_start3A_2122 : memref<1x64xf32, #tpu.memory_space<any>>) target_semaphore(%arg6 : memref<!tpu.dma_semaphore, #tpu.memory_space<semaphore_mem>>)
      %add3A_2125 = arith.constant 38 : i32
      %add3A_2126 = arith.addi %mul3A_1060, %add3A_2125 : i32
      %mul3A_2127 = arith.constant 4 : i32
      %mul3A_2128 = arith.muli %mul3A_2127, %add3A_2126 : i32
      %add3A_2129 = arith.constant 1 : i32
      %add3A_2130 = arith.addi %mul3A_2128, %add3A_2129 : i32
      %get3A_2131 = arith.index_cast %add3A_2130 : i32 to index
      %get3A_2132 = memref.load %arg1[%get3A_2131] : memref<120000xi32, #tpu.memory_space<smem>>
      %mul3A_2133 = arith.constant 4 : i32
      %mul3A_2134 = arith.muli %mul3A_2133, %add3A_2126 : i32
      %add3A_2135 = arith.constant 2 : i32
      %add3A_2136 = arith.addi %mul3A_2134, %add3A_2135 : i32
      %get3A_2137 = arith.index_cast %add3A_2136 : i32 to index
      %get3A_2138 = memref.load %arg1[%get3A_2137] : memref<120000xi32, #tpu.memory_space<smem>>
      %mul3A_2139 = arith.constant 512 : i32
      %mul3A_2140 = arith.muli %get3A_2138, %mul3A_2139 : i32
      %add3A_2141 = arith.addi %get3A_2132, %mul3A_2140 : i32
      %mul3A_2142 = arith.constant 4 : i32
      %mul3A_2143 = arith.muli %mul3A_2142, %add3A_2126 : i32
      %add3A_2144 = arith.constant 3 : i32
      %add3A_2145 = arith.addi %mul3A_2143, %add3A_2144 : i32
      %get3A_2146 = arith.index_cast %add3A_2145 : i32 to index
      %get3A_2147 = memref.load %arg1[%get3A_2146] : memref<120000xi32, #tpu.memory_space<smem>>
      %add3A_2148 = arith.addi %add3A_2141, %get3A_2147 : i32
      %dma_start3A_2149 = arith.constant 0 : i32
      %dma_start3A_2150 = tpu.memref_slice %arg3[%add3A_2148, %dma_start3A_2149] : memref<262144x64xf32, #tpu.memory_space<any>> -> memref<1x64xf32, #tpu.memory_space<any>>
      %dma_start3A_2151 = arith.constant 0 : i32
      %dma_start3A_2152 = tpu.memref_slice %arg2[%add3A_2126, %dma_start3A_2151] : memref<30000x64xf32, #tpu.memory_space<vmem>> -> memref<1x64xf32, #tpu.memory_space<vmem>>
      tpu.enqueue_dma source(%dma_start3A_2152 : memref<1x64xf32, #tpu.memory_space<vmem>>) target(%dma_start3A_2150 : memref<1x64xf32, #tpu.memory_space<any>>) target_semaphore(%arg6 : memref<!tpu.dma_semaphore, #tpu.memory_space<semaphore_mem>>)
      %add3A_2153 = arith.constant 39 : i32
      %add3A_2154 = arith.addi %mul3A_1060, %add3A_2153 : i32
      %mul3A_2155 = arith.constant 4 : i32
      %mul3A_2156 = arith.muli %mul3A_2155, %add3A_2154 : i32
      %add3A_2157 = arith.constant 1 : i32
      %add3A_2158 = arith.addi %mul3A_2156, %add3A_2157 : i32
      %get3A_2159 = arith.index_cast %add3A_2158 : i32 to index
      %get3A_2160 = memref.load %arg1[%get3A_2159] : memref<120000xi32, #tpu.memory_space<smem>>
      %mul3A_2161 = arith.constant 4 : i32
      %mul3A_2162 = arith.muli %mul3A_2161, %add3A_2154 : i32
      %add3A_2163 = arith.constant 2 : i32
      %add3A_2164 = arith.addi %mul3A_2162, %add3A_2163 : i32
      %get3A_2165 = arith.index_cast %add3A_2164 : i32 to index
      %get3A_2166 = memref.load %arg1[%get3A_2165] : memref<120000xi32, #tpu.memory_space<smem>>
      %mul3A_2167 = arith.constant 512 : i32
      %mul3A_2168 = arith.muli %get3A_2166, %mul3A_2167 : i32
      %add3A_2169 = arith.addi %get3A_2160, %mul3A_2168 : i32
      %mul3A_2170 = arith.constant 4 : i32
      %mul3A_2171 = arith.muli %mul3A_2170, %add3A_2154 : i32
      %add3A_2172 = arith.constant 3 : i32
      %add3A_2173 = arith.addi %mul3A_2171, %add3A_2172 : i32
      %get3A_2174 = arith.index_cast %add3A_2173 : i32 to index
      %get3A_2175 = memref.load %arg1[%get3A_2174] : memref<120000xi32, #tpu.memory_space<smem>>
      %add3A_2176 = arith.addi %add3A_2169, %get3A_2175 : i32
      %dma_start3A_2177 = arith.constant 0 : i32
      %dma_start3A_2178 = tpu.memref_slice %arg3[%add3A_2176, %dma_start3A_2177] : memref<262144x64xf32, #tpu.memory_space<any>> -> memref<1x64xf32, #tpu.memory_space<any>>
      %dma_start3A_2179 = arith.constant 0 : i32
      %dma_start3A_2180 = tpu.memref_slice %arg2[%add3A_2154, %dma_start3A_2179] : memref<30000x64xf32, #tpu.memory_space<vmem>> -> memref<1x64xf32, #tpu.memory_space<vmem>>
      tpu.enqueue_dma source(%dma_start3A_2180 : memref<1x64xf32, #tpu.memory_space<vmem>>) target(%dma_start3A_2178 : memref<1x64xf32, #tpu.memory_space<any>>) target_semaphore(%arg6 : memref<!tpu.dma_semaphore, #tpu.memory_space<semaphore_mem>>)
      %add3A_2181 = arith.constant 40 : i32
      %add3A_2182 = arith.addi %mul3A_1060, %add3A_2181 : i32
      %mul3A_2183 = arith.constant 4 : i32
      %mul3A_2184 = arith.muli %mul3A_2183, %add3A_2182 : i32
      %add3A_2185 = arith.constant 1 : i32
      %add3A_2186 = arith.addi %mul3A_2184, %add3A_2185 : i32
      %get3A_2187 = arith.index_cast %add3A_2186 : i32 to index
      %get3A_2188 = memref.load %arg1[%get3A_2187] : memref<120000xi32, #tpu.memory_space<smem>>
      %mul3A_2189 = arith.constant 4 : i32
      %mul3A_2190 = arith.muli %mul3A_2189, %add3A_2182 : i32
      %add3A_2191 = arith.constant 2 : i32
      %add3A_2192 = arith.addi %mul3A_2190, %add3A_2191 : i32
      %get3A_2193 = arith.index_cast %add3A_2192 : i32 to index
      %get3A_2194 = memref.load %arg1[%get3A_2193] : memref<120000xi32, #tpu.memory_space<smem>>
      %mul3A_2195 = arith.constant 512 : i32
      %mul3A_2196 = arith.muli %get3A_2194, %mul3A_2195 : i32
      %add3A_2197 = arith.addi %get3A_2188, %mul3A_2196 : i32
      %mul3A_2198 = arith.constant 4 : i32
      %mul3A_2199 = arith.muli %mul3A_2198, %add3A_2182 : i32
      %add3A_2200 = arith.constant 3 : i32
      %add3A_2201 = arith.addi %mul3A_2199, %add3A_2200 : i32
      %get3A_2202 = arith.index_cast %add3A_2201 : i32 to index
      %get3A_2203 = memref.load %arg1[%get3A_2202] : memref<120000xi32, #tpu.memory_space<smem>>
      %add3A_2204 = arith.addi %add3A_2197, %get3A_2203 : i32
      %dma_start3A_2205 = arith.constant 0 : i32
      %dma_start3A_2206 = tpu.memref_slice %arg3[%add3A_2204, %dma_start3A_2205] : memref<262144x64xf32, #tpu.memory_space<any>> -> memref<1x64xf32, #tpu.memory_space<any>>
      %dma_start3A_2207 = arith.constant 0 : i32
      %dma_start3A_2208 = tpu.memref_slice %arg2[%add3A_2182, %dma_start3A_2207] : memref<30000x64xf32, #tpu.memory_space<vmem>> -> memref<1x64xf32, #tpu.memory_space<vmem>>
      tpu.enqueue_dma source(%dma_start3A_2208 : memref<1x64xf32, #tpu.memory_space<vmem>>) target(%dma_start3A_2206 : memref<1x64xf32, #tpu.memory_space<any>>) target_semaphore(%arg6 : memref<!tpu.dma_semaphore, #tpu.memory_space<semaphore_mem>>)
      %add3A_2209 = arith.constant 41 : i32
      %add3A_2210 = arith.addi %mul3A_1060, %add3A_2209 : i32
      %mul3A_2211 = arith.constant 4 : i32
      %mul3A_2212 = arith.muli %mul3A_2211, %add3A_2210 : i32
      %add3A_2213 = arith.constant 1 : i32
      %add3A_2214 = arith.addi %mul3A_2212, %add3A_2213 : i32
      %get3A_2215 = arith.index_cast %add3A_2214 : i32 to index
      %get3A_2216 = memref.load %arg1[%get3A_2215] : memref<120000xi32, #tpu.memory_space<smem>>
      %mul3A_2217 = arith.constant 4 : i32
      %mul3A_2218 = arith.muli %mul3A_2217, %add3A_2210 : i32
      %add3A_2219 = arith.constant 2 : i32
      %add3A_2220 = arith.addi %mul3A_2218, %add3A_2219 : i32
      %get3A_2221 = arith.index_cast %add3A_2220 : i32 to index
      %get3A_2222 = memref.load %arg1[%get3A_2221] : memref<120000xi32, #tpu.memory_space<smem>>
      %mul3A_2223 = arith.constant 512 : i32
      %mul3A_2224 = arith.muli %get3A_2222, %mul3A_2223 : i32
      %add3A_2225 = arith.addi %get3A_2216, %mul3A_2224 : i32
      %mul3A_2226 = arith.constant 4 : i32
      %mul3A_2227 = arith.muli %mul3A_2226, %add3A_2210 : i32
      %add3A_2228 = arith.constant 3 : i32
      %add3A_2229 = arith.addi %mul3A_2227, %add3A_2228 : i32
      %get3A_2230 = arith.index_cast %add3A_2229 : i32 to index
      %get3A_2231 = memref.load %arg1[%get3A_2230] : memref<120000xi32, #tpu.memory_space<smem>>
      %add3A_2232 = arith.addi %add3A_2225, %get3A_2231 : i32
      %dma_start3A_2233 = arith.constant 0 : i32
      %dma_start3A_2234 = tpu.memref_slice %arg3[%add3A_2232, %dma_start3A_2233] : memref<262144x64xf32, #tpu.memory_space<any>> -> memref<1x64xf32, #tpu.memory_space<any>>
      %dma_start3A_2235 = arith.constant 0 : i32
      %dma_start3A_2236 = tpu.memref_slice %arg2[%add3A_2210, %dma_start3A_2235] : memref<30000x64xf32, #tpu.memory_space<vmem>> -> memref<1x64xf32, #tpu.memory_space<vmem>>
      tpu.enqueue_dma source(%dma_start3A_2236 : memref<1x64xf32, #tpu.memory_space<vmem>>) target(%dma_start3A_2234 : memref<1x64xf32, #tpu.memory_space<any>>) target_semaphore(%arg6 : memref<!tpu.dma_semaphore, #tpu.memory_space<semaphore_mem>>)
      %add3A_2237 = arith.constant 42 : i32
      %add3A_2238 = arith.addi %mul3A_1060, %add3A_2237 : i32
      %mul3A_2239 = arith.constant 4 : i32
      %mul3A_2240 = arith.muli %mul3A_2239, %add3A_2238 : i32
      %add3A_2241 = arith.constant 1 : i32
      %add3A_2242 = arith.addi %mul3A_2240, %add3A_2241 : i32
      %get3A_2243 = arith.index_cast %add3A_2242 : i32 to index
      %get3A_2244 = memref.load %arg1[%get3A_2243] : memref<120000xi32, #tpu.memory_space<smem>>
      %mul3A_2245 = arith.constant 4 : i32
      %mul3A_2246 = arith.muli %mul3A_2245, %add3A_2238 : i32
      %add3A_2247 = arith.constant 2 : i32
      %add3A_2248 = arith.addi %mul3A_2246, %add3A_2247 : i32
      %get3A_2249 = arith.index_cast %add3A_2248 : i32 to index
      %get3A_2250 = memref.load %arg1[%get3A_2249] : memref<120000xi32, #tpu.memory_space<smem>>
      %mul3A_2251 = arith.constant 512 : i32
      %mul3A_2252 = arith.muli %get3A_2250, %mul3A_2251 : i32
      %add3A_2253 = arith.addi %get3A_2244, %mul3A_2252 : i32
      %mul3A_2254 = arith.constant 4 : i32
      %mul3A_2255 = arith.muli %mul3A_2254, %add3A_2238 : i32
      %add3A_2256 = arith.constant 3 : i32
      %add3A_2257 = arith.addi %mul3A_2255, %add3A_2256 : i32
      %get3A_2258 = arith.index_cast %add3A_2257 : i32 to index
      %get3A_2259 = memref.load %arg1[%get3A_2258] : memref<120000xi32, #tpu.memory_space<smem>>
      %add3A_2260 = arith.addi %add3A_2253, %get3A_2259 : i32
      %dma_start3A_2261 = arith.constant 0 : i32
      %dma_start3A_2262 = tpu.memref_slice %arg3[%add3A_2260, %dma_start3A_2261] : memref<262144x64xf32, #tpu.memory_space<any>> -> memref<1x64xf32, #tpu.memory_space<any>>
      %dma_start3A_2263 = arith.constant 0 : i32
      %dma_start3A_2264 = tpu.memref_slice %arg2[%add3A_2238, %dma_start3A_2263] : memref<30000x64xf32, #tpu.memory_space<vmem>> -> memref<1x64xf32, #tpu.memory_space<vmem>>
      tpu.enqueue_dma source(%dma_start3A_2264 : memref<1x64xf32, #tpu.memory_space<vmem>>) target(%dma_start3A_2262 : memref<1x64xf32, #tpu.memory_space<any>>) target_semaphore(%arg6 : memref<!tpu.dma_semaphore, #tpu.memory_space<semaphore_mem>>)
      %add3A_2265 = arith.constant 43 : i32
      %add3A_2266 = arith.addi %mul3A_1060, %add3A_2265 : i32
      %mul3A_2267 = arith.constant 4 : i32
      %mul3A_2268 = arith.muli %mul3A_2267, %add3A_2266 : i32
      %add3A_2269 = arith.constant 1 : i32
      %add3A_2270 = arith.addi %mul3A_2268, %add3A_2269 : i32
      %get3A_2271 = arith.index_cast %add3A_2270 : i32 to index
      %get3A_2272 = memref.load %arg1[%get3A_2271] : memref<120000xi32, #tpu.memory_space<smem>>
      %mul3A_2273 = arith.constant 4 : i32
      %mul3A_2274 = arith.muli %mul3A_2273, %add3A_2266 : i32
      %add3A_2275 = arith.constant 2 : i32
      %add3A_2276 = arith.addi %mul3A_2274, %add3A_2275 : i32
      %get3A_2277 = arith.index_cast %add3A_2276 : i32 to index
      %get3A_2278 = memref.load %arg1[%get3A_2277] : memref<120000xi32, #tpu.memory_space<smem>>
      %mul3A_2279 = arith.constant 512 : i32
      %mul3A_2280 = arith.muli %get3A_2278, %mul3A_2279 : i32
      %add3A_2281 = arith.addi %get3A_2272, %mul3A_2280 : i32
      %mul3A_2282 = arith.constant 4 : i32
      %mul3A_2283 = arith.muli %mul3A_2282, %add3A_2266 : i32
      %add3A_2284 = arith.constant 3 : i32
      %add3A_2285 = arith.addi %mul3A_2283, %add3A_2284 : i32
      %get3A_2286 = arith.index_cast %add3A_2285 : i32 to index
      %get3A_2287 = memref.load %arg1[%get3A_2286] : memref<120000xi32, #tpu.memory_space<smem>>
      %add3A_2288 = arith.addi %add3A_2281, %get3A_2287 : i32
      %dma_start3A_2289 = arith.constant 0 : i32
      %dma_start3A_2290 = tpu.memref_slice %arg3[%add3A_2288, %dma_start3A_2289] : memref<262144x64xf32, #tpu.memory_space<any>> -> memref<1x64xf32, #tpu.memory_space<any>>
      %dma_start3A_2291 = arith.constant 0 : i32
      %dma_start3A_2292 = tpu.memref_slice %arg2[%add3A_2266, %dma_start3A_2291] : memref<30000x64xf32, #tpu.memory_space<vmem>> -> memref<1x64xf32, #tpu.memory_space<vmem>>
      tpu.enqueue_dma source(%dma_start3A_2292 : memref<1x64xf32, #tpu.memory_space<vmem>>) target(%dma_start3A_2290 : memref<1x64xf32, #tpu.memory_space<any>>) target_semaphore(%arg6 : memref<!tpu.dma_semaphore, #tpu.memory_space<semaphore_mem>>)
      %add3A_2293 = arith.constant 44 : i32
      %add3A_2294 = arith.addi %mul3A_1060, %add3A_2293 : i32
      %mul3A_2295 = arith.constant 4 : i32
      %mul3A_2296 = arith.muli %mul3A_2295, %add3A_2294 : i32
      %add3A_2297 = arith.constant 1 : i32
      %add3A_2298 = arith.addi %mul3A_2296, %add3A_2297 : i32
      %get3A_2299 = arith.index_cast %add3A_2298 : i32 to index
      %get3A_2300 = memref.load %arg1[%get3A_2299] : memref<120000xi32, #tpu.memory_space<smem>>
      %mul3A_2301 = arith.constant 4 : i32
      %mul3A_2302 = arith.muli %mul3A_2301, %add3A_2294 : i32
      %add3A_2303 = arith.constant 2 : i32
      %add3A_2304 = arith.addi %mul3A_2302, %add3A_2303 : i32
      %get3A_2305 = arith.index_cast %add3A_2304 : i32 to index
      %get3A_2306 = memref.load %arg1[%get3A_2305] : memref<120000xi32, #tpu.memory_space<smem>>
      %mul3A_2307 = arith.constant 512 : i32
      %mul3A_2308 = arith.muli %get3A_2306, %mul3A_2307 : i32
      %add3A_2309 = arith.addi %get3A_2300, %mul3A_2308 : i32
      %mul3A_2310 = arith.constant 4 : i32
      %mul3A_2311 = arith.muli %mul3A_2310, %add3A_2294 : i32
      %add3A_2312 = arith.constant 3 : i32
      %add3A_2313 = arith.addi %mul3A_2311, %add3A_2312 : i32
      %get3A_2314 = arith.index_cast %add3A_2313 : i32 to index
      %get3A_2315 = memref.load %arg1[%get3A_2314] : memref<120000xi32, #tpu.memory_space<smem>>
      %add3A_2316 = arith.addi %add3A_2309, %get3A_2315 : i32
      %dma_start3A_2317 = arith.constant 0 : i32
      %dma_start3A_2318 = tpu.memref_slice %arg3[%add3A_2316, %dma_start3A_2317] : memref<262144x64xf32, #tpu.memory_space<any>> -> memref<1x64xf32, #tpu.memory_space<any>>
      %dma_start3A_2319 = arith.constant 0 : i32
      %dma_start3A_2320 = tpu.memref_slice %arg2[%add3A_2294, %dma_start3A_2319] : memref<30000x64xf32, #tpu.memory_space<vmem>> -> memref<1x64xf32, #tpu.memory_space<vmem>>
      tpu.enqueue_dma source(%dma_start3A_2320 : memref<1x64xf32, #tpu.memory_space<vmem>>) target(%dma_start3A_2318 : memref<1x64xf32, #tpu.memory_space<any>>) target_semaphore(%arg6 : memref<!tpu.dma_semaphore, #tpu.memory_space<semaphore_mem>>)
      %add3A_2321 = arith.constant 45 : i32
      %add3A_2322 = arith.addi %mul3A_1060, %add3A_2321 : i32
      %mul3A_2323 = arith.constant 4 : i32
      %mul3A_2324 = arith.muli %mul3A_2323, %add3A_2322 : i32
      %add3A_2325 = arith.constant 1 : i32
      %add3A_2326 = arith.addi %mul3A_2324, %add3A_2325 : i32
      %get3A_2327 = arith.index_cast %add3A_2326 : i32 to index
      %get3A_2328 = memref.load %arg1[%get3A_2327] : memref<120000xi32, #tpu.memory_space<smem>>
      %mul3A_2329 = arith.constant 4 : i32
      %mul3A_2330 = arith.muli %mul3A_2329, %add3A_2322 : i32
      %add3A_2331 = arith.constant 2 : i32
      %add3A_2332 = arith.addi %mul3A_2330, %add3A_2331 : i32
      %get3A_2333 = arith.index_cast %add3A_2332 : i32 to index
      %get3A_2334 = memref.load %arg1[%get3A_2333] : memref<120000xi32, #tpu.memory_space<smem>>
      %mul3A_2335 = arith.constant 512 : i32
      %mul3A_2336 = arith.muli %get3A_2334, %mul3A_2335 : i32
      %add3A_2337 = arith.addi %get3A_2328, %mul3A_2336 : i32
      %mul3A_2338 = arith.constant 4 : i32
      %mul3A_2339 = arith.muli %mul3A_2338, %add3A_2322 : i32
      %add3A_2340 = arith.constant 3 : i32
      %add3A_2341 = arith.addi %mul3A_2339, %add3A_2340 : i32
      %get3A_2342 = arith.index_cast %add3A_2341 : i32 to index
      %get3A_2343 = memref.load %arg1[%get3A_2342] : memref<120000xi32, #tpu.memory_space<smem>>
      %add3A_2344 = arith.addi %add3A_2337, %get3A_2343 : i32
      %dma_start3A_2345 = arith.constant 0 : i32
      %dma_start3A_2346 = tpu.memref_slice %arg3[%add3A_2344, %dma_start3A_2345] : memref<262144x64xf32, #tpu.memory_space<any>> -> memref<1x64xf32, #tpu.memory_space<any>>
      %dma_start3A_2347 = arith.constant 0 : i32
      %dma_start3A_2348 = tpu.memref_slice %arg2[%add3A_2322, %dma_start3A_2347] : memref<30000x64xf32, #tpu.memory_space<vmem>> -> memref<1x64xf32, #tpu.memory_space<vmem>>
      tpu.enqueue_dma source(%dma_start3A_2348 : memref<1x64xf32, #tpu.memory_space<vmem>>) target(%dma_start3A_2346 : memref<1x64xf32, #tpu.memory_space<any>>) target_semaphore(%arg6 : memref<!tpu.dma_semaphore, #tpu.memory_space<semaphore_mem>>)
      %add3A_2349 = arith.constant 46 : i32
      %add3A_2350 = arith.addi %mul3A_1060, %add3A_2349 : i32
      %mul3A_2351 = arith.constant 4 : i32
      %mul3A_2352 = arith.muli %mul3A_2351, %add3A_2350 : i32
      %add3A_2353 = arith.constant 1 : i32
      %add3A_2354 = arith.addi %mul3A_2352, %add3A_2353 : i32
      %get3A_2355 = arith.index_cast %add3A_2354 : i32 to index
      %get3A_2356 = memref.load %arg1[%get3A_2355] : memref<120000xi32, #tpu.memory_space<smem>>
      %mul3A_2357 = arith.constant 4 : i32
      %mul3A_2358 = arith.muli %mul3A_2357, %add3A_2350 : i32
      %add3A_2359 = arith.constant 2 : i32
      %add3A_2360 = arith.addi %mul3A_2358, %add3A_2359 : i32
      %get3A_2361 = arith.index_cast %add3A_2360 : i32 to index
      %get3A_2362 = memref.load %arg1[%get3A_2361] : memref<120000xi32, #tpu.memory_space<smem>>
      %mul3A_2363 = arith.constant 512 : i32
      %mul3A_2364 = arith.muli %get3A_2362, %mul3A_2363 : i32
      %add3A_2365 = arith.addi %get3A_2356, %mul3A_2364 : i32
      %mul3A_2366 = arith.constant 4 : i32
      %mul3A_2367 = arith.muli %mul3A_2366, %add3A_2350 : i32
      %add3A_2368 = arith.constant 3 : i32
      %add3A_2369 = arith.addi %mul3A_2367, %add3A_2368 : i32
      %get3A_2370 = arith.index_cast %add3A_2369 : i32 to index
      %get3A_2371 = memref.load %arg1[%get3A_2370] : memref<120000xi32, #tpu.memory_space<smem>>
      %add3A_2372 = arith.addi %add3A_2365, %get3A_2371 : i32
      %dma_start3A_2373 = arith.constant 0 : i32
      %dma_start3A_2374 = tpu.memref_slice %arg3[%add3A_2372, %dma_start3A_2373] : memref<262144x64xf32, #tpu.memory_space<any>> -> memref<1x64xf32, #tpu.memory_space<any>>
      %dma_start3A_2375 = arith.constant 0 : i32
      %dma_start3A_2376 = tpu.memref_slice %arg2[%add3A_2350, %dma_start3A_2375] : memref<30000x64xf32, #tpu.memory_space<vmem>> -> memref<1x64xf32, #tpu.memory_space<vmem>>
      tpu.enqueue_dma source(%dma_start3A_2376 : memref<1x64xf32, #tpu.memory_space<vmem>>) target(%dma_start3A_2374 : memref<1x64xf32, #tpu.memory_space<any>>) target_semaphore(%arg6 : memref<!tpu.dma_semaphore, #tpu.memory_space<semaphore_mem>>)
      %add3A_2377 = arith.constant 47 : i32
      %add3A_2378 = arith.addi %mul3A_1060, %add3A_2377 : i32
      %mul3A_2379 = arith.constant 4 : i32
      %mul3A_2380 = arith.muli %mul3A_2379, %add3A_2378 : i32
      %add3A_2381 = arith.constant 1 : i32
      %add3A_2382 = arith.addi %mul3A_2380, %add3A_2381 : i32
      %get3A_2383 = arith.index_cast %add3A_2382 : i32 to index
      %get3A_2384 = memref.load %arg1[%get3A_2383] : memref<120000xi32, #tpu.memory_space<smem>>
      %mul3A_2385 = arith.constant 4 : i32
      %mul3A_2386 = arith.muli %mul3A_2385, %add3A_2378 : i32
      %add3A_2387 = arith.constant 2 : i32
      %add3A_2388 = arith.addi %mul3A_2386, %add3A_2387 : i32
      %get3A_2389 = arith.index_cast %add3A_2388 : i32 to index
      %get3A_2390 = memref.load %arg1[%get3A_2389] : memref<120000xi32, #tpu.memory_space<smem>>
      %mul3A_2391 = arith.constant 512 : i32
      %mul3A_2392 = arith.muli %get3A_2390, %mul3A_2391 : i32
      %add3A_2393 = arith.addi %get3A_2384, %mul3A_2392 : i32
      %mul3A_2394 = arith.constant 4 : i32
      %mul3A_2395 = arith.muli %mul3A_2394, %add3A_2378 : i32
      %add3A_2396 = arith.constant 3 : i32
      %add3A_2397 = arith.addi %mul3A_2395, %add3A_2396 : i32
      %get3A_2398 = arith.index_cast %add3A_2397 : i32 to index
      %get3A_2399 = memref.load %arg1[%get3A_2398] : memref<120000xi32, #tpu.memory_space<smem>>
      %add3A_2400 = arith.addi %add3A_2393, %get3A_2399 : i32
      %dma_start3A_2401 = arith.constant 0 : i32
      %dma_start3A_2402 = tpu.memref_slice %arg3[%add3A_2400, %dma_start3A_2401] : memref<262144x64xf32, #tpu.memory_space<any>> -> memref<1x64xf32, #tpu.memory_space<any>>
      %dma_start3A_2403 = arith.constant 0 : i32
      %dma_start3A_2404 = tpu.memref_slice %arg2[%add3A_2378, %dma_start3A_2403] : memref<30000x64xf32, #tpu.memory_space<vmem>> -> memref<1x64xf32, #tpu.memory_space<vmem>>
      tpu.enqueue_dma source(%dma_start3A_2404 : memref<1x64xf32, #tpu.memory_space<vmem>>) target(%dma_start3A_2402 : memref<1x64xf32, #tpu.memory_space<any>>) target_semaphore(%arg6 : memref<!tpu.dma_semaphore, #tpu.memory_space<semaphore_mem>>)
      %add3A_2405 = arith.constant 48 : i32
      %add3A_2406 = arith.addi %mul3A_1060, %add3A_2405 : i32
      %mul3A_2407 = arith.constant 4 : i32
      %mul3A_2408 = arith.muli %mul3A_2407, %add3A_2406 : i32
      %add3A_2409 = arith.constant 1 : i32
      %add3A_2410 = arith.addi %mul3A_2408, %add3A_2409 : i32
      %get3A_2411 = arith.index_cast %add3A_2410 : i32 to index
      %get3A_2412 = memref.load %arg1[%get3A_2411] : memref<120000xi32, #tpu.memory_space<smem>>
      %mul3A_2413 = arith.constant 4 : i32
      %mul3A_2414 = arith.muli %mul3A_2413, %add3A_2406 : i32
      %add3A_2415 = arith.constant 2 : i32
      %add3A_2416 = arith.addi %mul3A_2414, %add3A_2415 : i32
      %get3A_2417 = arith.index_cast %add3A_2416 : i32 to index
      %get3A_2418 = memref.load %arg1[%get3A_2417] : memref<120000xi32, #tpu.memory_space<smem>>
      %mul3A_2419 = arith.constant 512 : i32
      %mul3A_2420 = arith.muli %get3A_2418, %mul3A_2419 : i32
      %add3A_2421 = arith.addi %get3A_2412, %mul3A_2420 : i32
      %mul3A_2422 = arith.constant 4 : i32
      %mul3A_2423 = arith.muli %mul3A_2422, %add3A_2406 : i32
      %add3A_2424 = arith.constant 3 : i32
      %add3A_2425 = arith.addi %mul3A_2423, %add3A_2424 : i32
      %get3A_2426 = arith.index_cast %add3A_2425 : i32 to index
      %get3A_2427 = memref.load %arg1[%get3A_2426] : memref<120000xi32, #tpu.memory_space<smem>>
      %add3A_2428 = arith.addi %add3A_2421, %get3A_2427 : i32
      %dma_start3A_2429 = arith.constant 0 : i32
      %dma_start3A_2430 = tpu.memref_slice %arg3[%add3A_2428, %dma_start3A_2429] : memref<262144x64xf32, #tpu.memory_space<any>> -> memref<1x64xf32, #tpu.memory_space<any>>
      %dma_start3A_2431 = arith.constant 0 : i32
      %dma_start3A_2432 = tpu.memref_slice %arg2[%add3A_2406, %dma_start3A_2431] : memref<30000x64xf32, #tpu.memory_space<vmem>> -> memref<1x64xf32, #tpu.memory_space<vmem>>
      tpu.enqueue_dma source(%dma_start3A_2432 : memref<1x64xf32, #tpu.memory_space<vmem>>) target(%dma_start3A_2430 : memref<1x64xf32, #tpu.memory_space<any>>) target_semaphore(%arg6 : memref<!tpu.dma_semaphore, #tpu.memory_space<semaphore_mem>>)
      %add3A_2433 = arith.constant 49 : i32
      %add3A_2434 = arith.addi %mul3A_1060, %add3A_2433 : i32
      %mul3A_2435 = arith.constant 4 : i32
      %mul3A_2436 = arith.muli %mul3A_2435, %add3A_2434 : i32
      %add3A_2437 = arith.constant 1 : i32
      %add3A_2438 = arith.addi %mul3A_2436, %add3A_2437 : i32
      %get3A_2439 = arith.index_cast %add3A_2438 : i32 to index
      %get3A_2440 = memref.load %arg1[%get3A_2439] : memref<120000xi32, #tpu.memory_space<smem>>
      %mul3A_2441 = arith.constant 4 : i32
      %mul3A_2442 = arith.muli %mul3A_2441, %add3A_2434 : i32
      %add3A_2443 = arith.constant 2 : i32
      %add3A_2444 = arith.addi %mul3A_2442, %add3A_2443 : i32
      %get3A_2445 = arith.index_cast %add3A_2444 : i32 to index
      %get3A_2446 = memref.load %arg1[%get3A_2445] : memref<120000xi32, #tpu.memory_space<smem>>
      %mul3A_2447 = arith.constant 512 : i32
      %mul3A_2448 = arith.muli %get3A_2446, %mul3A_2447 : i32
      %add3A_2449 = arith.addi %get3A_2440, %mul3A_2448 : i32
      %mul3A_2450 = arith.constant 4 : i32
      %mul3A_2451 = arith.muli %mul3A_2450, %add3A_2434 : i32
      %add3A_2452 = arith.constant 3 : i32
      %add3A_2453 = arith.addi %mul3A_2451, %add3A_2452 : i32
      %get3A_2454 = arith.index_cast %add3A_2453 : i32 to index
      %get3A_2455 = memref.load %arg1[%get3A_2454] : memref<120000xi32, #tpu.memory_space<smem>>
      %add3A_2456 = arith.addi %add3A_2449, %get3A_2455 : i32
      %dma_start3A_2457 = arith.constant 0 : i32
      %dma_start3A_2458 = tpu.memref_slice %arg3[%add3A_2456, %dma_start3A_2457] : memref<262144x64xf32, #tpu.memory_space<any>> -> memref<1x64xf32, #tpu.memory_space<any>>
      %dma_start3A_2459 = arith.constant 0 : i32
      %dma_start3A_2460 = tpu.memref_slice %arg2[%add3A_2434, %dma_start3A_2459] : memref<30000x64xf32, #tpu.memory_space<vmem>> -> memref<1x64xf32, #tpu.memory_space<vmem>>
      tpu.enqueue_dma source(%dma_start3A_2460 : memref<1x64xf32, #tpu.memory_space<vmem>>) target(%dma_start3A_2458 : memref<1x64xf32, #tpu.memory_space<any>>) target_semaphore(%arg6 : memref<!tpu.dma_semaphore, #tpu.memory_space<semaphore_mem>>)
      %add3A_2461 = arith.constant 50 : i32
      %add3A_2462 = arith.addi %mul3A_1060, %add3A_2461 : i32
      %mul3A_2463 = arith.constant 4 : i32
      %mul3A_2464 = arith.muli %mul3A_2463, %add3A_2462 : i32
      %add3A_2465 = arith.constant 1 : i32
      %add3A_2466 = arith.addi %mul3A_2464, %add3A_2465 : i32
      %get3A_2467 = arith.index_cast %add3A_2466 : i32 to index
      %get3A_2468 = memref.load %arg1[%get3A_2467] : memref<120000xi32, #tpu.memory_space<smem>>
      %mul3A_2469 = arith.constant 4 : i32
      %mul3A_2470 = arith.muli %mul3A_2469, %add3A_2462 : i32
      %add3A_2471 = arith.constant 2 : i32
      %add3A_2472 = arith.addi %mul3A_2470, %add3A_2471 : i32
      %get3A_2473 = arith.index_cast %add3A_2472 : i32 to index
      %get3A_2474 = memref.load %arg1[%get3A_2473] : memref<120000xi32, #tpu.memory_space<smem>>
      %mul3A_2475 = arith.constant 512 : i32
      %mul3A_2476 = arith.muli %get3A_2474, %mul3A_2475 : i32
      %add3A_2477 = arith.addi %get3A_2468, %mul3A_2476 : i32
      %mul3A_2478 = arith.constant 4 : i32
      %mul3A_2479 = arith.muli %mul3A_2478, %add3A_2462 : i32
      %add3A_2480 = arith.constant 3 : i32
      %add3A_2481 = arith.addi %mul3A_2479, %add3A_2480 : i32
      %get3A_2482 = arith.index_cast %add3A_2481 : i32 to index
      %get3A_2483 = memref.load %arg1[%get3A_2482] : memref<120000xi32, #tpu.memory_space<smem>>
      %add3A_2484 = arith.addi %add3A_2477, %get3A_2483 : i32
      %dma_start3A_2485 = arith.constant 0 : i32
      %dma_start3A_2486 = tpu.memref_slice %arg3[%add3A_2484, %dma_start3A_2485] : memref<262144x64xf32, #tpu.memory_space<any>> -> memref<1x64xf32, #tpu.memory_space<any>>
      %dma_start3A_2487 = arith.constant 0 : i32
      %dma_start3A_2488 = tpu.memref_slice %arg2[%add3A_2462, %dma_start3A_2487] : memref<30000x64xf32, #tpu.memory_space<vmem>> -> memref<1x64xf32, #tpu.memory_space<vmem>>
      tpu.enqueue_dma source(%dma_start3A_2488 : memref<1x64xf32, #tpu.memory_space<vmem>>) target(%dma_start3A_2486 : memref<1x64xf32, #tpu.memory_space<any>>) target_semaphore(%arg6 : memref<!tpu.dma_semaphore, #tpu.memory_space<semaphore_mem>>)
      %add3A_2489 = arith.constant 51 : i32
      %add3A_2490 = arith.addi %mul3A_1060, %add3A_2489 : i32
      %mul3A_2491 = arith.constant 4 : i32
      %mul3A_2492 = arith.muli %mul3A_2491, %add3A_2490 : i32
      %add3A_2493 = arith.constant 1 : i32
      %add3A_2494 = arith.addi %mul3A_2492, %add3A_2493 : i32
      %get3A_2495 = arith.index_cast %add3A_2494 : i32 to index
      %get3A_2496 = memref.load %arg1[%get3A_2495] : memref<120000xi32, #tpu.memory_space<smem>>
      %mul3A_2497 = arith.constant 4 : i32
      %mul3A_2498 = arith.muli %mul3A_2497, %add3A_2490 : i32
      %add3A_2499 = arith.constant 2 : i32
      %add3A_2500 = arith.addi %mul3A_2498, %add3A_2499 : i32
      %get3A_2501 = arith.index_cast %add3A_2500 : i32 to index
      %get3A_2502 = memref.load %arg1[%get3A_2501] : memref<120000xi32, #tpu.memory_space<smem>>
      %mul3A_2503 = arith.constant 512 : i32
      %mul3A_2504 = arith.muli %get3A_2502, %mul3A_2503 : i32
      %add3A_2505 = arith.addi %get3A_2496, %mul3A_2504 : i32
      %mul3A_2506 = arith.constant 4 : i32
      %mul3A_2507 = arith.muli %mul3A_2506, %add3A_2490 : i32
      %add3A_2508 = arith.constant 3 : i32
      %add3A_2509 = arith.addi %mul3A_2507, %add3A_2508 : i32
      %get3A_2510 = arith.index_cast %add3A_2509 : i32 to index
      %get3A_2511 = memref.load %arg1[%get3A_2510] : memref<120000xi32, #tpu.memory_space<smem>>
      %add3A_2512 = arith.addi %add3A_2505, %get3A_2511 : i32
      %dma_start3A_2513 = arith.constant 0 : i32
      %dma_start3A_2514 = tpu.memref_slice %arg3[%add3A_2512, %dma_start3A_2513] : memref<262144x64xf32, #tpu.memory_space<any>> -> memref<1x64xf32, #tpu.memory_space<any>>
      %dma_start3A_2515 = arith.constant 0 : i32
      %dma_start3A_2516 = tpu.memref_slice %arg2[%add3A_2490, %dma_start3A_2515] : memref<30000x64xf32, #tpu.memory_space<vmem>> -> memref<1x64xf32, #tpu.memory_space<vmem>>
      tpu.enqueue_dma source(%dma_start3A_2516 : memref<1x64xf32, #tpu.memory_space<vmem>>) target(%dma_start3A_2514 : memref<1x64xf32, #tpu.memory_space<any>>) target_semaphore(%arg6 : memref<!tpu.dma_semaphore, #tpu.memory_space<semaphore_mem>>)
      %add3A_2517 = arith.constant 52 : i32
      %add3A_2518 = arith.addi %mul3A_1060, %add3A_2517 : i32
      %mul3A_2519 = arith.constant 4 : i32
      %mul3A_2520 = arith.muli %mul3A_2519, %add3A_2518 : i32
      %add3A_2521 = arith.constant 1 : i32
      %add3A_2522 = arith.addi %mul3A_2520, %add3A_2521 : i32
      %get3A_2523 = arith.index_cast %add3A_2522 : i32 to index
      %get3A_2524 = memref.load %arg1[%get3A_2523] : memref<120000xi32, #tpu.memory_space<smem>>
      %mul3A_2525 = arith.constant 4 : i32
      %mul3A_2526 = arith.muli %mul3A_2525, %add3A_2518 : i32
      %add3A_2527 = arith.constant 2 : i32
      %add3A_2528 = arith.addi %mul3A_2526, %add3A_2527 : i32
      %get3A_2529 = arith.index_cast %add3A_2528 : i32 to index
      %get3A_2530 = memref.load %arg1[%get3A_2529] : memref<120000xi32, #tpu.memory_space<smem>>
      %mul3A_2531 = arith.constant 512 : i32
      %mul3A_2532 = arith.muli %get3A_2530, %mul3A_2531 : i32
      %add3A_2533 = arith.addi %get3A_2524, %mul3A_2532 : i32
      %mul3A_2534 = arith.constant 4 : i32
      %mul3A_2535 = arith.muli %mul3A_2534, %add3A_2518 : i32
      %add3A_2536 = arith.constant 3 : i32
      %add3A_2537 = arith.addi %mul3A_2535, %add3A_2536 : i32
      %get3A_2538 = arith.index_cast %add3A_2537 : i32 to index
      %get3A_2539 = memref.load %arg1[%get3A_2538] : memref<120000xi32, #tpu.memory_space<smem>>
      %add3A_2540 = arith.addi %add3A_2533, %get3A_2539 : i32
      %dma_start3A_2541 = arith.constant 0 : i32
      %dma_start3A_2542 = tpu.memref_slice %arg3[%add3A_2540, %dma_start3A_2541] : memref<262144x64xf32, #tpu.memory_space<any>> -> memref<1x64xf32, #tpu.memory_space<any>>
      %dma_start3A_2543 = arith.constant 0 : i32
      %dma_start3A_2544 = tpu.memref_slice %arg2[%add3A_2518, %dma_start3A_2543] : memref<30000x64xf32, #tpu.memory_space<vmem>> -> memref<1x64xf32, #tpu.memory_space<vmem>>
      tpu.enqueue_dma source(%dma_start3A_2544 : memref<1x64xf32, #tpu.memory_space<vmem>>) target(%dma_start3A_2542 : memref<1x64xf32, #tpu.memory_space<any>>) target_semaphore(%arg6 : memref<!tpu.dma_semaphore, #tpu.memory_space<semaphore_mem>>)
      %add3A_2545 = arith.constant 53 : i32
      %add3A_2546 = arith.addi %mul3A_1060, %add3A_2545 : i32
      %mul3A_2547 = arith.constant 4 : i32
      %mul3A_2548 = arith.muli %mul3A_2547, %add3A_2546 : i32
      %add3A_2549 = arith.constant 1 : i32
      %add3A_2550 = arith.addi %mul3A_2548, %add3A_2549 : i32
      %get3A_2551 = arith.index_cast %add3A_2550 : i32 to index
      %get3A_2552 = memref.load %arg1[%get3A_2551] : memref<120000xi32, #tpu.memory_space<smem>>
      %mul3A_2553 = arith.constant 4 : i32
      %mul3A_2554 = arith.muli %mul3A_2553, %add3A_2546 : i32
      %add3A_2555 = arith.constant 2 : i32
      %add3A_2556 = arith.addi %mul3A_2554, %add3A_2555 : i32
      %get3A_2557 = arith.index_cast %add3A_2556 : i32 to index
      %get3A_2558 = memref.load %arg1[%get3A_2557] : memref<120000xi32, #tpu.memory_space<smem>>
      %mul3A_2559 = arith.constant 512 : i32
      %mul3A_2560 = arith.muli %get3A_2558, %mul3A_2559 : i32
      %add3A_2561 = arith.addi %get3A_2552, %mul3A_2560 : i32
      %mul3A_2562 = arith.constant 4 : i32
      %mul3A_2563 = arith.muli %mul3A_2562, %add3A_2546 : i32
      %add3A_2564 = arith.constant 3 : i32
      %add3A_2565 = arith.addi %mul3A_2563, %add3A_2564 : i32
      %get3A_2566 = arith.index_cast %add3A_2565 : i32 to index
      %get3A_2567 = memref.load %arg1[%get3A_2566] : memref<120000xi32, #tpu.memory_space<smem>>
      %add3A_2568 = arith.addi %add3A_2561, %get3A_2567 : i32
      %dma_start3A_2569 = arith.constant 0 : i32
      %dma_start3A_2570 = tpu.memref_slice %arg3[%add3A_2568, %dma_start3A_2569] : memref<262144x64xf32, #tpu.memory_space<any>> -> memref<1x64xf32, #tpu.memory_space<any>>
      %dma_start3A_2571 = arith.constant 0 : i32
      %dma_start3A_2572 = tpu.memref_slice %arg2[%add3A_2546, %dma_start3A_2571] : memref<30000x64xf32, #tpu.memory_space<vmem>> -> memref<1x64xf32, #tpu.memory_space<vmem>>
      tpu.enqueue_dma source(%dma_start3A_2572 : memref<1x64xf32, #tpu.memory_space<vmem>>) target(%dma_start3A_2570 : memref<1x64xf32, #tpu.memory_space<any>>) target_semaphore(%arg6 : memref<!tpu.dma_semaphore, #tpu.memory_space<semaphore_mem>>)
      %add3A_2573 = arith.constant 54 : i32
      %add3A_2574 = arith.addi %mul3A_1060, %add3A_2573 : i32
      %mul3A_2575 = arith.constant 4 : i32
      %mul3A_2576 = arith.muli %mul3A_2575, %add3A_2574 : i32
      %add3A_2577 = arith.constant 1 : i32
      %add3A_2578 = arith.addi %mul3A_2576, %add3A_2577 : i32
      %get3A_2579 = arith.index_cast %add3A_2578 : i32 to index
      %get3A_2580 = memref.load %arg1[%get3A_2579] : memref<120000xi32, #tpu.memory_space<smem>>
      %mul3A_2581 = arith.constant 4 : i32
      %mul3A_2582 = arith.muli %mul3A_2581, %add3A_2574 : i32
      %add3A_2583 = arith.constant 2 : i32
      %add3A_2584 = arith.addi %mul3A_2582, %add3A_2583 : i32
      %get3A_2585 = arith.index_cast %add3A_2584 : i32 to index
      %get3A_2586 = memref.load %arg1[%get3A_2585] : memref<120000xi32, #tpu.memory_space<smem>>
      %mul3A_2587 = arith.constant 512 : i32
      %mul3A_2588 = arith.muli %get3A_2586, %mul3A_2587 : i32
      %add3A_2589 = arith.addi %get3A_2580, %mul3A_2588 : i32
      %mul3A_2590 = arith.constant 4 : i32
      %mul3A_2591 = arith.muli %mul3A_2590, %add3A_2574 : i32
      %add3A_2592 = arith.constant 3 : i32
      %add3A_2593 = arith.addi %mul3A_2591, %add3A_2592 : i32
      %get3A_2594 = arith.index_cast %add3A_2593 : i32 to index
      %get3A_2595 = memref.load %arg1[%get3A_2594] : memref<120000xi32, #tpu.memory_space<smem>>
      %add3A_2596 = arith.addi %add3A_2589, %get3A_2595 : i32
      %dma_start3A_2597 = arith.constant 0 : i32
      %dma_start3A_2598 = tpu.memref_slice %arg3[%add3A_2596, %dma_start3A_2597] : memref<262144x64xf32, #tpu.memory_space<any>> -> memref<1x64xf32, #tpu.memory_space<any>>
      %dma_start3A_2599 = arith.constant 0 : i32
      %dma_start3A_2600 = tpu.memref_slice %arg2[%add3A_2574, %dma_start3A_2599] : memref<30000x64xf32, #tpu.memory_space<vmem>> -> memref<1x64xf32, #tpu.memory_space<vmem>>
      tpu.enqueue_dma source(%dma_start3A_2600 : memref<1x64xf32, #tpu.memory_space<vmem>>) target(%dma_start3A_2598 : memref<1x64xf32, #tpu.memory_space<any>>) target_semaphore(%arg6 : memref<!tpu.dma_semaphore, #tpu.memory_space<semaphore_mem>>)
      %add3A_2601 = arith.constant 55 : i32
      %add3A_2602 = arith.addi %mul3A_1060, %add3A_2601 : i32
      %mul3A_2603 = arith.constant 4 : i32
      %mul3A_2604 = arith.muli %mul3A_2603, %add3A_2602 : i32
      %add3A_2605 = arith.constant 1 : i32
      %add3A_2606 = arith.addi %mul3A_2604, %add3A_2605 : i32
      %get3A_2607 = arith.index_cast %add3A_2606 : i32 to index
      %get3A_2608 = memref.load %arg1[%get3A_2607] : memref<120000xi32, #tpu.memory_space<smem>>
      %mul3A_2609 = arith.constant 4 : i32
      %mul3A_2610 = arith.muli %mul3A_2609, %add3A_2602 : i32
      %add3A_2611 = arith.constant 2 : i32
      %add3A_2612 = arith.addi %mul3A_2610, %add3A_2611 : i32
      %get3A_2613 = arith.index_cast %add3A_2612 : i32 to index
      %get3A_2614 = memref.load %arg1[%get3A_2613] : memref<120000xi32, #tpu.memory_space<smem>>
      %mul3A_2615 = arith.constant 512 : i32
      %mul3A_2616 = arith.muli %get3A_2614, %mul3A_2615 : i32
      %add3A_2617 = arith.addi %get3A_2608, %mul3A_2616 : i32
      %mul3A_2618 = arith.constant 4 : i32
      %mul3A_2619 = arith.muli %mul3A_2618, %add3A_2602 : i32
      %add3A_2620 = arith.constant 3 : i32
      %add3A_2621 = arith.addi %mul3A_2619, %add3A_2620 : i32
      %get3A_2622 = arith.index_cast %add3A_2621 : i32 to index
      %get3A_2623 = memref.load %arg1[%get3A_2622] : memref<120000xi32, #tpu.memory_space<smem>>
      %add3A_2624 = arith.addi %add3A_2617, %get3A_2623 : i32
      %dma_start3A_2625 = arith.constant 0 : i32
      %dma_start3A_2626 = tpu.memref_slice %arg3[%add3A_2624, %dma_start3A_2625] : memref<262144x64xf32, #tpu.memory_space<any>> -> memref<1x64xf32, #tpu.memory_space<any>>
      %dma_start3A_2627 = arith.constant 0 : i32
      %dma_start3A_2628 = tpu.memref_slice %arg2[%add3A_2602, %dma_start3A_2627] : memref<30000x64xf32, #tpu.memory_space<vmem>> -> memref<1x64xf32, #tpu.memory_space<vmem>>
      tpu.enqueue_dma source(%dma_start3A_2628 : memref<1x64xf32, #tpu.memory_space<vmem>>) target(%dma_start3A_2626 : memref<1x64xf32, #tpu.memory_space<any>>) target_semaphore(%arg6 : memref<!tpu.dma_semaphore, #tpu.memory_space<semaphore_mem>>)
      %add3A_2629 = arith.constant 56 : i32
      %add3A_2630 = arith.addi %mul3A_1060, %add3A_2629 : i32
      %mul3A_2631 = arith.constant 4 : i32
      %mul3A_2632 = arith.muli %mul3A_2631, %add3A_2630 : i32
      %add3A_2633 = arith.constant 1 : i32
      %add3A_2634 = arith.addi %mul3A_2632, %add3A_2633 : i32
      %get3A_2635 = arith.index_cast %add3A_2634 : i32 to index
      %get3A_2636 = memref.load %arg1[%get3A_2635] : memref<120000xi32, #tpu.memory_space<smem>>
      %mul3A_2637 = arith.constant 4 : i32
      %mul3A_2638 = arith.muli %mul3A_2637, %add3A_2630 : i32
      %add3A_2639 = arith.constant 2 : i32
      %add3A_2640 = arith.addi %mul3A_2638, %add3A_2639 : i32
      %get3A_2641 = arith.index_cast %add3A_2640 : i32 to index
      %get3A_2642 = memref.load %arg1[%get3A_2641] : memref<120000xi32, #tpu.memory_space<smem>>
      %mul3A_2643 = arith.constant 512 : i32
      %mul3A_2644 = arith.muli %get3A_2642, %mul3A_2643 : i32
      %add3A_2645 = arith.addi %get3A_2636, %mul3A_2644 : i32
      %mul3A_2646 = arith.constant 4 : i32
      %mul3A_2647 = arith.muli %mul3A_2646, %add3A_2630 : i32
      %add3A_2648 = arith.constant 3 : i32
      %add3A_2649 = arith.addi %mul3A_2647, %add3A_2648 : i32
      %get3A_2650 = arith.index_cast %add3A_2649 : i32 to index
      %get3A_2651 = memref.load %arg1[%get3A_2650] : memref<120000xi32, #tpu.memory_space<smem>>
      %add3A_2652 = arith.addi %add3A_2645, %get3A_2651 : i32
      %dma_start3A_2653 = arith.constant 0 : i32
      %dma_start3A_2654 = tpu.memref_slice %arg3[%add3A_2652, %dma_start3A_2653] : memref<262144x64xf32, #tpu.memory_space<any>> -> memref<1x64xf32, #tpu.memory_space<any>>
      %dma_start3A_2655 = arith.constant 0 : i32
      %dma_start3A_2656 = tpu.memref_slice %arg2[%add3A_2630, %dma_start3A_2655] : memref<30000x64xf32, #tpu.memory_space<vmem>> -> memref<1x64xf32, #tpu.memory_space<vmem>>
      tpu.enqueue_dma source(%dma_start3A_2656 : memref<1x64xf32, #tpu.memory_space<vmem>>) target(%dma_start3A_2654 : memref<1x64xf32, #tpu.memory_space<any>>) target_semaphore(%arg6 : memref<!tpu.dma_semaphore, #tpu.memory_space<semaphore_mem>>)
      %add3A_2657 = arith.constant 57 : i32
      %add3A_2658 = arith.addi %mul3A_1060, %add3A_2657 : i32
      %mul3A_2659 = arith.constant 4 : i32
      %mul3A_2660 = arith.muli %mul3A_2659, %add3A_2658 : i32
      %add3A_2661 = arith.constant 1 : i32
      %add3A_2662 = arith.addi %mul3A_2660, %add3A_2661 : i32
      %get3A_2663 = arith.index_cast %add3A_2662 : i32 to index
      %get3A_2664 = memref.load %arg1[%get3A_2663] : memref<120000xi32, #tpu.memory_space<smem>>
      %mul3A_2665 = arith.constant 4 : i32
      %mul3A_2666 = arith.muli %mul3A_2665, %add3A_2658 : i32
      %add3A_2667 = arith.constant 2 : i32
      %add3A_2668 = arith.addi %mul3A_2666, %add3A_2667 : i32
      %get3A_2669 = arith.index_cast %add3A_2668 : i32 to index
      %get3A_2670 = memref.load %arg1[%get3A_2669] : memref<120000xi32, #tpu.memory_space<smem>>
      %mul3A_2671 = arith.constant 512 : i32
      %mul3A_2672 = arith.muli %get3A_2670, %mul3A_2671 : i32
      %add3A_2673 = arith.addi %get3A_2664, %mul3A_2672 : i32
      %mul3A_2674 = arith.constant 4 : i32
      %mul3A_2675 = arith.muli %mul3A_2674, %add3A_2658 : i32
      %add3A_2676 = arith.constant 3 : i32
      %add3A_2677 = arith.addi %mul3A_2675, %add3A_2676 : i32
      %get3A_2678 = arith.index_cast %add3A_2677 : i32 to index
      %get3A_2679 = memref.load %arg1[%get3A_2678] : memref<120000xi32, #tpu.memory_space<smem>>
      %add3A_2680 = arith.addi %add3A_2673, %get3A_2679 : i32
      %dma_start3A_2681 = arith.constant 0 : i32
      %dma_start3A_2682 = tpu.memref_slice %arg3[%add3A_2680, %dma_start3A_2681] : memref<262144x64xf32, #tpu.memory_space<any>> -> memref<1x64xf32, #tpu.memory_space<any>>
      %dma_start3A_2683 = arith.constant 0 : i32
      %dma_start3A_2684 = tpu.memref_slice %arg2[%add3A_2658, %dma_start3A_2683] : memref<30000x64xf32, #tpu.memory_space<vmem>> -> memref<1x64xf32, #tpu.memory_space<vmem>>
      tpu.enqueue_dma source(%dma_start3A_2684 : memref<1x64xf32, #tpu.memory_space<vmem>>) target(%dma_start3A_2682 : memref<1x64xf32, #tpu.memory_space<any>>) target_semaphore(%arg6 : memref<!tpu.dma_semaphore, #tpu.memory_space<semaphore_mem>>)
      %add3A_2685 = arith.constant 58 : i32
      %add3A_2686 = arith.addi %mul3A_1060, %add3A_2685 : i32
      %mul3A_2687 = arith.constant 4 : i32
      %mul3A_2688 = arith.muli %mul3A_2687, %add3A_2686 : i32
      %add3A_2689 = arith.constant 1 : i32
      %add3A_2690 = arith.addi %mul3A_2688, %add3A_2689 : i32
      %get3A_2691 = arith.index_cast %add3A_2690 : i32 to index
      %get3A_2692 = memref.load %arg1[%get3A_2691] : memref<120000xi32, #tpu.memory_space<smem>>
      %mul3A_2693 = arith.constant 4 : i32
      %mul3A_2694 = arith.muli %mul3A_2693, %add3A_2686 : i32
      %add3A_2695 = arith.constant 2 : i32
      %add3A_2696 = arith.addi %mul3A_2694, %add3A_2695 : i32
      %get3A_2697 = arith.index_cast %add3A_2696 : i32 to index
      %get3A_2698 = memref.load %arg1[%get3A_2697] : memref<120000xi32, #tpu.memory_space<smem>>
      %mul3A_2699 = arith.constant 512 : i32
      %mul3A_2700 = arith.muli %get3A_2698, %mul3A_2699 : i32
      %add3A_2701 = arith.addi %get3A_2692, %mul3A_2700 : i32
      %mul3A_2702 = arith.constant 4 : i32
      %mul3A_2703 = arith.muli %mul3A_2702, %add3A_2686 : i32
      %add3A_2704 = arith.constant 3 : i32
      %add3A_2705 = arith.addi %mul3A_2703, %add3A_2704 : i32
      %get3A_2706 = arith.index_cast %add3A_2705 : i32 to index
      %get3A_2707 = memref.load %arg1[%get3A_2706] : memref<120000xi32, #tpu.memory_space<smem>>
      %add3A_2708 = arith.addi %add3A_2701, %get3A_2707 : i32
      %dma_start3A_2709 = arith.constant 0 : i32
      %dma_start3A_2710 = tpu.memref_slice %arg3[%add3A_2708, %dma_start3A_2709] : memref<262144x64xf32, #tpu.memory_space<any>> -> memref<1x64xf32, #tpu.memory_space<any>>
      %dma_start3A_2711 = arith.constant 0 : i32
      %dma_start3A_2712 = tpu.memref_slice %arg2[%add3A_2686, %dma_start3A_2711] : memref<30000x64xf32, #tpu.memory_space<vmem>> -> memref<1x64xf32, #tpu.memory_space<vmem>>
      tpu.enqueue_dma source(%dma_start3A_2712 : memref<1x64xf32, #tpu.memory_space<vmem>>) target(%dma_start3A_2710 : memref<1x64xf32, #tpu.memory_space<any>>) target_semaphore(%arg6 : memref<!tpu.dma_semaphore, #tpu.memory_space<semaphore_mem>>)
      %add3A_2713 = arith.constant 59 : i32
      %add3A_2714 = arith.addi %mul3A_1060, %add3A_2713 : i32
      %mul3A_2715 = arith.constant 4 : i32
      %mul3A_2716 = arith.muli %mul3A_2715, %add3A_2714 : i32
      %add3A_2717 = arith.constant 1 : i32
      %add3A_2718 = arith.addi %mul3A_2716, %add3A_2717 : i32
      %get3A_2719 = arith.index_cast %add3A_2718 : i32 to index
      %get3A_2720 = memref.load %arg1[%get3A_2719] : memref<120000xi32, #tpu.memory_space<smem>>
      %mul3A_2721 = arith.constant 4 : i32
      %mul3A_2722 = arith.muli %mul3A_2721, %add3A_2714 : i32
      %add3A_2723 = arith.constant 2 : i32
      %add3A_2724 = arith.addi %mul3A_2722, %add3A_2723 : i32
      %get3A_2725 = arith.index_cast %add3A_2724 : i32 to index
      %get3A_2726 = memref.load %arg1[%get3A_2725] : memref<120000xi32, #tpu.memory_space<smem>>
      %mul3A_2727 = arith.constant 512 : i32
      %mul3A_2728 = arith.muli %get3A_2726, %mul3A_2727 : i32
      %add3A_2729 = arith.addi %get3A_2720, %mul3A_2728 : i32
      %mul3A_2730 = arith.constant 4 : i32
      %mul3A_2731 = arith.muli %mul3A_2730, %add3A_2714 : i32
      %add3A_2732 = arith.constant 3 : i32
      %add3A_2733 = arith.addi %mul3A_2731, %add3A_2732 : i32
      %get3A_2734 = arith.index_cast %add3A_2733 : i32 to index
      %get3A_2735 = memref.load %arg1[%get3A_2734] : memref<120000xi32, #tpu.memory_space<smem>>
      %add3A_2736 = arith.addi %add3A_2729, %get3A_2735 : i32
      %dma_start3A_2737 = arith.constant 0 : i32
      %dma_start3A_2738 = tpu.memref_slice %arg3[%add3A_2736, %dma_start3A_2737] : memref<262144x64xf32, #tpu.memory_space<any>> -> memref<1x64xf32, #tpu.memory_space<any>>
      %dma_start3A_2739 = arith.constant 0 : i32
      %dma_start3A_2740 = tpu.memref_slice %arg2[%add3A_2714, %dma_start3A_2739] : memref<30000x64xf32, #tpu.memory_space<vmem>> -> memref<1x64xf32, #tpu.memory_space<vmem>>
      tpu.enqueue_dma source(%dma_start3A_2740 : memref<1x64xf32, #tpu.memory_space<vmem>>) target(%dma_start3A_2738 : memref<1x64xf32, #tpu.memory_space<any>>) target_semaphore(%arg6 : memref<!tpu.dma_semaphore, #tpu.memory_space<semaphore_mem>>)
      %add3A_2741 = arith.constant 60 : i32
      %add3A_2742 = arith.addi %mul3A_1060, %add3A_2741 : i32
      %mul3A_2743 = arith.constant 4 : i32
      %mul3A_2744 = arith.muli %mul3A_2743, %add3A_2742 : i32
      %add3A_2745 = arith.constant 1 : i32
      %add3A_2746 = arith.addi %mul3A_2744, %add3A_2745 : i32
      %get3A_2747 = arith.index_cast %add3A_2746 : i32 to index
      %get3A_2748 = memref.load %arg1[%get3A_2747] : memref<120000xi32, #tpu.memory_space<smem>>
      %mul3A_2749 = arith.constant 4 : i32
      %mul3A_2750 = arith.muli %mul3A_2749, %add3A_2742 : i32
      %add3A_2751 = arith.constant 2 : i32
      %add3A_2752 = arith.addi %mul3A_2750, %add3A_2751 : i32
      %get3A_2753 = arith.index_cast %add3A_2752 : i32 to index
      %get3A_2754 = memref.load %arg1[%get3A_2753] : memref<120000xi32, #tpu.memory_space<smem>>
      %mul3A_2755 = arith.constant 512 : i32
      %mul3A_2756 = arith.muli %get3A_2754, %mul3A_2755 : i32
      %add3A_2757 = arith.addi %get3A_2748, %mul3A_2756 : i32
      %mul3A_2758 = arith.constant 4 : i32
      %mul3A_2759 = arith.muli %mul3A_2758, %add3A_2742 : i32
      %add3A_2760 = arith.constant 3 : i32
      %add3A_2761 = arith.addi %mul3A_2759, %add3A_2760 : i32
      %get3A_2762 = arith.index_cast %add3A_2761 : i32 to index
      %get3A_2763 = memref.load %arg1[%get3A_2762] : memref<120000xi32, #tpu.memory_space<smem>>
      %add3A_2764 = arith.addi %add3A_2757, %get3A_2763 : i32
      %dma_start3A_2765 = arith.constant 0 : i32
      %dma_start3A_2766 = tpu.memref_slice %arg3[%add3A_2764, %dma_start3A_2765] : memref<262144x64xf32, #tpu.memory_space<any>> -> memref<1x64xf32, #tpu.memory_space<any>>
      %dma_start3A_2767 = arith.constant 0 : i32
      %dma_start3A_2768 = tpu.memref_slice %arg2[%add3A_2742, %dma_start3A_2767] : memref<30000x64xf32, #tpu.memory_space<vmem>> -> memref<1x64xf32, #tpu.memory_space<vmem>>
      tpu.enqueue_dma source(%dma_start3A_2768 : memref<1x64xf32, #tpu.memory_space<vmem>>) target(%dma_start3A_2766 : memref<1x64xf32, #tpu.memory_space<any>>) target_semaphore(%arg6 : memref<!tpu.dma_semaphore, #tpu.memory_space<semaphore_mem>>)
      %add3A_2769 = arith.constant 61 : i32
      %add3A_2770 = arith.addi %mul3A_1060, %add3A_2769 : i32
      %mul3A_2771 = arith.constant 4 : i32
      %mul3A_2772 = arith.muli %mul3A_2771, %add3A_2770 : i32
      %add3A_2773 = arith.constant 1 : i32
      %add3A_2774 = arith.addi %mul3A_2772, %add3A_2773 : i32
      %get3A_2775 = arith.index_cast %add3A_2774 : i32 to index
      %get3A_2776 = memref.load %arg1[%get3A_2775] : memref<120000xi32, #tpu.memory_space<smem>>
      %mul3A_2777 = arith.constant 4 : i32
      %mul3A_2778 = arith.muli %mul3A_2777, %add3A_2770 : i32
      %add3A_2779 = arith.constant 2 : i32
      %add3A_2780 = arith.addi %mul3A_2778, %add3A_2779 : i32
      %get3A_2781 = arith.index_cast %add3A_2780 : i32 to index
      %get3A_2782 = memref.load %arg1[%get3A_2781] : memref<120000xi32, #tpu.memory_space<smem>>
      %mul3A_2783 = arith.constant 512 : i32
      %mul3A_2784 = arith.muli %get3A_2782, %mul3A_2783 : i32
      %add3A_2785 = arith.addi %get3A_2776, %mul3A_2784 : i32
      %mul3A_2786 = arith.constant 4 : i32
      %mul3A_2787 = arith.muli %mul3A_2786, %add3A_2770 : i32
      %add3A_2788 = arith.constant 3 : i32
      %add3A_2789 = arith.addi %mul3A_2787, %add3A_2788 : i32
      %get3A_2790 = arith.index_cast %add3A_2789 : i32 to index
      %get3A_2791 = memref.load %arg1[%get3A_2790] : memref<120000xi32, #tpu.memory_space<smem>>
      %add3A_2792 = arith.addi %add3A_2785, %get3A_2791 : i32
      %dma_start3A_2793 = arith.constant 0 : i32
      %dma_start3A_2794 = tpu.memref_slice %arg3[%add3A_2792, %dma_start3A_2793] : memref<262144x64xf32, #tpu.memory_space<any>> -> memref<1x64xf32, #tpu.memory_space<any>>
      %dma_start3A_2795 = arith.constant 0 : i32
      %dma_start3A_2796 = tpu.memref_slice %arg2[%add3A_2770, %dma_start3A_2795] : memref<30000x64xf32, #tpu.memory_space<vmem>> -> memref<1x64xf32, #tpu.memory_space<vmem>>
      tpu.enqueue_dma source(%dma_start3A_2796 : memref<1x64xf32, #tpu.memory_space<vmem>>) target(%dma_start3A_2794 : memref<1x64xf32, #tpu.memory_space<any>>) target_semaphore(%arg6 : memref<!tpu.dma_semaphore, #tpu.memory_space<semaphore_mem>>)
      %add3A_2797 = arith.constant 62 : i32
      %add3A_2798 = arith.addi %mul3A_1060, %add3A_2797 : i32
      %mul3A_2799 = arith.constant 4 : i32
      %mul3A_2800 = arith.muli %mul3A_2799, %add3A_2798 : i32
      %add3A_2801 = arith.constant 1 : i32
      %add3A_2802 = arith.addi %mul3A_2800, %add3A_2801 : i32
      %get3A_2803 = arith.index_cast %add3A_2802 : i32 to index
      %get3A_2804 = memref.load %arg1[%get3A_2803] : memref<120000xi32, #tpu.memory_space<smem>>
      %mul3A_2805 = arith.constant 4 : i32
      %mul3A_2806 = arith.muli %mul3A_2805, %add3A_2798 : i32
      %add3A_2807 = arith.constant 2 : i32
      %add3A_2808 = arith.addi %mul3A_2806, %add3A_2807 : i32
      %get3A_2809 = arith.index_cast %add3A_2808 : i32 to index
      %get3A_2810 = memref.load %arg1[%get3A_2809] : memref<120000xi32, #tpu.memory_space<smem>>
      %mul3A_2811 = arith.constant 512 : i32
      %mul3A_2812 = arith.muli %get3A_2810, %mul3A_2811 : i32
      %add3A_2813 = arith.addi %get3A_2804, %mul3A_2812 : i32
      %mul3A_2814 = arith.constant 4 : i32
      %mul3A_2815 = arith.muli %mul3A_2814, %add3A_2798 : i32
      %add3A_2816 = arith.constant 3 : i32
      %add3A_2817 = arith.addi %mul3A_2815, %add3A_2816 : i32
      %get3A_2818 = arith.index_cast %add3A_2817 : i32 to index
      %get3A_2819 = memref.load %arg1[%get3A_2818] : memref<120000xi32, #tpu.memory_space<smem>>
      %add3A_2820 = arith.addi %add3A_2813, %get3A_2819 : i32
      %dma_start3A_2821 = arith.constant 0 : i32
      %dma_start3A_2822 = tpu.memref_slice %arg3[%add3A_2820, %dma_start3A_2821] : memref<262144x64xf32, #tpu.memory_space<any>> -> memref<1x64xf32, #tpu.memory_space<any>>
      %dma_start3A_2823 = arith.constant 0 : i32
      %dma_start3A_2824 = tpu.memref_slice %arg2[%add3A_2798, %dma_start3A_2823] : memref<30000x64xf32, #tpu.memory_space<vmem>> -> memref<1x64xf32, #tpu.memory_space<vmem>>
      tpu.enqueue_dma source(%dma_start3A_2824 : memref<1x64xf32, #tpu.memory_space<vmem>>) target(%dma_start3A_2822 : memref<1x64xf32, #tpu.memory_space<any>>) target_semaphore(%arg6 : memref<!tpu.dma_semaphore, #tpu.memory_space<semaphore_mem>>)
      %add3A_2825 = arith.constant 63 : i32
      %add3A_2826 = arith.addi %mul3A_1060, %add3A_2825 : i32
      %mul3A_2827 = arith.constant 4 : i32
      %mul3A_2828 = arith.muli %mul3A_2827, %add3A_2826 : i32
      %add3A_2829 = arith.constant 1 : i32
      %add3A_2830 = arith.addi %mul3A_2828, %add3A_2829 : i32
      %get3A_2831 = arith.index_cast %add3A_2830 : i32 to index
      %get3A_2832 = memref.load %arg1[%get3A_2831] : memref<120000xi32, #tpu.memory_space<smem>>
      %mul3A_2833 = arith.constant 4 : i32
      %mul3A_2834 = arith.muli %mul3A_2833, %add3A_2826 : i32
      %add3A_2835 = arith.constant 2 : i32
      %add3A_2836 = arith.addi %mul3A_2834, %add3A_2835 : i32
      %get3A_2837 = arith.index_cast %add3A_2836 : i32 to index
      %get3A_2838 = memref.load %arg1[%get3A_2837] : memref<120000xi32, #tpu.memory_space<smem>>
      %mul3A_2839 = arith.constant 512 : i32
      %mul3A_2840 = arith.muli %get3A_2838, %mul3A_2839 : i32
      %add3A_2841 = arith.addi %get3A_2832, %mul3A_2840 : i32
      %mul3A_2842 = arith.constant 4 : i32
      %mul3A_2843 = arith.muli %mul3A_2842, %add3A_2826 : i32
      %add3A_2844 = arith.constant 3 : i32
      %add3A_2845 = arith.addi %mul3A_2843, %add3A_2844 : i32
      %get3A_2846 = arith.index_cast %add3A_2845 : i32 to index
      %get3A_2847 = memref.load %arg1[%get3A_2846] : memref<120000xi32, #tpu.memory_space<smem>>
      %add3A_2848 = arith.addi %add3A_2841, %get3A_2847 : i32
      %dma_start3A_2849 = arith.constant 0 : i32
      %dma_start3A_2850 = tpu.memref_slice %arg3[%add3A_2848, %dma_start3A_2849] : memref<262144x64xf32, #tpu.memory_space<any>> -> memref<1x64xf32, #tpu.memory_space<any>>
      %dma_start3A_2851 = arith.constant 0 : i32
      %dma_start3A_2852 = tpu.memref_slice %arg2[%add3A_2826, %dma_start3A_2851] : memref<30000x64xf32, #tpu.memory_space<vmem>> -> memref<1x64xf32, #tpu.memory_space<vmem>>
      tpu.enqueue_dma source(%dma_start3A_2852 : memref<1x64xf32, #tpu.memory_space<vmem>>) target(%dma_start3A_2850 : memref<1x64xf32, #tpu.memory_space<any>>) target_semaphore(%arg6 : memref<!tpu.dma_semaphore, #tpu.memory_space<semaphore_mem>>)
      %add3A_2853 = arith.constant 0 : i32
      %add3A_2854 = arith.addi %mul3A_1060, %add3A_2853 : i32
      %mul3A_2855 = arith.constant 4 : i32
      %mul3A_2856 = arith.muli %mul3A_2855, %add3A_2854 : i32
      %add3A_2857 = arith.constant 1 : i32
      %add3A_2858 = arith.addi %mul3A_2856, %add3A_2857 : i32
      %get3A_2859 = arith.index_cast %add3A_2858 : i32 to index
      %get3A_2860 = memref.load %arg1[%get3A_2859] : memref<120000xi32, #tpu.memory_space<smem>>
      %mul3A_2861 = arith.constant 4 : i32
      %mul3A_2862 = arith.muli %mul3A_2861, %add3A_2854 : i32
      %add3A_2863 = arith.constant 2 : i32
      %add3A_2864 = arith.addi %mul3A_2862, %add3A_2863 : i32
      %get3A_2865 = arith.index_cast %add3A_2864 : i32 to index
      %get3A_2866 = memref.load %arg1[%get3A_2865] : memref<120000xi32, #tpu.memory_space<smem>>
      %mul3A_2867 = arith.constant 512 : i32
      %mul3A_2868 = arith.muli %get3A_2866, %mul3A_2867 : i32
      %add3A_2869 = arith.addi %get3A_2860, %mul3A_2868 : i32
      %mul3A_2870 = arith.constant 4 : i32
      %mul3A_2871 = arith.muli %mul3A_2870, %add3A_2854 : i32
      %add3A_2872 = arith.constant 3 : i32
      %add3A_2873 = arith.addi %mul3A_2871, %add3A_2872 : i32
      %get3A_2874 = arith.index_cast %add3A_2873 : i32 to index
      %get3A_2875 = memref.load %arg1[%get3A_2874] : memref<120000xi32, #tpu.memory_space<smem>>
      %add3A_2876 = arith.addi %add3A_2869, %get3A_2875 : i32
      %dma_wait3A_2877 = arith.constant 0 : i32
      %dma_wait3A_2878 = tpu.memref_slice %arg3[%add3A_2876, %dma_wait3A_2877] : memref<262144x64xf32, #tpu.memory_space<any>> -> memref<1x64xf32, #tpu.memory_space<any>>
      %dma_wait3A_2879 = arith.constant 0 : i32
      %dma_wait3A_2880 = tpu.memref_slice %arg2[%add3A_2854, %dma_wait3A_2879] : memref<30000x64xf32, #tpu.memory_space<vmem>> -> memref<1x64xf32, #tpu.memory_space<vmem>>
      tpu.wait_dma2 semaphore(%arg6 : memref<!tpu.dma_semaphore, #tpu.memory_space<semaphore_mem>>) src(%dma_wait3A_2880 : memref<1x64xf32, #tpu.memory_space<vmem>>) dst(%dma_wait3A_2878 : memref<1x64xf32, #tpu.memory_space<any>>)
      %add3A_2881 = arith.constant 1 : i32
      %add3A_2882 = arith.addi %mul3A_1060, %add3A_2881 : i32
      %mul3A_2883 = arith.constant 4 : i32
      %mul3A_2884 = arith.muli %mul3A_2883, %add3A_2882 : i32
      %add3A_2885 = arith.constant 1 : i32
      %add3A_2886 = arith.addi %mul3A_2884, %add3A_2885 : i32
      %get3A_2887 = arith.index_cast %add3A_2886 : i32 to index
      %get3A_2888 = memref.load %arg1[%get3A_2887] : memref<120000xi32, #tpu.memory_space<smem>>
      %mul3A_2889 = arith.constant 4 : i32
      %mul3A_2890 = arith.muli %mul3A_2889, %add3A_2882 : i32
      %add3A_2891 = arith.constant 2 : i32
      %add3A_2892 = arith.addi %mul3A_2890, %add3A_2891 : i32
      %get3A_2893 = arith.index_cast %add3A_2892 : i32 to index
      %get3A_2894 = memref.load %arg1[%get3A_2893] : memref<120000xi32, #tpu.memory_space<smem>>
      %mul3A_2895 = arith.constant 512 : i32
      %mul3A_2896 = arith.muli %get3A_2894, %mul3A_2895 : i32
      %add3A_2897 = arith.addi %get3A_2888, %mul3A_2896 : i32
      %mul3A_2898 = arith.constant 4 : i32
      %mul3A_2899 = arith.muli %mul3A_2898, %add3A_2882 : i32
      %add3A_2900 = arith.constant 3 : i32
      %add3A_2901 = arith.addi %mul3A_2899, %add3A_2900 : i32
      %get3A_2902 = arith.index_cast %add3A_2901 : i32 to index
      %get3A_2903 = memref.load %arg1[%get3A_2902] : memref<120000xi32, #tpu.memory_space<smem>>
      %add3A_2904 = arith.addi %add3A_2897, %get3A_2903 : i32
      %dma_wait3A_2905 = arith.constant 0 : i32
      %dma_wait3A_2906 = tpu.memref_slice %arg3[%add3A_2904, %dma_wait3A_2905] : memref<262144x64xf32, #tpu.memory_space<any>> -> memref<1x64xf32, #tpu.memory_space<any>>
      %dma_wait3A_2907 = arith.constant 0 : i32
      %dma_wait3A_2908 = tpu.memref_slice %arg2[%add3A_2882, %dma_wait3A_2907] : memref<30000x64xf32, #tpu.memory_space<vmem>> -> memref<1x64xf32, #tpu.memory_space<vmem>>
      tpu.wait_dma2 semaphore(%arg6 : memref<!tpu.dma_semaphore, #tpu.memory_space<semaphore_mem>>) src(%dma_wait3A_2908 : memref<1x64xf32, #tpu.memory_space<vmem>>) dst(%dma_wait3A_2906 : memref<1x64xf32, #tpu.memory_space<any>>)
      %add3A_2909 = arith.constant 2 : i32
      %add3A_2910 = arith.addi %mul3A_1060, %add3A_2909 : i32
      %mul3A_2911 = arith.constant 4 : i32
      %mul3A_2912 = arith.muli %mul3A_2911, %add3A_2910 : i32
      %add3A_2913 = arith.constant 1 : i32
      %add3A_2914 = arith.addi %mul3A_2912, %add3A_2913 : i32
      %get3A_2915 = arith.index_cast %add3A_2914 : i32 to index
      %get3A_2916 = memref.load %arg1[%get3A_2915] : memref<120000xi32, #tpu.memory_space<smem>>
      %mul3A_2917 = arith.constant 4 : i32
      %mul3A_2918 = arith.muli %mul3A_2917, %add3A_2910 : i32
      %add3A_2919 = arith.constant 2 : i32
      %add3A_2920 = arith.addi %mul3A_2918, %add3A_2919 : i32
      %get3A_2921 = arith.index_cast %add3A_2920 : i32 to index
      %get3A_2922 = memref.load %arg1[%get3A_2921] : memref<120000xi32, #tpu.memory_space<smem>>
      %mul3A_2923 = arith.constant 512 : i32
      %mul3A_2924 = arith.muli %get3A_2922, %mul3A_2923 : i32
      %add3A_2925 = arith.addi %get3A_2916, %mul3A_2924 : i32
      %mul3A_2926 = arith.constant 4 : i32
      %mul3A_2927 = arith.muli %mul3A_2926, %add3A_2910 : i32
      %add3A_2928 = arith.constant 3 : i32
      %add3A_2929 = arith.addi %mul3A_2927, %add3A_2928 : i32
      %get3A_2930 = arith.index_cast %add3A_2929 : i32 to index
      %get3A_2931 = memref.load %arg1[%get3A_2930] : memref<120000xi32, #tpu.memory_space<smem>>
      %add3A_2932 = arith.addi %add3A_2925, %get3A_2931 : i32
      %dma_wait3A_2933 = arith.constant 0 : i32
      %dma_wait3A_2934 = tpu.memref_slice %arg3[%add3A_2932, %dma_wait3A_2933] : memref<262144x64xf32, #tpu.memory_space<any>> -> memref<1x64xf32, #tpu.memory_space<any>>
      %dma_wait3A_2935 = arith.constant 0 : i32
      %dma_wait3A_2936 = tpu.memref_slice %arg2[%add3A_2910, %dma_wait3A_2935] : memref<30000x64xf32, #tpu.memory_space<vmem>> -> memref<1x64xf32, #tpu.memory_space<vmem>>
      tpu.wait_dma2 semaphore(%arg6 : memref<!tpu.dma_semaphore, #tpu.memory_space<semaphore_mem>>) src(%dma_wait3A_2936 : memref<1x64xf32, #tpu.memory_space<vmem>>) dst(%dma_wait3A_2934 : memref<1x64xf32, #tpu.memory_space<any>>)
      %add3A_2937 = arith.constant 3 : i32
      %add3A_2938 = arith.addi %mul3A_1060, %add3A_2937 : i32
      %mul3A_2939 = arith.constant 4 : i32
      %mul3A_2940 = arith.muli %mul3A_2939, %add3A_2938 : i32
      %add3A_2941 = arith.constant 1 : i32
      %add3A_2942 = arith.addi %mul3A_2940, %add3A_2941 : i32
      %get3A_2943 = arith.index_cast %add3A_2942 : i32 to index
      %get3A_2944 = memref.load %arg1[%get3A_2943] : memref<120000xi32, #tpu.memory_space<smem>>
      %mul3A_2945 = arith.constant 4 : i32
      %mul3A_2946 = arith.muli %mul3A_2945, %add3A_2938 : i32
      %add3A_2947 = arith.constant 2 : i32
      %add3A_2948 = arith.addi %mul3A_2946, %add3A_2947 : i32
      %get3A_2949 = arith.index_cast %add3A_2948 : i32 to index
      %get3A_2950 = memref.load %arg1[%get3A_2949] : memref<120000xi32, #tpu.memory_space<smem>>
      %mul3A_2951 = arith.constant 512 : i32
      %mul3A_2952 = arith.muli %get3A_2950, %mul3A_2951 : i32
      %add3A_2953 = arith.addi %get3A_2944, %mul3A_2952 : i32
      %mul3A_2954 = arith.constant 4 : i32
      %mul3A_2955 = arith.muli %mul3A_2954, %add3A_2938 : i32
      %add3A_2956 = arith.constant 3 : i32
      %add3A_2957 = arith.addi %mul3A_2955, %add3A_2956 : i32
      %get3A_2958 = arith.index_cast %add3A_2957 : i32 to index
      %get3A_2959 = memref.load %arg1[%get3A_2958] : memref<120000xi32, #tpu.memory_space<smem>>
      %add3A_2960 = arith.addi %add3A_2953, %get3A_2959 : i32
      %dma_wait3A_2961 = arith.constant 0 : i32
      %dma_wait3A_2962 = tpu.memref_slice %arg3[%add3A_2960, %dma_wait3A_2961] : memref<262144x64xf32, #tpu.memory_space<any>> -> memref<1x64xf32, #tpu.memory_space<any>>
      %dma_wait3A_2963 = arith.constant 0 : i32
      %dma_wait3A_2964 = tpu.memref_slice %arg2[%add3A_2938, %dma_wait3A_2963] : memref<30000x64xf32, #tpu.memory_space<vmem>> -> memref<1x64xf32, #tpu.memory_space<vmem>>
      tpu.wait_dma2 semaphore(%arg6 : memref<!tpu.dma_semaphore, #tpu.memory_space<semaphore_mem>>) src(%dma_wait3A_2964 : memref<1x64xf32, #tpu.memory_space<vmem>>) dst(%dma_wait3A_2962 : memref<1x64xf32, #tpu.memory_space<any>>)
      %add3A_2965 = arith.constant 4 : i32
      %add3A_2966 = arith.addi %mul3A_1060, %add3A_2965 : i32
      %mul3A_2967 = arith.constant 4 : i32
      %mul3A_2968 = arith.muli %mul3A_2967, %add3A_2966 : i32
      %add3A_2969 = arith.constant 1 : i32
      %add3A_2970 = arith.addi %mul3A_2968, %add3A_2969 : i32
      %get3A_2971 = arith.index_cast %add3A_2970 : i32 to index
      %get3A_2972 = memref.load %arg1[%get3A_2971] : memref<120000xi32, #tpu.memory_space<smem>>
      %mul3A_2973 = arith.constant 4 : i32
      %mul3A_2974 = arith.muli %mul3A_2973, %add3A_2966 : i32
      %add3A_2975 = arith.constant 2 : i32
      %add3A_2976 = arith.addi %mul3A_2974, %add3A_2975 : i32
      %get3A_2977 = arith.index_cast %add3A_2976 : i32 to index
      %get3A_2978 = memref.load %arg1[%get3A_2977] : memref<120000xi32, #tpu.memory_space<smem>>
      %mul3A_2979 = arith.constant 512 : i32
      %mul3A_2980 = arith.muli %get3A_2978, %mul3A_2979 : i32
      %add3A_2981 = arith.addi %get3A_2972, %mul3A_2980 : i32
      %mul3A_2982 = arith.constant 4 : i32
      %mul3A_2983 = arith.muli %mul3A_2982, %add3A_2966 : i32
      %add3A_2984 = arith.constant 3 : i32
      %add3A_2985 = arith.addi %mul3A_2983, %add3A_2984 : i32
      %get3A_2986 = arith.index_cast %add3A_2985 : i32 to index
      %get3A_2987 = memref.load %arg1[%get3A_2986] : memref<120000xi32, #tpu.memory_space<smem>>
      %add3A_2988 = arith.addi %add3A_2981, %get3A_2987 : i32
      %dma_wait3A_2989 = arith.constant 0 : i32
      %dma_wait3A_2990 = tpu.memref_slice %arg3[%add3A_2988, %dma_wait3A_2989] : memref<262144x64xf32, #tpu.memory_space<any>> -> memref<1x64xf32, #tpu.memory_space<any>>
      %dma_wait3A_2991 = arith.constant 0 : i32
      %dma_wait3A_2992 = tpu.memref_slice %arg2[%add3A_2966, %dma_wait3A_2991] : memref<30000x64xf32, #tpu.memory_space<vmem>> -> memref<1x64xf32, #tpu.memory_space<vmem>>
      tpu.wait_dma2 semaphore(%arg6 : memref<!tpu.dma_semaphore, #tpu.memory_space<semaphore_mem>>) src(%dma_wait3A_2992 : memref<1x64xf32, #tpu.memory_space<vmem>>) dst(%dma_wait3A_2990 : memref<1x64xf32, #tpu.memory_space<any>>)
      %add3A_2993 = arith.constant 5 : i32
      %add3A_2994 = arith.addi %mul3A_1060, %add3A_2993 : i32
      %mul3A_2995 = arith.constant 4 : i32
      %mul3A_2996 = arith.muli %mul3A_2995, %add3A_2994 : i32
      %add3A_2997 = arith.constant 1 : i32
      %add3A_2998 = arith.addi %mul3A_2996, %add3A_2997 : i32
      %get3A_2999 = arith.index_cast %add3A_2998 : i32 to index
      %get3A_3000 = memref.load %arg1[%get3A_2999] : memref<120000xi32, #tpu.memory_space<smem>>
      %mul3A_3001 = arith.constant 4 : i32
      %mul3A_3002 = arith.muli %mul3A_3001, %add3A_2994 : i32
      %add3A_3003 = arith.constant 2 : i32
      %add3A_3004 = arith.addi %mul3A_3002, %add3A_3003 : i32
      %get3A_3005 = arith.index_cast %add3A_3004 : i32 to index
      %get3A_3006 = memref.load %arg1[%get3A_3005] : memref<120000xi32, #tpu.memory_space<smem>>
      %mul3A_3007 = arith.constant 512 : i32
      %mul3A_3008 = arith.muli %get3A_3006, %mul3A_3007 : i32
      %add3A_3009 = arith.addi %get3A_3000, %mul3A_3008 : i32
      %mul3A_3010 = arith.constant 4 : i32
      %mul3A_3011 = arith.muli %mul3A_3010, %add3A_2994 : i32
      %add3A_3012 = arith.constant 3 : i32
      %add3A_3013 = arith.addi %mul3A_3011, %add3A_3012 : i32
      %get3A_3014 = arith.index_cast %add3A_3013 : i32 to index
      %get3A_3015 = memref.load %arg1[%get3A_3014] : memref<120000xi32, #tpu.memory_space<smem>>
      %add3A_3016 = arith.addi %add3A_3009, %get3A_3015 : i32
      %dma_wait3A_3017 = arith.constant 0 : i32
      %dma_wait3A_3018 = tpu.memref_slice %arg3[%add3A_3016, %dma_wait3A_3017] : memref<262144x64xf32, #tpu.memory_space<any>> -> memref<1x64xf32, #tpu.memory_space<any>>
      %dma_wait3A_3019 = arith.constant 0 : i32
      %dma_wait3A_3020 = tpu.memref_slice %arg2[%add3A_2994, %dma_wait3A_3019] : memref<30000x64xf32, #tpu.memory_space<vmem>> -> memref<1x64xf32, #tpu.memory_space<vmem>>
      tpu.wait_dma2 semaphore(%arg6 : memref<!tpu.dma_semaphore, #tpu.memory_space<semaphore_mem>>) src(%dma_wait3A_3020 : memref<1x64xf32, #tpu.memory_space<vmem>>) dst(%dma_wait3A_3018 : memref<1x64xf32, #tpu.memory_space<any>>)
      %add3A_3021 = arith.constant 6 : i32
      %add3A_3022 = arith.addi %mul3A_1060, %add3A_3021 : i32
      %mul3A_3023 = arith.constant 4 : i32
      %mul3A_3024 = arith.muli %mul3A_3023, %add3A_3022 : i32
      %add3A_3025 = arith.constant 1 : i32
      %add3A_3026 = arith.addi %mul3A_3024, %add3A_3025 : i32
      %get3A_3027 = arith.index_cast %add3A_3026 : i32 to index
      %get3A_3028 = memref.load %arg1[%get3A_3027] : memref<120000xi32, #tpu.memory_space<smem>>
      %mul3A_3029 = arith.constant 4 : i32
      %mul3A_3030 = arith.muli %mul3A_3029, %add3A_3022 : i32
      %add3A_3031 = arith.constant 2 : i32
      %add3A_3032 = arith.addi %mul3A_3030, %add3A_3031 : i32
      %get3A_3033 = arith.index_cast %add3A_3032 : i32 to index
      %get3A_3034 = memref.load %arg1[%get3A_3033] : memref<120000xi32, #tpu.memory_space<smem>>
      %mul3A_3035 = arith.constant 512 : i32
      %mul3A_3036 = arith.muli %get3A_3034, %mul3A_3035 : i32
      %add3A_3037 = arith.addi %get3A_3028, %mul3A_3036 : i32
      %mul3A_3038 = arith.constant 4 : i32
      %mul3A_3039 = arith.muli %mul3A_3038, %add3A_3022 : i32
      %add3A_3040 = arith.constant 3 : i32
      %add3A_3041 = arith.addi %mul3A_3039, %add3A_3040 : i32
      %get3A_3042 = arith.index_cast %add3A_3041 : i32 to index
      %get3A_3043 = memref.load %arg1[%get3A_3042] : memref<120000xi32, #tpu.memory_space<smem>>
      %add3A_3044 = arith.addi %add3A_3037, %get3A_3043 : i32
      %dma_wait3A_3045 = arith.constant 0 : i32
      %dma_wait3A_3046 = tpu.memref_slice %arg3[%add3A_3044, %dma_wait3A_3045] : memref<262144x64xf32, #tpu.memory_space<any>> -> memref<1x64xf32, #tpu.memory_space<any>>
      %dma_wait3A_3047 = arith.constant 0 : i32
      %dma_wait3A_3048 = tpu.memref_slice %arg2[%add3A_3022, %dma_wait3A_3047] : memref<30000x64xf32, #tpu.memory_space<vmem>> -> memref<1x64xf32, #tpu.memory_space<vmem>>
      tpu.wait_dma2 semaphore(%arg6 : memref<!tpu.dma_semaphore, #tpu.memory_space<semaphore_mem>>) src(%dma_wait3A_3048 : memref<1x64xf32, #tpu.memory_space<vmem>>) dst(%dma_wait3A_3046 : memref<1x64xf32, #tpu.memory_space<any>>)
      %add3A_3049 = arith.constant 7 : i32
      %add3A_3050 = arith.addi %mul3A_1060, %add3A_3049 : i32
      %mul3A_3051 = arith.constant 4 : i32
      %mul3A_3052 = arith.muli %mul3A_3051, %add3A_3050 : i32
      %add3A_3053 = arith.constant 1 : i32
      %add3A_3054 = arith.addi %mul3A_3052, %add3A_3053 : i32
      %get3A_3055 = arith.index_cast %add3A_3054 : i32 to index
      %get3A_3056 = memref.load %arg1[%get3A_3055] : memref<120000xi32, #tpu.memory_space<smem>>
      %mul3A_3057 = arith.constant 4 : i32
      %mul3A_3058 = arith.muli %mul3A_3057, %add3A_3050 : i32
      %add3A_3059 = arith.constant 2 : i32
      %add3A_3060 = arith.addi %mul3A_3058, %add3A_3059 : i32
      %get3A_3061 = arith.index_cast %add3A_3060 : i32 to index
      %get3A_3062 = memref.load %arg1[%get3A_3061] : memref<120000xi32, #tpu.memory_space<smem>>
      %mul3A_3063 = arith.constant 512 : i32
      %mul3A_3064 = arith.muli %get3A_3062, %mul3A_3063 : i32
      %add3A_3065 = arith.addi %get3A_3056, %mul3A_3064 : i32
      %mul3A_3066 = arith.constant 4 : i32
      %mul3A_3067 = arith.muli %mul3A_3066, %add3A_3050 : i32
      %add3A_3068 = arith.constant 3 : i32
      %add3A_3069 = arith.addi %mul3A_3067, %add3A_3068 : i32
      %get3A_3070 = arith.index_cast %add3A_3069 : i32 to index
      %get3A_3071 = memref.load %arg1[%get3A_3070] : memref<120000xi32, #tpu.memory_space<smem>>
      %add3A_3072 = arith.addi %add3A_3065, %get3A_3071 : i32
      %dma_wait3A_3073 = arith.constant 0 : i32
      %dma_wait3A_3074 = tpu.memref_slice %arg3[%add3A_3072, %dma_wait3A_3073] : memref<262144x64xf32, #tpu.memory_space<any>> -> memref<1x64xf32, #tpu.memory_space<any>>
      %dma_wait3A_3075 = arith.constant 0 : i32
      %dma_wait3A_3076 = tpu.memref_slice %arg2[%add3A_3050, %dma_wait3A_3075] : memref<30000x64xf32, #tpu.memory_space<vmem>> -> memref<1x64xf32, #tpu.memory_space<vmem>>
      tpu.wait_dma2 semaphore(%arg6 : memref<!tpu.dma_semaphore, #tpu.memory_space<semaphore_mem>>) src(%dma_wait3A_3076 : memref<1x64xf32, #tpu.memory_space<vmem>>) dst(%dma_wait3A_3074 : memref<1x64xf32, #tpu.memory_space<any>>)
      %add3A_3077 = arith.constant 8 : i32
      %add3A_3078 = arith.addi %mul3A_1060, %add3A_3077 : i32
      %mul3A_3079 = arith.constant 4 : i32
      %mul3A_3080 = arith.muli %mul3A_3079, %add3A_3078 : i32
      %add3A_3081 = arith.constant 1 : i32
      %add3A_3082 = arith.addi %mul3A_3080, %add3A_3081 : i32
      %get3A_3083 = arith.index_cast %add3A_3082 : i32 to index
      %get3A_3084 = memref.load %arg1[%get3A_3083] : memref<120000xi32, #tpu.memory_space<smem>>
      %mul3A_3085 = arith.constant 4 : i32
      %mul3A_3086 = arith.muli %mul3A_3085, %add3A_3078 : i32
      %add3A_3087 = arith.constant 2 : i32
      %add3A_3088 = arith.addi %mul3A_3086, %add3A_3087 : i32
      %get3A_3089 = arith.index_cast %add3A_3088 : i32 to index
      %get3A_3090 = memref.load %arg1[%get3A_3089] : memref<120000xi32, #tpu.memory_space<smem>>
      %mul3A_3091 = arith.constant 512 : i32
      %mul3A_3092 = arith.muli %get3A_3090, %mul3A_3091 : i32
      %add3A_3093 = arith.addi %get3A_3084, %mul3A_3092 : i32
      %mul3A_3094 = arith.constant 4 : i32
      %mul3A_3095 = arith.muli %mul3A_3094, %add3A_3078 : i32
      %add3A_3096 = arith.constant 3 : i32
      %add3A_3097 = arith.addi %mul3A_3095, %add3A_3096 : i32
      %get3A_3098 = arith.index_cast %add3A_3097 : i32 to index
      %get3A_3099 = memref.load %arg1[%get3A_3098] : memref<120000xi32, #tpu.memory_space<smem>>
      %add3A_3100 = arith.addi %add3A_3093, %get3A_3099 : i32
      %dma_wait3A_3101 = arith.constant 0 : i32
      %dma_wait3A_3102 = tpu.memref_slice %arg3[%add3A_3100, %dma_wait3A_3101] : memref<262144x64xf32, #tpu.memory_space<any>> -> memref<1x64xf32, #tpu.memory_space<any>>
      %dma_wait3A_3103 = arith.constant 0 : i32
      %dma_wait3A_3104 = tpu.memref_slice %arg2[%add3A_3078, %dma_wait3A_3103] : memref<30000x64xf32, #tpu.memory_space<vmem>> -> memref<1x64xf32, #tpu.memory_space<vmem>>
      tpu.wait_dma2 semaphore(%arg6 : memref<!tpu.dma_semaphore, #tpu.memory_space<semaphore_mem>>) src(%dma_wait3A_3104 : memref<1x64xf32, #tpu.memory_space<vmem>>) dst(%dma_wait3A_3102 : memref<1x64xf32, #tpu.memory_space<any>>)
      %add3A_3105 = arith.constant 9 : i32
      %add3A_3106 = arith.addi %mul3A_1060, %add3A_3105 : i32
      %mul3A_3107 = arith.constant 4 : i32
      %mul3A_3108 = arith.muli %mul3A_3107, %add3A_3106 : i32
      %add3A_3109 = arith.constant 1 : i32
      %add3A_3110 = arith.addi %mul3A_3108, %add3A_3109 : i32
      %get3A_3111 = arith.index_cast %add3A_3110 : i32 to index
      %get3A_3112 = memref.load %arg1[%get3A_3111] : memref<120000xi32, #tpu.memory_space<smem>>
      %mul3A_3113 = arith.constant 4 : i32
      %mul3A_3114 = arith.muli %mul3A_3113, %add3A_3106 : i32
      %add3A_3115 = arith.constant 2 : i32
      %add3A_3116 = arith.addi %mul3A_3114, %add3A_3115 : i32
      %get3A_3117 = arith.index_cast %add3A_3116 : i32 to index
      %get3A_3118 = memref.load %arg1[%get3A_3117] : memref<120000xi32, #tpu.memory_space<smem>>
      %mul3A_3119 = arith.constant 512 : i32
      %mul3A_3120 = arith.muli %get3A_3118, %mul3A_3119 : i32
      %add3A_3121 = arith.addi %get3A_3112, %mul3A_3120 : i32
      %mul3A_3122 = arith.constant 4 : i32
      %mul3A_3123 = arith.muli %mul3A_3122, %add3A_3106 : i32
      %add3A_3124 = arith.constant 3 : i32
      %add3A_3125 = arith.addi %mul3A_3123, %add3A_3124 : i32
      %get3A_3126 = arith.index_cast %add3A_3125 : i32 to index
      %get3A_3127 = memref.load %arg1[%get3A_3126] : memref<120000xi32, #tpu.memory_space<smem>>
      %add3A_3128 = arith.addi %add3A_3121, %get3A_3127 : i32
      %dma_wait3A_3129 = arith.constant 0 : i32
      %dma_wait3A_3130 = tpu.memref_slice %arg3[%add3A_3128, %dma_wait3A_3129] : memref<262144x64xf32, #tpu.memory_space<any>> -> memref<1x64xf32, #tpu.memory_space<any>>
      %dma_wait3A_3131 = arith.constant 0 : i32
      %dma_wait3A_3132 = tpu.memref_slice %arg2[%add3A_3106, %dma_wait3A_3131] : memref<30000x64xf32, #tpu.memory_space<vmem>> -> memref<1x64xf32, #tpu.memory_space<vmem>>
      tpu.wait_dma2 semaphore(%arg6 : memref<!tpu.dma_semaphore, #tpu.memory_space<semaphore_mem>>) src(%dma_wait3A_3132 : memref<1x64xf32, #tpu.memory_space<vmem>>) dst(%dma_wait3A_3130 : memref<1x64xf32, #tpu.memory_space<any>>)
      %add3A_3133 = arith.constant 10 : i32
      %add3A_3134 = arith.addi %mul3A_1060, %add3A_3133 : i32
      %mul3A_3135 = arith.constant 4 : i32
      %mul3A_3136 = arith.muli %mul3A_3135, %add3A_3134 : i32
      %add3A_3137 = arith.constant 1 : i32
      %add3A_3138 = arith.addi %mul3A_3136, %add3A_3137 : i32
      %get3A_3139 = arith.index_cast %add3A_3138 : i32 to index
      %get3A_3140 = memref.load %arg1[%get3A_3139] : memref<120000xi32, #tpu.memory_space<smem>>
      %mul3A_3141 = arith.constant 4 : i32
      %mul3A_3142 = arith.muli %mul3A_3141, %add3A_3134 : i32
      %add3A_3143 = arith.constant 2 : i32
      %add3A_3144 = arith.addi %mul3A_3142, %add3A_3143 : i32
      %get3A_3145 = arith.index_cast %add3A_3144 : i32 to index
      %get3A_3146 = memref.load %arg1[%get3A_3145] : memref<120000xi32, #tpu.memory_space<smem>>
      %mul3A_3147 = arith.constant 512 : i32
      %mul3A_3148 = arith.muli %get3A_3146, %mul3A_3147 : i32
      %add3A_3149 = arith.addi %get3A_3140, %mul3A_3148 : i32
      %mul3A_3150 = arith.constant 4 : i32
      %mul3A_3151 = arith.muli %mul3A_3150, %add3A_3134 : i32
      %add3A_3152 = arith.constant 3 : i32
      %add3A_3153 = arith.addi %mul3A_3151, %add3A_3152 : i32
      %get3A_3154 = arith.index_cast %add3A_3153 : i32 to index
      %get3A_3155 = memref.load %arg1[%get3A_3154] : memref<120000xi32, #tpu.memory_space<smem>>
      %add3A_3156 = arith.addi %add3A_3149, %get3A_3155 : i32
      %dma_wait3A_3157 = arith.constant 0 : i32
      %dma_wait3A_3158 = tpu.memref_slice %arg3[%add3A_3156, %dma_wait3A_3157] : memref<262144x64xf32, #tpu.memory_space<any>> -> memref<1x64xf32, #tpu.memory_space<any>>
      %dma_wait3A_3159 = arith.constant 0 : i32
      %dma_wait3A_3160 = tpu.memref_slice %arg2[%add3A_3134, %dma_wait3A_3159] : memref<30000x64xf32, #tpu.memory_space<vmem>> -> memref<1x64xf32, #tpu.memory_space<vmem>>
      tpu.wait_dma2 semaphore(%arg6 : memref<!tpu.dma_semaphore, #tpu.memory_space<semaphore_mem>>) src(%dma_wait3A_3160 : memref<1x64xf32, #tpu.memory_space<vmem>>) dst(%dma_wait3A_3158 : memref<1x64xf32, #tpu.memory_space<any>>)
      %add3A_3161 = arith.constant 11 : i32
      %add3A_3162 = arith.addi %mul3A_1060, %add3A_3161 : i32
      %mul3A_3163 = arith.constant 4 : i32
      %mul3A_3164 = arith.muli %mul3A_3163, %add3A_3162 : i32
      %add3A_3165 = arith.constant 1 : i32
      %add3A_3166 = arith.addi %mul3A_3164, %add3A_3165 : i32
      %get3A_3167 = arith.index_cast %add3A_3166 : i32 to index
      %get3A_3168 = memref.load %arg1[%get3A_3167] : memref<120000xi32, #tpu.memory_space<smem>>
      %mul3A_3169 = arith.constant 4 : i32
      %mul3A_3170 = arith.muli %mul3A_3169, %add3A_3162 : i32
      %add3A_3171 = arith.constant 2 : i32
      %add3A_3172 = arith.addi %mul3A_3170, %add3A_3171 : i32
      %get3A_3173 = arith.index_cast %add3A_3172 : i32 to index
      %get3A_3174 = memref.load %arg1[%get3A_3173] : memref<120000xi32, #tpu.memory_space<smem>>
      %mul3A_3175 = arith.constant 512 : i32
      %mul3A_3176 = arith.muli %get3A_3174, %mul3A_3175 : i32
      %add3A_3177 = arith.addi %get3A_3168, %mul3A_3176 : i32
      %mul3A_3178 = arith.constant 4 : i32
      %mul3A_3179 = arith.muli %mul3A_3178, %add3A_3162 : i32
      %add3A_3180 = arith.constant 3 : i32
      %add3A_3181 = arith.addi %mul3A_3179, %add3A_3180 : i32
      %get3A_3182 = arith.index_cast %add3A_3181 : i32 to index
      %get3A_3183 = memref.load %arg1[%get3A_3182] : memref<120000xi32, #tpu.memory_space<smem>>
      %add3A_3184 = arith.addi %add3A_3177, %get3A_3183 : i32
      %dma_wait3A_3185 = arith.constant 0 : i32
      %dma_wait3A_3186 = tpu.memref_slice %arg3[%add3A_3184, %dma_wait3A_3185] : memref<262144x64xf32, #tpu.memory_space<any>> -> memref<1x64xf32, #tpu.memory_space<any>>
      %dma_wait3A_3187 = arith.constant 0 : i32
      %dma_wait3A_3188 = tpu.memref_slice %arg2[%add3A_3162, %dma_wait3A_3187] : memref<30000x64xf32, #tpu.memory_space<vmem>> -> memref<1x64xf32, #tpu.memory_space<vmem>>
      tpu.wait_dma2 semaphore(%arg6 : memref<!tpu.dma_semaphore, #tpu.memory_space<semaphore_mem>>) src(%dma_wait3A_3188 : memref<1x64xf32, #tpu.memory_space<vmem>>) dst(%dma_wait3A_3186 : memref<1x64xf32, #tpu.memory_space<any>>)
      %add3A_3189 = arith.constant 12 : i32
      %add3A_3190 = arith.addi %mul3A_1060, %add3A_3189 : i32
      %mul3A_3191 = arith.constant 4 : i32
      %mul3A_3192 = arith.muli %mul3A_3191, %add3A_3190 : i32
      %add3A_3193 = arith.constant 1 : i32
      %add3A_3194 = arith.addi %mul3A_3192, %add3A_3193 : i32
      %get3A_3195 = arith.index_cast %add3A_3194 : i32 to index
      %get3A_3196 = memref.load %arg1[%get3A_3195] : memref<120000xi32, #tpu.memory_space<smem>>
      %mul3A_3197 = arith.constant 4 : i32
      %mul3A_3198 = arith.muli %mul3A_3197, %add3A_3190 : i32
      %add3A_3199 = arith.constant 2 : i32
      %add3A_3200 = arith.addi %mul3A_3198, %add3A_3199 : i32
      %get3A_3201 = arith.index_cast %add3A_3200 : i32 to index
      %get3A_3202 = memref.load %arg1[%get3A_3201] : memref<120000xi32, #tpu.memory_space<smem>>
      %mul3A_3203 = arith.constant 512 : i32
      %mul3A_3204 = arith.muli %get3A_3202, %mul3A_3203 : i32
      %add3A_3205 = arith.addi %get3A_3196, %mul3A_3204 : i32
      %mul3A_3206 = arith.constant 4 : i32
      %mul3A_3207 = arith.muli %mul3A_3206, %add3A_3190 : i32
      %add3A_3208 = arith.constant 3 : i32
      %add3A_3209 = arith.addi %mul3A_3207, %add3A_3208 : i32
      %get3A_3210 = arith.index_cast %add3A_3209 : i32 to index
      %get3A_3211 = memref.load %arg1[%get3A_3210] : memref<120000xi32, #tpu.memory_space<smem>>
      %add3A_3212 = arith.addi %add3A_3205, %get3A_3211 : i32
      %dma_wait3A_3213 = arith.constant 0 : i32
      %dma_wait3A_3214 = tpu.memref_slice %arg3[%add3A_3212, %dma_wait3A_3213] : memref<262144x64xf32, #tpu.memory_space<any>> -> memref<1x64xf32, #tpu.memory_space<any>>
      %dma_wait3A_3215 = arith.constant 0 : i32
      %dma_wait3A_3216 = tpu.memref_slice %arg2[%add3A_3190, %dma_wait3A_3215] : memref<30000x64xf32, #tpu.memory_space<vmem>> -> memref<1x64xf32, #tpu.memory_space<vmem>>
      tpu.wait_dma2 semaphore(%arg6 : memref<!tpu.dma_semaphore, #tpu.memory_space<semaphore_mem>>) src(%dma_wait3A_3216 : memref<1x64xf32, #tpu.memory_space<vmem>>) dst(%dma_wait3A_3214 : memref<1x64xf32, #tpu.memory_space<any>>)
      %add3A_3217 = arith.constant 13 : i32
      %add3A_3218 = arith.addi %mul3A_1060, %add3A_3217 : i32
      %mul3A_3219 = arith.constant 4 : i32
      %mul3A_3220 = arith.muli %mul3A_3219, %add3A_3218 : i32
      %add3A_3221 = arith.constant 1 : i32
      %add3A_3222 = arith.addi %mul3A_3220, %add3A_3221 : i32
      %get3A_3223 = arith.index_cast %add3A_3222 : i32 to index
      %get3A_3224 = memref.load %arg1[%get3A_3223] : memref<120000xi32, #tpu.memory_space<smem>>
      %mul3A_3225 = arith.constant 4 : i32
      %mul3A_3226 = arith.muli %mul3A_3225, %add3A_3218 : i32
      %add3A_3227 = arith.constant 2 : i32
      %add3A_3228 = arith.addi %mul3A_3226, %add3A_3227 : i32
      %get3A_3229 = arith.index_cast %add3A_3228 : i32 to index
      %get3A_3230 = memref.load %arg1[%get3A_3229] : memref<120000xi32, #tpu.memory_space<smem>>
      %mul3A_3231 = arith.constant 512 : i32
      %mul3A_3232 = arith.muli %get3A_3230, %mul3A_3231 : i32
      %add3A_3233 = arith.addi %get3A_3224, %mul3A_3232 : i32
      %mul3A_3234 = arith.constant 4 : i32
      %mul3A_3235 = arith.muli %mul3A_3234, %add3A_3218 : i32
      %add3A_3236 = arith.constant 3 : i32
      %add3A_3237 = arith.addi %mul3A_3235, %add3A_3236 : i32
      %get3A_3238 = arith.index_cast %add3A_3237 : i32 to index
      %get3A_3239 = memref.load %arg1[%get3A_3238] : memref<120000xi32, #tpu.memory_space<smem>>
      %add3A_3240 = arith.addi %add3A_3233, %get3A_3239 : i32
      %dma_wait3A_3241 = arith.constant 0 : i32
      %dma_wait3A_3242 = tpu.memref_slice %arg3[%add3A_3240, %dma_wait3A_3241] : memref<262144x64xf32, #tpu.memory_space<any>> -> memref<1x64xf32, #tpu.memory_space<any>>
      %dma_wait3A_3243 = arith.constant 0 : i32
      %dma_wait3A_3244 = tpu.memref_slice %arg2[%add3A_3218, %dma_wait3A_3243] : memref<30000x64xf32, #tpu.memory_space<vmem>> -> memref<1x64xf32, #tpu.memory_space<vmem>>
      tpu.wait_dma2 semaphore(%arg6 : memref<!tpu.dma_semaphore, #tpu.memory_space<semaphore_mem>>) src(%dma_wait3A_3244 : memref<1x64xf32, #tpu.memory_space<vmem>>) dst(%dma_wait3A_3242 : memref<1x64xf32, #tpu.memory_space<any>>)
      %add3A_3245 = arith.constant 14 : i32
      %add3A_3246 = arith.addi %mul3A_1060, %add3A_3245 : i32
      %mul3A_3247 = arith.constant 4 : i32
      %mul3A_3248 = arith.muli %mul3A_3247, %add3A_3246 : i32
      %add3A_3249 = arith.constant 1 : i32
      %add3A_3250 = arith.addi %mul3A_3248, %add3A_3249 : i32
      %get3A_3251 = arith.index_cast %add3A_3250 : i32 to index
      %get3A_3252 = memref.load %arg1[%get3A_3251] : memref<120000xi32, #tpu.memory_space<smem>>
      %mul3A_3253 = arith.constant 4 : i32
      %mul3A_3254 = arith.muli %mul3A_3253, %add3A_3246 : i32
      %add3A_3255 = arith.constant 2 : i32
      %add3A_3256 = arith.addi %mul3A_3254, %add3A_3255 : i32
      %get3A_3257 = arith.index_cast %add3A_3256 : i32 to index
      %get3A_3258 = memref.load %arg1[%get3A_3257] : memref<120000xi32, #tpu.memory_space<smem>>
      %mul3A_3259 = arith.constant 512 : i32
      %mul3A_3260 = arith.muli %get3A_3258, %mul3A_3259 : i32
      %add3A_3261 = arith.addi %get3A_3252, %mul3A_3260 : i32
      %mul3A_3262 = arith.constant 4 : i32
      %mul3A_3263 = arith.muli %mul3A_3262, %add3A_3246 : i32
      %add3A_3264 = arith.constant 3 : i32
      %add3A_3265 = arith.addi %mul3A_3263, %add3A_3264 : i32
      %get3A_3266 = arith.index_cast %add3A_3265 : i32 to index
      %get3A_3267 = memref.load %arg1[%get3A_3266] : memref<120000xi32, #tpu.memory_space<smem>>
      %add3A_3268 = arith.addi %add3A_3261, %get3A_3267 : i32
      %dma_wait3A_3269 = arith.constant 0 : i32
      %dma_wait3A_3270 = tpu.memref_slice %arg3[%add3A_3268, %dma_wait3A_3269] : memref<262144x64xf32, #tpu.memory_space<any>> -> memref<1x64xf32, #tpu.memory_space<any>>
      %dma_wait3A_3271 = arith.constant 0 : i32
      %dma_wait3A_3272 = tpu.memref_slice %arg2[%add3A_3246, %dma_wait3A_3271] : memref<30000x64xf32, #tpu.memory_space<vmem>> -> memref<1x64xf32, #tpu.memory_space<vmem>>
      tpu.wait_dma2 semaphore(%arg6 : memref<!tpu.dma_semaphore, #tpu.memory_space<semaphore_mem>>) src(%dma_wait3A_3272 : memref<1x64xf32, #tpu.memory_space<vmem>>) dst(%dma_wait3A_3270 : memref<1x64xf32, #tpu.memory_space<any>>)
      %add3A_3273 = arith.constant 15 : i32
      %add3A_3274 = arith.addi %mul3A_1060, %add3A_3273 : i32
      %mul3A_3275 = arith.constant 4 : i32
      %mul3A_3276 = arith.muli %mul3A_3275, %add3A_3274 : i32
      %add3A_3277 = arith.constant 1 : i32
      %add3A_3278 = arith.addi %mul3A_3276, %add3A_3277 : i32
      %get3A_3279 = arith.index_cast %add3A_3278 : i32 to index
      %get3A_3280 = memref.load %arg1[%get3A_3279] : memref<120000xi32, #tpu.memory_space<smem>>
      %mul3A_3281 = arith.constant 4 : i32
      %mul3A_3282 = arith.muli %mul3A_3281, %add3A_3274 : i32
      %add3A_3283 = arith.constant 2 : i32
      %add3A_3284 = arith.addi %mul3A_3282, %add3A_3283 : i32
      %get3A_3285 = arith.index_cast %add3A_3284 : i32 to index
      %get3A_3286 = memref.load %arg1[%get3A_3285] : memref<120000xi32, #tpu.memory_space<smem>>
      %mul3A_3287 = arith.constant 512 : i32
      %mul3A_3288 = arith.muli %get3A_3286, %mul3A_3287 : i32
      %add3A_3289 = arith.addi %get3A_3280, %mul3A_3288 : i32
      %mul3A_3290 = arith.constant 4 : i32
      %mul3A_3291 = arith.muli %mul3A_3290, %add3A_3274 : i32
      %add3A_3292 = arith.constant 3 : i32
      %add3A_3293 = arith.addi %mul3A_3291, %add3A_3292 : i32
      %get3A_3294 = arith.index_cast %add3A_3293 : i32 to index
      %get3A_3295 = memref.load %arg1[%get3A_3294] : memref<120000xi32, #tpu.memory_space<smem>>
      %add3A_3296 = arith.addi %add3A_3289, %get3A_3295 : i32
      %dma_wait3A_3297 = arith.constant 0 : i32
      %dma_wait3A_3298 = tpu.memref_slice %arg3[%add3A_3296, %dma_wait3A_3297] : memref<262144x64xf32, #tpu.memory_space<any>> -> memref<1x64xf32, #tpu.memory_space<any>>
      %dma_wait3A_3299 = arith.constant 0 : i32
      %dma_wait3A_3300 = tpu.memref_slice %arg2[%add3A_3274, %dma_wait3A_3299] : memref<30000x64xf32, #tpu.memory_space<vmem>> -> memref<1x64xf32, #tpu.memory_space<vmem>>
      tpu.wait_dma2 semaphore(%arg6 : memref<!tpu.dma_semaphore, #tpu.memory_space<semaphore_mem>>) src(%dma_wait3A_3300 : memref<1x64xf32, #tpu.memory_space<vmem>>) dst(%dma_wait3A_3298 : memref<1x64xf32, #tpu.memory_space<any>>)
      %add3A_3301 = arith.constant 16 : i32
      %add3A_3302 = arith.addi %mul3A_1060, %add3A_3301 : i32
      %mul3A_3303 = arith.constant 4 : i32
      %mul3A_3304 = arith.muli %mul3A_3303, %add3A_3302 : i32
      %add3A_3305 = arith.constant 1 : i32
      %add3A_3306 = arith.addi %mul3A_3304, %add3A_3305 : i32
      %get3A_3307 = arith.index_cast %add3A_3306 : i32 to index
      %get3A_3308 = memref.load %arg1[%get3A_3307] : memref<120000xi32, #tpu.memory_space<smem>>
      %mul3A_3309 = arith.constant 4 : i32
      %mul3A_3310 = arith.muli %mul3A_3309, %add3A_3302 : i32
      %add3A_3311 = arith.constant 2 : i32
      %add3A_3312 = arith.addi %mul3A_3310, %add3A_3311 : i32
      %get3A_3313 = arith.index_cast %add3A_3312 : i32 to index
      %get3A_3314 = memref.load %arg1[%get3A_3313] : memref<120000xi32, #tpu.memory_space<smem>>
      %mul3A_3315 = arith.constant 512 : i32
      %mul3A_3316 = arith.muli %get3A_3314, %mul3A_3315 : i32
      %add3A_3317 = arith.addi %get3A_3308, %mul3A_3316 : i32
      %mul3A_3318 = arith.constant 4 : i32
      %mul3A_3319 = arith.muli %mul3A_3318, %add3A_3302 : i32
      %add3A_3320 = arith.constant 3 : i32
      %add3A_3321 = arith.addi %mul3A_3319, %add3A_3320 : i32
      %get3A_3322 = arith.index_cast %add3A_3321 : i32 to index
      %get3A_3323 = memref.load %arg1[%get3A_3322] : memref<120000xi32, #tpu.memory_space<smem>>
      %add3A_3324 = arith.addi %add3A_3317, %get3A_3323 : i32
      %dma_wait3A_3325 = arith.constant 0 : i32
      %dma_wait3A_3326 = tpu.memref_slice %arg3[%add3A_3324, %dma_wait3A_3325] : memref<262144x64xf32, #tpu.memory_space<any>> -> memref<1x64xf32, #tpu.memory_space<any>>
      %dma_wait3A_3327 = arith.constant 0 : i32
      %dma_wait3A_3328 = tpu.memref_slice %arg2[%add3A_3302, %dma_wait3A_3327] : memref<30000x64xf32, #tpu.memory_space<vmem>> -> memref<1x64xf32, #tpu.memory_space<vmem>>
      tpu.wait_dma2 semaphore(%arg6 : memref<!tpu.dma_semaphore, #tpu.memory_space<semaphore_mem>>) src(%dma_wait3A_3328 : memref<1x64xf32, #tpu.memory_space<vmem>>) dst(%dma_wait3A_3326 : memref<1x64xf32, #tpu.memory_space<any>>)
      %add3A_3329 = arith.constant 17 : i32
      %add3A_3330 = arith.addi %mul3A_1060, %add3A_3329 : i32
      %mul3A_3331 = arith.constant 4 : i32
      %mul3A_3332 = arith.muli %mul3A_3331, %add3A_3330 : i32
      %add3A_3333 = arith.constant 1 : i32
      %add3A_3334 = arith.addi %mul3A_3332, %add3A_3333 : i32
      %get3A_3335 = arith.index_cast %add3A_3334 : i32 to index
      %get3A_3336 = memref.load %arg1[%get3A_3335] : memref<120000xi32, #tpu.memory_space<smem>>
      %mul3A_3337 = arith.constant 4 : i32
      %mul3A_3338 = arith.muli %mul3A_3337, %add3A_3330 : i32
      %add3A_3339 = arith.constant 2 : i32
      %add3A_3340 = arith.addi %mul3A_3338, %add3A_3339 : i32
      %get3A_3341 = arith.index_cast %add3A_3340 : i32 to index
      %get3A_3342 = memref.load %arg1[%get3A_3341] : memref<120000xi32, #tpu.memory_space<smem>>
      %mul3A_3343 = arith.constant 512 : i32
      %mul3A_3344 = arith.muli %get3A_3342, %mul3A_3343 : i32
      %add3A_3345 = arith.addi %get3A_3336, %mul3A_3344 : i32
      %mul3A_3346 = arith.constant 4 : i32
      %mul3A_3347 = arith.muli %mul3A_3346, %add3A_3330 : i32
      %add3A_3348 = arith.constant 3 : i32
      %add3A_3349 = arith.addi %mul3A_3347, %add3A_3348 : i32
      %get3A_3350 = arith.index_cast %add3A_3349 : i32 to index
      %get3A_3351 = memref.load %arg1[%get3A_3350] : memref<120000xi32, #tpu.memory_space<smem>>
      %add3A_3352 = arith.addi %add3A_3345, %get3A_3351 : i32
      %dma_wait3A_3353 = arith.constant 0 : i32
      %dma_wait3A_3354 = tpu.memref_slice %arg3[%add3A_3352, %dma_wait3A_3353] : memref<262144x64xf32, #tpu.memory_space<any>> -> memref<1x64xf32, #tpu.memory_space<any>>
      %dma_wait3A_3355 = arith.constant 0 : i32
      %dma_wait3A_3356 = tpu.memref_slice %arg2[%add3A_3330, %dma_wait3A_3355] : memref<30000x64xf32, #tpu.memory_space<vmem>> -> memref<1x64xf32, #tpu.memory_space<vmem>>
      tpu.wait_dma2 semaphore(%arg6 : memref<!tpu.dma_semaphore, #tpu.memory_space<semaphore_mem>>) src(%dma_wait3A_3356 : memref<1x64xf32, #tpu.memory_space<vmem>>) dst(%dma_wait3A_3354 : memref<1x64xf32, #tpu.memory_space<any>>)
      %add3A_3357 = arith.constant 18 : i32
      %add3A_3358 = arith.addi %mul3A_1060, %add3A_3357 : i32
      %mul3A_3359 = arith.constant 4 : i32
      %mul3A_3360 = arith.muli %mul3A_3359, %add3A_3358 : i32
      %add3A_3361 = arith.constant 1 : i32
      %add3A_3362 = arith.addi %mul3A_3360, %add3A_3361 : i32
      %get3A_3363 = arith.index_cast %add3A_3362 : i32 to index
      %get3A_3364 = memref.load %arg1[%get3A_3363] : memref<120000xi32, #tpu.memory_space<smem>>
      %mul3A_3365 = arith.constant 4 : i32
      %mul3A_3366 = arith.muli %mul3A_3365, %add3A_3358 : i32
      %add3A_3367 = arith.constant 2 : i32
      %add3A_3368 = arith.addi %mul3A_3366, %add3A_3367 : i32
      %get3A_3369 = arith.index_cast %add3A_3368 : i32 to index
      %get3A_3370 = memref.load %arg1[%get3A_3369] : memref<120000xi32, #tpu.memory_space<smem>>
      %mul3A_3371 = arith.constant 512 : i32
      %mul3A_3372 = arith.muli %get3A_3370, %mul3A_3371 : i32
      %add3A_3373 = arith.addi %get3A_3364, %mul3A_3372 : i32
      %mul3A_3374 = arith.constant 4 : i32
      %mul3A_3375 = arith.muli %mul3A_3374, %add3A_3358 : i32
      %add3A_3376 = arith.constant 3 : i32
      %add3A_3377 = arith.addi %mul3A_3375, %add3A_3376 : i32
      %get3A_3378 = arith.index_cast %add3A_3377 : i32 to index
      %get3A_3379 = memref.load %arg1[%get3A_3378] : memref<120000xi32, #tpu.memory_space<smem>>
      %add3A_3380 = arith.addi %add3A_3373, %get3A_3379 : i32
      %dma_wait3A_3381 = arith.constant 0 : i32
      %dma_wait3A_3382 = tpu.memref_slice %arg3[%add3A_3380, %dma_wait3A_3381] : memref<262144x64xf32, #tpu.memory_space<any>> -> memref<1x64xf32, #tpu.memory_space<any>>
      %dma_wait3A_3383 = arith.constant 0 : i32
      %dma_wait3A_3384 = tpu.memref_slice %arg2[%add3A_3358, %dma_wait3A_3383] : memref<30000x64xf32, #tpu.memory_space<vmem>> -> memref<1x64xf32, #tpu.memory_space<vmem>>
      tpu.wait_dma2 semaphore(%arg6 : memref<!tpu.dma_semaphore, #tpu.memory_space<semaphore_mem>>) src(%dma_wait3A_3384 : memref<1x64xf32, #tpu.memory_space<vmem>>) dst(%dma_wait3A_3382 : memref<1x64xf32, #tpu.memory_space<any>>)
      %add3A_3385 = arith.constant 19 : i32
      %add3A_3386 = arith.addi %mul3A_1060, %add3A_3385 : i32
      %mul3A_3387 = arith.constant 4 : i32
      %mul3A_3388 = arith.muli %mul3A_3387, %add3A_3386 : i32
      %add3A_3389 = arith.constant 1 : i32
      %add3A_3390 = arith.addi %mul3A_3388, %add3A_3389 : i32
      %get3A_3391 = arith.index_cast %add3A_3390 : i32 to index
      %get3A_3392 = memref.load %arg1[%get3A_3391] : memref<120000xi32, #tpu.memory_space<smem>>
      %mul3A_3393 = arith.constant 4 : i32
      %mul3A_3394 = arith.muli %mul3A_3393, %add3A_3386 : i32
      %add3A_3395 = arith.constant 2 : i32
      %add3A_3396 = arith.addi %mul3A_3394, %add3A_3395 : i32
      %get3A_3397 = arith.index_cast %add3A_3396 : i32 to index
      %get3A_3398 = memref.load %arg1[%get3A_3397] : memref<120000xi32, #tpu.memory_space<smem>>
      %mul3A_3399 = arith.constant 512 : i32
      %mul3A_3400 = arith.muli %get3A_3398, %mul3A_3399 : i32
      %add3A_3401 = arith.addi %get3A_3392, %mul3A_3400 : i32
      %mul3A_3402 = arith.constant 4 : i32
      %mul3A_3403 = arith.muli %mul3A_3402, %add3A_3386 : i32
      %add3A_3404 = arith.constant 3 : i32
      %add3A_3405 = arith.addi %mul3A_3403, %add3A_3404 : i32
      %get3A_3406 = arith.index_cast %add3A_3405 : i32 to index
      %get3A_3407 = memref.load %arg1[%get3A_3406] : memref<120000xi32, #tpu.memory_space<smem>>
      %add3A_3408 = arith.addi %add3A_3401, %get3A_3407 : i32
      %dma_wait3A_3409 = arith.constant 0 : i32
      %dma_wait3A_3410 = tpu.memref_slice %arg3[%add3A_3408, %dma_wait3A_3409] : memref<262144x64xf32, #tpu.memory_space<any>> -> memref<1x64xf32, #tpu.memory_space<any>>
      %dma_wait3A_3411 = arith.constant 0 : i32
      %dma_wait3A_3412 = tpu.memref_slice %arg2[%add3A_3386, %dma_wait3A_3411] : memref<30000x64xf32, #tpu.memory_space<vmem>> -> memref<1x64xf32, #tpu.memory_space<vmem>>
      tpu.wait_dma2 semaphore(%arg6 : memref<!tpu.dma_semaphore, #tpu.memory_space<semaphore_mem>>) src(%dma_wait3A_3412 : memref<1x64xf32, #tpu.memory_space<vmem>>) dst(%dma_wait3A_3410 : memref<1x64xf32, #tpu.memory_space<any>>)
      %add3A_3413 = arith.constant 20 : i32
      %add3A_3414 = arith.addi %mul3A_1060, %add3A_3413 : i32
      %mul3A_3415 = arith.constant 4 : i32
      %mul3A_3416 = arith.muli %mul3A_3415, %add3A_3414 : i32
      %add3A_3417 = arith.constant 1 : i32
      %add3A_3418 = arith.addi %mul3A_3416, %add3A_3417 : i32
      %get3A_3419 = arith.index_cast %add3A_3418 : i32 to index
      %get3A_3420 = memref.load %arg1[%get3A_3419] : memref<120000xi32, #tpu.memory_space<smem>>
      %mul3A_3421 = arith.constant 4 : i32
      %mul3A_3422 = arith.muli %mul3A_3421, %add3A_3414 : i32
      %add3A_3423 = arith.constant 2 : i32
      %add3A_3424 = arith.addi %mul3A_3422, %add3A_3423 : i32
      %get3A_3425 = arith.index_cast %add3A_3424 : i32 to index
      %get3A_3426 = memref.load %arg1[%get3A_3425] : memref<120000xi32, #tpu.memory_space<smem>>
      %mul3A_3427 = arith.constant 512 : i32
      %mul3A_3428 = arith.muli %get3A_3426, %mul3A_3427 : i32
      %add3A_3429 = arith.addi %get3A_3420, %mul3A_3428 : i32
      %mul3A_3430 = arith.constant 4 : i32
      %mul3A_3431 = arith.muli %mul3A_3430, %add3A_3414 : i32
      %add3A_3432 = arith.constant 3 : i32
      %add3A_3433 = arith.addi %mul3A_3431, %add3A_3432 : i32
      %get3A_3434 = arith.index_cast %add3A_3433 : i32 to index
      %get3A_3435 = memref.load %arg1[%get3A_3434] : memref<120000xi32, #tpu.memory_space<smem>>
      %add3A_3436 = arith.addi %add3A_3429, %get3A_3435 : i32
      %dma_wait3A_3437 = arith.constant 0 : i32
      %dma_wait3A_3438 = tpu.memref_slice %arg3[%add3A_3436, %dma_wait3A_3437] : memref<262144x64xf32, #tpu.memory_space<any>> -> memref<1x64xf32, #tpu.memory_space<any>>
      %dma_wait3A_3439 = arith.constant 0 : i32
      %dma_wait3A_3440 = tpu.memref_slice %arg2[%add3A_3414, %dma_wait3A_3439] : memref<30000x64xf32, #tpu.memory_space<vmem>> -> memref<1x64xf32, #tpu.memory_space<vmem>>
      tpu.wait_dma2 semaphore(%arg6 : memref<!tpu.dma_semaphore, #tpu.memory_space<semaphore_mem>>) src(%dma_wait3A_3440 : memref<1x64xf32, #tpu.memory_space<vmem>>) dst(%dma_wait3A_3438 : memref<1x64xf32, #tpu.memory_space<any>>)
      %add3A_3441 = arith.constant 21 : i32
      %add3A_3442 = arith.addi %mul3A_1060, %add3A_3441 : i32
      %mul3A_3443 = arith.constant 4 : i32
      %mul3A_3444 = arith.muli %mul3A_3443, %add3A_3442 : i32
      %add3A_3445 = arith.constant 1 : i32
      %add3A_3446 = arith.addi %mul3A_3444, %add3A_3445 : i32
      %get3A_3447 = arith.index_cast %add3A_3446 : i32 to index
      %get3A_3448 = memref.load %arg1[%get3A_3447] : memref<120000xi32, #tpu.memory_space<smem>>
      %mul3A_3449 = arith.constant 4 : i32
      %mul3A_3450 = arith.muli %mul3A_3449, %add3A_3442 : i32
      %add3A_3451 = arith.constant 2 : i32
      %add3A_3452 = arith.addi %mul3A_3450, %add3A_3451 : i32
      %get3A_3453 = arith.index_cast %add3A_3452 : i32 to index
      %get3A_3454 = memref.load %arg1[%get3A_3453] : memref<120000xi32, #tpu.memory_space<smem>>
      %mul3A_3455 = arith.constant 512 : i32
      %mul3A_3456 = arith.muli %get3A_3454, %mul3A_3455 : i32
      %add3A_3457 = arith.addi %get3A_3448, %mul3A_3456 : i32
      %mul3A_3458 = arith.constant 4 : i32
      %mul3A_3459 = arith.muli %mul3A_3458, %add3A_3442 : i32
      %add3A_3460 = arith.constant 3 : i32
      %add3A_3461 = arith.addi %mul3A_3459, %add3A_3460 : i32
      %get3A_3462 = arith.index_cast %add3A_3461 : i32 to index
      %get3A_3463 = memref.load %arg1[%get3A_3462] : memref<120000xi32, #tpu.memory_space<smem>>
      %add3A_3464 = arith.addi %add3A_3457, %get3A_3463 : i32
      %dma_wait3A_3465 = arith.constant 0 : i32
      %dma_wait3A_3466 = tpu.memref_slice %arg3[%add3A_3464, %dma_wait3A_3465] : memref<262144x64xf32, #tpu.memory_space<any>> -> memref<1x64xf32, #tpu.memory_space<any>>
      %dma_wait3A_3467 = arith.constant 0 : i32
      %dma_wait3A_3468 = tpu.memref_slice %arg2[%add3A_3442, %dma_wait3A_3467] : memref<30000x64xf32, #tpu.memory_space<vmem>> -> memref<1x64xf32, #tpu.memory_space<vmem>>
      tpu.wait_dma2 semaphore(%arg6 : memref<!tpu.dma_semaphore, #tpu.memory_space<semaphore_mem>>) src(%dma_wait3A_3468 : memref<1x64xf32, #tpu.memory_space<vmem>>) dst(%dma_wait3A_3466 : memref<1x64xf32, #tpu.memory_space<any>>)
      %add3A_3469 = arith.constant 22 : i32
      %add3A_3470 = arith.addi %mul3A_1060, %add3A_3469 : i32
      %mul3A_3471 = arith.constant 4 : i32
      %mul3A_3472 = arith.muli %mul3A_3471, %add3A_3470 : i32
      %add3A_3473 = arith.constant 1 : i32
      %add3A_3474 = arith.addi %mul3A_3472, %add3A_3473 : i32
      %get3A_3475 = arith.index_cast %add3A_3474 : i32 to index
      %get3A_3476 = memref.load %arg1[%get3A_3475] : memref<120000xi32, #tpu.memory_space<smem>>
      %mul3A_3477 = arith.constant 4 : i32
      %mul3A_3478 = arith.muli %mul3A_3477, %add3A_3470 : i32
      %add3A_3479 = arith.constant 2 : i32
      %add3A_3480 = arith.addi %mul3A_3478, %add3A_3479 : i32
      %get3A_3481 = arith.index_cast %add3A_3480 : i32 to index
      %get3A_3482 = memref.load %arg1[%get3A_3481] : memref<120000xi32, #tpu.memory_space<smem>>
      %mul3A_3483 = arith.constant 512 : i32
      %mul3A_3484 = arith.muli %get3A_3482, %mul3A_3483 : i32
      %add3A_3485 = arith.addi %get3A_3476, %mul3A_3484 : i32
      %mul3A_3486 = arith.constant 4 : i32
      %mul3A_3487 = arith.muli %mul3A_3486, %add3A_3470 : i32
      %add3A_3488 = arith.constant 3 : i32
      %add3A_3489 = arith.addi %mul3A_3487, %add3A_3488 : i32
      %get3A_3490 = arith.index_cast %add3A_3489 : i32 to index
      %get3A_3491 = memref.load %arg1[%get3A_3490] : memref<120000xi32, #tpu.memory_space<smem>>
      %add3A_3492 = arith.addi %add3A_3485, %get3A_3491 : i32
      %dma_wait3A_3493 = arith.constant 0 : i32
      %dma_wait3A_3494 = tpu.memref_slice %arg3[%add3A_3492, %dma_wait3A_3493] : memref<262144x64xf32, #tpu.memory_space<any>> -> memref<1x64xf32, #tpu.memory_space<any>>
      %dma_wait3A_3495 = arith.constant 0 : i32
      %dma_wait3A_3496 = tpu.memref_slice %arg2[%add3A_3470, %dma_wait3A_3495] : memref<30000x64xf32, #tpu.memory_space<vmem>> -> memref<1x64xf32, #tpu.memory_space<vmem>>
      tpu.wait_dma2 semaphore(%arg6 : memref<!tpu.dma_semaphore, #tpu.memory_space<semaphore_mem>>) src(%dma_wait3A_3496 : memref<1x64xf32, #tpu.memory_space<vmem>>) dst(%dma_wait3A_3494 : memref<1x64xf32, #tpu.memory_space<any>>)
      %add3A_3497 = arith.constant 23 : i32
      %add3A_3498 = arith.addi %mul3A_1060, %add3A_3497 : i32
      %mul3A_3499 = arith.constant 4 : i32
      %mul3A_3500 = arith.muli %mul3A_3499, %add3A_3498 : i32
      %add3A_3501 = arith.constant 1 : i32
      %add3A_3502 = arith.addi %mul3A_3500, %add3A_3501 : i32
      %get3A_3503 = arith.index_cast %add3A_3502 : i32 to index
      %get3A_3504 = memref.load %arg1[%get3A_3503] : memref<120000xi32, #tpu.memory_space<smem>>
      %mul3A_3505 = arith.constant 4 : i32
      %mul3A_3506 = arith.muli %mul3A_3505, %add3A_3498 : i32
      %add3A_3507 = arith.constant 2 : i32
      %add3A_3508 = arith.addi %mul3A_3506, %add3A_3507 : i32
      %get3A_3509 = arith.index_cast %add3A_3508 : i32 to index
      %get3A_3510 = memref.load %arg1[%get3A_3509] : memref<120000xi32, #tpu.memory_space<smem>>
      %mul3A_3511 = arith.constant 512 : i32
      %mul3A_3512 = arith.muli %get3A_3510, %mul3A_3511 : i32
      %add3A_3513 = arith.addi %get3A_3504, %mul3A_3512 : i32
      %mul3A_3514 = arith.constant 4 : i32
      %mul3A_3515 = arith.muli %mul3A_3514, %add3A_3498 : i32
      %add3A_3516 = arith.constant 3 : i32
      %add3A_3517 = arith.addi %mul3A_3515, %add3A_3516 : i32
      %get3A_3518 = arith.index_cast %add3A_3517 : i32 to index
      %get3A_3519 = memref.load %arg1[%get3A_3518] : memref<120000xi32, #tpu.memory_space<smem>>
      %add3A_3520 = arith.addi %add3A_3513, %get3A_3519 : i32
      %dma_wait3A_3521 = arith.constant 0 : i32
      %dma_wait3A_3522 = tpu.memref_slice %arg3[%add3A_3520, %dma_wait3A_3521] : memref<262144x64xf32, #tpu.memory_space<any>> -> memref<1x64xf32, #tpu.memory_space<any>>
      %dma_wait3A_3523 = arith.constant 0 : i32
      %dma_wait3A_3524 = tpu.memref_slice %arg2[%add3A_3498, %dma_wait3A_3523] : memref<30000x64xf32, #tpu.memory_space<vmem>> -> memref<1x64xf32, #tpu.memory_space<vmem>>
      tpu.wait_dma2 semaphore(%arg6 : memref<!tpu.dma_semaphore, #tpu.memory_space<semaphore_mem>>) src(%dma_wait3A_3524 : memref<1x64xf32, #tpu.memory_space<vmem>>) dst(%dma_wait3A_3522 : memref<1x64xf32, #tpu.memory_space<any>>)
      %add3A_3525 = arith.constant 24 : i32
      %add3A_3526 = arith.addi %mul3A_1060, %add3A_3525 : i32
      %mul3A_3527 = arith.constant 4 : i32
      %mul3A_3528 = arith.muli %mul3A_3527, %add3A_3526 : i32
      %add3A_3529 = arith.constant 1 : i32
      %add3A_3530 = arith.addi %mul3A_3528, %add3A_3529 : i32
      %get3A_3531 = arith.index_cast %add3A_3530 : i32 to index
      %get3A_3532 = memref.load %arg1[%get3A_3531] : memref<120000xi32, #tpu.memory_space<smem>>
      %mul3A_3533 = arith.constant 4 : i32
      %mul3A_3534 = arith.muli %mul3A_3533, %add3A_3526 : i32
      %add3A_3535 = arith.constant 2 : i32
      %add3A_3536 = arith.addi %mul3A_3534, %add3A_3535 : i32
      %get3A_3537 = arith.index_cast %add3A_3536 : i32 to index
      %get3A_3538 = memref.load %arg1[%get3A_3537] : memref<120000xi32, #tpu.memory_space<smem>>
      %mul3A_3539 = arith.constant 512 : i32
      %mul3A_3540 = arith.muli %get3A_3538, %mul3A_3539 : i32
      %add3A_3541 = arith.addi %get3A_3532, %mul3A_3540 : i32
      %mul3A_3542 = arith.constant 4 : i32
      %mul3A_3543 = arith.muli %mul3A_3542, %add3A_3526 : i32
      %add3A_3544 = arith.constant 3 : i32
      %add3A_3545 = arith.addi %mul3A_3543, %add3A_3544 : i32
      %get3A_3546 = arith.index_cast %add3A_3545 : i32 to index
      %get3A_3547 = memref.load %arg1[%get3A_3546] : memref<120000xi32, #tpu.memory_space<smem>>
      %add3A_3548 = arith.addi %add3A_3541, %get3A_3547 : i32
      %dma_wait3A_3549 = arith.constant 0 : i32
      %dma_wait3A_3550 = tpu.memref_slice %arg3[%add3A_3548, %dma_wait3A_3549] : memref<262144x64xf32, #tpu.memory_space<any>> -> memref<1x64xf32, #tpu.memory_space<any>>
      %dma_wait3A_3551 = arith.constant 0 : i32
      %dma_wait3A_3552 = tpu.memref_slice %arg2[%add3A_3526, %dma_wait3A_3551] : memref<30000x64xf32, #tpu.memory_space<vmem>> -> memref<1x64xf32, #tpu.memory_space<vmem>>
      tpu.wait_dma2 semaphore(%arg6 : memref<!tpu.dma_semaphore, #tpu.memory_space<semaphore_mem>>) src(%dma_wait3A_3552 : memref<1x64xf32, #tpu.memory_space<vmem>>) dst(%dma_wait3A_3550 : memref<1x64xf32, #tpu.memory_space<any>>)
      %add3A_3553 = arith.constant 25 : i32
      %add3A_3554 = arith.addi %mul3A_1060, %add3A_3553 : i32
      %mul3A_3555 = arith.constant 4 : i32
      %mul3A_3556 = arith.muli %mul3A_3555, %add3A_3554 : i32
      %add3A_3557 = arith.constant 1 : i32
      %add3A_3558 = arith.addi %mul3A_3556, %add3A_3557 : i32
      %get3A_3559 = arith.index_cast %add3A_3558 : i32 to index
      %get3A_3560 = memref.load %arg1[%get3A_3559] : memref<120000xi32, #tpu.memory_space<smem>>
      %mul3A_3561 = arith.constant 4 : i32
      %mul3A_3562 = arith.muli %mul3A_3561, %add3A_3554 : i32
      %add3A_3563 = arith.constant 2 : i32
      %add3A_3564 = arith.addi %mul3A_3562, %add3A_3563 : i32
      %get3A_3565 = arith.index_cast %add3A_3564 : i32 to index
      %get3A_3566 = memref.load %arg1[%get3A_3565] : memref<120000xi32, #tpu.memory_space<smem>>
      %mul3A_3567 = arith.constant 512 : i32
      %mul3A_3568 = arith.muli %get3A_3566, %mul3A_3567 : i32
      %add3A_3569 = arith.addi %get3A_3560, %mul3A_3568 : i32
      %mul3A_3570 = arith.constant 4 : i32
      %mul3A_3571 = arith.muli %mul3A_3570, %add3A_3554 : i32
      %add3A_3572 = arith.constant 3 : i32
      %add3A_3573 = arith.addi %mul3A_3571, %add3A_3572 : i32
      %get3A_3574 = arith.index_cast %add3A_3573 : i32 to index
      %get3A_3575 = memref.load %arg1[%get3A_3574] : memref<120000xi32, #tpu.memory_space<smem>>
      %add3A_3576 = arith.addi %add3A_3569, %get3A_3575 : i32
      %dma_wait3A_3577 = arith.constant 0 : i32
      %dma_wait3A_3578 = tpu.memref_slice %arg3[%add3A_3576, %dma_wait3A_3577] : memref<262144x64xf32, #tpu.memory_space<any>> -> memref<1x64xf32, #tpu.memory_space<any>>
      %dma_wait3A_3579 = arith.constant 0 : i32
      %dma_wait3A_3580 = tpu.memref_slice %arg2[%add3A_3554, %dma_wait3A_3579] : memref<30000x64xf32, #tpu.memory_space<vmem>> -> memref<1x64xf32, #tpu.memory_space<vmem>>
      tpu.wait_dma2 semaphore(%arg6 : memref<!tpu.dma_semaphore, #tpu.memory_space<semaphore_mem>>) src(%dma_wait3A_3580 : memref<1x64xf32, #tpu.memory_space<vmem>>) dst(%dma_wait3A_3578 : memref<1x64xf32, #tpu.memory_space<any>>)
      %add3A_3581 = arith.constant 26 : i32
      %add3A_3582 = arith.addi %mul3A_1060, %add3A_3581 : i32
      %mul3A_3583 = arith.constant 4 : i32
      %mul3A_3584 = arith.muli %mul3A_3583, %add3A_3582 : i32
      %add3A_3585 = arith.constant 1 : i32
      %add3A_3586 = arith.addi %mul3A_3584, %add3A_3585 : i32
      %get3A_3587 = arith.index_cast %add3A_3586 : i32 to index
      %get3A_3588 = memref.load %arg1[%get3A_3587] : memref<120000xi32, #tpu.memory_space<smem>>
      %mul3A_3589 = arith.constant 4 : i32
      %mul3A_3590 = arith.muli %mul3A_3589, %add3A_3582 : i32
      %add3A_3591 = arith.constant 2 : i32
      %add3A_3592 = arith.addi %mul3A_3590, %add3A_3591 : i32
      %get3A_3593 = arith.index_cast %add3A_3592 : i32 to index
      %get3A_3594 = memref.load %arg1[%get3A_3593] : memref<120000xi32, #tpu.memory_space<smem>>
      %mul3A_3595 = arith.constant 512 : i32
      %mul3A_3596 = arith.muli %get3A_3594, %mul3A_3595 : i32
      %add3A_3597 = arith.addi %get3A_3588, %mul3A_3596 : i32
      %mul3A_3598 = arith.constant 4 : i32
      %mul3A_3599 = arith.muli %mul3A_3598, %add3A_3582 : i32
      %add3A_3600 = arith.constant 3 : i32
      %add3A_3601 = arith.addi %mul3A_3599, %add3A_3600 : i32
      %get3A_3602 = arith.index_cast %add3A_3601 : i32 to index
      %get3A_3603 = memref.load %arg1[%get3A_3602] : memref<120000xi32, #tpu.memory_space<smem>>
      %add3A_3604 = arith.addi %add3A_3597, %get3A_3603 : i32
      %dma_wait3A_3605 = arith.constant 0 : i32
      %dma_wait3A_3606 = tpu.memref_slice %arg3[%add3A_3604, %dma_wait3A_3605] : memref<262144x64xf32, #tpu.memory_space<any>> -> memref<1x64xf32, #tpu.memory_space<any>>
      %dma_wait3A_3607 = arith.constant 0 : i32
      %dma_wait3A_3608 = tpu.memref_slice %arg2[%add3A_3582, %dma_wait3A_3607] : memref<30000x64xf32, #tpu.memory_space<vmem>> -> memref<1x64xf32, #tpu.memory_space<vmem>>
      tpu.wait_dma2 semaphore(%arg6 : memref<!tpu.dma_semaphore, #tpu.memory_space<semaphore_mem>>) src(%dma_wait3A_3608 : memref<1x64xf32, #tpu.memory_space<vmem>>) dst(%dma_wait3A_3606 : memref<1x64xf32, #tpu.memory_space<any>>)
      %add3A_3609 = arith.constant 27 : i32
      %add3A_3610 = arith.addi %mul3A_1060, %add3A_3609 : i32
      %mul3A_3611 = arith.constant 4 : i32
      %mul3A_3612 = arith.muli %mul3A_3611, %add3A_3610 : i32
      %add3A_3613 = arith.constant 1 : i32
      %add3A_3614 = arith.addi %mul3A_3612, %add3A_3613 : i32
      %get3A_3615 = arith.index_cast %add3A_3614 : i32 to index
      %get3A_3616 = memref.load %arg1[%get3A_3615] : memref<120000xi32, #tpu.memory_space<smem>>
      %mul3A_3617 = arith.constant 4 : i32
      %mul3A_3618 = arith.muli %mul3A_3617, %add3A_3610 : i32
      %add3A_3619 = arith.constant 2 : i32
      %add3A_3620 = arith.addi %mul3A_3618, %add3A_3619 : i32
      %get3A_3621 = arith.index_cast %add3A_3620 : i32 to index
      %get3A_3622 = memref.load %arg1[%get3A_3621] : memref<120000xi32, #tpu.memory_space<smem>>
      %mul3A_3623 = arith.constant 512 : i32
      %mul3A_3624 = arith.muli %get3A_3622, %mul3A_3623 : i32
      %add3A_3625 = arith.addi %get3A_3616, %mul3A_3624 : i32
      %mul3A_3626 = arith.constant 4 : i32
      %mul3A_3627 = arith.muli %mul3A_3626, %add3A_3610 : i32
      %add3A_3628 = arith.constant 3 : i32
      %add3A_3629 = arith.addi %mul3A_3627, %add3A_3628 : i32
      %get3A_3630 = arith.index_cast %add3A_3629 : i32 to index
      %get3A_3631 = memref.load %arg1[%get3A_3630] : memref<120000xi32, #tpu.memory_space<smem>>
      %add3A_3632 = arith.addi %add3A_3625, %get3A_3631 : i32
      %dma_wait3A_3633 = arith.constant 0 : i32
      %dma_wait3A_3634 = tpu.memref_slice %arg3[%add3A_3632, %dma_wait3A_3633] : memref<262144x64xf32, #tpu.memory_space<any>> -> memref<1x64xf32, #tpu.memory_space<any>>
      %dma_wait3A_3635 = arith.constant 0 : i32
      %dma_wait3A_3636 = tpu.memref_slice %arg2[%add3A_3610, %dma_wait3A_3635] : memref<30000x64xf32, #tpu.memory_space<vmem>> -> memref<1x64xf32, #tpu.memory_space<vmem>>
      tpu.wait_dma2 semaphore(%arg6 : memref<!tpu.dma_semaphore, #tpu.memory_space<semaphore_mem>>) src(%dma_wait3A_3636 : memref<1x64xf32, #tpu.memory_space<vmem>>) dst(%dma_wait3A_3634 : memref<1x64xf32, #tpu.memory_space<any>>)
      %add3A_3637 = arith.constant 28 : i32
      %add3A_3638 = arith.addi %mul3A_1060, %add3A_3637 : i32
      %mul3A_3639 = arith.constant 4 : i32
      %mul3A_3640 = arith.muli %mul3A_3639, %add3A_3638 : i32
      %add3A_3641 = arith.constant 1 : i32
      %add3A_3642 = arith.addi %mul3A_3640, %add3A_3641 : i32
      %get3A_3643 = arith.index_cast %add3A_3642 : i32 to index
      %get3A_3644 = memref.load %arg1[%get3A_3643] : memref<120000xi32, #tpu.memory_space<smem>>
      %mul3A_3645 = arith.constant 4 : i32
      %mul3A_3646 = arith.muli %mul3A_3645, %add3A_3638 : i32
      %add3A_3647 = arith.constant 2 : i32
      %add3A_3648 = arith.addi %mul3A_3646, %add3A_3647 : i32
      %get3A_3649 = arith.index_cast %add3A_3648 : i32 to index
      %get3A_3650 = memref.load %arg1[%get3A_3649] : memref<120000xi32, #tpu.memory_space<smem>>
      %mul3A_3651 = arith.constant 512 : i32
      %mul3A_3652 = arith.muli %get3A_3650, %mul3A_3651 : i32
      %add3A_3653 = arith.addi %get3A_3644, %mul3A_3652 : i32
      %mul3A_3654 = arith.constant 4 : i32
      %mul3A_3655 = arith.muli %mul3A_3654, %add3A_3638 : i32
      %add3A_3656 = arith.constant 3 : i32
      %add3A_3657 = arith.addi %mul3A_3655, %add3A_3656 : i32
      %get3A_3658 = arith.index_cast %add3A_3657 : i32 to index
      %get3A_3659 = memref.load %arg1[%get3A_3658] : memref<120000xi32, #tpu.memory_space<smem>>
      %add3A_3660 = arith.addi %add3A_3653, %get3A_3659 : i32
      %dma_wait3A_3661 = arith.constant 0 : i32
      %dma_wait3A_3662 = tpu.memref_slice %arg3[%add3A_3660, %dma_wait3A_3661] : memref<262144x64xf32, #tpu.memory_space<any>> -> memref<1x64xf32, #tpu.memory_space<any>>
      %dma_wait3A_3663 = arith.constant 0 : i32
      %dma_wait3A_3664 = tpu.memref_slice %arg2[%add3A_3638, %dma_wait3A_3663] : memref<30000x64xf32, #tpu.memory_space<vmem>> -> memref<1x64xf32, #tpu.memory_space<vmem>>
      tpu.wait_dma2 semaphore(%arg6 : memref<!tpu.dma_semaphore, #tpu.memory_space<semaphore_mem>>) src(%dma_wait3A_3664 : memref<1x64xf32, #tpu.memory_space<vmem>>) dst(%dma_wait3A_3662 : memref<1x64xf32, #tpu.memory_space<any>>)
      %add3A_3665 = arith.constant 29 : i32
      %add3A_3666 = arith.addi %mul3A_1060, %add3A_3665 : i32
      %mul3A_3667 = arith.constant 4 : i32
      %mul3A_3668 = arith.muli %mul3A_3667, %add3A_3666 : i32
      %add3A_3669 = arith.constant 1 : i32
      %add3A_3670 = arith.addi %mul3A_3668, %add3A_3669 : i32
      %get3A_3671 = arith.index_cast %add3A_3670 : i32 to index
      %get3A_3672 = memref.load %arg1[%get3A_3671] : memref<120000xi32, #tpu.memory_space<smem>>
      %mul3A_3673 = arith.constant 4 : i32
      %mul3A_3674 = arith.muli %mul3A_3673, %add3A_3666 : i32
      %add3A_3675 = arith.constant 2 : i32
      %add3A_3676 = arith.addi %mul3A_3674, %add3A_3675 : i32
      %get3A_3677 = arith.index_cast %add3A_3676 : i32 to index
      %get3A_3678 = memref.load %arg1[%get3A_3677] : memref<120000xi32, #tpu.memory_space<smem>>
      %mul3A_3679 = arith.constant 512 : i32
      %mul3A_3680 = arith.muli %get3A_3678, %mul3A_3679 : i32
      %add3A_3681 = arith.addi %get3A_3672, %mul3A_3680 : i32
      %mul3A_3682 = arith.constant 4 : i32
      %mul3A_3683 = arith.muli %mul3A_3682, %add3A_3666 : i32
      %add3A_3684 = arith.constant 3 : i32
      %add3A_3685 = arith.addi %mul3A_3683, %add3A_3684 : i32
      %get3A_3686 = arith.index_cast %add3A_3685 : i32 to index
      %get3A_3687 = memref.load %arg1[%get3A_3686] : memref<120000xi32, #tpu.memory_space<smem>>
      %add3A_3688 = arith.addi %add3A_3681, %get3A_3687 : i32
      %dma_wait3A_3689 = arith.constant 0 : i32
      %dma_wait3A_3690 = tpu.memref_slice %arg3[%add3A_3688, %dma_wait3A_3689] : memref<262144x64xf32, #tpu.memory_space<any>> -> memref<1x64xf32, #tpu.memory_space<any>>
      %dma_wait3A_3691 = arith.constant 0 : i32
      %dma_wait3A_3692 = tpu.memref_slice %arg2[%add3A_3666, %dma_wait3A_3691] : memref<30000x64xf32, #tpu.memory_space<vmem>> -> memref<1x64xf32, #tpu.memory_space<vmem>>
      tpu.wait_dma2 semaphore(%arg6 : memref<!tpu.dma_semaphore, #tpu.memory_space<semaphore_mem>>) src(%dma_wait3A_3692 : memref<1x64xf32, #tpu.memory_space<vmem>>) dst(%dma_wait3A_3690 : memref<1x64xf32, #tpu.memory_space<any>>)
      %add3A_3693 = arith.constant 30 : i32
      %add3A_3694 = arith.addi %mul3A_1060, %add3A_3693 : i32
      %mul3A_3695 = arith.constant 4 : i32
      %mul3A_3696 = arith.muli %mul3A_3695, %add3A_3694 : i32
      %add3A_3697 = arith.constant 1 : i32
      %add3A_3698 = arith.addi %mul3A_3696, %add3A_3697 : i32
      %get3A_3699 = arith.index_cast %add3A_3698 : i32 to index
      %get3A_3700 = memref.load %arg1[%get3A_3699] : memref<120000xi32, #tpu.memory_space<smem>>
      %mul3A_3701 = arith.constant 4 : i32
      %mul3A_3702 = arith.muli %mul3A_3701, %add3A_3694 : i32
      %add3A_3703 = arith.constant 2 : i32
      %add3A_3704 = arith.addi %mul3A_3702, %add3A_3703 : i32
      %get3A_3705 = arith.index_cast %add3A_3704 : i32 to index
      %get3A_3706 = memref.load %arg1[%get3A_3705] : memref<120000xi32, #tpu.memory_space<smem>>
      %mul3A_3707 = arith.constant 512 : i32
      %mul3A_3708 = arith.muli %get3A_3706, %mul3A_3707 : i32
      %add3A_3709 = arith.addi %get3A_3700, %mul3A_3708 : i32
      %mul3A_3710 = arith.constant 4 : i32
      %mul3A_3711 = arith.muli %mul3A_3710, %add3A_3694 : i32
      %add3A_3712 = arith.constant 3 : i32
      %add3A_3713 = arith.addi %mul3A_3711, %add3A_3712 : i32
      %get3A_3714 = arith.index_cast %add3A_3713 : i32 to index
      %get3A_3715 = memref.load %arg1[%get3A_3714] : memref<120000xi32, #tpu.memory_space<smem>>
      %add3A_3716 = arith.addi %add3A_3709, %get3A_3715 : i32
      %dma_wait3A_3717 = arith.constant 0 : i32
      %dma_wait3A_3718 = tpu.memref_slice %arg3[%add3A_3716, %dma_wait3A_3717] : memref<262144x64xf32, #tpu.memory_space<any>> -> memref<1x64xf32, #tpu.memory_space<any>>
      %dma_wait3A_3719 = arith.constant 0 : i32
      %dma_wait3A_3720 = tpu.memref_slice %arg2[%add3A_3694, %dma_wait3A_3719] : memref<30000x64xf32, #tpu.memory_space<vmem>> -> memref<1x64xf32, #tpu.memory_space<vmem>>
      tpu.wait_dma2 semaphore(%arg6 : memref<!tpu.dma_semaphore, #tpu.memory_space<semaphore_mem>>) src(%dma_wait3A_3720 : memref<1x64xf32, #tpu.memory_space<vmem>>) dst(%dma_wait3A_3718 : memref<1x64xf32, #tpu.memory_space<any>>)
      %add3A_3721 = arith.constant 31 : i32
      %add3A_3722 = arith.addi %mul3A_1060, %add3A_3721 : i32
      %mul3A_3723 = arith.constant 4 : i32
      %mul3A_3724 = arith.muli %mul3A_3723, %add3A_3722 : i32
      %add3A_3725 = arith.constant 1 : i32
      %add3A_3726 = arith.addi %mul3A_3724, %add3A_3725 : i32
      %get3A_3727 = arith.index_cast %add3A_3726 : i32 to index
      %get3A_3728 = memref.load %arg1[%get3A_3727] : memref<120000xi32, #tpu.memory_space<smem>>
      %mul3A_3729 = arith.constant 4 : i32
      %mul3A_3730 = arith.muli %mul3A_3729, %add3A_3722 : i32
      %add3A_3731 = arith.constant 2 : i32
      %add3A_3732 = arith.addi %mul3A_3730, %add3A_3731 : i32
      %get3A_3733 = arith.index_cast %add3A_3732 : i32 to index
      %get3A_3734 = memref.load %arg1[%get3A_3733] : memref<120000xi32, #tpu.memory_space<smem>>
      %mul3A_3735 = arith.constant 512 : i32
      %mul3A_3736 = arith.muli %get3A_3734, %mul3A_3735 : i32
      %add3A_3737 = arith.addi %get3A_3728, %mul3A_3736 : i32
      %mul3A_3738 = arith.constant 4 : i32
      %mul3A_3739 = arith.muli %mul3A_3738, %add3A_3722 : i32
      %add3A_3740 = arith.constant 3 : i32
      %add3A_3741 = arith.addi %mul3A_3739, %add3A_3740 : i32
      %get3A_3742 = arith.index_cast %add3A_3741 : i32 to index
      %get3A_3743 = memref.load %arg1[%get3A_3742] : memref<120000xi32, #tpu.memory_space<smem>>
      %add3A_3744 = arith.addi %add3A_3737, %get3A_3743 : i32
      %dma_wait3A_3745 = arith.constant 0 : i32
      %dma_wait3A_3746 = tpu.memref_slice %arg3[%add3A_3744, %dma_wait3A_3745] : memref<262144x64xf32, #tpu.memory_space<any>> -> memref<1x64xf32, #tpu.memory_space<any>>
      %dma_wait3A_3747 = arith.constant 0 : i32
      %dma_wait3A_3748 = tpu.memref_slice %arg2[%add3A_3722, %dma_wait3A_3747] : memref<30000x64xf32, #tpu.memory_space<vmem>> -> memref<1x64xf32, #tpu.memory_space<vmem>>
      tpu.wait_dma2 semaphore(%arg6 : memref<!tpu.dma_semaphore, #tpu.memory_space<semaphore_mem>>) src(%dma_wait3A_3748 : memref<1x64xf32, #tpu.memory_space<vmem>>) dst(%dma_wait3A_3746 : memref<1x64xf32, #tpu.memory_space<any>>)
      %add3A_3749 = arith.constant 32 : i32
      %add3A_3750 = arith.addi %mul3A_1060, %add3A_3749 : i32
      %mul3A_3751 = arith.constant 4 : i32
      %mul3A_3752 = arith.muli %mul3A_3751, %add3A_3750 : i32
      %add3A_3753 = arith.constant 1 : i32
      %add3A_3754 = arith.addi %mul3A_3752, %add3A_3753 : i32
      %get3A_3755 = arith.index_cast %add3A_3754 : i32 to index
      %get3A_3756 = memref.load %arg1[%get3A_3755] : memref<120000xi32, #tpu.memory_space<smem>>
      %mul3A_3757 = arith.constant 4 : i32
      %mul3A_3758 = arith.muli %mul3A_3757, %add3A_3750 : i32
      %add3A_3759 = arith.constant 2 : i32
      %add3A_3760 = arith.addi %mul3A_3758, %add3A_3759 : i32
      %get3A_3761 = arith.index_cast %add3A_3760 : i32 to index
      %get3A_3762 = memref.load %arg1[%get3A_3761] : memref<120000xi32, #tpu.memory_space<smem>>
      %mul3A_3763 = arith.constant 512 : i32
      %mul3A_3764 = arith.muli %get3A_3762, %mul3A_3763 : i32
      %add3A_3765 = arith.addi %get3A_3756, %mul3A_3764 : i32
      %mul3A_3766 = arith.constant 4 : i32
      %mul3A_3767 = arith.muli %mul3A_3766, %add3A_3750 : i32
      %add3A_3768 = arith.constant 3 : i32
      %add3A_3769 = arith.addi %mul3A_3767, %add3A_3768 : i32
      %get3A_3770 = arith.index_cast %add3A_3769 : i32 to index
      %get3A_3771 = memref.load %arg1[%get3A_3770] : memref<120000xi32, #tpu.memory_space<smem>>
      %add3A_3772 = arith.addi %add3A_3765, %get3A_3771 : i32
      %dma_wait3A_3773 = arith.constant 0 : i32
      %dma_wait3A_3774 = tpu.memref_slice %arg3[%add3A_3772, %dma_wait3A_3773] : memref<262144x64xf32, #tpu.memory_space<any>> -> memref<1x64xf32, #tpu.memory_space<any>>
      %dma_wait3A_3775 = arith.constant 0 : i32
      %dma_wait3A_3776 = tpu.memref_slice %arg2[%add3A_3750, %dma_wait3A_3775] : memref<30000x64xf32, #tpu.memory_space<vmem>> -> memref<1x64xf32, #tpu.memory_space<vmem>>
      tpu.wait_dma2 semaphore(%arg6 : memref<!tpu.dma_semaphore, #tpu.memory_space<semaphore_mem>>) src(%dma_wait3A_3776 : memref<1x64xf32, #tpu.memory_space<vmem>>) dst(%dma_wait3A_3774 : memref<1x64xf32, #tpu.memory_space<any>>)
      %add3A_3777 = arith.constant 33 : i32
      %add3A_3778 = arith.addi %mul3A_1060, %add3A_3777 : i32
      %mul3A_3779 = arith.constant 4 : i32
      %mul3A_3780 = arith.muli %mul3A_3779, %add3A_3778 : i32
      %add3A_3781 = arith.constant 1 : i32
      %add3A_3782 = arith.addi %mul3A_3780, %add3A_3781 : i32
      %get3A_3783 = arith.index_cast %add3A_3782 : i32 to index
      %get3A_3784 = memref.load %arg1[%get3A_3783] : memref<120000xi32, #tpu.memory_space<smem>>
      %mul3A_3785 = arith.constant 4 : i32
      %mul3A_3786 = arith.muli %mul3A_3785, %add3A_3778 : i32
      %add3A_3787 = arith.constant 2 : i32
      %add3A_3788 = arith.addi %mul3A_3786, %add3A_3787 : i32
      %get3A_3789 = arith.index_cast %add3A_3788 : i32 to index
      %get3A_3790 = memref.load %arg1[%get3A_3789] : memref<120000xi32, #tpu.memory_space<smem>>
      %mul3A_3791 = arith.constant 512 : i32
      %mul3A_3792 = arith.muli %get3A_3790, %mul3A_3791 : i32
      %add3A_3793 = arith.addi %get3A_3784, %mul3A_3792 : i32
      %mul3A_3794 = arith.constant 4 : i32
      %mul3A_3795 = arith.muli %mul3A_3794, %add3A_3778 : i32
      %add3A_3796 = arith.constant 3 : i32
      %add3A_3797 = arith.addi %mul3A_3795, %add3A_3796 : i32
      %get3A_3798 = arith.index_cast %add3A_3797 : i32 to index
      %get3A_3799 = memref.load %arg1[%get3A_3798] : memref<120000xi32, #tpu.memory_space<smem>>
      %add3A_3800 = arith.addi %add3A_3793, %get3A_3799 : i32
      %dma_wait3A_3801 = arith.constant 0 : i32
      %dma_wait3A_3802 = tpu.memref_slice %arg3[%add3A_3800, %dma_wait3A_3801] : memref<262144x64xf32, #tpu.memory_space<any>> -> memref<1x64xf32, #tpu.memory_space<any>>
      %dma_wait3A_3803 = arith.constant 0 : i32
      %dma_wait3A_3804 = tpu.memref_slice %arg2[%add3A_3778, %dma_wait3A_3803] : memref<30000x64xf32, #tpu.memory_space<vmem>> -> memref<1x64xf32, #tpu.memory_space<vmem>>
      tpu.wait_dma2 semaphore(%arg6 : memref<!tpu.dma_semaphore, #tpu.memory_space<semaphore_mem>>) src(%dma_wait3A_3804 : memref<1x64xf32, #tpu.memory_space<vmem>>) dst(%dma_wait3A_3802 : memref<1x64xf32, #tpu.memory_space<any>>)
      %add3A_3805 = arith.constant 34 : i32
      %add3A_3806 = arith.addi %mul3A_1060, %add3A_3805 : i32
      %mul3A_3807 = arith.constant 4 : i32
      %mul3A_3808 = arith.muli %mul3A_3807, %add3A_3806 : i32
      %add3A_3809 = arith.constant 1 : i32
      %add3A_3810 = arith.addi %mul3A_3808, %add3A_3809 : i32
      %get3A_3811 = arith.index_cast %add3A_3810 : i32 to index
      %get3A_3812 = memref.load %arg1[%get3A_3811] : memref<120000xi32, #tpu.memory_space<smem>>
      %mul3A_3813 = arith.constant 4 : i32
      %mul3A_3814 = arith.muli %mul3A_3813, %add3A_3806 : i32
      %add3A_3815 = arith.constant 2 : i32
      %add3A_3816 = arith.addi %mul3A_3814, %add3A_3815 : i32
      %get3A_3817 = arith.index_cast %add3A_3816 : i32 to index
      %get3A_3818 = memref.load %arg1[%get3A_3817] : memref<120000xi32, #tpu.memory_space<smem>>
      %mul3A_3819 = arith.constant 512 : i32
      %mul3A_3820 = arith.muli %get3A_3818, %mul3A_3819 : i32
      %add3A_3821 = arith.addi %get3A_3812, %mul3A_3820 : i32
      %mul3A_3822 = arith.constant 4 : i32
      %mul3A_3823 = arith.muli %mul3A_3822, %add3A_3806 : i32
      %add3A_3824 = arith.constant 3 : i32
      %add3A_3825 = arith.addi %mul3A_3823, %add3A_3824 : i32
      %get3A_3826 = arith.index_cast %add3A_3825 : i32 to index
      %get3A_3827 = memref.load %arg1[%get3A_3826] : memref<120000xi32, #tpu.memory_space<smem>>
      %add3A_3828 = arith.addi %add3A_3821, %get3A_3827 : i32
      %dma_wait3A_3829 = arith.constant 0 : i32
      %dma_wait3A_3830 = tpu.memref_slice %arg3[%add3A_3828, %dma_wait3A_3829] : memref<262144x64xf32, #tpu.memory_space<any>> -> memref<1x64xf32, #tpu.memory_space<any>>
      %dma_wait3A_3831 = arith.constant 0 : i32
      %dma_wait3A_3832 = tpu.memref_slice %arg2[%add3A_3806, %dma_wait3A_3831] : memref<30000x64xf32, #tpu.memory_space<vmem>> -> memref<1x64xf32, #tpu.memory_space<vmem>>
      tpu.wait_dma2 semaphore(%arg6 : memref<!tpu.dma_semaphore, #tpu.memory_space<semaphore_mem>>) src(%dma_wait3A_3832 : memref<1x64xf32, #tpu.memory_space<vmem>>) dst(%dma_wait3A_3830 : memref<1x64xf32, #tpu.memory_space<any>>)
      %add3A_3833 = arith.constant 35 : i32
      %add3A_3834 = arith.addi %mul3A_1060, %add3A_3833 : i32
      %mul3A_3835 = arith.constant 4 : i32
      %mul3A_3836 = arith.muli %mul3A_3835, %add3A_3834 : i32
      %add3A_3837 = arith.constant 1 : i32
      %add3A_3838 = arith.addi %mul3A_3836, %add3A_3837 : i32
      %get3A_3839 = arith.index_cast %add3A_3838 : i32 to index
      %get3A_3840 = memref.load %arg1[%get3A_3839] : memref<120000xi32, #tpu.memory_space<smem>>
      %mul3A_3841 = arith.constant 4 : i32
      %mul3A_3842 = arith.muli %mul3A_3841, %add3A_3834 : i32
      %add3A_3843 = arith.constant 2 : i32
      %add3A_3844 = arith.addi %mul3A_3842, %add3A_3843 : i32
      %get3A_3845 = arith.index_cast %add3A_3844 : i32 to index
      %get3A_3846 = memref.load %arg1[%get3A_3845] : memref<120000xi32, #tpu.memory_space<smem>>
      %mul3A_3847 = arith.constant 512 : i32
      %mul3A_3848 = arith.muli %get3A_3846, %mul3A_3847 : i32
      %add3A_3849 = arith.addi %get3A_3840, %mul3A_3848 : i32
      %mul3A_3850 = arith.constant 4 : i32
      %mul3A_3851 = arith.muli %mul3A_3850, %add3A_3834 : i32
      %add3A_3852 = arith.constant 3 : i32
      %add3A_3853 = arith.addi %mul3A_3851, %add3A_3852 : i32
      %get3A_3854 = arith.index_cast %add3A_3853 : i32 to index
      %get3A_3855 = memref.load %arg1[%get3A_3854] : memref<120000xi32, #tpu.memory_space<smem>>
      %add3A_3856 = arith.addi %add3A_3849, %get3A_3855 : i32
      %dma_wait3A_3857 = arith.constant 0 : i32
      %dma_wait3A_3858 = tpu.memref_slice %arg3[%add3A_3856, %dma_wait3A_3857] : memref<262144x64xf32, #tpu.memory_space<any>> -> memref<1x64xf32, #tpu.memory_space<any>>
      %dma_wait3A_3859 = arith.constant 0 : i32
      %dma_wait3A_3860 = tpu.memref_slice %arg2[%add3A_3834, %dma_wait3A_3859] : memref<30000x64xf32, #tpu.memory_space<vmem>> -> memref<1x64xf32, #tpu.memory_space<vmem>>
      tpu.wait_dma2 semaphore(%arg6 : memref<!tpu.dma_semaphore, #tpu.memory_space<semaphore_mem>>) src(%dma_wait3A_3860 : memref<1x64xf32, #tpu.memory_space<vmem>>) dst(%dma_wait3A_3858 : memref<1x64xf32, #tpu.memory_space<any>>)
      %add3A_3861 = arith.constant 36 : i32
      %add3A_3862 = arith.addi %mul3A_1060, %add3A_3861 : i32
      %mul3A_3863 = arith.constant 4 : i32
      %mul3A_3864 = arith.muli %mul3A_3863, %add3A_3862 : i32
      %add3A_3865 = arith.constant 1 : i32
      %add3A_3866 = arith.addi %mul3A_3864, %add3A_3865 : i32
      %get3A_3867 = arith.index_cast %add3A_3866 : i32 to index
      %get3A_3868 = memref.load %arg1[%get3A_3867] : memref<120000xi32, #tpu.memory_space<smem>>
      %mul3A_3869 = arith.constant 4 : i32
      %mul3A_3870 = arith.muli %mul3A_3869, %add3A_3862 : i32
      %add3A_3871 = arith.constant 2 : i32
      %add3A_3872 = arith.addi %mul3A_3870, %add3A_3871 : i32
      %get3A_3873 = arith.index_cast %add3A_3872 : i32 to index
      %get3A_3874 = memref.load %arg1[%get3A_3873] : memref<120000xi32, #tpu.memory_space<smem>>
      %mul3A_3875 = arith.constant 512 : i32
      %mul3A_3876 = arith.muli %get3A_3874, %mul3A_3875 : i32
      %add3A_3877 = arith.addi %get3A_3868, %mul3A_3876 : i32
      %mul3A_3878 = arith.constant 4 : i32
      %mul3A_3879 = arith.muli %mul3A_3878, %add3A_3862 : i32
      %add3A_3880 = arith.constant 3 : i32
      %add3A_3881 = arith.addi %mul3A_3879, %add3A_3880 : i32
      %get3A_3882 = arith.index_cast %add3A_3881 : i32 to index
      %get3A_3883 = memref.load %arg1[%get3A_3882] : memref<120000xi32, #tpu.memory_space<smem>>
      %add3A_3884 = arith.addi %add3A_3877, %get3A_3883 : i32
      %dma_wait3A_3885 = arith.constant 0 : i32
      %dma_wait3A_3886 = tpu.memref_slice %arg3[%add3A_3884, %dma_wait3A_3885] : memref<262144x64xf32, #tpu.memory_space<any>> -> memref<1x64xf32, #tpu.memory_space<any>>
      %dma_wait3A_3887 = arith.constant 0 : i32
      %dma_wait3A_3888 = tpu.memref_slice %arg2[%add3A_3862, %dma_wait3A_3887] : memref<30000x64xf32, #tpu.memory_space<vmem>> -> memref<1x64xf32, #tpu.memory_space<vmem>>
      tpu.wait_dma2 semaphore(%arg6 : memref<!tpu.dma_semaphore, #tpu.memory_space<semaphore_mem>>) src(%dma_wait3A_3888 : memref<1x64xf32, #tpu.memory_space<vmem>>) dst(%dma_wait3A_3886 : memref<1x64xf32, #tpu.memory_space<any>>)
      %add3A_3889 = arith.constant 37 : i32
      %add3A_3890 = arith.addi %mul3A_1060, %add3A_3889 : i32
      %mul3A_3891 = arith.constant 4 : i32
      %mul3A_3892 = arith.muli %mul3A_3891, %add3A_3890 : i32
      %add3A_3893 = arith.constant 1 : i32
      %add3A_3894 = arith.addi %mul3A_3892, %add3A_3893 : i32
      %get3A_3895 = arith.index_cast %add3A_3894 : i32 to index
      %get3A_3896 = memref.load %arg1[%get3A_3895] : memref<120000xi32, #tpu.memory_space<smem>>
      %mul3A_3897 = arith.constant 4 : i32
      %mul3A_3898 = arith.muli %mul3A_3897, %add3A_3890 : i32
      %add3A_3899 = arith.constant 2 : i32
      %add3A_3900 = arith.addi %mul3A_3898, %add3A_3899 : i32
      %get3A_3901 = arith.index_cast %add3A_3900 : i32 to index
      %get3A_3902 = memref.load %arg1[%get3A_3901] : memref<120000xi32, #tpu.memory_space<smem>>
      %mul3A_3903 = arith.constant 512 : i32
      %mul3A_3904 = arith.muli %get3A_3902, %mul3A_3903 : i32
      %add3A_3905 = arith.addi %get3A_3896, %mul3A_3904 : i32
      %mul3A_3906 = arith.constant 4 : i32
      %mul3A_3907 = arith.muli %mul3A_3906, %add3A_3890 : i32
      %add3A_3908 = arith.constant 3 : i32
      %add3A_3909 = arith.addi %mul3A_3907, %add3A_3908 : i32
      %get3A_3910 = arith.index_cast %add3A_3909 : i32 to index
      %get3A_3911 = memref.load %arg1[%get3A_3910] : memref<120000xi32, #tpu.memory_space<smem>>
      %add3A_3912 = arith.addi %add3A_3905, %get3A_3911 : i32
      %dma_wait3A_3913 = arith.constant 0 : i32
      %dma_wait3A_3914 = tpu.memref_slice %arg3[%add3A_3912, %dma_wait3A_3913] : memref<262144x64xf32, #tpu.memory_space<any>> -> memref<1x64xf32, #tpu.memory_space<any>>
      %dma_wait3A_3915 = arith.constant 0 : i32
      %dma_wait3A_3916 = tpu.memref_slice %arg2[%add3A_3890, %dma_wait3A_3915] : memref<30000x64xf32, #tpu.memory_space<vmem>> -> memref<1x64xf32, #tpu.memory_space<vmem>>
      tpu.wait_dma2 semaphore(%arg6 : memref<!tpu.dma_semaphore, #tpu.memory_space<semaphore_mem>>) src(%dma_wait3A_3916 : memref<1x64xf32, #tpu.memory_space<vmem>>) dst(%dma_wait3A_3914 : memref<1x64xf32, #tpu.memory_space<any>>)
      %add3A_3917 = arith.constant 38 : i32
      %add3A_3918 = arith.addi %mul3A_1060, %add3A_3917 : i32
      %mul3A_3919 = arith.constant 4 : i32
      %mul3A_3920 = arith.muli %mul3A_3919, %add3A_3918 : i32
      %add3A_3921 = arith.constant 1 : i32
      %add3A_3922 = arith.addi %mul3A_3920, %add3A_3921 : i32
      %get3A_3923 = arith.index_cast %add3A_3922 : i32 to index
      %get3A_3924 = memref.load %arg1[%get3A_3923] : memref<120000xi32, #tpu.memory_space<smem>>
      %mul3A_3925 = arith.constant 4 : i32
      %mul3A_3926 = arith.muli %mul3A_3925, %add3A_3918 : i32
      %add3A_3927 = arith.constant 2 : i32
      %add3A_3928 = arith.addi %mul3A_3926, %add3A_3927 : i32
      %get3A_3929 = arith.index_cast %add3A_3928 : i32 to index
      %get3A_3930 = memref.load %arg1[%get3A_3929] : memref<120000xi32, #tpu.memory_space<smem>>
      %mul3A_3931 = arith.constant 512 : i32
      %mul3A_3932 = arith.muli %get3A_3930, %mul3A_3931 : i32
      %add3A_3933 = arith.addi %get3A_3924, %mul3A_3932 : i32
      %mul3A_3934 = arith.constant 4 : i32
      %mul3A_3935 = arith.muli %mul3A_3934, %add3A_3918 : i32
      %add3A_3936 = arith.constant 3 : i32
      %add3A_3937 = arith.addi %mul3A_3935, %add3A_3936 : i32
      %get3A_3938 = arith.index_cast %add3A_3937 : i32 to index
      %get3A_3939 = memref.load %arg1[%get3A_3938] : memref<120000xi32, #tpu.memory_space<smem>>
      %add3A_3940 = arith.addi %add3A_3933, %get3A_3939 : i32
      %dma_wait3A_3941 = arith.constant 0 : i32
      %dma_wait3A_3942 = tpu.memref_slice %arg3[%add3A_3940, %dma_wait3A_3941] : memref<262144x64xf32, #tpu.memory_space<any>> -> memref<1x64xf32, #tpu.memory_space<any>>
      %dma_wait3A_3943 = arith.constant 0 : i32
      %dma_wait3A_3944 = tpu.memref_slice %arg2[%add3A_3918, %dma_wait3A_3943] : memref<30000x64xf32, #tpu.memory_space<vmem>> -> memref<1x64xf32, #tpu.memory_space<vmem>>
      tpu.wait_dma2 semaphore(%arg6 : memref<!tpu.dma_semaphore, #tpu.memory_space<semaphore_mem>>) src(%dma_wait3A_3944 : memref<1x64xf32, #tpu.memory_space<vmem>>) dst(%dma_wait3A_3942 : memref<1x64xf32, #tpu.memory_space<any>>)
      %add3A_3945 = arith.constant 39 : i32
      %add3A_3946 = arith.addi %mul3A_1060, %add3A_3945 : i32
      %mul3A_3947 = arith.constant 4 : i32
      %mul3A_3948 = arith.muli %mul3A_3947, %add3A_3946 : i32
      %add3A_3949 = arith.constant 1 : i32
      %add3A_3950 = arith.addi %mul3A_3948, %add3A_3949 : i32
      %get3A_3951 = arith.index_cast %add3A_3950 : i32 to index
      %get3A_3952 = memref.load %arg1[%get3A_3951] : memref<120000xi32, #tpu.memory_space<smem>>
      %mul3A_3953 = arith.constant 4 : i32
      %mul3A_3954 = arith.muli %mul3A_3953, %add3A_3946 : i32
      %add3A_3955 = arith.constant 2 : i32
      %add3A_3956 = arith.addi %mul3A_3954, %add3A_3955 : i32
      %get3A_3957 = arith.index_cast %add3A_3956 : i32 to index
      %get3A_3958 = memref.load %arg1[%get3A_3957] : memref<120000xi32, #tpu.memory_space<smem>>
      %mul3A_3959 = arith.constant 512 : i32
      %mul3A_3960 = arith.muli %get3A_3958, %mul3A_3959 : i32
      %add3A_3961 = arith.addi %get3A_3952, %mul3A_3960 : i32
      %mul3A_3962 = arith.constant 4 : i32
      %mul3A_3963 = arith.muli %mul3A_3962, %add3A_3946 : i32
      %add3A_3964 = arith.constant 3 : i32
      %add3A_3965 = arith.addi %mul3A_3963, %add3A_3964 : i32
      %get3A_3966 = arith.index_cast %add3A_3965 : i32 to index
      %get3A_3967 = memref.load %arg1[%get3A_3966] : memref<120000xi32, #tpu.memory_space<smem>>
      %add3A_3968 = arith.addi %add3A_3961, %get3A_3967 : i32
      %dma_wait3A_3969 = arith.constant 0 : i32
      %dma_wait3A_3970 = tpu.memref_slice %arg3[%add3A_3968, %dma_wait3A_3969] : memref<262144x64xf32, #tpu.memory_space<any>> -> memref<1x64xf32, #tpu.memory_space<any>>
      %dma_wait3A_3971 = arith.constant 0 : i32
      %dma_wait3A_3972 = tpu.memref_slice %arg2[%add3A_3946, %dma_wait3A_3971] : memref<30000x64xf32, #tpu.memory_space<vmem>> -> memref<1x64xf32, #tpu.memory_space<vmem>>
      tpu.wait_dma2 semaphore(%arg6 : memref<!tpu.dma_semaphore, #tpu.memory_space<semaphore_mem>>) src(%dma_wait3A_3972 : memref<1x64xf32, #tpu.memory_space<vmem>>) dst(%dma_wait3A_3970 : memref<1x64xf32, #tpu.memory_space<any>>)
      %add3A_3973 = arith.constant 40 : i32
      %add3A_3974 = arith.addi %mul3A_1060, %add3A_3973 : i32
      %mul3A_3975 = arith.constant 4 : i32
      %mul3A_3976 = arith.muli %mul3A_3975, %add3A_3974 : i32
      %add3A_3977 = arith.constant 1 : i32
      %add3A_3978 = arith.addi %mul3A_3976, %add3A_3977 : i32
      %get3A_3979 = arith.index_cast %add3A_3978 : i32 to index
      %get3A_3980 = memref.load %arg1[%get3A_3979] : memref<120000xi32, #tpu.memory_space<smem>>
      %mul3A_3981 = arith.constant 4 : i32
      %mul3A_3982 = arith.muli %mul3A_3981, %add3A_3974 : i32
      %add3A_3983 = arith.constant 2 : i32
      %add3A_3984 = arith.addi %mul3A_3982, %add3A_3983 : i32
      %get3A_3985 = arith.index_cast %add3A_3984 : i32 to index
      %get3A_3986 = memref.load %arg1[%get3A_3985] : memref<120000xi32, #tpu.memory_space<smem>>
      %mul3A_3987 = arith.constant 512 : i32
      %mul3A_3988 = arith.muli %get3A_3986, %mul3A_3987 : i32
      %add3A_3989 = arith.addi %get3A_3980, %mul3A_3988 : i32
      %mul3A_3990 = arith.constant 4 : i32
      %mul3A_3991 = arith.muli %mul3A_3990, %add3A_3974 : i32
      %add3A_3992 = arith.constant 3 : i32
      %add3A_3993 = arith.addi %mul3A_3991, %add3A_3992 : i32
      %get3A_3994 = arith.index_cast %add3A_3993 : i32 to index
      %get3A_3995 = memref.load %arg1[%get3A_3994] : memref<120000xi32, #tpu.memory_space<smem>>
      %add3A_3996 = arith.addi %add3A_3989, %get3A_3995 : i32
      %dma_wait3A_3997 = arith.constant 0 : i32
      %dma_wait3A_3998 = tpu.memref_slice %arg3[%add3A_3996, %dma_wait3A_3997] : memref<262144x64xf32, #tpu.memory_space<any>> -> memref<1x64xf32, #tpu.memory_space<any>>
      %dma_wait3A_3999 = arith.constant 0 : i32
      %dma_wait3A_4000 = tpu.memref_slice %arg2[%add3A_3974, %dma_wait3A_3999] : memref<30000x64xf32, #tpu.memory_space<vmem>> -> memref<1x64xf32, #tpu.memory_space<vmem>>
      tpu.wait_dma2 semaphore(%arg6 : memref<!tpu.dma_semaphore, #tpu.memory_space<semaphore_mem>>) src(%dma_wait3A_4000 : memref<1x64xf32, #tpu.memory_space<vmem>>) dst(%dma_wait3A_3998 : memref<1x64xf32, #tpu.memory_space<any>>)
      %add3A_4001 = arith.constant 41 : i32
      %add3A_4002 = arith.addi %mul3A_1060, %add3A_4001 : i32
      %mul3A_4003 = arith.constant 4 : i32
      %mul3A_4004 = arith.muli %mul3A_4003, %add3A_4002 : i32
      %add3A_4005 = arith.constant 1 : i32
      %add3A_4006 = arith.addi %mul3A_4004, %add3A_4005 : i32
      %get3A_4007 = arith.index_cast %add3A_4006 : i32 to index
      %get3A_4008 = memref.load %arg1[%get3A_4007] : memref<120000xi32, #tpu.memory_space<smem>>
      %mul3A_4009 = arith.constant 4 : i32
      %mul3A_4010 = arith.muli %mul3A_4009, %add3A_4002 : i32
      %add3A_4011 = arith.constant 2 : i32
      %add3A_4012 = arith.addi %mul3A_4010, %add3A_4011 : i32
      %get3A_4013 = arith.index_cast %add3A_4012 : i32 to index
      %get3A_4014 = memref.load %arg1[%get3A_4013] : memref<120000xi32, #tpu.memory_space<smem>>
      %mul3A_4015 = arith.constant 512 : i32
      %mul3A_4016 = arith.muli %get3A_4014, %mul3A_4015 : i32
      %add3A_4017 = arith.addi %get3A_4008, %mul3A_4016 : i32
      %mul3A_4018 = arith.constant 4 : i32
      %mul3A_4019 = arith.muli %mul3A_4018, %add3A_4002 : i32
      %add3A_4020 = arith.constant 3 : i32
      %add3A_4021 = arith.addi %mul3A_4019, %add3A_4020 : i32
      %get3A_4022 = arith.index_cast %add3A_4021 : i32 to index
      %get3A_4023 = memref.load %arg1[%get3A_4022] : memref<120000xi32, #tpu.memory_space<smem>>
      %add3A_4024 = arith.addi %add3A_4017, %get3A_4023 : i32
      %dma_wait3A_4025 = arith.constant 0 : i32
      %dma_wait3A_4026 = tpu.memref_slice %arg3[%add3A_4024, %dma_wait3A_4025] : memref<262144x64xf32, #tpu.memory_space<any>> -> memref<1x64xf32, #tpu.memory_space<any>>
      %dma_wait3A_4027 = arith.constant 0 : i32
      %dma_wait3A_4028 = tpu.memref_slice %arg2[%add3A_4002, %dma_wait3A_4027] : memref<30000x64xf32, #tpu.memory_space<vmem>> -> memref<1x64xf32, #tpu.memory_space<vmem>>
      tpu.wait_dma2 semaphore(%arg6 : memref<!tpu.dma_semaphore, #tpu.memory_space<semaphore_mem>>) src(%dma_wait3A_4028 : memref<1x64xf32, #tpu.memory_space<vmem>>) dst(%dma_wait3A_4026 : memref<1x64xf32, #tpu.memory_space<any>>)
      %add3A_4029 = arith.constant 42 : i32
      %add3A_4030 = arith.addi %mul3A_1060, %add3A_4029 : i32
      %mul3A_4031 = arith.constant 4 : i32
      %mul3A_4032 = arith.muli %mul3A_4031, %add3A_4030 : i32
      %add3A_4033 = arith.constant 1 : i32
      %add3A_4034 = arith.addi %mul3A_4032, %add3A_4033 : i32
      %get3A_4035 = arith.index_cast %add3A_4034 : i32 to index
      %get3A_4036 = memref.load %arg1[%get3A_4035] : memref<120000xi32, #tpu.memory_space<smem>>
      %mul3A_4037 = arith.constant 4 : i32
      %mul3A_4038 = arith.muli %mul3A_4037, %add3A_4030 : i32
      %add3A_4039 = arith.constant 2 : i32
      %add3A_4040 = arith.addi %mul3A_4038, %add3A_4039 : i32
      %get3A_4041 = arith.index_cast %add3A_4040 : i32 to index
      %get3A_4042 = memref.load %arg1[%get3A_4041] : memref<120000xi32, #tpu.memory_space<smem>>
      %mul3A_4043 = arith.constant 512 : i32
      %mul3A_4044 = arith.muli %get3A_4042, %mul3A_4043 : i32
      %add3A_4045 = arith.addi %get3A_4036, %mul3A_4044 : i32
      %mul3A_4046 = arith.constant 4 : i32
      %mul3A_4047 = arith.muli %mul3A_4046, %add3A_4030 : i32
      %add3A_4048 = arith.constant 3 : i32
      %add3A_4049 = arith.addi %mul3A_4047, %add3A_4048 : i32
      %get3A_4050 = arith.index_cast %add3A_4049 : i32 to index
      %get3A_4051 = memref.load %arg1[%get3A_4050] : memref<120000xi32, #tpu.memory_space<smem>>
      %add3A_4052 = arith.addi %add3A_4045, %get3A_4051 : i32
      %dma_wait3A_4053 = arith.constant 0 : i32
      %dma_wait3A_4054 = tpu.memref_slice %arg3[%add3A_4052, %dma_wait3A_4053] : memref<262144x64xf32, #tpu.memory_space<any>> -> memref<1x64xf32, #tpu.memory_space<any>>
      %dma_wait3A_4055 = arith.constant 0 : i32
      %dma_wait3A_4056 = tpu.memref_slice %arg2[%add3A_4030, %dma_wait3A_4055] : memref<30000x64xf32, #tpu.memory_space<vmem>> -> memref<1x64xf32, #tpu.memory_space<vmem>>
      tpu.wait_dma2 semaphore(%arg6 : memref<!tpu.dma_semaphore, #tpu.memory_space<semaphore_mem>>) src(%dma_wait3A_4056 : memref<1x64xf32, #tpu.memory_space<vmem>>) dst(%dma_wait3A_4054 : memref<1x64xf32, #tpu.memory_space<any>>)
      %add3A_4057 = arith.constant 43 : i32
      %add3A_4058 = arith.addi %mul3A_1060, %add3A_4057 : i32
      %mul3A_4059 = arith.constant 4 : i32
      %mul3A_4060 = arith.muli %mul3A_4059, %add3A_4058 : i32
      %add3A_4061 = arith.constant 1 : i32
      %add3A_4062 = arith.addi %mul3A_4060, %add3A_4061 : i32
      %get3A_4063 = arith.index_cast %add3A_4062 : i32 to index
      %get3A_4064 = memref.load %arg1[%get3A_4063] : memref<120000xi32, #tpu.memory_space<smem>>
      %mul3A_4065 = arith.constant 4 : i32
      %mul3A_4066 = arith.muli %mul3A_4065, %add3A_4058 : i32
      %add3A_4067 = arith.constant 2 : i32
      %add3A_4068 = arith.addi %mul3A_4066, %add3A_4067 : i32
      %get3A_4069 = arith.index_cast %add3A_4068 : i32 to index
      %get3A_4070 = memref.load %arg1[%get3A_4069] : memref<120000xi32, #tpu.memory_space<smem>>
      %mul3A_4071 = arith.constant 512 : i32
      %mul3A_4072 = arith.muli %get3A_4070, %mul3A_4071 : i32
      %add3A_4073 = arith.addi %get3A_4064, %mul3A_4072 : i32
      %mul3A_4074 = arith.constant 4 : i32
      %mul3A_4075 = arith.muli %mul3A_4074, %add3A_4058 : i32
      %add3A_4076 = arith.constant 3 : i32
      %add3A_4077 = arith.addi %mul3A_4075, %add3A_4076 : i32
      %get3A_4078 = arith.index_cast %add3A_4077 : i32 to index
      %get3A_4079 = memref.load %arg1[%get3A_4078] : memref<120000xi32, #tpu.memory_space<smem>>
      %add3A_4080 = arith.addi %add3A_4073, %get3A_4079 : i32
      %dma_wait3A_4081 = arith.constant 0 : i32
      %dma_wait3A_4082 = tpu.memref_slice %arg3[%add3A_4080, %dma_wait3A_4081] : memref<262144x64xf32, #tpu.memory_space<any>> -> memref<1x64xf32, #tpu.memory_space<any>>
      %dma_wait3A_4083 = arith.constant 0 : i32
      %dma_wait3A_4084 = tpu.memref_slice %arg2[%add3A_4058, %dma_wait3A_4083] : memref<30000x64xf32, #tpu.memory_space<vmem>> -> memref<1x64xf32, #tpu.memory_space<vmem>>
      tpu.wait_dma2 semaphore(%arg6 : memref<!tpu.dma_semaphore, #tpu.memory_space<semaphore_mem>>) src(%dma_wait3A_4084 : memref<1x64xf32, #tpu.memory_space<vmem>>) dst(%dma_wait3A_4082 : memref<1x64xf32, #tpu.memory_space<any>>)
      %add3A_4085 = arith.constant 44 : i32
      %add3A_4086 = arith.addi %mul3A_1060, %add3A_4085 : i32
      %mul3A_4087 = arith.constant 4 : i32
      %mul3A_4088 = arith.muli %mul3A_4087, %add3A_4086 : i32
      %add3A_4089 = arith.constant 1 : i32
      %add3A_4090 = arith.addi %mul3A_4088, %add3A_4089 : i32
      %get3A_4091 = arith.index_cast %add3A_4090 : i32 to index
      %get3A_4092 = memref.load %arg1[%get3A_4091] : memref<120000xi32, #tpu.memory_space<smem>>
      %mul3A_4093 = arith.constant 4 : i32
      %mul3A_4094 = arith.muli %mul3A_4093, %add3A_4086 : i32
      %add3A_4095 = arith.constant 2 : i32
      %add3A_4096 = arith.addi %mul3A_4094, %add3A_4095 : i32
      %get3A_4097 = arith.index_cast %add3A_4096 : i32 to index
      %get3A_4098 = memref.load %arg1[%get3A_4097] : memref<120000xi32, #tpu.memory_space<smem>>
      %mul3A_4099 = arith.constant 512 : i32
      %mul3A_4100 = arith.muli %get3A_4098, %mul3A_4099 : i32
      %add3A_4101 = arith.addi %get3A_4092, %mul3A_4100 : i32
      %mul3A_4102 = arith.constant 4 : i32
      %mul3A_4103 = arith.muli %mul3A_4102, %add3A_4086 : i32
      %add3A_4104 = arith.constant 3 : i32
      %add3A_4105 = arith.addi %mul3A_4103, %add3A_4104 : i32
      %get3A_4106 = arith.index_cast %add3A_4105 : i32 to index
      %get3A_4107 = memref.load %arg1[%get3A_4106] : memref<120000xi32, #tpu.memory_space<smem>>
      %add3A_4108 = arith.addi %add3A_4101, %get3A_4107 : i32
      %dma_wait3A_4109 = arith.constant 0 : i32
      %dma_wait3A_4110 = tpu.memref_slice %arg3[%add3A_4108, %dma_wait3A_4109] : memref<262144x64xf32, #tpu.memory_space<any>> -> memref<1x64xf32, #tpu.memory_space<any>>
      %dma_wait3A_4111 = arith.constant 0 : i32
      %dma_wait3A_4112 = tpu.memref_slice %arg2[%add3A_4086, %dma_wait3A_4111] : memref<30000x64xf32, #tpu.memory_space<vmem>> -> memref<1x64xf32, #tpu.memory_space<vmem>>
      tpu.wait_dma2 semaphore(%arg6 : memref<!tpu.dma_semaphore, #tpu.memory_space<semaphore_mem>>) src(%dma_wait3A_4112 : memref<1x64xf32, #tpu.memory_space<vmem>>) dst(%dma_wait3A_4110 : memref<1x64xf32, #tpu.memory_space<any>>)
      %add3A_4113 = arith.constant 45 : i32
      %add3A_4114 = arith.addi %mul3A_1060, %add3A_4113 : i32
      %mul3A_4115 = arith.constant 4 : i32
      %mul3A_4116 = arith.muli %mul3A_4115, %add3A_4114 : i32
      %add3A_4117 = arith.constant 1 : i32
      %add3A_4118 = arith.addi %mul3A_4116, %add3A_4117 : i32
      %get3A_4119 = arith.index_cast %add3A_4118 : i32 to index
      %get3A_4120 = memref.load %arg1[%get3A_4119] : memref<120000xi32, #tpu.memory_space<smem>>
      %mul3A_4121 = arith.constant 4 : i32
      %mul3A_4122 = arith.muli %mul3A_4121, %add3A_4114 : i32
      %add3A_4123 = arith.constant 2 : i32
      %add3A_4124 = arith.addi %mul3A_4122, %add3A_4123 : i32
      %get3A_4125 = arith.index_cast %add3A_4124 : i32 to index
      %get3A_4126 = memref.load %arg1[%get3A_4125] : memref<120000xi32, #tpu.memory_space<smem>>
      %mul3A_4127 = arith.constant 512 : i32
      %mul3A_4128 = arith.muli %get3A_4126, %mul3A_4127 : i32
      %add3A_4129 = arith.addi %get3A_4120, %mul3A_4128 : i32
      %mul3A_4130 = arith.constant 4 : i32
      %mul3A_4131 = arith.muli %mul3A_4130, %add3A_4114 : i32
      %add3A_4132 = arith.constant 3 : i32
      %add3A_4133 = arith.addi %mul3A_4131, %add3A_4132 : i32
      %get3A_4134 = arith.index_cast %add3A_4133 : i32 to index
      %get3A_4135 = memref.load %arg1[%get3A_4134] : memref<120000xi32, #tpu.memory_space<smem>>
      %add3A_4136 = arith.addi %add3A_4129, %get3A_4135 : i32
      %dma_wait3A_4137 = arith.constant 0 : i32
      %dma_wait3A_4138 = tpu.memref_slice %arg3[%add3A_4136, %dma_wait3A_4137] : memref<262144x64xf32, #tpu.memory_space<any>> -> memref<1x64xf32, #tpu.memory_space<any>>
      %dma_wait3A_4139 = arith.constant 0 : i32
      %dma_wait3A_4140 = tpu.memref_slice %arg2[%add3A_4114, %dma_wait3A_4139] : memref<30000x64xf32, #tpu.memory_space<vmem>> -> memref<1x64xf32, #tpu.memory_space<vmem>>
      tpu.wait_dma2 semaphore(%arg6 : memref<!tpu.dma_semaphore, #tpu.memory_space<semaphore_mem>>) src(%dma_wait3A_4140 : memref<1x64xf32, #tpu.memory_space<vmem>>) dst(%dma_wait3A_4138 : memref<1x64xf32, #tpu.memory_space<any>>)
      %add3A_4141 = arith.constant 46 : i32
      %add3A_4142 = arith.addi %mul3A_1060, %add3A_4141 : i32
      %mul3A_4143 = arith.constant 4 : i32
      %mul3A_4144 = arith.muli %mul3A_4143, %add3A_4142 : i32
      %add3A_4145 = arith.constant 1 : i32
      %add3A_4146 = arith.addi %mul3A_4144, %add3A_4145 : i32
      %get3A_4147 = arith.index_cast %add3A_4146 : i32 to index
      %get3A_4148 = memref.load %arg1[%get3A_4147] : memref<120000xi32, #tpu.memory_space<smem>>
      %mul3A_4149 = arith.constant 4 : i32
      %mul3A_4150 = arith.muli %mul3A_4149, %add3A_4142 : i32
      %add3A_4151 = arith.constant 2 : i32
      %add3A_4152 = arith.addi %mul3A_4150, %add3A_4151 : i32
      %get3A_4153 = arith.index_cast %add3A_4152 : i32 to index
      %get3A_4154 = memref.load %arg1[%get3A_4153] : memref<120000xi32, #tpu.memory_space<smem>>
      %mul3A_4155 = arith.constant 512 : i32
      %mul3A_4156 = arith.muli %get3A_4154, %mul3A_4155 : i32
      %add3A_4157 = arith.addi %get3A_4148, %mul3A_4156 : i32
      %mul3A_4158 = arith.constant 4 : i32
      %mul3A_4159 = arith.muli %mul3A_4158, %add3A_4142 : i32
      %add3A_4160 = arith.constant 3 : i32
      %add3A_4161 = arith.addi %mul3A_4159, %add3A_4160 : i32
      %get3A_4162 = arith.index_cast %add3A_4161 : i32 to index
      %get3A_4163 = memref.load %arg1[%get3A_4162] : memref<120000xi32, #tpu.memory_space<smem>>
      %add3A_4164 = arith.addi %add3A_4157, %get3A_4163 : i32
      %dma_wait3A_4165 = arith.constant 0 : i32
      %dma_wait3A_4166 = tpu.memref_slice %arg3[%add3A_4164, %dma_wait3A_4165] : memref<262144x64xf32, #tpu.memory_space<any>> -> memref<1x64xf32, #tpu.memory_space<any>>
      %dma_wait3A_4167 = arith.constant 0 : i32
      %dma_wait3A_4168 = tpu.memref_slice %arg2[%add3A_4142, %dma_wait3A_4167] : memref<30000x64xf32, #tpu.memory_space<vmem>> -> memref<1x64xf32, #tpu.memory_space<vmem>>
      tpu.wait_dma2 semaphore(%arg6 : memref<!tpu.dma_semaphore, #tpu.memory_space<semaphore_mem>>) src(%dma_wait3A_4168 : memref<1x64xf32, #tpu.memory_space<vmem>>) dst(%dma_wait3A_4166 : memref<1x64xf32, #tpu.memory_space<any>>)
      %add3A_4169 = arith.constant 47 : i32
      %add3A_4170 = arith.addi %mul3A_1060, %add3A_4169 : i32
      %mul3A_4171 = arith.constant 4 : i32
      %mul3A_4172 = arith.muli %mul3A_4171, %add3A_4170 : i32
      %add3A_4173 = arith.constant 1 : i32
      %add3A_4174 = arith.addi %mul3A_4172, %add3A_4173 : i32
      %get3A_4175 = arith.index_cast %add3A_4174 : i32 to index
      %get3A_4176 = memref.load %arg1[%get3A_4175] : memref<120000xi32, #tpu.memory_space<smem>>
      %mul3A_4177 = arith.constant 4 : i32
      %mul3A_4178 = arith.muli %mul3A_4177, %add3A_4170 : i32
      %add3A_4179 = arith.constant 2 : i32
      %add3A_4180 = arith.addi %mul3A_4178, %add3A_4179 : i32
      %get3A_4181 = arith.index_cast %add3A_4180 : i32 to index
      %get3A_4182 = memref.load %arg1[%get3A_4181] : memref<120000xi32, #tpu.memory_space<smem>>
      %mul3A_4183 = arith.constant 512 : i32
      %mul3A_4184 = arith.muli %get3A_4182, %mul3A_4183 : i32
      %add3A_4185 = arith.addi %get3A_4176, %mul3A_4184 : i32
      %mul3A_4186 = arith.constant 4 : i32
      %mul3A_4187 = arith.muli %mul3A_4186, %add3A_4170 : i32
      %add3A_4188 = arith.constant 3 : i32
      %add3A_4189 = arith.addi %mul3A_4187, %add3A_4188 : i32
      %get3A_4190 = arith.index_cast %add3A_4189 : i32 to index
      %get3A_4191 = memref.load %arg1[%get3A_4190] : memref<120000xi32, #tpu.memory_space<smem>>
      %add3A_4192 = arith.addi %add3A_4185, %get3A_4191 : i32
      %dma_wait3A_4193 = arith.constant 0 : i32
      %dma_wait3A_4194 = tpu.memref_slice %arg3[%add3A_4192, %dma_wait3A_4193] : memref<262144x64xf32, #tpu.memory_space<any>> -> memref<1x64xf32, #tpu.memory_space<any>>
      %dma_wait3A_4195 = arith.constant 0 : i32
      %dma_wait3A_4196 = tpu.memref_slice %arg2[%add3A_4170, %dma_wait3A_4195] : memref<30000x64xf32, #tpu.memory_space<vmem>> -> memref<1x64xf32, #tpu.memory_space<vmem>>
      tpu.wait_dma2 semaphore(%arg6 : memref<!tpu.dma_semaphore, #tpu.memory_space<semaphore_mem>>) src(%dma_wait3A_4196 : memref<1x64xf32, #tpu.memory_space<vmem>>) dst(%dma_wait3A_4194 : memref<1x64xf32, #tpu.memory_space<any>>)
      %add3A_4197 = arith.constant 48 : i32
      %add3A_4198 = arith.addi %mul3A_1060, %add3A_4197 : i32
      %mul3A_4199 = arith.constant 4 : i32
      %mul3A_4200 = arith.muli %mul3A_4199, %add3A_4198 : i32
      %add3A_4201 = arith.constant 1 : i32
      %add3A_4202 = arith.addi %mul3A_4200, %add3A_4201 : i32
      %get3A_4203 = arith.index_cast %add3A_4202 : i32 to index
      %get3A_4204 = memref.load %arg1[%get3A_4203] : memref<120000xi32, #tpu.memory_space<smem>>
      %mul3A_4205 = arith.constant 4 : i32
      %mul3A_4206 = arith.muli %mul3A_4205, %add3A_4198 : i32
      %add3A_4207 = arith.constant 2 : i32
      %add3A_4208 = arith.addi %mul3A_4206, %add3A_4207 : i32
      %get3A_4209 = arith.index_cast %add3A_4208 : i32 to index
      %get3A_4210 = memref.load %arg1[%get3A_4209] : memref<120000xi32, #tpu.memory_space<smem>>
      %mul3A_4211 = arith.constant 512 : i32
      %mul3A_4212 = arith.muli %get3A_4210, %mul3A_4211 : i32
      %add3A_4213 = arith.addi %get3A_4204, %mul3A_4212 : i32
      %mul3A_4214 = arith.constant 4 : i32
      %mul3A_4215 = arith.muli %mul3A_4214, %add3A_4198 : i32
      %add3A_4216 = arith.constant 3 : i32
      %add3A_4217 = arith.addi %mul3A_4215, %add3A_4216 : i32
      %get3A_4218 = arith.index_cast %add3A_4217 : i32 to index
      %get3A_4219 = memref.load %arg1[%get3A_4218] : memref<120000xi32, #tpu.memory_space<smem>>
      %add3A_4220 = arith.addi %add3A_4213, %get3A_4219 : i32
      %dma_wait3A_4221 = arith.constant 0 : i32
      %dma_wait3A_4222 = tpu.memref_slice %arg3[%add3A_4220, %dma_wait3A_4221] : memref<262144x64xf32, #tpu.memory_space<any>> -> memref<1x64xf32, #tpu.memory_space<any>>
      %dma_wait3A_4223 = arith.constant 0 : i32
      %dma_wait3A_4224 = tpu.memref_slice %arg2[%add3A_4198, %dma_wait3A_4223] : memref<30000x64xf32, #tpu.memory_space<vmem>> -> memref<1x64xf32, #tpu.memory_space<vmem>>
      tpu.wait_dma2 semaphore(%arg6 : memref<!tpu.dma_semaphore, #tpu.memory_space<semaphore_mem>>) src(%dma_wait3A_4224 : memref<1x64xf32, #tpu.memory_space<vmem>>) dst(%dma_wait3A_4222 : memref<1x64xf32, #tpu.memory_space<any>>)
      %add3A_4225 = arith.constant 49 : i32
      %add3A_4226 = arith.addi %mul3A_1060, %add3A_4225 : i32
      %mul3A_4227 = arith.constant 4 : i32
      %mul3A_4228 = arith.muli %mul3A_4227, %add3A_4226 : i32
      %add3A_4229 = arith.constant 1 : i32
      %add3A_4230 = arith.addi %mul3A_4228, %add3A_4229 : i32
      %get3A_4231 = arith.index_cast %add3A_4230 : i32 to index
      %get3A_4232 = memref.load %arg1[%get3A_4231] : memref<120000xi32, #tpu.memory_space<smem>>
      %mul3A_4233 = arith.constant 4 : i32
      %mul3A_4234 = arith.muli %mul3A_4233, %add3A_4226 : i32
      %add3A_4235 = arith.constant 2 : i32
      %add3A_4236 = arith.addi %mul3A_4234, %add3A_4235 : i32
      %get3A_4237 = arith.index_cast %add3A_4236 : i32 to index
      %get3A_4238 = memref.load %arg1[%get3A_4237] : memref<120000xi32, #tpu.memory_space<smem>>
      %mul3A_4239 = arith.constant 512 : i32
      %mul3A_4240 = arith.muli %get3A_4238, %mul3A_4239 : i32
      %add3A_4241 = arith.addi %get3A_4232, %mul3A_4240 : i32
      %mul3A_4242 = arith.constant 4 : i32
      %mul3A_4243 = arith.muli %mul3A_4242, %add3A_4226 : i32
      %add3A_4244 = arith.constant 3 : i32
      %add3A_4245 = arith.addi %mul3A_4243, %add3A_4244 : i32
      %get3A_4246 = arith.index_cast %add3A_4245 : i32 to index
      %get3A_4247 = memref.load %arg1[%get3A_4246] : memref<120000xi32, #tpu.memory_space<smem>>
      %add3A_4248 = arith.addi %add3A_4241, %get3A_4247 : i32
      %dma_wait3A_4249 = arith.constant 0 : i32
      %dma_wait3A_4250 = tpu.memref_slice %arg3[%add3A_4248, %dma_wait3A_4249] : memref<262144x64xf32, #tpu.memory_space<any>> -> memref<1x64xf32, #tpu.memory_space<any>>
      %dma_wait3A_4251 = arith.constant 0 : i32
      %dma_wait3A_4252 = tpu.memref_slice %arg2[%add3A_4226, %dma_wait3A_4251] : memref<30000x64xf32, #tpu.memory_space<vmem>> -> memref<1x64xf32, #tpu.memory_space<vmem>>
      tpu.wait_dma2 semaphore(%arg6 : memref<!tpu.dma_semaphore, #tpu.memory_space<semaphore_mem>>) src(%dma_wait3A_4252 : memref<1x64xf32, #tpu.memory_space<vmem>>) dst(%dma_wait3A_4250 : memref<1x64xf32, #tpu.memory_space<any>>)
      %add3A_4253 = arith.constant 50 : i32
      %add3A_4254 = arith.addi %mul3A_1060, %add3A_4253 : i32
      %mul3A_4255 = arith.constant 4 : i32
      %mul3A_4256 = arith.muli %mul3A_4255, %add3A_4254 : i32
      %add3A_4257 = arith.constant 1 : i32
      %add3A_4258 = arith.addi %mul3A_4256, %add3A_4257 : i32
      %get3A_4259 = arith.index_cast %add3A_4258 : i32 to index
      %get3A_4260 = memref.load %arg1[%get3A_4259] : memref<120000xi32, #tpu.memory_space<smem>>
      %mul3A_4261 = arith.constant 4 : i32
      %mul3A_4262 = arith.muli %mul3A_4261, %add3A_4254 : i32
      %add3A_4263 = arith.constant 2 : i32
      %add3A_4264 = arith.addi %mul3A_4262, %add3A_4263 : i32
      %get3A_4265 = arith.index_cast %add3A_4264 : i32 to index
      %get3A_4266 = memref.load %arg1[%get3A_4265] : memref<120000xi32, #tpu.memory_space<smem>>
      %mul3A_4267 = arith.constant 512 : i32
      %mul3A_4268 = arith.muli %get3A_4266, %mul3A_4267 : i32
      %add3A_4269 = arith.addi %get3A_4260, %mul3A_4268 : i32
      %mul3A_4270 = arith.constant 4 : i32
      %mul3A_4271 = arith.muli %mul3A_4270, %add3A_4254 : i32
      %add3A_4272 = arith.constant 3 : i32
      %add3A_4273 = arith.addi %mul3A_4271, %add3A_4272 : i32
      %get3A_4274 = arith.index_cast %add3A_4273 : i32 to index
      %get3A_4275 = memref.load %arg1[%get3A_4274] : memref<120000xi32, #tpu.memory_space<smem>>
      %add3A_4276 = arith.addi %add3A_4269, %get3A_4275 : i32
      %dma_wait3A_4277 = arith.constant 0 : i32
      %dma_wait3A_4278 = tpu.memref_slice %arg3[%add3A_4276, %dma_wait3A_4277] : memref<262144x64xf32, #tpu.memory_space<any>> -> memref<1x64xf32, #tpu.memory_space<any>>
      %dma_wait3A_4279 = arith.constant 0 : i32
      %dma_wait3A_4280 = tpu.memref_slice %arg2[%add3A_4254, %dma_wait3A_4279] : memref<30000x64xf32, #tpu.memory_space<vmem>> -> memref<1x64xf32, #tpu.memory_space<vmem>>
      tpu.wait_dma2 semaphore(%arg6 : memref<!tpu.dma_semaphore, #tpu.memory_space<semaphore_mem>>) src(%dma_wait3A_4280 : memref<1x64xf32, #tpu.memory_space<vmem>>) dst(%dma_wait3A_4278 : memref<1x64xf32, #tpu.memory_space<any>>)
      %add3A_4281 = arith.constant 51 : i32
      %add3A_4282 = arith.addi %mul3A_1060, %add3A_4281 : i32
      %mul3A_4283 = arith.constant 4 : i32
      %mul3A_4284 = arith.muli %mul3A_4283, %add3A_4282 : i32
      %add3A_4285 = arith.constant 1 : i32
      %add3A_4286 = arith.addi %mul3A_4284, %add3A_4285 : i32
      %get3A_4287 = arith.index_cast %add3A_4286 : i32 to index
      %get3A_4288 = memref.load %arg1[%get3A_4287] : memref<120000xi32, #tpu.memory_space<smem>>
      %mul3A_4289 = arith.constant 4 : i32
      %mul3A_4290 = arith.muli %mul3A_4289, %add3A_4282 : i32
      %add3A_4291 = arith.constant 2 : i32
      %add3A_4292 = arith.addi %mul3A_4290, %add3A_4291 : i32
      %get3A_4293 = arith.index_cast %add3A_4292 : i32 to index
      %get3A_4294 = memref.load %arg1[%get3A_4293] : memref<120000xi32, #tpu.memory_space<smem>>
      %mul3A_4295 = arith.constant 512 : i32
      %mul3A_4296 = arith.muli %get3A_4294, %mul3A_4295 : i32
      %add3A_4297 = arith.addi %get3A_4288, %mul3A_4296 : i32
      %mul3A_4298 = arith.constant 4 : i32
      %mul3A_4299 = arith.muli %mul3A_4298, %add3A_4282 : i32
      %add3A_4300 = arith.constant 3 : i32
      %add3A_4301 = arith.addi %mul3A_4299, %add3A_4300 : i32
      %get3A_4302 = arith.index_cast %add3A_4301 : i32 to index
      %get3A_4303 = memref.load %arg1[%get3A_4302] : memref<120000xi32, #tpu.memory_space<smem>>
      %add3A_4304 = arith.addi %add3A_4297, %get3A_4303 : i32
      %dma_wait3A_4305 = arith.constant 0 : i32
      %dma_wait3A_4306 = tpu.memref_slice %arg3[%add3A_4304, %dma_wait3A_4305] : memref<262144x64xf32, #tpu.memory_space<any>> -> memref<1x64xf32, #tpu.memory_space<any>>
      %dma_wait3A_4307 = arith.constant 0 : i32
      %dma_wait3A_4308 = tpu.memref_slice %arg2[%add3A_4282, %dma_wait3A_4307] : memref<30000x64xf32, #tpu.memory_space<vmem>> -> memref<1x64xf32, #tpu.memory_space<vmem>>
      tpu.wait_dma2 semaphore(%arg6 : memref<!tpu.dma_semaphore, #tpu.memory_space<semaphore_mem>>) src(%dma_wait3A_4308 : memref<1x64xf32, #tpu.memory_space<vmem>>) dst(%dma_wait3A_4306 : memref<1x64xf32, #tpu.memory_space<any>>)
      %add3A_4309 = arith.constant 52 : i32
      %add3A_4310 = arith.addi %mul3A_1060, %add3A_4309 : i32
      %mul3A_4311 = arith.constant 4 : i32
      %mul3A_4312 = arith.muli %mul3A_4311, %add3A_4310 : i32
      %add3A_4313 = arith.constant 1 : i32
      %add3A_4314 = arith.addi %mul3A_4312, %add3A_4313 : i32
      %get3A_4315 = arith.index_cast %add3A_4314 : i32 to index
      %get3A_4316 = memref.load %arg1[%get3A_4315] : memref<120000xi32, #tpu.memory_space<smem>>
      %mul3A_4317 = arith.constant 4 : i32
      %mul3A_4318 = arith.muli %mul3A_4317, %add3A_4310 : i32
      %add3A_4319 = arith.constant 2 : i32
      %add3A_4320 = arith.addi %mul3A_4318, %add3A_4319 : i32
      %get3A_4321 = arith.index_cast %add3A_4320 : i32 to index
      %get3A_4322 = memref.load %arg1[%get3A_4321] : memref<120000xi32, #tpu.memory_space<smem>>
      %mul3A_4323 = arith.constant 512 : i32
      %mul3A_4324 = arith.muli %get3A_4322, %mul3A_4323 : i32
      %add3A_4325 = arith.addi %get3A_4316, %mul3A_4324 : i32
      %mul3A_4326 = arith.constant 4 : i32
      %mul3A_4327 = arith.muli %mul3A_4326, %add3A_4310 : i32
      %add3A_4328 = arith.constant 3 : i32
      %add3A_4329 = arith.addi %mul3A_4327, %add3A_4328 : i32
      %get3A_4330 = arith.index_cast %add3A_4329 : i32 to index
      %get3A_4331 = memref.load %arg1[%get3A_4330] : memref<120000xi32, #tpu.memory_space<smem>>
      %add3A_4332 = arith.addi %add3A_4325, %get3A_4331 : i32
      %dma_wait3A_4333 = arith.constant 0 : i32
      %dma_wait3A_4334 = tpu.memref_slice %arg3[%add3A_4332, %dma_wait3A_4333] : memref<262144x64xf32, #tpu.memory_space<any>> -> memref<1x64xf32, #tpu.memory_space<any>>
      %dma_wait3A_4335 = arith.constant 0 : i32
      %dma_wait3A_4336 = tpu.memref_slice %arg2[%add3A_4310, %dma_wait3A_4335] : memref<30000x64xf32, #tpu.memory_space<vmem>> -> memref<1x64xf32, #tpu.memory_space<vmem>>
      tpu.wait_dma2 semaphore(%arg6 : memref<!tpu.dma_semaphore, #tpu.memory_space<semaphore_mem>>) src(%dma_wait3A_4336 : memref<1x64xf32, #tpu.memory_space<vmem>>) dst(%dma_wait3A_4334 : memref<1x64xf32, #tpu.memory_space<any>>)
      %add3A_4337 = arith.constant 53 : i32
      %add3A_4338 = arith.addi %mul3A_1060, %add3A_4337 : i32
      %mul3A_4339 = arith.constant 4 : i32
      %mul3A_4340 = arith.muli %mul3A_4339, %add3A_4338 : i32
      %add3A_4341 = arith.constant 1 : i32
      %add3A_4342 = arith.addi %mul3A_4340, %add3A_4341 : i32
      %get3A_4343 = arith.index_cast %add3A_4342 : i32 to index
      %get3A_4344 = memref.load %arg1[%get3A_4343] : memref<120000xi32, #tpu.memory_space<smem>>
      %mul3A_4345 = arith.constant 4 : i32
      %mul3A_4346 = arith.muli %mul3A_4345, %add3A_4338 : i32
      %add3A_4347 = arith.constant 2 : i32
      %add3A_4348 = arith.addi %mul3A_4346, %add3A_4347 : i32
      %get3A_4349 = arith.index_cast %add3A_4348 : i32 to index
      %get3A_4350 = memref.load %arg1[%get3A_4349] : memref<120000xi32, #tpu.memory_space<smem>>
      %mul3A_4351 = arith.constant 512 : i32
      %mul3A_4352 = arith.muli %get3A_4350, %mul3A_4351 : i32
      %add3A_4353 = arith.addi %get3A_4344, %mul3A_4352 : i32
      %mul3A_4354 = arith.constant 4 : i32
      %mul3A_4355 = arith.muli %mul3A_4354, %add3A_4338 : i32
      %add3A_4356 = arith.constant 3 : i32
      %add3A_4357 = arith.addi %mul3A_4355, %add3A_4356 : i32
      %get3A_4358 = arith.index_cast %add3A_4357 : i32 to index
      %get3A_4359 = memref.load %arg1[%get3A_4358] : memref<120000xi32, #tpu.memory_space<smem>>
      %add3A_4360 = arith.addi %add3A_4353, %get3A_4359 : i32
      %dma_wait3A_4361 = arith.constant 0 : i32
      %dma_wait3A_4362 = tpu.memref_slice %arg3[%add3A_4360, %dma_wait3A_4361] : memref<262144x64xf32, #tpu.memory_space<any>> -> memref<1x64xf32, #tpu.memory_space<any>>
      %dma_wait3A_4363 = arith.constant 0 : i32
      %dma_wait3A_4364 = tpu.memref_slice %arg2[%add3A_4338, %dma_wait3A_4363] : memref<30000x64xf32, #tpu.memory_space<vmem>> -> memref<1x64xf32, #tpu.memory_space<vmem>>
      tpu.wait_dma2 semaphore(%arg6 : memref<!tpu.dma_semaphore, #tpu.memory_space<semaphore_mem>>) src(%dma_wait3A_4364 : memref<1x64xf32, #tpu.memory_space<vmem>>) dst(%dma_wait3A_4362 : memref<1x64xf32, #tpu.memory_space<any>>)
      %add3A_4365 = arith.constant 54 : i32
      %add3A_4366 = arith.addi %mul3A_1060, %add3A_4365 : i32
      %mul3A_4367 = arith.constant 4 : i32
      %mul3A_4368 = arith.muli %mul3A_4367, %add3A_4366 : i32
      %add3A_4369 = arith.constant 1 : i32
      %add3A_4370 = arith.addi %mul3A_4368, %add3A_4369 : i32
      %get3A_4371 = arith.index_cast %add3A_4370 : i32 to index
      %get3A_4372 = memref.load %arg1[%get3A_4371] : memref<120000xi32, #tpu.memory_space<smem>>
      %mul3A_4373 = arith.constant 4 : i32
      %mul3A_4374 = arith.muli %mul3A_4373, %add3A_4366 : i32
      %add3A_4375 = arith.constant 2 : i32
      %add3A_4376 = arith.addi %mul3A_4374, %add3A_4375 : i32
      %get3A_4377 = arith.index_cast %add3A_4376 : i32 to index
      %get3A_4378 = memref.load %arg1[%get3A_4377] : memref<120000xi32, #tpu.memory_space<smem>>
      %mul3A_4379 = arith.constant 512 : i32
      %mul3A_4380 = arith.muli %get3A_4378, %mul3A_4379 : i32
      %add3A_4381 = arith.addi %get3A_4372, %mul3A_4380 : i32
      %mul3A_4382 = arith.constant 4 : i32
      %mul3A_4383 = arith.muli %mul3A_4382, %add3A_4366 : i32
      %add3A_4384 = arith.constant 3 : i32
      %add3A_4385 = arith.addi %mul3A_4383, %add3A_4384 : i32
      %get3A_4386 = arith.index_cast %add3A_4385 : i32 to index
      %get3A_4387 = memref.load %arg1[%get3A_4386] : memref<120000xi32, #tpu.memory_space<smem>>
      %add3A_4388 = arith.addi %add3A_4381, %get3A_4387 : i32
      %dma_wait3A_4389 = arith.constant 0 : i32
      %dma_wait3A_4390 = tpu.memref_slice %arg3[%add3A_4388, %dma_wait3A_4389] : memref<262144x64xf32, #tpu.memory_space<any>> -> memref<1x64xf32, #tpu.memory_space<any>>
      %dma_wait3A_4391 = arith.constant 0 : i32
      %dma_wait3A_4392 = tpu.memref_slice %arg2[%add3A_4366, %dma_wait3A_4391] : memref<30000x64xf32, #tpu.memory_space<vmem>> -> memref<1x64xf32, #tpu.memory_space<vmem>>
      tpu.wait_dma2 semaphore(%arg6 : memref<!tpu.dma_semaphore, #tpu.memory_space<semaphore_mem>>) src(%dma_wait3A_4392 : memref<1x64xf32, #tpu.memory_space<vmem>>) dst(%dma_wait3A_4390 : memref<1x64xf32, #tpu.memory_space<any>>)
      %add3A_4393 = arith.constant 55 : i32
      %add3A_4394 = arith.addi %mul3A_1060, %add3A_4393 : i32
      %mul3A_4395 = arith.constant 4 : i32
      %mul3A_4396 = arith.muli %mul3A_4395, %add3A_4394 : i32
      %add3A_4397 = arith.constant 1 : i32
      %add3A_4398 = arith.addi %mul3A_4396, %add3A_4397 : i32
      %get3A_4399 = arith.index_cast %add3A_4398 : i32 to index
      %get3A_4400 = memref.load %arg1[%get3A_4399] : memref<120000xi32, #tpu.memory_space<smem>>
      %mul3A_4401 = arith.constant 4 : i32
      %mul3A_4402 = arith.muli %mul3A_4401, %add3A_4394 : i32
      %add3A_4403 = arith.constant 2 : i32
      %add3A_4404 = arith.addi %mul3A_4402, %add3A_4403 : i32
      %get3A_4405 = arith.index_cast %add3A_4404 : i32 to index
      %get3A_4406 = memref.load %arg1[%get3A_4405] : memref<120000xi32, #tpu.memory_space<smem>>
      %mul3A_4407 = arith.constant 512 : i32
      %mul3A_4408 = arith.muli %get3A_4406, %mul3A_4407 : i32
      %add3A_4409 = arith.addi %get3A_4400, %mul3A_4408 : i32
      %mul3A_4410 = arith.constant 4 : i32
      %mul3A_4411 = arith.muli %mul3A_4410, %add3A_4394 : i32
      %add3A_4412 = arith.constant 3 : i32
      %add3A_4413 = arith.addi %mul3A_4411, %add3A_4412 : i32
      %get3A_4414 = arith.index_cast %add3A_4413 : i32 to index
      %get3A_4415 = memref.load %arg1[%get3A_4414] : memref<120000xi32, #tpu.memory_space<smem>>
      %add3A_4416 = arith.addi %add3A_4409, %get3A_4415 : i32
      %dma_wait3A_4417 = arith.constant 0 : i32
      %dma_wait3A_4418 = tpu.memref_slice %arg3[%add3A_4416, %dma_wait3A_4417] : memref<262144x64xf32, #tpu.memory_space<any>> -> memref<1x64xf32, #tpu.memory_space<any>>
      %dma_wait3A_4419 = arith.constant 0 : i32
      %dma_wait3A_4420 = tpu.memref_slice %arg2[%add3A_4394, %dma_wait3A_4419] : memref<30000x64xf32, #tpu.memory_space<vmem>> -> memref<1x64xf32, #tpu.memory_space<vmem>>
      tpu.wait_dma2 semaphore(%arg6 : memref<!tpu.dma_semaphore, #tpu.memory_space<semaphore_mem>>) src(%dma_wait3A_4420 : memref<1x64xf32, #tpu.memory_space<vmem>>) dst(%dma_wait3A_4418 : memref<1x64xf32, #tpu.memory_space<any>>)
      %add3A_4421 = arith.constant 56 : i32
      %add3A_4422 = arith.addi %mul3A_1060, %add3A_4421 : i32
      %mul3A_4423 = arith.constant 4 : i32
      %mul3A_4424 = arith.muli %mul3A_4423, %add3A_4422 : i32
      %add3A_4425 = arith.constant 1 : i32
      %add3A_4426 = arith.addi %mul3A_4424, %add3A_4425 : i32
      %get3A_4427 = arith.index_cast %add3A_4426 : i32 to index
      %get3A_4428 = memref.load %arg1[%get3A_4427] : memref<120000xi32, #tpu.memory_space<smem>>
      %mul3A_4429 = arith.constant 4 : i32
      %mul3A_4430 = arith.muli %mul3A_4429, %add3A_4422 : i32
      %add3A_4431 = arith.constant 2 : i32
      %add3A_4432 = arith.addi %mul3A_4430, %add3A_4431 : i32
      %get3A_4433 = arith.index_cast %add3A_4432 : i32 to index
      %get3A_4434 = memref.load %arg1[%get3A_4433] : memref<120000xi32, #tpu.memory_space<smem>>
      %mul3A_4435 = arith.constant 512 : i32
      %mul3A_4436 = arith.muli %get3A_4434, %mul3A_4435 : i32
      %add3A_4437 = arith.addi %get3A_4428, %mul3A_4436 : i32
      %mul3A_4438 = arith.constant 4 : i32
      %mul3A_4439 = arith.muli %mul3A_4438, %add3A_4422 : i32
      %add3A_4440 = arith.constant 3 : i32
      %add3A_4441 = arith.addi %mul3A_4439, %add3A_4440 : i32
      %get3A_4442 = arith.index_cast %add3A_4441 : i32 to index
      %get3A_4443 = memref.load %arg1[%get3A_4442] : memref<120000xi32, #tpu.memory_space<smem>>
      %add3A_4444 = arith.addi %add3A_4437, %get3A_4443 : i32
      %dma_wait3A_4445 = arith.constant 0 : i32
      %dma_wait3A_4446 = tpu.memref_slice %arg3[%add3A_4444, %dma_wait3A_4445] : memref<262144x64xf32, #tpu.memory_space<any>> -> memref<1x64xf32, #tpu.memory_space<any>>
      %dma_wait3A_4447 = arith.constant 0 : i32
      %dma_wait3A_4448 = tpu.memref_slice %arg2[%add3A_4422, %dma_wait3A_4447] : memref<30000x64xf32, #tpu.memory_space<vmem>> -> memref<1x64xf32, #tpu.memory_space<vmem>>
      tpu.wait_dma2 semaphore(%arg6 : memref<!tpu.dma_semaphore, #tpu.memory_space<semaphore_mem>>) src(%dma_wait3A_4448 : memref<1x64xf32, #tpu.memory_space<vmem>>) dst(%dma_wait3A_4446 : memref<1x64xf32, #tpu.memory_space<any>>)
      %add3A_4449 = arith.constant 57 : i32
      %add3A_4450 = arith.addi %mul3A_1060, %add3A_4449 : i32
      %mul3A_4451 = arith.constant 4 : i32
      %mul3A_4452 = arith.muli %mul3A_4451, %add3A_4450 : i32
      %add3A_4453 = arith.constant 1 : i32
      %add3A_4454 = arith.addi %mul3A_4452, %add3A_4453 : i32
      %get3A_4455 = arith.index_cast %add3A_4454 : i32 to index
      %get3A_4456 = memref.load %arg1[%get3A_4455] : memref<120000xi32, #tpu.memory_space<smem>>
      %mul3A_4457 = arith.constant 4 : i32
      %mul3A_4458 = arith.muli %mul3A_4457, %add3A_4450 : i32
      %add3A_4459 = arith.constant 2 : i32
      %add3A_4460 = arith.addi %mul3A_4458, %add3A_4459 : i32
      %get3A_4461 = arith.index_cast %add3A_4460 : i32 to index
      %get3A_4462 = memref.load %arg1[%get3A_4461] : memref<120000xi32, #tpu.memory_space<smem>>
      %mul3A_4463 = arith.constant 512 : i32
      %mul3A_4464 = arith.muli %get3A_4462, %mul3A_4463 : i32
      %add3A_4465 = arith.addi %get3A_4456, %mul3A_4464 : i32
      %mul3A_4466 = arith.constant 4 : i32
      %mul3A_4467 = arith.muli %mul3A_4466, %add3A_4450 : i32
      %add3A_4468 = arith.constant 3 : i32
      %add3A_4469 = arith.addi %mul3A_4467, %add3A_4468 : i32
      %get3A_4470 = arith.index_cast %add3A_4469 : i32 to index
      %get3A_4471 = memref.load %arg1[%get3A_4470] : memref<120000xi32, #tpu.memory_space<smem>>
      %add3A_4472 = arith.addi %add3A_4465, %get3A_4471 : i32
      %dma_wait3A_4473 = arith.constant 0 : i32
      %dma_wait3A_4474 = tpu.memref_slice %arg3[%add3A_4472, %dma_wait3A_4473] : memref<262144x64xf32, #tpu.memory_space<any>> -> memref<1x64xf32, #tpu.memory_space<any>>
      %dma_wait3A_4475 = arith.constant 0 : i32
      %dma_wait3A_4476 = tpu.memref_slice %arg2[%add3A_4450, %dma_wait3A_4475] : memref<30000x64xf32, #tpu.memory_space<vmem>> -> memref<1x64xf32, #tpu.memory_space<vmem>>
      tpu.wait_dma2 semaphore(%arg6 : memref<!tpu.dma_semaphore, #tpu.memory_space<semaphore_mem>>) src(%dma_wait3A_4476 : memref<1x64xf32, #tpu.memory_space<vmem>>) dst(%dma_wait3A_4474 : memref<1x64xf32, #tpu.memory_space<any>>)
      %add3A_4477 = arith.constant 58 : i32
      %add3A_4478 = arith.addi %mul3A_1060, %add3A_4477 : i32
      %mul3A_4479 = arith.constant 4 : i32
      %mul3A_4480 = arith.muli %mul3A_4479, %add3A_4478 : i32
      %add3A_4481 = arith.constant 1 : i32
      %add3A_4482 = arith.addi %mul3A_4480, %add3A_4481 : i32
      %get3A_4483 = arith.index_cast %add3A_4482 : i32 to index
      %get3A_4484 = memref.load %arg1[%get3A_4483] : memref<120000xi32, #tpu.memory_space<smem>>
      %mul3A_4485 = arith.constant 4 : i32
      %mul3A_4486 = arith.muli %mul3A_4485, %add3A_4478 : i32
      %add3A_4487 = arith.constant 2 : i32
      %add3A_4488 = arith.addi %mul3A_4486, %add3A_4487 : i32
      %get3A_4489 = arith.index_cast %add3A_4488 : i32 to index
      %get3A_4490 = memref.load %arg1[%get3A_4489] : memref<120000xi32, #tpu.memory_space<smem>>
      %mul3A_4491 = arith.constant 512 : i32
      %mul3A_4492 = arith.muli %get3A_4490, %mul3A_4491 : i32
      %add3A_4493 = arith.addi %get3A_4484, %mul3A_4492 : i32
      %mul3A_4494 = arith.constant 4 : i32
      %mul3A_4495 = arith.muli %mul3A_4494, %add3A_4478 : i32
      %add3A_4496 = arith.constant 3 : i32
      %add3A_4497 = arith.addi %mul3A_4495, %add3A_4496 : i32
      %get3A_4498 = arith.index_cast %add3A_4497 : i32 to index
      %get3A_4499 = memref.load %arg1[%get3A_4498] : memref<120000xi32, #tpu.memory_space<smem>>
      %add3A_4500 = arith.addi %add3A_4493, %get3A_4499 : i32
      %dma_wait3A_4501 = arith.constant 0 : i32
      %dma_wait3A_4502 = tpu.memref_slice %arg3[%add3A_4500, %dma_wait3A_4501] : memref<262144x64xf32, #tpu.memory_space<any>> -> memref<1x64xf32, #tpu.memory_space<any>>
      %dma_wait3A_4503 = arith.constant 0 : i32
      %dma_wait3A_4504 = tpu.memref_slice %arg2[%add3A_4478, %dma_wait3A_4503] : memref<30000x64xf32, #tpu.memory_space<vmem>> -> memref<1x64xf32, #tpu.memory_space<vmem>>
      tpu.wait_dma2 semaphore(%arg6 : memref<!tpu.dma_semaphore, #tpu.memory_space<semaphore_mem>>) src(%dma_wait3A_4504 : memref<1x64xf32, #tpu.memory_space<vmem>>) dst(%dma_wait3A_4502 : memref<1x64xf32, #tpu.memory_space<any>>)
      %add3A_4505 = arith.constant 59 : i32
      %add3A_4506 = arith.addi %mul3A_1060, %add3A_4505 : i32
      %mul3A_4507 = arith.constant 4 : i32
      %mul3A_4508 = arith.muli %mul3A_4507, %add3A_4506 : i32
      %add3A_4509 = arith.constant 1 : i32
      %add3A_4510 = arith.addi %mul3A_4508, %add3A_4509 : i32
      %get3A_4511 = arith.index_cast %add3A_4510 : i32 to index
      %get3A_4512 = memref.load %arg1[%get3A_4511] : memref<120000xi32, #tpu.memory_space<smem>>
      %mul3A_4513 = arith.constant 4 : i32
      %mul3A_4514 = arith.muli %mul3A_4513, %add3A_4506 : i32
      %add3A_4515 = arith.constant 2 : i32
      %add3A_4516 = arith.addi %mul3A_4514, %add3A_4515 : i32
      %get3A_4517 = arith.index_cast %add3A_4516 : i32 to index
      %get3A_4518 = memref.load %arg1[%get3A_4517] : memref<120000xi32, #tpu.memory_space<smem>>
      %mul3A_4519 = arith.constant 512 : i32
      %mul3A_4520 = arith.muli %get3A_4518, %mul3A_4519 : i32
      %add3A_4521 = arith.addi %get3A_4512, %mul3A_4520 : i32
      %mul3A_4522 = arith.constant 4 : i32
      %mul3A_4523 = arith.muli %mul3A_4522, %add3A_4506 : i32
      %add3A_4524 = arith.constant 3 : i32
      %add3A_4525 = arith.addi %mul3A_4523, %add3A_4524 : i32
      %get3A_4526 = arith.index_cast %add3A_4525 : i32 to index
      %get3A_4527 = memref.load %arg1[%get3A_4526] : memref<120000xi32, #tpu.memory_space<smem>>
      %add3A_4528 = arith.addi %add3A_4521, %get3A_4527 : i32
      %dma_wait3A_4529 = arith.constant 0 : i32
      %dma_wait3A_4530 = tpu.memref_slice %arg3[%add3A_4528, %dma_wait3A_4529] : memref<262144x64xf32, #tpu.memory_space<any>> -> memref<1x64xf32, #tpu.memory_space<any>>
      %dma_wait3A_4531 = arith.constant 0 : i32
      %dma_wait3A_4532 = tpu.memref_slice %arg2[%add3A_4506, %dma_wait3A_4531] : memref<30000x64xf32, #tpu.memory_space<vmem>> -> memref<1x64xf32, #tpu.memory_space<vmem>>
      tpu.wait_dma2 semaphore(%arg6 : memref<!tpu.dma_semaphore, #tpu.memory_space<semaphore_mem>>) src(%dma_wait3A_4532 : memref<1x64xf32, #tpu.memory_space<vmem>>) dst(%dma_wait3A_4530 : memref<1x64xf32, #tpu.memory_space<any>>)
      %add3A_4533 = arith.constant 60 : i32
      %add3A_4534 = arith.addi %mul3A_1060, %add3A_4533 : i32
      %mul3A_4535 = arith.constant 4 : i32
      %mul3A_4536 = arith.muli %mul3A_4535, %add3A_4534 : i32
      %add3A_4537 = arith.constant 1 : i32
      %add3A_4538 = arith.addi %mul3A_4536, %add3A_4537 : i32
      %get3A_4539 = arith.index_cast %add3A_4538 : i32 to index
      %get3A_4540 = memref.load %arg1[%get3A_4539] : memref<120000xi32, #tpu.memory_space<smem>>
      %mul3A_4541 = arith.constant 4 : i32
      %mul3A_4542 = arith.muli %mul3A_4541, %add3A_4534 : i32
      %add3A_4543 = arith.constant 2 : i32
      %add3A_4544 = arith.addi %mul3A_4542, %add3A_4543 : i32
      %get3A_4545 = arith.index_cast %add3A_4544 : i32 to index
      %get3A_4546 = memref.load %arg1[%get3A_4545] : memref<120000xi32, #tpu.memory_space<smem>>
      %mul3A_4547 = arith.constant 512 : i32
      %mul3A_4548 = arith.muli %get3A_4546, %mul3A_4547 : i32
      %add3A_4549 = arith.addi %get3A_4540, %mul3A_4548 : i32
      %mul3A_4550 = arith.constant 4 : i32
      %mul3A_4551 = arith.muli %mul3A_4550, %add3A_4534 : i32
      %add3A_4552 = arith.constant 3 : i32
      %add3A_4553 = arith.addi %mul3A_4551, %add3A_4552 : i32
      %get3A_4554 = arith.index_cast %add3A_4553 : i32 to index
      %get3A_4555 = memref.load %arg1[%get3A_4554] : memref<120000xi32, #tpu.memory_space<smem>>
      %add3A_4556 = arith.addi %add3A_4549, %get3A_4555 : i32
      %dma_wait3A_4557 = arith.constant 0 : i32
      %dma_wait3A_4558 = tpu.memref_slice %arg3[%add3A_4556, %dma_wait3A_4557] : memref<262144x64xf32, #tpu.memory_space<any>> -> memref<1x64xf32, #tpu.memory_space<any>>
      %dma_wait3A_4559 = arith.constant 0 : i32
      %dma_wait3A_4560 = tpu.memref_slice %arg2[%add3A_4534, %dma_wait3A_4559] : memref<30000x64xf32, #tpu.memory_space<vmem>> -> memref<1x64xf32, #tpu.memory_space<vmem>>
      tpu.wait_dma2 semaphore(%arg6 : memref<!tpu.dma_semaphore, #tpu.memory_space<semaphore_mem>>) src(%dma_wait3A_4560 : memref<1x64xf32, #tpu.memory_space<vmem>>) dst(%dma_wait3A_4558 : memref<1x64xf32, #tpu.memory_space<any>>)
      %add3A_4561 = arith.constant 61 : i32
      %add3A_4562 = arith.addi %mul3A_1060, %add3A_4561 : i32
      %mul3A_4563 = arith.constant 4 : i32
      %mul3A_4564 = arith.muli %mul3A_4563, %add3A_4562 : i32
      %add3A_4565 = arith.constant 1 : i32
      %add3A_4566 = arith.addi %mul3A_4564, %add3A_4565 : i32
      %get3A_4567 = arith.index_cast %add3A_4566 : i32 to index
      %get3A_4568 = memref.load %arg1[%get3A_4567] : memref<120000xi32, #tpu.memory_space<smem>>
      %mul3A_4569 = arith.constant 4 : i32
      %mul3A_4570 = arith.muli %mul3A_4569, %add3A_4562 : i32
      %add3A_4571 = arith.constant 2 : i32
      %add3A_4572 = arith.addi %mul3A_4570, %add3A_4571 : i32
      %get3A_4573 = arith.index_cast %add3A_4572 : i32 to index
      %get3A_4574 = memref.load %arg1[%get3A_4573] : memref<120000xi32, #tpu.memory_space<smem>>
      %mul3A_4575 = arith.constant 512 : i32
      %mul3A_4576 = arith.muli %get3A_4574, %mul3A_4575 : i32
      %add3A_4577 = arith.addi %get3A_4568, %mul3A_4576 : i32
      %mul3A_4578 = arith.constant 4 : i32
      %mul3A_4579 = arith.muli %mul3A_4578, %add3A_4562 : i32
      %add3A_4580 = arith.constant 3 : i32
      %add3A_4581 = arith.addi %mul3A_4579, %add3A_4580 : i32
      %get3A_4582 = arith.index_cast %add3A_4581 : i32 to index
      %get3A_4583 = memref.load %arg1[%get3A_4582] : memref<120000xi32, #tpu.memory_space<smem>>
      %add3A_4584 = arith.addi %add3A_4577, %get3A_4583 : i32
      %dma_wait3A_4585 = arith.constant 0 : i32
      %dma_wait3A_4586 = tpu.memref_slice %arg3[%add3A_4584, %dma_wait3A_4585] : memref<262144x64xf32, #tpu.memory_space<any>> -> memref<1x64xf32, #tpu.memory_space<any>>
      %dma_wait3A_4587 = arith.constant 0 : i32
      %dma_wait3A_4588 = tpu.memref_slice %arg2[%add3A_4562, %dma_wait3A_4587] : memref<30000x64xf32, #tpu.memory_space<vmem>> -> memref<1x64xf32, #tpu.memory_space<vmem>>
      tpu.wait_dma2 semaphore(%arg6 : memref<!tpu.dma_semaphore, #tpu.memory_space<semaphore_mem>>) src(%dma_wait3A_4588 : memref<1x64xf32, #tpu.memory_space<vmem>>) dst(%dma_wait3A_4586 : memref<1x64xf32, #tpu.memory_space<any>>)
      %add3A_4589 = arith.constant 62 : i32
      %add3A_4590 = arith.addi %mul3A_1060, %add3A_4589 : i32
      %mul3A_4591 = arith.constant 4 : i32
      %mul3A_4592 = arith.muli %mul3A_4591, %add3A_4590 : i32
      %add3A_4593 = arith.constant 1 : i32
      %add3A_4594 = arith.addi %mul3A_4592, %add3A_4593 : i32
      %get3A_4595 = arith.index_cast %add3A_4594 : i32 to index
      %get3A_4596 = memref.load %arg1[%get3A_4595] : memref<120000xi32, #tpu.memory_space<smem>>
      %mul3A_4597 = arith.constant 4 : i32
      %mul3A_4598 = arith.muli %mul3A_4597, %add3A_4590 : i32
      %add3A_4599 = arith.constant 2 : i32
      %add3A_4600 = arith.addi %mul3A_4598, %add3A_4599 : i32
      %get3A_4601 = arith.index_cast %add3A_4600 : i32 to index
      %get3A_4602 = memref.load %arg1[%get3A_4601] : memref<120000xi32, #tpu.memory_space<smem>>
      %mul3A_4603 = arith.constant 512 : i32
      %mul3A_4604 = arith.muli %get3A_4602, %mul3A_4603 : i32
      %add3A_4605 = arith.addi %get3A_4596, %mul3A_4604 : i32
      %mul3A_4606 = arith.constant 4 : i32
      %mul3A_4607 = arith.muli %mul3A_4606, %add3A_4590 : i32
      %add3A_4608 = arith.constant 3 : i32
      %add3A_4609 = arith.addi %mul3A_4607, %add3A_4608 : i32
      %get3A_4610 = arith.index_cast %add3A_4609 : i32 to index
      %get3A_4611 = memref.load %arg1[%get3A_4610] : memref<120000xi32, #tpu.memory_space<smem>>
      %add3A_4612 = arith.addi %add3A_4605, %get3A_4611 : i32
      %dma_wait3A_4613 = arith.constant 0 : i32
      %dma_wait3A_4614 = tpu.memref_slice %arg3[%add3A_4612, %dma_wait3A_4613] : memref<262144x64xf32, #tpu.memory_space<any>> -> memref<1x64xf32, #tpu.memory_space<any>>
      %dma_wait3A_4615 = arith.constant 0 : i32
      %dma_wait3A_4616 = tpu.memref_slice %arg2[%add3A_4590, %dma_wait3A_4615] : memref<30000x64xf32, #tpu.memory_space<vmem>> -> memref<1x64xf32, #tpu.memory_space<vmem>>
      tpu.wait_dma2 semaphore(%arg6 : memref<!tpu.dma_semaphore, #tpu.memory_space<semaphore_mem>>) src(%dma_wait3A_4616 : memref<1x64xf32, #tpu.memory_space<vmem>>) dst(%dma_wait3A_4614 : memref<1x64xf32, #tpu.memory_space<any>>)
      %add3A_4617 = arith.constant 63 : i32
      %add3A_4618 = arith.addi %mul3A_1060, %add3A_4617 : i32
      %mul3A_4619 = arith.constant 4 : i32
      %mul3A_4620 = arith.muli %mul3A_4619, %add3A_4618 : i32
      %add3A_4621 = arith.constant 1 : i32
      %add3A_4622 = arith.addi %mul3A_4620, %add3A_4621 : i32
      %get3A_4623 = arith.index_cast %add3A_4622 : i32 to index
      %get3A_4624 = memref.load %arg1[%get3A_4623] : memref<120000xi32, #tpu.memory_space<smem>>
      %mul3A_4625 = arith.constant 4 : i32
      %mul3A_4626 = arith.muli %mul3A_4625, %add3A_4618 : i32
      %add3A_4627 = arith.constant 2 : i32
      %add3A_4628 = arith.addi %mul3A_4626, %add3A_4627 : i32
      %get3A_4629 = arith.index_cast %add3A_4628 : i32 to index
      %get3A_4630 = memref.load %arg1[%get3A_4629] : memref<120000xi32, #tpu.memory_space<smem>>
      %mul3A_4631 = arith.constant 512 : i32
      %mul3A_4632 = arith.muli %get3A_4630, %mul3A_4631 : i32
      %add3A_4633 = arith.addi %get3A_4624, %mul3A_4632 : i32
      %mul3A_4634 = arith.constant 4 : i32
      %mul3A_4635 = arith.muli %mul3A_4634, %add3A_4618 : i32
      %add3A_4636 = arith.constant 3 : i32
      %add3A_4637 = arith.addi %mul3A_4635, %add3A_4636 : i32
      %get3A_4638 = arith.index_cast %add3A_4637 : i32 to index
      %get3A_4639 = memref.load %arg1[%get3A_4638] : memref<120000xi32, #tpu.memory_space<smem>>
      %add3A_4640 = arith.addi %add3A_4633, %get3A_4639 : i32
      %dma_wait3A_4641 = arith.constant 0 : i32
      %dma_wait3A_4642 = tpu.memref_slice %arg3[%add3A_4640, %dma_wait3A_4641] : memref<262144x64xf32, #tpu.memory_space<any>> -> memref<1x64xf32, #tpu.memory_space<any>>
      %dma_wait3A_4643 = arith.constant 0 : i32
      %dma_wait3A_4644 = tpu.memref_slice %arg2[%add3A_4618, %dma_wait3A_4643] : memref<30000x64xf32, #tpu.memory_space<vmem>> -> memref<1x64xf32, #tpu.memory_space<vmem>>
      tpu.wait_dma2 semaphore(%arg6 : memref<!tpu.dma_semaphore, #tpu.memory_space<semaphore_mem>>) src(%dma_wait3A_4644 : memref<1x64xf32, #tpu.memory_space<vmem>>) dst(%dma_wait3A_4642 : memref<1x64xf32, #tpu.memory_space<any>>)
    }
    %scan3A_100 = arith.constant 468 : i32
    %get3A = arith.constant 119809 : index
    %get3A_101 = memref.load %arg1[%get3A] : memref<120000xi32, #tpu.memory_space<smem>>
    %get3A_102 = arith.constant 119810 : index
    %get3A_103 = memref.load %arg1[%get3A_102] : memref<120000xi32, #tpu.memory_space<smem>>
    %mul3A = arith.constant 512 : i32
    %mul3A_104 = arith.muli %get3A_103, %mul3A : i32
    %add3A = arith.addi %get3A_101, %mul3A_104 : i32
    %get3A_105 = arith.constant 119811 : index
    %get3A_106 = memref.load %arg1[%get3A_105] : memref<120000xi32, #tpu.memory_space<smem>>
    %add3A_107 = arith.addi %add3A, %get3A_106 : i32
    %dma_start3A_108 = arith.constant 0 : i32
    %dma_start3A_109 = tpu.memref_slice %arg3[%add3A_107, %dma_start3A_108] : memref<262144x64xf32, #tpu.memory_space<any>> -> memref<1x64xf32, #tpu.memory_space<any>>
    %dma_start3A_110 = arith.constant 29952 : i32
    %dma_start3A_111 = arith.constant 0 : i32
    %dma_start3A_112 = tpu.memref_slice %arg2[%dma_start3A_110, %dma_start3A_111] : memref<30000x64xf32, #tpu.memory_space<vmem>> -> memref<1x64xf32, #tpu.memory_space<vmem>>
    tpu.enqueue_dma source(%dma_start3A_112 : memref<1x64xf32, #tpu.memory_space<vmem>>) target(%dma_start3A_109 : memref<1x64xf32, #tpu.memory_space<any>>) target_semaphore(%arg6 : memref<!tpu.dma_semaphore, #tpu.memory_space<semaphore_mem>>)
    %dma_wait3A_113 = arith.constant 0 : i32
    %dma_wait3A_114 = tpu.memref_slice %arg3[%add3A_107, %dma_wait3A_113] : memref<262144x64xf32, #tpu.memory_space<any>> -> memref<1x64xf32, #tpu.memory_space<any>>
    %dma_wait3A_115 = arith.constant 29952 : i32
    %dma_wait3A_116 = arith.constant 0 : i32
    %dma_wait3A_117 = tpu.memref_slice %arg2[%dma_wait3A_115, %dma_wait3A_116] : memref<30000x64xf32, #tpu.memory_space<vmem>> -> memref<1x64xf32, #tpu.memory_space<vmem>>
    tpu.wait_dma2 semaphore(%arg6 : memref<!tpu.dma_semaphore, #tpu.memory_space<semaphore_mem>>) src(%dma_wait3A_117 : memref<1x64xf32, #tpu.memory_space<vmem>>) dst(%dma_wait3A_114 : memref<1x64xf32, #tpu.memory_space<any>>)
    %get3A_118 = arith.constant 119813 : index
    %get3A_119 = memref.load %arg1[%get3A_118] : memref<120000xi32, #tpu.memory_space<smem>>
    %get3A_120 = arith.constant 119814 : index
    %get3A_121 = memref.load %arg1[%get3A_120] : memref<120000xi32, #tpu.memory_space<smem>>
    %mul3A_122 = arith.constant 512 : i32
    %mul3A_123 = arith.muli %get3A_121, %mul3A_122 : i32
    %add3A_124 = arith.addi %get3A_119, %mul3A_123 : i32
    %get3A_125 = arith.constant 119815 : index
    %get3A_126 = memref.load %arg1[%get3A_125] : memref<120000xi32, #tpu.memory_space<smem>>
    %add3A_127 = arith.addi %add3A_124, %get3A_126 : i32
    %dma_start3A_128 = arith.constant 0 : i32
    %dma_start3A_129 = tpu.memref_slice %arg3[%add3A_127, %dma_start3A_128] : memref<262144x64xf32, #tpu.memory_space<any>> -> memref<1x64xf32, #tpu.memory_space<any>>
    %dma_start3A_130 = arith.constant 29953 : i32
    %dma_start3A_131 = arith.constant 0 : i32
    %dma_start3A_132 = tpu.memref_slice %arg2[%dma_start3A_130, %dma_start3A_131] : memref<30000x64xf32, #tpu.memory_space<vmem>> -> memref<1x64xf32, #tpu.memory_space<vmem>>
    tpu.enqueue_dma source(%dma_start3A_132 : memref<1x64xf32, #tpu.memory_space<vmem>>) target(%dma_start3A_129 : memref<1x64xf32, #tpu.memory_space<any>>) target_semaphore(%arg6 : memref<!tpu.dma_semaphore, #tpu.memory_space<semaphore_mem>>)
    %dma_wait3A_133 = arith.constant 0 : i32
    %dma_wait3A_134 = tpu.memref_slice %arg3[%add3A_127, %dma_wait3A_133] : memref<262144x64xf32, #tpu.memory_space<any>> -> memref<1x64xf32, #tpu.memory_space<any>>
    %dma_wait3A_135 = arith.constant 29953 : i32
    %dma_wait3A_136 = arith.constant 0 : i32
    %dma_wait3A_137 = tpu.memref_slice %arg2[%dma_wait3A_135, %dma_wait3A_136] : memref<30000x64xf32, #tpu.memory_space<vmem>> -> memref<1x64xf32, #tpu.memory_space<vmem>>
    tpu.wait_dma2 semaphore(%arg6 : memref<!tpu.dma_semaphore, #tpu.memory_space<semaphore_mem>>) src(%dma_wait3A_137 : memref<1x64xf32, #tpu.memory_space<vmem>>) dst(%dma_wait3A_134 : memref<1x64xf32, #tpu.memory_space<any>>)
    %get3A_138 = arith.constant 119817 : index
    %get3A_139 = memref.load %arg1[%get3A_138] : memref<120000xi32, #tpu.memory_space<smem>>
    %get3A_140 = arith.constant 119818 : index
    %get3A_141 = memref.load %arg1[%get3A_140] : memref<120000xi32, #tpu.memory_space<smem>>
    %mul3A_142 = arith.constant 512 : i32
    %mul3A_143 = arith.muli %get3A_141, %mul3A_142 : i32
    %add3A_144 = arith.addi %get3A_139, %mul3A_143 : i32
    %get3A_145 = arith.constant 119819 : index
    %get3A_146 = memref.load %arg1[%get3A_145] : memref<120000xi32, #tpu.memory_space<smem>>
    %add3A_147 = arith.addi %add3A_144, %get3A_146 : i32
    %dma_start3A_148 = arith.constant 0 : i32
    %dma_start3A_149 = tpu.memref_slice %arg3[%add3A_147, %dma_start3A_148] : memref<262144x64xf32, #tpu.memory_space<any>> -> memref<1x64xf32, #tpu.memory_space<any>>
    %dma_start3A_150 = arith.constant 29954 : i32
    %dma_start3A_151 = arith.constant 0 : i32
    %dma_start3A_152 = tpu.memref_slice %arg2[%dma_start3A_150, %dma_start3A_151] : memref<30000x64xf32, #tpu.memory_space<vmem>> -> memref<1x64xf32, #tpu.memory_space<vmem>>
    tpu.enqueue_dma source(%dma_start3A_152 : memref<1x64xf32, #tpu.memory_space<vmem>>) target(%dma_start3A_149 : memref<1x64xf32, #tpu.memory_space<any>>) target_semaphore(%arg6 : memref<!tpu.dma_semaphore, #tpu.memory_space<semaphore_mem>>)
    %dma_wait3A_153 = arith.constant 0 : i32
    %dma_wait3A_154 = tpu.memref_slice %arg3[%add3A_147, %dma_wait3A_153] : memref<262144x64xf32, #tpu.memory_space<any>> -> memref<1x64xf32, #tpu.memory_space<any>>
    %dma_wait3A_155 = arith.constant 29954 : i32
    %dma_wait3A_156 = arith.constant 0 : i32
    %dma_wait3A_157 = tpu.memref_slice %arg2[%dma_wait3A_155, %dma_wait3A_156] : memref<30000x64xf32, #tpu.memory_space<vmem>> -> memref<1x64xf32, #tpu.memory_space<vmem>>
    tpu.wait_dma2 semaphore(%arg6 : memref<!tpu.dma_semaphore, #tpu.memory_space<semaphore_mem>>) src(%dma_wait3A_157 : memref<1x64xf32, #tpu.memory_space<vmem>>) dst(%dma_wait3A_154 : memref<1x64xf32, #tpu.memory_space<any>>)
    %get3A_158 = arith.constant 119821 : index
    %get3A_159 = memref.load %arg1[%get3A_158] : memref<120000xi32, #tpu.memory_space<smem>>
    %get3A_160 = arith.constant 119822 : index
    %get3A_161 = memref.load %arg1[%get3A_160] : memref<120000xi32, #tpu.memory_space<smem>>
    %mul3A_162 = arith.constant 512 : i32
    %mul3A_163 = arith.muli %get3A_161, %mul3A_162 : i32
    %add3A_164 = arith.addi %get3A_159, %mul3A_163 : i32
    %get3A_165 = arith.constant 119823 : index
    %get3A_166 = memref.load %arg1[%get3A_165] : memref<120000xi32, #tpu.memory_space<smem>>
    %add3A_167 = arith.addi %add3A_164, %get3A_166 : i32
    %dma_start3A_168 = arith.constant 0 : i32
    %dma_start3A_169 = tpu.memref_slice %arg3[%add3A_167, %dma_start3A_168] : memref<262144x64xf32, #tpu.memory_space<any>> -> memref<1x64xf32, #tpu.memory_space<any>>
    %dma_start3A_170 = arith.constant 29955 : i32
    %dma_start3A_171 = arith.constant 0 : i32
    %dma_start3A_172 = tpu.memref_slice %arg2[%dma_start3A_170, %dma_start3A_171] : memref<30000x64xf32, #tpu.memory_space<vmem>> -> memref<1x64xf32, #tpu.memory_space<vmem>>
    tpu.enqueue_dma source(%dma_start3A_172 : memref<1x64xf32, #tpu.memory_space<vmem>>) target(%dma_start3A_169 : memref<1x64xf32, #tpu.memory_space<any>>) target_semaphore(%arg6 : memref<!tpu.dma_semaphore, #tpu.memory_space<semaphore_mem>>)
    %dma_wait3A_173 = arith.constant 0 : i32
    %dma_wait3A_174 = tpu.memref_slice %arg3[%add3A_167, %dma_wait3A_173] : memref<262144x64xf32, #tpu.memory_space<any>> -> memref<1x64xf32, #tpu.memory_space<any>>
    %dma_wait3A_175 = arith.constant 29955 : i32
    %dma_wait3A_176 = arith.constant 0 : i32
    %dma_wait3A_177 = tpu.memref_slice %arg2[%dma_wait3A_175, %dma_wait3A_176] : memref<30000x64xf32, #tpu.memory_space<vmem>> -> memref<1x64xf32, #tpu.memory_space<vmem>>
    tpu.wait_dma2 semaphore(%arg6 : memref<!tpu.dma_semaphore, #tpu.memory_space<semaphore_mem>>) src(%dma_wait3A_177 : memref<1x64xf32, #tpu.memory_space<vmem>>) dst(%dma_wait3A_174 : memref<1x64xf32, #tpu.memory_space<any>>)
    %get3A_178 = arith.constant 119825 : index
    %get3A_179 = memref.load %arg1[%get3A_178] : memref<120000xi32, #tpu.memory_space<smem>>
    %get3A_180 = arith.constant 119826 : index
    %get3A_181 = memref.load %arg1[%get3A_180] : memref<120000xi32, #tpu.memory_space<smem>>
    %mul3A_182 = arith.constant 512 : i32
    %mul3A_183 = arith.muli %get3A_181, %mul3A_182 : i32
    %add3A_184 = arith.addi %get3A_179, %mul3A_183 : i32
    %get3A_185 = arith.constant 119827 : index
    %get3A_186 = memref.load %arg1[%get3A_185] : memref<120000xi32, #tpu.memory_space<smem>>
    %add3A_187 = arith.addi %add3A_184, %get3A_186 : i32
    %dma_start3A_188 = arith.constant 0 : i32
    %dma_start3A_189 = tpu.memref_slice %arg3[%add3A_187, %dma_start3A_188] : memref<262144x64xf32, #tpu.memory_space<any>> -> memref<1x64xf32, #tpu.memory_space<any>>
    %dma_start3A_190 = arith.constant 29956 : i32
    %dma_start3A_191 = arith.constant 0 : i32
    %dma_start3A_192 = tpu.memref_slice %arg2[%dma_start3A_190, %dma_start3A_191] : memref<30000x64xf32, #tpu.memory_space<vmem>> -> memref<1x64xf32, #tpu.memory_space<vmem>>
    tpu.enqueue_dma source(%dma_start3A_192 : memref<1x64xf32, #tpu.memory_space<vmem>>) target(%dma_start3A_189 : memref<1x64xf32, #tpu.memory_space<any>>) target_semaphore(%arg6 : memref<!tpu.dma_semaphore, #tpu.memory_space<semaphore_mem>>)
    %dma_wait3A_193 = arith.constant 0 : i32
    %dma_wait3A_194 = tpu.memref_slice %arg3[%add3A_187, %dma_wait3A_193] : memref<262144x64xf32, #tpu.memory_space<any>> -> memref<1x64xf32, #tpu.memory_space<any>>
    %dma_wait3A_195 = arith.constant 29956 : i32
    %dma_wait3A_196 = arith.constant 0 : i32
    %dma_wait3A_197 = tpu.memref_slice %arg2[%dma_wait3A_195, %dma_wait3A_196] : memref<30000x64xf32, #tpu.memory_space<vmem>> -> memref<1x64xf32, #tpu.memory_space<vmem>>
    tpu.wait_dma2 semaphore(%arg6 : memref<!tpu.dma_semaphore, #tpu.memory_space<semaphore_mem>>) src(%dma_wait3A_197 : memref<1x64xf32, #tpu.memory_space<vmem>>) dst(%dma_wait3A_194 : memref<1x64xf32, #tpu.memory_space<any>>)
    %get3A_198 = arith.constant 119829 : index
    %get3A_199 = memref.load %arg1[%get3A_198] : memref<120000xi32, #tpu.memory_space<smem>>
    %get3A_200 = arith.constant 119830 : index
    %get3A_201 = memref.load %arg1[%get3A_200] : memref<120000xi32, #tpu.memory_space<smem>>
    %mul3A_202 = arith.constant 512 : i32
    %mul3A_203 = arith.muli %get3A_201, %mul3A_202 : i32
    %add3A_204 = arith.addi %get3A_199, %mul3A_203 : i32
    %get3A_205 = arith.constant 119831 : index
    %get3A_206 = memref.load %arg1[%get3A_205] : memref<120000xi32, #tpu.memory_space<smem>>
    %add3A_207 = arith.addi %add3A_204, %get3A_206 : i32
    %dma_start3A_208 = arith.constant 0 : i32
    %dma_start3A_209 = tpu.memref_slice %arg3[%add3A_207, %dma_start3A_208] : memref<262144x64xf32, #tpu.memory_space<any>> -> memref<1x64xf32, #tpu.memory_space<any>>
    %dma_start3A_210 = arith.constant 29957 : i32
    %dma_start3A_211 = arith.constant 0 : i32
    %dma_start3A_212 = tpu.memref_slice %arg2[%dma_start3A_210, %dma_start3A_211] : memref<30000x64xf32, #tpu.memory_space<vmem>> -> memref<1x64xf32, #tpu.memory_space<vmem>>
    tpu.enqueue_dma source(%dma_start3A_212 : memref<1x64xf32, #tpu.memory_space<vmem>>) target(%dma_start3A_209 : memref<1x64xf32, #tpu.memory_space<any>>) target_semaphore(%arg6 : memref<!tpu.dma_semaphore, #tpu.memory_space<semaphore_mem>>)
    %dma_wait3A_213 = arith.constant 0 : i32
    %dma_wait3A_214 = tpu.memref_slice %arg3[%add3A_207, %dma_wait3A_213] : memref<262144x64xf32, #tpu.memory_space<any>> -> memref<1x64xf32, #tpu.memory_space<any>>
    %dma_wait3A_215 = arith.constant 29957 : i32
    %dma_wait3A_216 = arith.constant 0 : i32
    %dma_wait3A_217 = tpu.memref_slice %arg2[%dma_wait3A_215, %dma_wait3A_216] : memref<30000x64xf32, #tpu.memory_space<vmem>> -> memref<1x64xf32, #tpu.memory_space<vmem>>
    tpu.wait_dma2 semaphore(%arg6 : memref<!tpu.dma_semaphore, #tpu.memory_space<semaphore_mem>>) src(%dma_wait3A_217 : memref<1x64xf32, #tpu.memory_space<vmem>>) dst(%dma_wait3A_214 : memref<1x64xf32, #tpu.memory_space<any>>)
    %get3A_218 = arith.constant 119833 : index
    %get3A_219 = memref.load %arg1[%get3A_218] : memref<120000xi32, #tpu.memory_space<smem>>
    %get3A_220 = arith.constant 119834 : index
    %get3A_221 = memref.load %arg1[%get3A_220] : memref<120000xi32, #tpu.memory_space<smem>>
    %mul3A_222 = arith.constant 512 : i32
    %mul3A_223 = arith.muli %get3A_221, %mul3A_222 : i32
    %add3A_224 = arith.addi %get3A_219, %mul3A_223 : i32
    %get3A_225 = arith.constant 119835 : index
    %get3A_226 = memref.load %arg1[%get3A_225] : memref<120000xi32, #tpu.memory_space<smem>>
    %add3A_227 = arith.addi %add3A_224, %get3A_226 : i32
    %dma_start3A_228 = arith.constant 0 : i32
    %dma_start3A_229 = tpu.memref_slice %arg3[%add3A_227, %dma_start3A_228] : memref<262144x64xf32, #tpu.memory_space<any>> -> memref<1x64xf32, #tpu.memory_space<any>>
    %dma_start3A_230 = arith.constant 29958 : i32
    %dma_start3A_231 = arith.constant 0 : i32
    %dma_start3A_232 = tpu.memref_slice %arg2[%dma_start3A_230, %dma_start3A_231] : memref<30000x64xf32, #tpu.memory_space<vmem>> -> memref<1x64xf32, #tpu.memory_space<vmem>>
    tpu.enqueue_dma source(%dma_start3A_232 : memref<1x64xf32, #tpu.memory_space<vmem>>) target(%dma_start3A_229 : memref<1x64xf32, #tpu.memory_space<any>>) target_semaphore(%arg6 : memref<!tpu.dma_semaphore, #tpu.memory_space<semaphore_mem>>)
    %dma_wait3A_233 = arith.constant 0 : i32
    %dma_wait3A_234 = tpu.memref_slice %arg3[%add3A_227, %dma_wait3A_233] : memref<262144x64xf32, #tpu.memory_space<any>> -> memref<1x64xf32, #tpu.memory_space<any>>
    %dma_wait3A_235 = arith.constant 29958 : i32
    %dma_wait3A_236 = arith.constant 0 : i32
    %dma_wait3A_237 = tpu.memref_slice %arg2[%dma_wait3A_235, %dma_wait3A_236] : memref<30000x64xf32, #tpu.memory_space<vmem>> -> memref<1x64xf32, #tpu.memory_space<vmem>>
    tpu.wait_dma2 semaphore(%arg6 : memref<!tpu.dma_semaphore, #tpu.memory_space<semaphore_mem>>) src(%dma_wait3A_237 : memref<1x64xf32, #tpu.memory_space<vmem>>) dst(%dma_wait3A_234 : memref<1x64xf32, #tpu.memory_space<any>>)
    %get3A_238 = arith.constant 119837 : index
    %get3A_239 = memref.load %arg1[%get3A_238] : memref<120000xi32, #tpu.memory_space<smem>>
    %get3A_240 = arith.constant 119838 : index
    %get3A_241 = memref.load %arg1[%get3A_240] : memref<120000xi32, #tpu.memory_space<smem>>
    %mul3A_242 = arith.constant 512 : i32
    %mul3A_243 = arith.muli %get3A_241, %mul3A_242 : i32
    %add3A_244 = arith.addi %get3A_239, %mul3A_243 : i32
    %get3A_245 = arith.constant 119839 : index
    %get3A_246 = memref.load %arg1[%get3A_245] : memref<120000xi32, #tpu.memory_space<smem>>
    %add3A_247 = arith.addi %add3A_244, %get3A_246 : i32
    %dma_start3A_248 = arith.constant 0 : i32
    %dma_start3A_249 = tpu.memref_slice %arg3[%add3A_247, %dma_start3A_248] : memref<262144x64xf32, #tpu.memory_space<any>> -> memref<1x64xf32, #tpu.memory_space<any>>
    %dma_start3A_250 = arith.constant 29959 : i32
    %dma_start3A_251 = arith.constant 0 : i32
    %dma_start3A_252 = tpu.memref_slice %arg2[%dma_start3A_250, %dma_start3A_251] : memref<30000x64xf32, #tpu.memory_space<vmem>> -> memref<1x64xf32, #tpu.memory_space<vmem>>
    tpu.enqueue_dma source(%dma_start3A_252 : memref<1x64xf32, #tpu.memory_space<vmem>>) target(%dma_start3A_249 : memref<1x64xf32, #tpu.memory_space<any>>) target_semaphore(%arg6 : memref<!tpu.dma_semaphore, #tpu.memory_space<semaphore_mem>>)
    %dma_wait3A_253 = arith.constant 0 : i32
    %dma_wait3A_254 = tpu.memref_slice %arg3[%add3A_247, %dma_wait3A_253] : memref<262144x64xf32, #tpu.memory_space<any>> -> memref<1x64xf32, #tpu.memory_space<any>>
    %dma_wait3A_255 = arith.constant 29959 : i32
    %dma_wait3A_256 = arith.constant 0 : i32
    %dma_wait3A_257 = tpu.memref_slice %arg2[%dma_wait3A_255, %dma_wait3A_256] : memref<30000x64xf32, #tpu.memory_space<vmem>> -> memref<1x64xf32, #tpu.memory_space<vmem>>
    tpu.wait_dma2 semaphore(%arg6 : memref<!tpu.dma_semaphore, #tpu.memory_space<semaphore_mem>>) src(%dma_wait3A_257 : memref<1x64xf32, #tpu.memory_space<vmem>>) dst(%dma_wait3A_254 : memref<1x64xf32, #tpu.memory_space<any>>)
    %get3A_258 = arith.constant 119841 : index
    %get3A_259 = memref.load %arg1[%get3A_258] : memref<120000xi32, #tpu.memory_space<smem>>
    %get3A_260 = arith.constant 119842 : index
    %get3A_261 = memref.load %arg1[%get3A_260] : memref<120000xi32, #tpu.memory_space<smem>>
    %mul3A_262 = arith.constant 512 : i32
    %mul3A_263 = arith.muli %get3A_261, %mul3A_262 : i32
    %add3A_264 = arith.addi %get3A_259, %mul3A_263 : i32
    %get3A_265 = arith.constant 119843 : index
    %get3A_266 = memref.load %arg1[%get3A_265] : memref<120000xi32, #tpu.memory_space<smem>>
    %add3A_267 = arith.addi %add3A_264, %get3A_266 : i32
    %dma_start3A_268 = arith.constant 0 : i32
    %dma_start3A_269 = tpu.memref_slice %arg3[%add3A_267, %dma_start3A_268] : memref<262144x64xf32, #tpu.memory_space<any>> -> memref<1x64xf32, #tpu.memory_space<any>>
    %dma_start3A_270 = arith.constant 29960 : i32
    %dma_start3A_271 = arith.constant 0 : i32
    %dma_start3A_272 = tpu.memref_slice %arg2[%dma_start3A_270, %dma_start3A_271] : memref<30000x64xf32, #tpu.memory_space<vmem>> -> memref<1x64xf32, #tpu.memory_space<vmem>>
    tpu.enqueue_dma source(%dma_start3A_272 : memref<1x64xf32, #tpu.memory_space<vmem>>) target(%dma_start3A_269 : memref<1x64xf32, #tpu.memory_space<any>>) target_semaphore(%arg6 : memref<!tpu.dma_semaphore, #tpu.memory_space<semaphore_mem>>)
    %dma_wait3A_273 = arith.constant 0 : i32
    %dma_wait3A_274 = tpu.memref_slice %arg3[%add3A_267, %dma_wait3A_273] : memref<262144x64xf32, #tpu.memory_space<any>> -> memref<1x64xf32, #tpu.memory_space<any>>
    %dma_wait3A_275 = arith.constant 29960 : i32
    %dma_wait3A_276 = arith.constant 0 : i32
    %dma_wait3A_277 = tpu.memref_slice %arg2[%dma_wait3A_275, %dma_wait3A_276] : memref<30000x64xf32, #tpu.memory_space<vmem>> -> memref<1x64xf32, #tpu.memory_space<vmem>>
    tpu.wait_dma2 semaphore(%arg6 : memref<!tpu.dma_semaphore, #tpu.memory_space<semaphore_mem>>) src(%dma_wait3A_277 : memref<1x64xf32, #tpu.memory_space<vmem>>) dst(%dma_wait3A_274 : memref<1x64xf32, #tpu.memory_space<any>>)
    %get3A_278 = arith.constant 119845 : index
    %get3A_279 = memref.load %arg1[%get3A_278] : memref<120000xi32, #tpu.memory_space<smem>>
    %get3A_280 = arith.constant 119846 : index
    %get3A_281 = memref.load %arg1[%get3A_280] : memref<120000xi32, #tpu.memory_space<smem>>
    %mul3A_282 = arith.constant 512 : i32
    %mul3A_283 = arith.muli %get3A_281, %mul3A_282 : i32
    %add3A_284 = arith.addi %get3A_279, %mul3A_283 : i32
    %get3A_285 = arith.constant 119847 : index
    %get3A_286 = memref.load %arg1[%get3A_285] : memref<120000xi32, #tpu.memory_space<smem>>
    %add3A_287 = arith.addi %add3A_284, %get3A_286 : i32
    %dma_start3A_288 = arith.constant 0 : i32
    %dma_start3A_289 = tpu.memref_slice %arg3[%add3A_287, %dma_start3A_288] : memref<262144x64xf32, #tpu.memory_space<any>> -> memref<1x64xf32, #tpu.memory_space<any>>
    %dma_start3A_290 = arith.constant 29961 : i32
    %dma_start3A_291 = arith.constant 0 : i32
    %dma_start3A_292 = tpu.memref_slice %arg2[%dma_start3A_290, %dma_start3A_291] : memref<30000x64xf32, #tpu.memory_space<vmem>> -> memref<1x64xf32, #tpu.memory_space<vmem>>
    tpu.enqueue_dma source(%dma_start3A_292 : memref<1x64xf32, #tpu.memory_space<vmem>>) target(%dma_start3A_289 : memref<1x64xf32, #tpu.memory_space<any>>) target_semaphore(%arg6 : memref<!tpu.dma_semaphore, #tpu.memory_space<semaphore_mem>>)
    %dma_wait3A_293 = arith.constant 0 : i32
    %dma_wait3A_294 = tpu.memref_slice %arg3[%add3A_287, %dma_wait3A_293] : memref<262144x64xf32, #tpu.memory_space<any>> -> memref<1x64xf32, #tpu.memory_space<any>>
    %dma_wait3A_295 = arith.constant 29961 : i32
    %dma_wait3A_296 = arith.constant 0 : i32
    %dma_wait3A_297 = tpu.memref_slice %arg2[%dma_wait3A_295, %dma_wait3A_296] : memref<30000x64xf32, #tpu.memory_space<vmem>> -> memref<1x64xf32, #tpu.memory_space<vmem>>
    tpu.wait_dma2 semaphore(%arg6 : memref<!tpu.dma_semaphore, #tpu.memory_space<semaphore_mem>>) src(%dma_wait3A_297 : memref<1x64xf32, #tpu.memory_space<vmem>>) dst(%dma_wait3A_294 : memref<1x64xf32, #tpu.memory_space<any>>)
    %get3A_298 = arith.constant 119849 : index
    %get3A_299 = memref.load %arg1[%get3A_298] : memref<120000xi32, #tpu.memory_space<smem>>
    %get3A_300 = arith.constant 119850 : index
    %get3A_301 = memref.load %arg1[%get3A_300] : memref<120000xi32, #tpu.memory_space<smem>>
    %mul3A_302 = arith.constant 512 : i32
    %mul3A_303 = arith.muli %get3A_301, %mul3A_302 : i32
    %add3A_304 = arith.addi %get3A_299, %mul3A_303 : i32
    %get3A_305 = arith.constant 119851 : index
    %get3A_306 = memref.load %arg1[%get3A_305] : memref<120000xi32, #tpu.memory_space<smem>>
    %add3A_307 = arith.addi %add3A_304, %get3A_306 : i32
    %dma_start3A_308 = arith.constant 0 : i32
    %dma_start3A_309 = tpu.memref_slice %arg3[%add3A_307, %dma_start3A_308] : memref<262144x64xf32, #tpu.memory_space<any>> -> memref<1x64xf32, #tpu.memory_space<any>>
    %dma_start3A_310 = arith.constant 29962 : i32
    %dma_start3A_311 = arith.constant 0 : i32
    %dma_start3A_312 = tpu.memref_slice %arg2[%dma_start3A_310, %dma_start3A_311] : memref<30000x64xf32, #tpu.memory_space<vmem>> -> memref<1x64xf32, #tpu.memory_space<vmem>>
    tpu.enqueue_dma source(%dma_start3A_312 : memref<1x64xf32, #tpu.memory_space<vmem>>) target(%dma_start3A_309 : memref<1x64xf32, #tpu.memory_space<any>>) target_semaphore(%arg6 : memref<!tpu.dma_semaphore, #tpu.memory_space<semaphore_mem>>)
    %dma_wait3A_313 = arith.constant 0 : i32
    %dma_wait3A_314 = tpu.memref_slice %arg3[%add3A_307, %dma_wait3A_313] : memref<262144x64xf32, #tpu.memory_space<any>> -> memref<1x64xf32, #tpu.memory_space<any>>
    %dma_wait3A_315 = arith.constant 29962 : i32
    %dma_wait3A_316 = arith.constant 0 : i32
    %dma_wait3A_317 = tpu.memref_slice %arg2[%dma_wait3A_315, %dma_wait3A_316] : memref<30000x64xf32, #tpu.memory_space<vmem>> -> memref<1x64xf32, #tpu.memory_space<vmem>>
    tpu.wait_dma2 semaphore(%arg6 : memref<!tpu.dma_semaphore, #tpu.memory_space<semaphore_mem>>) src(%dma_wait3A_317 : memref<1x64xf32, #tpu.memory_space<vmem>>) dst(%dma_wait3A_314 : memref<1x64xf32, #tpu.memory_space<any>>)
    %get3A_318 = arith.constant 119853 : index
    %get3A_319 = memref.load %arg1[%get3A_318] : memref<120000xi32, #tpu.memory_space<smem>>
    %get3A_320 = arith.constant 119854 : index
    %get3A_321 = memref.load %arg1[%get3A_320] : memref<120000xi32, #tpu.memory_space<smem>>
    %mul3A_322 = arith.constant 512 : i32
    %mul3A_323 = arith.muli %get3A_321, %mul3A_322 : i32
    %add3A_324 = arith.addi %get3A_319, %mul3A_323 : i32
    %get3A_325 = arith.constant 119855 : index
    %get3A_326 = memref.load %arg1[%get3A_325] : memref<120000xi32, #tpu.memory_space<smem>>
    %add3A_327 = arith.addi %add3A_324, %get3A_326 : i32
    %dma_start3A_328 = arith.constant 0 : i32
    %dma_start3A_329 = tpu.memref_slice %arg3[%add3A_327, %dma_start3A_328] : memref<262144x64xf32, #tpu.memory_space<any>> -> memref<1x64xf32, #tpu.memory_space<any>>
    %dma_start3A_330 = arith.constant 29963 : i32
    %dma_start3A_331 = arith.constant 0 : i32
    %dma_start3A_332 = tpu.memref_slice %arg2[%dma_start3A_330, %dma_start3A_331] : memref<30000x64xf32, #tpu.memory_space<vmem>> -> memref<1x64xf32, #tpu.memory_space<vmem>>
    tpu.enqueue_dma source(%dma_start3A_332 : memref<1x64xf32, #tpu.memory_space<vmem>>) target(%dma_start3A_329 : memref<1x64xf32, #tpu.memory_space<any>>) target_semaphore(%arg6 : memref<!tpu.dma_semaphore, #tpu.memory_space<semaphore_mem>>)
    %dma_wait3A_333 = arith.constant 0 : i32
    %dma_wait3A_334 = tpu.memref_slice %arg3[%add3A_327, %dma_wait3A_333] : memref<262144x64xf32, #tpu.memory_space<any>> -> memref<1x64xf32, #tpu.memory_space<any>>
    %dma_wait3A_335 = arith.constant 29963 : i32
    %dma_wait3A_336 = arith.constant 0 : i32
    %dma_wait3A_337 = tpu.memref_slice %arg2[%dma_wait3A_335, %dma_wait3A_336] : memref<30000x64xf32, #tpu.memory_space<vmem>> -> memref<1x64xf32, #tpu.memory_space<vmem>>
    tpu.wait_dma2 semaphore(%arg6 : memref<!tpu.dma_semaphore, #tpu.memory_space<semaphore_mem>>) src(%dma_wait3A_337 : memref<1x64xf32, #tpu.memory_space<vmem>>) dst(%dma_wait3A_334 : memref<1x64xf32, #tpu.memory_space<any>>)
    %get3A_338 = arith.constant 119857 : index
    %get3A_339 = memref.load %arg1[%get3A_338] : memref<120000xi32, #tpu.memory_space<smem>>
    %get3A_340 = arith.constant 119858 : index
    %get3A_341 = memref.load %arg1[%get3A_340] : memref<120000xi32, #tpu.memory_space<smem>>
    %mul3A_342 = arith.constant 512 : i32
    %mul3A_343 = arith.muli %get3A_341, %mul3A_342 : i32
    %add3A_344 = arith.addi %get3A_339, %mul3A_343 : i32
    %get3A_345 = arith.constant 119859 : index
    %get3A_346 = memref.load %arg1[%get3A_345] : memref<120000xi32, #tpu.memory_space<smem>>
    %add3A_347 = arith.addi %add3A_344, %get3A_346 : i32
    %dma_start3A_348 = arith.constant 0 : i32
    %dma_start3A_349 = tpu.memref_slice %arg3[%add3A_347, %dma_start3A_348] : memref<262144x64xf32, #tpu.memory_space<any>> -> memref<1x64xf32, #tpu.memory_space<any>>
    %dma_start3A_350 = arith.constant 29964 : i32
    %dma_start3A_351 = arith.constant 0 : i32
    %dma_start3A_352 = tpu.memref_slice %arg2[%dma_start3A_350, %dma_start3A_351] : memref<30000x64xf32, #tpu.memory_space<vmem>> -> memref<1x64xf32, #tpu.memory_space<vmem>>
    tpu.enqueue_dma source(%dma_start3A_352 : memref<1x64xf32, #tpu.memory_space<vmem>>) target(%dma_start3A_349 : memref<1x64xf32, #tpu.memory_space<any>>) target_semaphore(%arg6 : memref<!tpu.dma_semaphore, #tpu.memory_space<semaphore_mem>>)
    %dma_wait3A_353 = arith.constant 0 : i32
    %dma_wait3A_354 = tpu.memref_slice %arg3[%add3A_347, %dma_wait3A_353] : memref<262144x64xf32, #tpu.memory_space<any>> -> memref<1x64xf32, #tpu.memory_space<any>>
    %dma_wait3A_355 = arith.constant 29964 : i32
    %dma_wait3A_356 = arith.constant 0 : i32
    %dma_wait3A_357 = tpu.memref_slice %arg2[%dma_wait3A_355, %dma_wait3A_356] : memref<30000x64xf32, #tpu.memory_space<vmem>> -> memref<1x64xf32, #tpu.memory_space<vmem>>
    tpu.wait_dma2 semaphore(%arg6 : memref<!tpu.dma_semaphore, #tpu.memory_space<semaphore_mem>>) src(%dma_wait3A_357 : memref<1x64xf32, #tpu.memory_space<vmem>>) dst(%dma_wait3A_354 : memref<1x64xf32, #tpu.memory_space<any>>)
    %get3A_358 = arith.constant 119861 : index
    %get3A_359 = memref.load %arg1[%get3A_358] : memref<120000xi32, #tpu.memory_space<smem>>
    %get3A_360 = arith.constant 119862 : index
    %get3A_361 = memref.load %arg1[%get3A_360] : memref<120000xi32, #tpu.memory_space<smem>>
    %mul3A_362 = arith.constant 512 : i32
    %mul3A_363 = arith.muli %get3A_361, %mul3A_362 : i32
    %add3A_364 = arith.addi %get3A_359, %mul3A_363 : i32
    %get3A_365 = arith.constant 119863 : index
    %get3A_366 = memref.load %arg1[%get3A_365] : memref<120000xi32, #tpu.memory_space<smem>>
    %add3A_367 = arith.addi %add3A_364, %get3A_366 : i32
    %dma_start3A_368 = arith.constant 0 : i32
    %dma_start3A_369 = tpu.memref_slice %arg3[%add3A_367, %dma_start3A_368] : memref<262144x64xf32, #tpu.memory_space<any>> -> memref<1x64xf32, #tpu.memory_space<any>>
    %dma_start3A_370 = arith.constant 29965 : i32
    %dma_start3A_371 = arith.constant 0 : i32
    %dma_start3A_372 = tpu.memref_slice %arg2[%dma_start3A_370, %dma_start3A_371] : memref<30000x64xf32, #tpu.memory_space<vmem>> -> memref<1x64xf32, #tpu.memory_space<vmem>>
    tpu.enqueue_dma source(%dma_start3A_372 : memref<1x64xf32, #tpu.memory_space<vmem>>) target(%dma_start3A_369 : memref<1x64xf32, #tpu.memory_space<any>>) target_semaphore(%arg6 : memref<!tpu.dma_semaphore, #tpu.memory_space<semaphore_mem>>)
    %dma_wait3A_373 = arith.constant 0 : i32
    %dma_wait3A_374 = tpu.memref_slice %arg3[%add3A_367, %dma_wait3A_373] : memref<262144x64xf32, #tpu.memory_space<any>> -> memref<1x64xf32, #tpu.memory_space<any>>
    %dma_wait3A_375 = arith.constant 29965 : i32
    %dma_wait3A_376 = arith.constant 0 : i32
    %dma_wait3A_377 = tpu.memref_slice %arg2[%dma_wait3A_375, %dma_wait3A_376] : memref<30000x64xf32, #tpu.memory_space<vmem>> -> memref<1x64xf32, #tpu.memory_space<vmem>>
    tpu.wait_dma2 semaphore(%arg6 : memref<!tpu.dma_semaphore, #tpu.memory_space<semaphore_mem>>) src(%dma_wait3A_377 : memref<1x64xf32, #tpu.memory_space<vmem>>) dst(%dma_wait3A_374 : memref<1x64xf32, #tpu.memory_space<any>>)
    %get3A_378 = arith.constant 119865 : index
    %get3A_379 = memref.load %arg1[%get3A_378] : memref<120000xi32, #tpu.memory_space<smem>>
    %get3A_380 = arith.constant 119866 : index
    %get3A_381 = memref.load %arg1[%get3A_380] : memref<120000xi32, #tpu.memory_space<smem>>
    %mul3A_382 = arith.constant 512 : i32
    %mul3A_383 = arith.muli %get3A_381, %mul3A_382 : i32
    %add3A_384 = arith.addi %get3A_379, %mul3A_383 : i32
    %get3A_385 = arith.constant 119867 : index
    %get3A_386 = memref.load %arg1[%get3A_385] : memref<120000xi32, #tpu.memory_space<smem>>
    %add3A_387 = arith.addi %add3A_384, %get3A_386 : i32
    %dma_start3A_388 = arith.constant 0 : i32
    %dma_start3A_389 = tpu.memref_slice %arg3[%add3A_387, %dma_start3A_388] : memref<262144x64xf32, #tpu.memory_space<any>> -> memref<1x64xf32, #tpu.memory_space<any>>
    %dma_start3A_390 = arith.constant 29966 : i32
    %dma_start3A_391 = arith.constant 0 : i32
    %dma_start3A_392 = tpu.memref_slice %arg2[%dma_start3A_390, %dma_start3A_391] : memref<30000x64xf32, #tpu.memory_space<vmem>> -> memref<1x64xf32, #tpu.memory_space<vmem>>
    tpu.enqueue_dma source(%dma_start3A_392 : memref<1x64xf32, #tpu.memory_space<vmem>>) target(%dma_start3A_389 : memref<1x64xf32, #tpu.memory_space<any>>) target_semaphore(%arg6 : memref<!tpu.dma_semaphore, #tpu.memory_space<semaphore_mem>>)
    %dma_wait3A_393 = arith.constant 0 : i32
    %dma_wait3A_394 = tpu.memref_slice %arg3[%add3A_387, %dma_wait3A_393] : memref<262144x64xf32, #tpu.memory_space<any>> -> memref<1x64xf32, #tpu.memory_space<any>>
    %dma_wait3A_395 = arith.constant 29966 : i32
    %dma_wait3A_396 = arith.constant 0 : i32
    %dma_wait3A_397 = tpu.memref_slice %arg2[%dma_wait3A_395, %dma_wait3A_396] : memref<30000x64xf32, #tpu.memory_space<vmem>> -> memref<1x64xf32, #tpu.memory_space<vmem>>
    tpu.wait_dma2 semaphore(%arg6 : memref<!tpu.dma_semaphore, #tpu.memory_space<semaphore_mem>>) src(%dma_wait3A_397 : memref<1x64xf32, #tpu.memory_space<vmem>>) dst(%dma_wait3A_394 : memref<1x64xf32, #tpu.memory_space<any>>)
    %get3A_398 = arith.constant 119869 : index
    %get3A_399 = memref.load %arg1[%get3A_398] : memref<120000xi32, #tpu.memory_space<smem>>
    %get3A_400 = arith.constant 119870 : index
    %get3A_401 = memref.load %arg1[%get3A_400] : memref<120000xi32, #tpu.memory_space<smem>>
    %mul3A_402 = arith.constant 512 : i32
    %mul3A_403 = arith.muli %get3A_401, %mul3A_402 : i32
    %add3A_404 = arith.addi %get3A_399, %mul3A_403 : i32
    %get3A_405 = arith.constant 119871 : index
    %get3A_406 = memref.load %arg1[%get3A_405] : memref<120000xi32, #tpu.memory_space<smem>>
    %add3A_407 = arith.addi %add3A_404, %get3A_406 : i32
    %dma_start3A_408 = arith.constant 0 : i32
    %dma_start3A_409 = tpu.memref_slice %arg3[%add3A_407, %dma_start3A_408] : memref<262144x64xf32, #tpu.memory_space<any>> -> memref<1x64xf32, #tpu.memory_space<any>>
    %dma_start3A_410 = arith.constant 29967 : i32
    %dma_start3A_411 = arith.constant 0 : i32
    %dma_start3A_412 = tpu.memref_slice %arg2[%dma_start3A_410, %dma_start3A_411] : memref<30000x64xf32, #tpu.memory_space<vmem>> -> memref<1x64xf32, #tpu.memory_space<vmem>>
    tpu.enqueue_dma source(%dma_start3A_412 : memref<1x64xf32, #tpu.memory_space<vmem>>) target(%dma_start3A_409 : memref<1x64xf32, #tpu.memory_space<any>>) target_semaphore(%arg6 : memref<!tpu.dma_semaphore, #tpu.memory_space<semaphore_mem>>)
    %dma_wait3A_413 = arith.constant 0 : i32
    %dma_wait3A_414 = tpu.memref_slice %arg3[%add3A_407, %dma_wait3A_413] : memref<262144x64xf32, #tpu.memory_space<any>> -> memref<1x64xf32, #tpu.memory_space<any>>
    %dma_wait3A_415 = arith.constant 29967 : i32
    %dma_wait3A_416 = arith.constant 0 : i32
    %dma_wait3A_417 = tpu.memref_slice %arg2[%dma_wait3A_415, %dma_wait3A_416] : memref<30000x64xf32, #tpu.memory_space<vmem>> -> memref<1x64xf32, #tpu.memory_space<vmem>>
    tpu.wait_dma2 semaphore(%arg6 : memref<!tpu.dma_semaphore, #tpu.memory_space<semaphore_mem>>) src(%dma_wait3A_417 : memref<1x64xf32, #tpu.memory_space<vmem>>) dst(%dma_wait3A_414 : memref<1x64xf32, #tpu.memory_space<any>>)
    %get3A_418 = arith.constant 119873 : index
    %get3A_419 = memref.load %arg1[%get3A_418] : memref<120000xi32, #tpu.memory_space<smem>>
    %get3A_420 = arith.constant 119874 : index
    %get3A_421 = memref.load %arg1[%get3A_420] : memref<120000xi32, #tpu.memory_space<smem>>
    %mul3A_422 = arith.constant 512 : i32
    %mul3A_423 = arith.muli %get3A_421, %mul3A_422 : i32
    %add3A_424 = arith.addi %get3A_419, %mul3A_423 : i32
    %get3A_425 = arith.constant 119875 : index
    %get3A_426 = memref.load %arg1[%get3A_425] : memref<120000xi32, #tpu.memory_space<smem>>
    %add3A_427 = arith.addi %add3A_424, %get3A_426 : i32
    %dma_start3A_428 = arith.constant 0 : i32
    %dma_start3A_429 = tpu.memref_slice %arg3[%add3A_427, %dma_start3A_428] : memref<262144x64xf32, #tpu.memory_space<any>> -> memref<1x64xf32, #tpu.memory_space<any>>
    %dma_start3A_430 = arith.constant 29968 : i32
    %dma_start3A_431 = arith.constant 0 : i32
    %dma_start3A_432 = tpu.memref_slice %arg2[%dma_start3A_430, %dma_start3A_431] : memref<30000x64xf32, #tpu.memory_space<vmem>> -> memref<1x64xf32, #tpu.memory_space<vmem>>
    tpu.enqueue_dma source(%dma_start3A_432 : memref<1x64xf32, #tpu.memory_space<vmem>>) target(%dma_start3A_429 : memref<1x64xf32, #tpu.memory_space<any>>) target_semaphore(%arg6 : memref<!tpu.dma_semaphore, #tpu.memory_space<semaphore_mem>>)
    %dma_wait3A_433 = arith.constant 0 : i32
    %dma_wait3A_434 = tpu.memref_slice %arg3[%add3A_427, %dma_wait3A_433] : memref<262144x64xf32, #tpu.memory_space<any>> -> memref<1x64xf32, #tpu.memory_space<any>>
    %dma_wait3A_435 = arith.constant 29968 : i32
    %dma_wait3A_436 = arith.constant 0 : i32
    %dma_wait3A_437 = tpu.memref_slice %arg2[%dma_wait3A_435, %dma_wait3A_436] : memref<30000x64xf32, #tpu.memory_space<vmem>> -> memref<1x64xf32, #tpu.memory_space<vmem>>
    tpu.wait_dma2 semaphore(%arg6 : memref<!tpu.dma_semaphore, #tpu.memory_space<semaphore_mem>>) src(%dma_wait3A_437 : memref<1x64xf32, #tpu.memory_space<vmem>>) dst(%dma_wait3A_434 : memref<1x64xf32, #tpu.memory_space<any>>)
    %get3A_438 = arith.constant 119877 : index
    %get3A_439 = memref.load %arg1[%get3A_438] : memref<120000xi32, #tpu.memory_space<smem>>
    %get3A_440 = arith.constant 119878 : index
    %get3A_441 = memref.load %arg1[%get3A_440] : memref<120000xi32, #tpu.memory_space<smem>>
    %mul3A_442 = arith.constant 512 : i32
    %mul3A_443 = arith.muli %get3A_441, %mul3A_442 : i32
    %add3A_444 = arith.addi %get3A_439, %mul3A_443 : i32
    %get3A_445 = arith.constant 119879 : index
    %get3A_446 = memref.load %arg1[%get3A_445] : memref<120000xi32, #tpu.memory_space<smem>>
    %add3A_447 = arith.addi %add3A_444, %get3A_446 : i32
    %dma_start3A_448 = arith.constant 0 : i32
    %dma_start3A_449 = tpu.memref_slice %arg3[%add3A_447, %dma_start3A_448] : memref<262144x64xf32, #tpu.memory_space<any>> -> memref<1x64xf32, #tpu.memory_space<any>>
    %dma_start3A_450 = arith.constant 29969 : i32
    %dma_start3A_451 = arith.constant 0 : i32
    %dma_start3A_452 = tpu.memref_slice %arg2[%dma_start3A_450, %dma_start3A_451] : memref<30000x64xf32, #tpu.memory_space<vmem>> -> memref<1x64xf32, #tpu.memory_space<vmem>>
    tpu.enqueue_dma source(%dma_start3A_452 : memref<1x64xf32, #tpu.memory_space<vmem>>) target(%dma_start3A_449 : memref<1x64xf32, #tpu.memory_space<any>>) target_semaphore(%arg6 : memref<!tpu.dma_semaphore, #tpu.memory_space<semaphore_mem>>)
    %dma_wait3A_453 = arith.constant 0 : i32
    %dma_wait3A_454 = tpu.memref_slice %arg3[%add3A_447, %dma_wait3A_453] : memref<262144x64xf32, #tpu.memory_space<any>> -> memref<1x64xf32, #tpu.memory_space<any>>
    %dma_wait3A_455 = arith.constant 29969 : i32
    %dma_wait3A_456 = arith.constant 0 : i32
    %dma_wait3A_457 = tpu.memref_slice %arg2[%dma_wait3A_455, %dma_wait3A_456] : memref<30000x64xf32, #tpu.memory_space<vmem>> -> memref<1x64xf32, #tpu.memory_space<vmem>>
    tpu.wait_dma2 semaphore(%arg6 : memref<!tpu.dma_semaphore, #tpu.memory_space<semaphore_mem>>) src(%dma_wait3A_457 : memref<1x64xf32, #tpu.memory_space<vmem>>) dst(%dma_wait3A_454 : memref<1x64xf32, #tpu.memory_space<any>>)
    %get3A_458 = arith.constant 119881 : index
    %get3A_459 = memref.load %arg1[%get3A_458] : memref<120000xi32, #tpu.memory_space<smem>>
    %get3A_460 = arith.constant 119882 : index
    %get3A_461 = memref.load %arg1[%get3A_460] : memref<120000xi32, #tpu.memory_space<smem>>
    %mul3A_462 = arith.constant 512 : i32
    %mul3A_463 = arith.muli %get3A_461, %mul3A_462 : i32
    %add3A_464 = arith.addi %get3A_459, %mul3A_463 : i32
    %get3A_465 = arith.constant 119883 : index
    %get3A_466 = memref.load %arg1[%get3A_465] : memref<120000xi32, #tpu.memory_space<smem>>
    %add3A_467 = arith.addi %add3A_464, %get3A_466 : i32
    %dma_start3A_468 = arith.constant 0 : i32
    %dma_start3A_469 = tpu.memref_slice %arg3[%add3A_467, %dma_start3A_468] : memref<262144x64xf32, #tpu.memory_space<any>> -> memref<1x64xf32, #tpu.memory_space<any>>
    %dma_start3A_470 = arith.constant 29970 : i32
    %dma_start3A_471 = arith.constant 0 : i32
    %dma_start3A_472 = tpu.memref_slice %arg2[%dma_start3A_470, %dma_start3A_471] : memref<30000x64xf32, #tpu.memory_space<vmem>> -> memref<1x64xf32, #tpu.memory_space<vmem>>
    tpu.enqueue_dma source(%dma_start3A_472 : memref<1x64xf32, #tpu.memory_space<vmem>>) target(%dma_start3A_469 : memref<1x64xf32, #tpu.memory_space<any>>) target_semaphore(%arg6 : memref<!tpu.dma_semaphore, #tpu.memory_space<semaphore_mem>>)
    %dma_wait3A_473 = arith.constant 0 : i32
    %dma_wait3A_474 = tpu.memref_slice %arg3[%add3A_467, %dma_wait3A_473] : memref<262144x64xf32, #tpu.memory_space<any>> -> memref<1x64xf32, #tpu.memory_space<any>>
    %dma_wait3A_475 = arith.constant 29970 : i32
    %dma_wait3A_476 = arith.constant 0 : i32
    %dma_wait3A_477 = tpu.memref_slice %arg2[%dma_wait3A_475, %dma_wait3A_476] : memref<30000x64xf32, #tpu.memory_space<vmem>> -> memref<1x64xf32, #tpu.memory_space<vmem>>
    tpu.wait_dma2 semaphore(%arg6 : memref<!tpu.dma_semaphore, #tpu.memory_space<semaphore_mem>>) src(%dma_wait3A_477 : memref<1x64xf32, #tpu.memory_space<vmem>>) dst(%dma_wait3A_474 : memref<1x64xf32, #tpu.memory_space<any>>)
    %get3A_478 = arith.constant 119885 : index
    %get3A_479 = memref.load %arg1[%get3A_478] : memref<120000xi32, #tpu.memory_space<smem>>
    %get3A_480 = arith.constant 119886 : index
    %get3A_481 = memref.load %arg1[%get3A_480] : memref<120000xi32, #tpu.memory_space<smem>>
    %mul3A_482 = arith.constant 512 : i32
    %mul3A_483 = arith.muli %get3A_481, %mul3A_482 : i32
    %add3A_484 = arith.addi %get3A_479, %mul3A_483 : i32
    %get3A_485 = arith.constant 119887 : index
    %get3A_486 = memref.load %arg1[%get3A_485] : memref<120000xi32, #tpu.memory_space<smem>>
    %add3A_487 = arith.addi %add3A_484, %get3A_486 : i32
    %dma_start3A_488 = arith.constant 0 : i32
    %dma_start3A_489 = tpu.memref_slice %arg3[%add3A_487, %dma_start3A_488] : memref<262144x64xf32, #tpu.memory_space<any>> -> memref<1x64xf32, #tpu.memory_space<any>>
    %dma_start3A_490 = arith.constant 29971 : i32
    %dma_start3A_491 = arith.constant 0 : i32
    %dma_start3A_492 = tpu.memref_slice %arg2[%dma_start3A_490, %dma_start3A_491] : memref<30000x64xf32, #tpu.memory_space<vmem>> -> memref<1x64xf32, #tpu.memory_space<vmem>>
    tpu.enqueue_dma source(%dma_start3A_492 : memref<1x64xf32, #tpu.memory_space<vmem>>) target(%dma_start3A_489 : memref<1x64xf32, #tpu.memory_space<any>>) target_semaphore(%arg6 : memref<!tpu.dma_semaphore, #tpu.memory_space<semaphore_mem>>)
    %dma_wait3A_493 = arith.constant 0 : i32
    %dma_wait3A_494 = tpu.memref_slice %arg3[%add3A_487, %dma_wait3A_493] : memref<262144x64xf32, #tpu.memory_space<any>> -> memref<1x64xf32, #tpu.memory_space<any>>
    %dma_wait3A_495 = arith.constant 29971 : i32
    %dma_wait3A_496 = arith.constant 0 : i32
    %dma_wait3A_497 = tpu.memref_slice %arg2[%dma_wait3A_495, %dma_wait3A_496] : memref<30000x64xf32, #tpu.memory_space<vmem>> -> memref<1x64xf32, #tpu.memory_space<vmem>>
    tpu.wait_dma2 semaphore(%arg6 : memref<!tpu.dma_semaphore, #tpu.memory_space<semaphore_mem>>) src(%dma_wait3A_497 : memref<1x64xf32, #tpu.memory_space<vmem>>) dst(%dma_wait3A_494 : memref<1x64xf32, #tpu.memory_space<any>>)
    %get3A_498 = arith.constant 119889 : index
    %get3A_499 = memref.load %arg1[%get3A_498] : memref<120000xi32, #tpu.memory_space<smem>>
    %get3A_500 = arith.constant 119890 : index
    %get3A_501 = memref.load %arg1[%get3A_500] : memref<120000xi32, #tpu.memory_space<smem>>
    %mul3A_502 = arith.constant 512 : i32
    %mul3A_503 = arith.muli %get3A_501, %mul3A_502 : i32
    %add3A_504 = arith.addi %get3A_499, %mul3A_503 : i32
    %get3A_505 = arith.constant 119891 : index
    %get3A_506 = memref.load %arg1[%get3A_505] : memref<120000xi32, #tpu.memory_space<smem>>
    %add3A_507 = arith.addi %add3A_504, %get3A_506 : i32
    %dma_start3A_508 = arith.constant 0 : i32
    %dma_start3A_509 = tpu.memref_slice %arg3[%add3A_507, %dma_start3A_508] : memref<262144x64xf32, #tpu.memory_space<any>> -> memref<1x64xf32, #tpu.memory_space<any>>
    %dma_start3A_510 = arith.constant 29972 : i32
    %dma_start3A_511 = arith.constant 0 : i32
    %dma_start3A_512 = tpu.memref_slice %arg2[%dma_start3A_510, %dma_start3A_511] : memref<30000x64xf32, #tpu.memory_space<vmem>> -> memref<1x64xf32, #tpu.memory_space<vmem>>
    tpu.enqueue_dma source(%dma_start3A_512 : memref<1x64xf32, #tpu.memory_space<vmem>>) target(%dma_start3A_509 : memref<1x64xf32, #tpu.memory_space<any>>) target_semaphore(%arg6 : memref<!tpu.dma_semaphore, #tpu.memory_space<semaphore_mem>>)
    %dma_wait3A_513 = arith.constant 0 : i32
    %dma_wait3A_514 = tpu.memref_slice %arg3[%add3A_507, %dma_wait3A_513] : memref<262144x64xf32, #tpu.memory_space<any>> -> memref<1x64xf32, #tpu.memory_space<any>>
    %dma_wait3A_515 = arith.constant 29972 : i32
    %dma_wait3A_516 = arith.constant 0 : i32
    %dma_wait3A_517 = tpu.memref_slice %arg2[%dma_wait3A_515, %dma_wait3A_516] : memref<30000x64xf32, #tpu.memory_space<vmem>> -> memref<1x64xf32, #tpu.memory_space<vmem>>
    tpu.wait_dma2 semaphore(%arg6 : memref<!tpu.dma_semaphore, #tpu.memory_space<semaphore_mem>>) src(%dma_wait3A_517 : memref<1x64xf32, #tpu.memory_space<vmem>>) dst(%dma_wait3A_514 : memref<1x64xf32, #tpu.memory_space<any>>)
    %get3A_518 = arith.constant 119893 : index
    %get3A_519 = memref.load %arg1[%get3A_518] : memref<120000xi32, #tpu.memory_space<smem>>
    %get3A_520 = arith.constant 119894 : index
    %get3A_521 = memref.load %arg1[%get3A_520] : memref<120000xi32, #tpu.memory_space<smem>>
    %mul3A_522 = arith.constant 512 : i32
    %mul3A_523 = arith.muli %get3A_521, %mul3A_522 : i32
    %add3A_524 = arith.addi %get3A_519, %mul3A_523 : i32
    %get3A_525 = arith.constant 119895 : index
    %get3A_526 = memref.load %arg1[%get3A_525] : memref<120000xi32, #tpu.memory_space<smem>>
    %add3A_527 = arith.addi %add3A_524, %get3A_526 : i32
    %dma_start3A_528 = arith.constant 0 : i32
    %dma_start3A_529 = tpu.memref_slice %arg3[%add3A_527, %dma_start3A_528] : memref<262144x64xf32, #tpu.memory_space<any>> -> memref<1x64xf32, #tpu.memory_space<any>>
    %dma_start3A_530 = arith.constant 29973 : i32
    %dma_start3A_531 = arith.constant 0 : i32
    %dma_start3A_532 = tpu.memref_slice %arg2[%dma_start3A_530, %dma_start3A_531] : memref<30000x64xf32, #tpu.memory_space<vmem>> -> memref<1x64xf32, #tpu.memory_space<vmem>>
    tpu.enqueue_dma source(%dma_start3A_532 : memref<1x64xf32, #tpu.memory_space<vmem>>) target(%dma_start3A_529 : memref<1x64xf32, #tpu.memory_space<any>>) target_semaphore(%arg6 : memref<!tpu.dma_semaphore, #tpu.memory_space<semaphore_mem>>)
    %dma_wait3A_533 = arith.constant 0 : i32
    %dma_wait3A_534 = tpu.memref_slice %arg3[%add3A_527, %dma_wait3A_533] : memref<262144x64xf32, #tpu.memory_space<any>> -> memref<1x64xf32, #tpu.memory_space<any>>
    %dma_wait3A_535 = arith.constant 29973 : i32
    %dma_wait3A_536 = arith.constant 0 : i32
    %dma_wait3A_537 = tpu.memref_slice %arg2[%dma_wait3A_535, %dma_wait3A_536] : memref<30000x64xf32, #tpu.memory_space<vmem>> -> memref<1x64xf32, #tpu.memory_space<vmem>>
    tpu.wait_dma2 semaphore(%arg6 : memref<!tpu.dma_semaphore, #tpu.memory_space<semaphore_mem>>) src(%dma_wait3A_537 : memref<1x64xf32, #tpu.memory_space<vmem>>) dst(%dma_wait3A_534 : memref<1x64xf32, #tpu.memory_space<any>>)
    %get3A_538 = arith.constant 119897 : index
    %get3A_539 = memref.load %arg1[%get3A_538] : memref<120000xi32, #tpu.memory_space<smem>>
    %get3A_540 = arith.constant 119898 : index
    %get3A_541 = memref.load %arg1[%get3A_540] : memref<120000xi32, #tpu.memory_space<smem>>
    %mul3A_542 = arith.constant 512 : i32
    %mul3A_543 = arith.muli %get3A_541, %mul3A_542 : i32
    %add3A_544 = arith.addi %get3A_539, %mul3A_543 : i32
    %get3A_545 = arith.constant 119899 : index
    %get3A_546 = memref.load %arg1[%get3A_545] : memref<120000xi32, #tpu.memory_space<smem>>
    %add3A_547 = arith.addi %add3A_544, %get3A_546 : i32
    %dma_start3A_548 = arith.constant 0 : i32
    %dma_start3A_549 = tpu.memref_slice %arg3[%add3A_547, %dma_start3A_548] : memref<262144x64xf32, #tpu.memory_space<any>> -> memref<1x64xf32, #tpu.memory_space<any>>
    %dma_start3A_550 = arith.constant 29974 : i32
    %dma_start3A_551 = arith.constant 0 : i32
    %dma_start3A_552 = tpu.memref_slice %arg2[%dma_start3A_550, %dma_start3A_551] : memref<30000x64xf32, #tpu.memory_space<vmem>> -> memref<1x64xf32, #tpu.memory_space<vmem>>
    tpu.enqueue_dma source(%dma_start3A_552 : memref<1x64xf32, #tpu.memory_space<vmem>>) target(%dma_start3A_549 : memref<1x64xf32, #tpu.memory_space<any>>) target_semaphore(%arg6 : memref<!tpu.dma_semaphore, #tpu.memory_space<semaphore_mem>>)
    %dma_wait3A_553 = arith.constant 0 : i32
    %dma_wait3A_554 = tpu.memref_slice %arg3[%add3A_547, %dma_wait3A_553] : memref<262144x64xf32, #tpu.memory_space<any>> -> memref<1x64xf32, #tpu.memory_space<any>>
    %dma_wait3A_555 = arith.constant 29974 : i32
    %dma_wait3A_556 = arith.constant 0 : i32
    %dma_wait3A_557 = tpu.memref_slice %arg2[%dma_wait3A_555, %dma_wait3A_556] : memref<30000x64xf32, #tpu.memory_space<vmem>> -> memref<1x64xf32, #tpu.memory_space<vmem>>
    tpu.wait_dma2 semaphore(%arg6 : memref<!tpu.dma_semaphore, #tpu.memory_space<semaphore_mem>>) src(%dma_wait3A_557 : memref<1x64xf32, #tpu.memory_space<vmem>>) dst(%dma_wait3A_554 : memref<1x64xf32, #tpu.memory_space<any>>)
    %get3A_558 = arith.constant 119901 : index
    %get3A_559 = memref.load %arg1[%get3A_558] : memref<120000xi32, #tpu.memory_space<smem>>
    %get3A_560 = arith.constant 119902 : index
    %get3A_561 = memref.load %arg1[%get3A_560] : memref<120000xi32, #tpu.memory_space<smem>>
    %mul3A_562 = arith.constant 512 : i32
    %mul3A_563 = arith.muli %get3A_561, %mul3A_562 : i32
    %add3A_564 = arith.addi %get3A_559, %mul3A_563 : i32
    %get3A_565 = arith.constant 119903 : index
    %get3A_566 = memref.load %arg1[%get3A_565] : memref<120000xi32, #tpu.memory_space<smem>>
    %add3A_567 = arith.addi %add3A_564, %get3A_566 : i32
    %dma_start3A_568 = arith.constant 0 : i32
    %dma_start3A_569 = tpu.memref_slice %arg3[%add3A_567, %dma_start3A_568] : memref<262144x64xf32, #tpu.memory_space<any>> -> memref<1x64xf32, #tpu.memory_space<any>>
    %dma_start3A_570 = arith.constant 29975 : i32
    %dma_start3A_571 = arith.constant 0 : i32
    %dma_start3A_572 = tpu.memref_slice %arg2[%dma_start3A_570, %dma_start3A_571] : memref<30000x64xf32, #tpu.memory_space<vmem>> -> memref<1x64xf32, #tpu.memory_space<vmem>>
    tpu.enqueue_dma source(%dma_start3A_572 : memref<1x64xf32, #tpu.memory_space<vmem>>) target(%dma_start3A_569 : memref<1x64xf32, #tpu.memory_space<any>>) target_semaphore(%arg6 : memref<!tpu.dma_semaphore, #tpu.memory_space<semaphore_mem>>)
    %dma_wait3A_573 = arith.constant 0 : i32
    %dma_wait3A_574 = tpu.memref_slice %arg3[%add3A_567, %dma_wait3A_573] : memref<262144x64xf32, #tpu.memory_space<any>> -> memref<1x64xf32, #tpu.memory_space<any>>
    %dma_wait3A_575 = arith.constant 29975 : i32
    %dma_wait3A_576 = arith.constant 0 : i32
    %dma_wait3A_577 = tpu.memref_slice %arg2[%dma_wait3A_575, %dma_wait3A_576] : memref<30000x64xf32, #tpu.memory_space<vmem>> -> memref<1x64xf32, #tpu.memory_space<vmem>>
    tpu.wait_dma2 semaphore(%arg6 : memref<!tpu.dma_semaphore, #tpu.memory_space<semaphore_mem>>) src(%dma_wait3A_577 : memref<1x64xf32, #tpu.memory_space<vmem>>) dst(%dma_wait3A_574 : memref<1x64xf32, #tpu.memory_space<any>>)
    %get3A_578 = arith.constant 119905 : index
    %get3A_579 = memref.load %arg1[%get3A_578] : memref<120000xi32, #tpu.memory_space<smem>>
    %get3A_580 = arith.constant 119906 : index
    %get3A_581 = memref.load %arg1[%get3A_580] : memref<120000xi32, #tpu.memory_space<smem>>
    %mul3A_582 = arith.constant 512 : i32
    %mul3A_583 = arith.muli %get3A_581, %mul3A_582 : i32
    %add3A_584 = arith.addi %get3A_579, %mul3A_583 : i32
    %get3A_585 = arith.constant 119907 : index
    %get3A_586 = memref.load %arg1[%get3A_585] : memref<120000xi32, #tpu.memory_space<smem>>
    %add3A_587 = arith.addi %add3A_584, %get3A_586 : i32
    %dma_start3A_588 = arith.constant 0 : i32
    %dma_start3A_589 = tpu.memref_slice %arg3[%add3A_587, %dma_start3A_588] : memref<262144x64xf32, #tpu.memory_space<any>> -> memref<1x64xf32, #tpu.memory_space<any>>
    %dma_start3A_590 = arith.constant 29976 : i32
    %dma_start3A_591 = arith.constant 0 : i32
    %dma_start3A_592 = tpu.memref_slice %arg2[%dma_start3A_590, %dma_start3A_591] : memref<30000x64xf32, #tpu.memory_space<vmem>> -> memref<1x64xf32, #tpu.memory_space<vmem>>
    tpu.enqueue_dma source(%dma_start3A_592 : memref<1x64xf32, #tpu.memory_space<vmem>>) target(%dma_start3A_589 : memref<1x64xf32, #tpu.memory_space<any>>) target_semaphore(%arg6 : memref<!tpu.dma_semaphore, #tpu.memory_space<semaphore_mem>>)
    %dma_wait3A_593 = arith.constant 0 : i32
    %dma_wait3A_594 = tpu.memref_slice %arg3[%add3A_587, %dma_wait3A_593] : memref<262144x64xf32, #tpu.memory_space<any>> -> memref<1x64xf32, #tpu.memory_space<any>>
    %dma_wait3A_595 = arith.constant 29976 : i32
    %dma_wait3A_596 = arith.constant 0 : i32
    %dma_wait3A_597 = tpu.memref_slice %arg2[%dma_wait3A_595, %dma_wait3A_596] : memref<30000x64xf32, #tpu.memory_space<vmem>> -> memref<1x64xf32, #tpu.memory_space<vmem>>
    tpu.wait_dma2 semaphore(%arg6 : memref<!tpu.dma_semaphore, #tpu.memory_space<semaphore_mem>>) src(%dma_wait3A_597 : memref<1x64xf32, #tpu.memory_space<vmem>>) dst(%dma_wait3A_594 : memref<1x64xf32, #tpu.memory_space<any>>)
    %get3A_598 = arith.constant 119909 : index
    %get3A_599 = memref.load %arg1[%get3A_598] : memref<120000xi32, #tpu.memory_space<smem>>
    %get3A_600 = arith.constant 119910 : index
    %get3A_601 = memref.load %arg1[%get3A_600] : memref<120000xi32, #tpu.memory_space<smem>>
    %mul3A_602 = arith.constant 512 : i32
    %mul3A_603 = arith.muli %get3A_601, %mul3A_602 : i32
    %add3A_604 = arith.addi %get3A_599, %mul3A_603 : i32
    %get3A_605 = arith.constant 119911 : index
    %get3A_606 = memref.load %arg1[%get3A_605] : memref<120000xi32, #tpu.memory_space<smem>>
    %add3A_607 = arith.addi %add3A_604, %get3A_606 : i32
    %dma_start3A_608 = arith.constant 0 : i32
    %dma_start3A_609 = tpu.memref_slice %arg3[%add3A_607, %dma_start3A_608] : memref<262144x64xf32, #tpu.memory_space<any>> -> memref<1x64xf32, #tpu.memory_space<any>>
    %dma_start3A_610 = arith.constant 29977 : i32
    %dma_start3A_611 = arith.constant 0 : i32
    %dma_start3A_612 = tpu.memref_slice %arg2[%dma_start3A_610, %dma_start3A_611] : memref<30000x64xf32, #tpu.memory_space<vmem>> -> memref<1x64xf32, #tpu.memory_space<vmem>>
    tpu.enqueue_dma source(%dma_start3A_612 : memref<1x64xf32, #tpu.memory_space<vmem>>) target(%dma_start3A_609 : memref<1x64xf32, #tpu.memory_space<any>>) target_semaphore(%arg6 : memref<!tpu.dma_semaphore, #tpu.memory_space<semaphore_mem>>)
    %dma_wait3A_613 = arith.constant 0 : i32
    %dma_wait3A_614 = tpu.memref_slice %arg3[%add3A_607, %dma_wait3A_613] : memref<262144x64xf32, #tpu.memory_space<any>> -> memref<1x64xf32, #tpu.memory_space<any>>
    %dma_wait3A_615 = arith.constant 29977 : i32
    %dma_wait3A_616 = arith.constant 0 : i32
    %dma_wait3A_617 = tpu.memref_slice %arg2[%dma_wait3A_615, %dma_wait3A_616] : memref<30000x64xf32, #tpu.memory_space<vmem>> -> memref<1x64xf32, #tpu.memory_space<vmem>>
    tpu.wait_dma2 semaphore(%arg6 : memref<!tpu.dma_semaphore, #tpu.memory_space<semaphore_mem>>) src(%dma_wait3A_617 : memref<1x64xf32, #tpu.memory_space<vmem>>) dst(%dma_wait3A_614 : memref<1x64xf32, #tpu.memory_space<any>>)
    %get3A_618 = arith.constant 119913 : index
    %get3A_619 = memref.load %arg1[%get3A_618] : memref<120000xi32, #tpu.memory_space<smem>>
    %get3A_620 = arith.constant 119914 : index
    %get3A_621 = memref.load %arg1[%get3A_620] : memref<120000xi32, #tpu.memory_space<smem>>
    %mul3A_622 = arith.constant 512 : i32
    %mul3A_623 = arith.muli %get3A_621, %mul3A_622 : i32
    %add3A_624 = arith.addi %get3A_619, %mul3A_623 : i32
    %get3A_625 = arith.constant 119915 : index
    %get3A_626 = memref.load %arg1[%get3A_625] : memref<120000xi32, #tpu.memory_space<smem>>
    %add3A_627 = arith.addi %add3A_624, %get3A_626 : i32
    %dma_start3A_628 = arith.constant 0 : i32
    %dma_start3A_629 = tpu.memref_slice %arg3[%add3A_627, %dma_start3A_628] : memref<262144x64xf32, #tpu.memory_space<any>> -> memref<1x64xf32, #tpu.memory_space<any>>
    %dma_start3A_630 = arith.constant 29978 : i32
    %dma_start3A_631 = arith.constant 0 : i32
    %dma_start3A_632 = tpu.memref_slice %arg2[%dma_start3A_630, %dma_start3A_631] : memref<30000x64xf32, #tpu.memory_space<vmem>> -> memref<1x64xf32, #tpu.memory_space<vmem>>
    tpu.enqueue_dma source(%dma_start3A_632 : memref<1x64xf32, #tpu.memory_space<vmem>>) target(%dma_start3A_629 : memref<1x64xf32, #tpu.memory_space<any>>) target_semaphore(%arg6 : memref<!tpu.dma_semaphore, #tpu.memory_space<semaphore_mem>>)
    %dma_wait3A_633 = arith.constant 0 : i32
    %dma_wait3A_634 = tpu.memref_slice %arg3[%add3A_627, %dma_wait3A_633] : memref<262144x64xf32, #tpu.memory_space<any>> -> memref<1x64xf32, #tpu.memory_space<any>>
    %dma_wait3A_635 = arith.constant 29978 : i32
    %dma_wait3A_636 = arith.constant 0 : i32
    %dma_wait3A_637 = tpu.memref_slice %arg2[%dma_wait3A_635, %dma_wait3A_636] : memref<30000x64xf32, #tpu.memory_space<vmem>> -> memref<1x64xf32, #tpu.memory_space<vmem>>
    tpu.wait_dma2 semaphore(%arg6 : memref<!tpu.dma_semaphore, #tpu.memory_space<semaphore_mem>>) src(%dma_wait3A_637 : memref<1x64xf32, #tpu.memory_space<vmem>>) dst(%dma_wait3A_634 : memref<1x64xf32, #tpu.memory_space<any>>)
    %get3A_638 = arith.constant 119917 : index
    %get3A_639 = memref.load %arg1[%get3A_638] : memref<120000xi32, #tpu.memory_space<smem>>
    %get3A_640 = arith.constant 119918 : index
    %get3A_641 = memref.load %arg1[%get3A_640] : memref<120000xi32, #tpu.memory_space<smem>>
    %mul3A_642 = arith.constant 512 : i32
    %mul3A_643 = arith.muli %get3A_641, %mul3A_642 : i32
    %add3A_644 = arith.addi %get3A_639, %mul3A_643 : i32
    %get3A_645 = arith.constant 119919 : index
    %get3A_646 = memref.load %arg1[%get3A_645] : memref<120000xi32, #tpu.memory_space<smem>>
    %add3A_647 = arith.addi %add3A_644, %get3A_646 : i32
    %dma_start3A_648 = arith.constant 0 : i32
    %dma_start3A_649 = tpu.memref_slice %arg3[%add3A_647, %dma_start3A_648] : memref<262144x64xf32, #tpu.memory_space<any>> -> memref<1x64xf32, #tpu.memory_space<any>>
    %dma_start3A_650 = arith.constant 29979 : i32
    %dma_start3A_651 = arith.constant 0 : i32
    %dma_start3A_652 = tpu.memref_slice %arg2[%dma_start3A_650, %dma_start3A_651] : memref<30000x64xf32, #tpu.memory_space<vmem>> -> memref<1x64xf32, #tpu.memory_space<vmem>>
    tpu.enqueue_dma source(%dma_start3A_652 : memref<1x64xf32, #tpu.memory_space<vmem>>) target(%dma_start3A_649 : memref<1x64xf32, #tpu.memory_space<any>>) target_semaphore(%arg6 : memref<!tpu.dma_semaphore, #tpu.memory_space<semaphore_mem>>)
    %dma_wait3A_653 = arith.constant 0 : i32
    %dma_wait3A_654 = tpu.memref_slice %arg3[%add3A_647, %dma_wait3A_653] : memref<262144x64xf32, #tpu.memory_space<any>> -> memref<1x64xf32, #tpu.memory_space<any>>
    %dma_wait3A_655 = arith.constant 29979 : i32
    %dma_wait3A_656 = arith.constant 0 : i32
    %dma_wait3A_657 = tpu.memref_slice %arg2[%dma_wait3A_655, %dma_wait3A_656] : memref<30000x64xf32, #tpu.memory_space<vmem>> -> memref<1x64xf32, #tpu.memory_space<vmem>>
    tpu.wait_dma2 semaphore(%arg6 : memref<!tpu.dma_semaphore, #tpu.memory_space<semaphore_mem>>) src(%dma_wait3A_657 : memref<1x64xf32, #tpu.memory_space<vmem>>) dst(%dma_wait3A_654 : memref<1x64xf32, #tpu.memory_space<any>>)
    %get3A_658 = arith.constant 119921 : index
    %get3A_659 = memref.load %arg1[%get3A_658] : memref<120000xi32, #tpu.memory_space<smem>>
    %get3A_660 = arith.constant 119922 : index
    %get3A_661 = memref.load %arg1[%get3A_660] : memref<120000xi32, #tpu.memory_space<smem>>
    %mul3A_662 = arith.constant 512 : i32
    %mul3A_663 = arith.muli %get3A_661, %mul3A_662 : i32
    %add3A_664 = arith.addi %get3A_659, %mul3A_663 : i32
    %get3A_665 = arith.constant 119923 : index
    %get3A_666 = memref.load %arg1[%get3A_665] : memref<120000xi32, #tpu.memory_space<smem>>
    %add3A_667 = arith.addi %add3A_664, %get3A_666 : i32
    %dma_start3A_668 = arith.constant 0 : i32
    %dma_start3A_669 = tpu.memref_slice %arg3[%add3A_667, %dma_start3A_668] : memref<262144x64xf32, #tpu.memory_space<any>> -> memref<1x64xf32, #tpu.memory_space<any>>
    %dma_start3A_670 = arith.constant 29980 : i32
    %dma_start3A_671 = arith.constant 0 : i32
    %dma_start3A_672 = tpu.memref_slice %arg2[%dma_start3A_670, %dma_start3A_671] : memref<30000x64xf32, #tpu.memory_space<vmem>> -> memref<1x64xf32, #tpu.memory_space<vmem>>
    tpu.enqueue_dma source(%dma_start3A_672 : memref<1x64xf32, #tpu.memory_space<vmem>>) target(%dma_start3A_669 : memref<1x64xf32, #tpu.memory_space<any>>) target_semaphore(%arg6 : memref<!tpu.dma_semaphore, #tpu.memory_space<semaphore_mem>>)
    %dma_wait3A_673 = arith.constant 0 : i32
    %dma_wait3A_674 = tpu.memref_slice %arg3[%add3A_667, %dma_wait3A_673] : memref<262144x64xf32, #tpu.memory_space<any>> -> memref<1x64xf32, #tpu.memory_space<any>>
    %dma_wait3A_675 = arith.constant 29980 : i32
    %dma_wait3A_676 = arith.constant 0 : i32
    %dma_wait3A_677 = tpu.memref_slice %arg2[%dma_wait3A_675, %dma_wait3A_676] : memref<30000x64xf32, #tpu.memory_space<vmem>> -> memref<1x64xf32, #tpu.memory_space<vmem>>
    tpu.wait_dma2 semaphore(%arg6 : memref<!tpu.dma_semaphore, #tpu.memory_space<semaphore_mem>>) src(%dma_wait3A_677 : memref<1x64xf32, #tpu.memory_space<vmem>>) dst(%dma_wait3A_674 : memref<1x64xf32, #tpu.memory_space<any>>)
    %get3A_678 = arith.constant 119925 : index
    %get3A_679 = memref.load %arg1[%get3A_678] : memref<120000xi32, #tpu.memory_space<smem>>
    %get3A_680 = arith.constant 119926 : index
    %get3A_681 = memref.load %arg1[%get3A_680] : memref<120000xi32, #tpu.memory_space<smem>>
    %mul3A_682 = arith.constant 512 : i32
    %mul3A_683 = arith.muli %get3A_681, %mul3A_682 : i32
    %add3A_684 = arith.addi %get3A_679, %mul3A_683 : i32
    %get3A_685 = arith.constant 119927 : index
    %get3A_686 = memref.load %arg1[%get3A_685] : memref<120000xi32, #tpu.memory_space<smem>>
    %add3A_687 = arith.addi %add3A_684, %get3A_686 : i32
    %dma_start3A_688 = arith.constant 0 : i32
    %dma_start3A_689 = tpu.memref_slice %arg3[%add3A_687, %dma_start3A_688] : memref<262144x64xf32, #tpu.memory_space<any>> -> memref<1x64xf32, #tpu.memory_space<any>>
    %dma_start3A_690 = arith.constant 29981 : i32
    %dma_start3A_691 = arith.constant 0 : i32
    %dma_start3A_692 = tpu.memref_slice %arg2[%dma_start3A_690, %dma_start3A_691] : memref<30000x64xf32, #tpu.memory_space<vmem>> -> memref<1x64xf32, #tpu.memory_space<vmem>>
    tpu.enqueue_dma source(%dma_start3A_692 : memref<1x64xf32, #tpu.memory_space<vmem>>) target(%dma_start3A_689 : memref<1x64xf32, #tpu.memory_space<any>>) target_semaphore(%arg6 : memref<!tpu.dma_semaphore, #tpu.memory_space<semaphore_mem>>)
    %dma_wait3A_693 = arith.constant 0 : i32
    %dma_wait3A_694 = tpu.memref_slice %arg3[%add3A_687, %dma_wait3A_693] : memref<262144x64xf32, #tpu.memory_space<any>> -> memref<1x64xf32, #tpu.memory_space<any>>
    %dma_wait3A_695 = arith.constant 29981 : i32
    %dma_wait3A_696 = arith.constant 0 : i32
    %dma_wait3A_697 = tpu.memref_slice %arg2[%dma_wait3A_695, %dma_wait3A_696] : memref<30000x64xf32, #tpu.memory_space<vmem>> -> memref<1x64xf32, #tpu.memory_space<vmem>>
    tpu.wait_dma2 semaphore(%arg6 : memref<!tpu.dma_semaphore, #tpu.memory_space<semaphore_mem>>) src(%dma_wait3A_697 : memref<1x64xf32, #tpu.memory_space<vmem>>) dst(%dma_wait3A_694 : memref<1x64xf32, #tpu.memory_space<any>>)
    %get3A_698 = arith.constant 119929 : index
    %get3A_699 = memref.load %arg1[%get3A_698] : memref<120000xi32, #tpu.memory_space<smem>>
    %get3A_700 = arith.constant 119930 : index
    %get3A_701 = memref.load %arg1[%get3A_700] : memref<120000xi32, #tpu.memory_space<smem>>
    %mul3A_702 = arith.constant 512 : i32
    %mul3A_703 = arith.muli %get3A_701, %mul3A_702 : i32
    %add3A_704 = arith.addi %get3A_699, %mul3A_703 : i32
    %get3A_705 = arith.constant 119931 : index
    %get3A_706 = memref.load %arg1[%get3A_705] : memref<120000xi32, #tpu.memory_space<smem>>
    %add3A_707 = arith.addi %add3A_704, %get3A_706 : i32
    %dma_start3A_708 = arith.constant 0 : i32
    %dma_start3A_709 = tpu.memref_slice %arg3[%add3A_707, %dma_start3A_708] : memref<262144x64xf32, #tpu.memory_space<any>> -> memref<1x64xf32, #tpu.memory_space<any>>
    %dma_start3A_710 = arith.constant 29982 : i32
    %dma_start3A_711 = arith.constant 0 : i32
    %dma_start3A_712 = tpu.memref_slice %arg2[%dma_start3A_710, %dma_start3A_711] : memref<30000x64xf32, #tpu.memory_space<vmem>> -> memref<1x64xf32, #tpu.memory_space<vmem>>
    tpu.enqueue_dma source(%dma_start3A_712 : memref<1x64xf32, #tpu.memory_space<vmem>>) target(%dma_start3A_709 : memref<1x64xf32, #tpu.memory_space<any>>) target_semaphore(%arg6 : memref<!tpu.dma_semaphore, #tpu.memory_space<semaphore_mem>>)
    %dma_wait3A_713 = arith.constant 0 : i32
    %dma_wait3A_714 = tpu.memref_slice %arg3[%add3A_707, %dma_wait3A_713] : memref<262144x64xf32, #tpu.memory_space<any>> -> memref<1x64xf32, #tpu.memory_space<any>>
    %dma_wait3A_715 = arith.constant 29982 : i32
    %dma_wait3A_716 = arith.constant 0 : i32
    %dma_wait3A_717 = tpu.memref_slice %arg2[%dma_wait3A_715, %dma_wait3A_716] : memref<30000x64xf32, #tpu.memory_space<vmem>> -> memref<1x64xf32, #tpu.memory_space<vmem>>
    tpu.wait_dma2 semaphore(%arg6 : memref<!tpu.dma_semaphore, #tpu.memory_space<semaphore_mem>>) src(%dma_wait3A_717 : memref<1x64xf32, #tpu.memory_space<vmem>>) dst(%dma_wait3A_714 : memref<1x64xf32, #tpu.memory_space<any>>)
    %get3A_718 = arith.constant 119933 : index
    %get3A_719 = memref.load %arg1[%get3A_718] : memref<120000xi32, #tpu.memory_space<smem>>
    %get3A_720 = arith.constant 119934 : index
    %get3A_721 = memref.load %arg1[%get3A_720] : memref<120000xi32, #tpu.memory_space<smem>>
    %mul3A_722 = arith.constant 512 : i32
    %mul3A_723 = arith.muli %get3A_721, %mul3A_722 : i32
    %add3A_724 = arith.addi %get3A_719, %mul3A_723 : i32
    %get3A_725 = arith.constant 119935 : index
    %get3A_726 = memref.load %arg1[%get3A_725] : memref<120000xi32, #tpu.memory_space<smem>>
    %add3A_727 = arith.addi %add3A_724, %get3A_726 : i32
    %dma_start3A_728 = arith.constant 0 : i32
    %dma_start3A_729 = tpu.memref_slice %arg3[%add3A_727, %dma_start3A_728] : memref<262144x64xf32, #tpu.memory_space<any>> -> memref<1x64xf32, #tpu.memory_space<any>>
    %dma_start3A_730 = arith.constant 29983 : i32
    %dma_start3A_731 = arith.constant 0 : i32
    %dma_start3A_732 = tpu.memref_slice %arg2[%dma_start3A_730, %dma_start3A_731] : memref<30000x64xf32, #tpu.memory_space<vmem>> -> memref<1x64xf32, #tpu.memory_space<vmem>>
    tpu.enqueue_dma source(%dma_start3A_732 : memref<1x64xf32, #tpu.memory_space<vmem>>) target(%dma_start3A_729 : memref<1x64xf32, #tpu.memory_space<any>>) target_semaphore(%arg6 : memref<!tpu.dma_semaphore, #tpu.memory_space<semaphore_mem>>)
    %dma_wait3A_733 = arith.constant 0 : i32
    %dma_wait3A_734 = tpu.memref_slice %arg3[%add3A_727, %dma_wait3A_733] : memref<262144x64xf32, #tpu.memory_space<any>> -> memref<1x64xf32, #tpu.memory_space<any>>
    %dma_wait3A_735 = arith.constant 29983 : i32
    %dma_wait3A_736 = arith.constant 0 : i32
    %dma_wait3A_737 = tpu.memref_slice %arg2[%dma_wait3A_735, %dma_wait3A_736] : memref<30000x64xf32, #tpu.memory_space<vmem>> -> memref<1x64xf32, #tpu.memory_space<vmem>>
    tpu.wait_dma2 semaphore(%arg6 : memref<!tpu.dma_semaphore, #tpu.memory_space<semaphore_mem>>) src(%dma_wait3A_737 : memref<1x64xf32, #tpu.memory_space<vmem>>) dst(%dma_wait3A_734 : memref<1x64xf32, #tpu.memory_space<any>>)
    %get3A_738 = arith.constant 119937 : index
    %get3A_739 = memref.load %arg1[%get3A_738] : memref<120000xi32, #tpu.memory_space<smem>>
    %get3A_740 = arith.constant 119938 : index
    %get3A_741 = memref.load %arg1[%get3A_740] : memref<120000xi32, #tpu.memory_space<smem>>
    %mul3A_742 = arith.constant 512 : i32
    %mul3A_743 = arith.muli %get3A_741, %mul3A_742 : i32
    %add3A_744 = arith.addi %get3A_739, %mul3A_743 : i32
    %get3A_745 = arith.constant 119939 : index
    %get3A_746 = memref.load %arg1[%get3A_745] : memref<120000xi32, #tpu.memory_space<smem>>
    %add3A_747 = arith.addi %add3A_744, %get3A_746 : i32
    %dma_start3A_748 = arith.constant 0 : i32
    %dma_start3A_749 = tpu.memref_slice %arg3[%add3A_747, %dma_start3A_748] : memref<262144x64xf32, #tpu.memory_space<any>> -> memref<1x64xf32, #tpu.memory_space<any>>
    %dma_start3A_750 = arith.constant 29984 : i32
    %dma_start3A_751 = arith.constant 0 : i32
    %dma_start3A_752 = tpu.memref_slice %arg2[%dma_start3A_750, %dma_start3A_751] : memref<30000x64xf32, #tpu.memory_space<vmem>> -> memref<1x64xf32, #tpu.memory_space<vmem>>
    tpu.enqueue_dma source(%dma_start3A_752 : memref<1x64xf32, #tpu.memory_space<vmem>>) target(%dma_start3A_749 : memref<1x64xf32, #tpu.memory_space<any>>) target_semaphore(%arg6 : memref<!tpu.dma_semaphore, #tpu.memory_space<semaphore_mem>>)
    %dma_wait3A_753 = arith.constant 0 : i32
    %dma_wait3A_754 = tpu.memref_slice %arg3[%add3A_747, %dma_wait3A_753] : memref<262144x64xf32, #tpu.memory_space<any>> -> memref<1x64xf32, #tpu.memory_space<any>>
    %dma_wait3A_755 = arith.constant 29984 : i32
    %dma_wait3A_756 = arith.constant 0 : i32
    %dma_wait3A_757 = tpu.memref_slice %arg2[%dma_wait3A_755, %dma_wait3A_756] : memref<30000x64xf32, #tpu.memory_space<vmem>> -> memref<1x64xf32, #tpu.memory_space<vmem>>
    tpu.wait_dma2 semaphore(%arg6 : memref<!tpu.dma_semaphore, #tpu.memory_space<semaphore_mem>>) src(%dma_wait3A_757 : memref<1x64xf32, #tpu.memory_space<vmem>>) dst(%dma_wait3A_754 : memref<1x64xf32, #tpu.memory_space<any>>)
    %get3A_758 = arith.constant 119941 : index
    %get3A_759 = memref.load %arg1[%get3A_758] : memref<120000xi32, #tpu.memory_space<smem>>
    %get3A_760 = arith.constant 119942 : index
    %get3A_761 = memref.load %arg1[%get3A_760] : memref<120000xi32, #tpu.memory_space<smem>>
    %mul3A_762 = arith.constant 512 : i32
    %mul3A_763 = arith.muli %get3A_761, %mul3A_762 : i32
    %add3A_764 = arith.addi %get3A_759, %mul3A_763 : i32
    %get3A_765 = arith.constant 119943 : index
    %get3A_766 = memref.load %arg1[%get3A_765] : memref<120000xi32, #tpu.memory_space<smem>>
    %add3A_767 = arith.addi %add3A_764, %get3A_766 : i32
    %dma_start3A_768 = arith.constant 0 : i32
    %dma_start3A_769 = tpu.memref_slice %arg3[%add3A_767, %dma_start3A_768] : memref<262144x64xf32, #tpu.memory_space<any>> -> memref<1x64xf32, #tpu.memory_space<any>>
    %dma_start3A_770 = arith.constant 29985 : i32
    %dma_start3A_771 = arith.constant 0 : i32
    %dma_start3A_772 = tpu.memref_slice %arg2[%dma_start3A_770, %dma_start3A_771] : memref<30000x64xf32, #tpu.memory_space<vmem>> -> memref<1x64xf32, #tpu.memory_space<vmem>>
    tpu.enqueue_dma source(%dma_start3A_772 : memref<1x64xf32, #tpu.memory_space<vmem>>) target(%dma_start3A_769 : memref<1x64xf32, #tpu.memory_space<any>>) target_semaphore(%arg6 : memref<!tpu.dma_semaphore, #tpu.memory_space<semaphore_mem>>)
    %dma_wait3A_773 = arith.constant 0 : i32
    %dma_wait3A_774 = tpu.memref_slice %arg3[%add3A_767, %dma_wait3A_773] : memref<262144x64xf32, #tpu.memory_space<any>> -> memref<1x64xf32, #tpu.memory_space<any>>
    %dma_wait3A_775 = arith.constant 29985 : i32
    %dma_wait3A_776 = arith.constant 0 : i32
    %dma_wait3A_777 = tpu.memref_slice %arg2[%dma_wait3A_775, %dma_wait3A_776] : memref<30000x64xf32, #tpu.memory_space<vmem>> -> memref<1x64xf32, #tpu.memory_space<vmem>>
    tpu.wait_dma2 semaphore(%arg6 : memref<!tpu.dma_semaphore, #tpu.memory_space<semaphore_mem>>) src(%dma_wait3A_777 : memref<1x64xf32, #tpu.memory_space<vmem>>) dst(%dma_wait3A_774 : memref<1x64xf32, #tpu.memory_space<any>>)
    %get3A_778 = arith.constant 119945 : index
    %get3A_779 = memref.load %arg1[%get3A_778] : memref<120000xi32, #tpu.memory_space<smem>>
    %get3A_780 = arith.constant 119946 : index
    %get3A_781 = memref.load %arg1[%get3A_780] : memref<120000xi32, #tpu.memory_space<smem>>
    %mul3A_782 = arith.constant 512 : i32
    %mul3A_783 = arith.muli %get3A_781, %mul3A_782 : i32
    %add3A_784 = arith.addi %get3A_779, %mul3A_783 : i32
    %get3A_785 = arith.constant 119947 : index
    %get3A_786 = memref.load %arg1[%get3A_785] : memref<120000xi32, #tpu.memory_space<smem>>
    %add3A_787 = arith.addi %add3A_784, %get3A_786 : i32
    %dma_start3A_788 = arith.constant 0 : i32
    %dma_start3A_789 = tpu.memref_slice %arg3[%add3A_787, %dma_start3A_788] : memref<262144x64xf32, #tpu.memory_space<any>> -> memref<1x64xf32, #tpu.memory_space<any>>
    %dma_start3A_790 = arith.constant 29986 : i32
    %dma_start3A_791 = arith.constant 0 : i32
    %dma_start3A_792 = tpu.memref_slice %arg2[%dma_start3A_790, %dma_start3A_791] : memref<30000x64xf32, #tpu.memory_space<vmem>> -> memref<1x64xf32, #tpu.memory_space<vmem>>
    tpu.enqueue_dma source(%dma_start3A_792 : memref<1x64xf32, #tpu.memory_space<vmem>>) target(%dma_start3A_789 : memref<1x64xf32, #tpu.memory_space<any>>) target_semaphore(%arg6 : memref<!tpu.dma_semaphore, #tpu.memory_space<semaphore_mem>>)
    %dma_wait3A_793 = arith.constant 0 : i32
    %dma_wait3A_794 = tpu.memref_slice %arg3[%add3A_787, %dma_wait3A_793] : memref<262144x64xf32, #tpu.memory_space<any>> -> memref<1x64xf32, #tpu.memory_space<any>>
    %dma_wait3A_795 = arith.constant 29986 : i32
    %dma_wait3A_796 = arith.constant 0 : i32
    %dma_wait3A_797 = tpu.memref_slice %arg2[%dma_wait3A_795, %dma_wait3A_796] : memref<30000x64xf32, #tpu.memory_space<vmem>> -> memref<1x64xf32, #tpu.memory_space<vmem>>
    tpu.wait_dma2 semaphore(%arg6 : memref<!tpu.dma_semaphore, #tpu.memory_space<semaphore_mem>>) src(%dma_wait3A_797 : memref<1x64xf32, #tpu.memory_space<vmem>>) dst(%dma_wait3A_794 : memref<1x64xf32, #tpu.memory_space<any>>)
    %get3A_798 = arith.constant 119949 : index
    %get3A_799 = memref.load %arg1[%get3A_798] : memref<120000xi32, #tpu.memory_space<smem>>
    %get3A_800 = arith.constant 119950 : index
    %get3A_801 = memref.load %arg1[%get3A_800] : memref<120000xi32, #tpu.memory_space<smem>>
    %mul3A_802 = arith.constant 512 : i32
    %mul3A_803 = arith.muli %get3A_801, %mul3A_802 : i32
    %add3A_804 = arith.addi %get3A_799, %mul3A_803 : i32
    %get3A_805 = arith.constant 119951 : index
    %get3A_806 = memref.load %arg1[%get3A_805] : memref<120000xi32, #tpu.memory_space<smem>>
    %add3A_807 = arith.addi %add3A_804, %get3A_806 : i32
    %dma_start3A_808 = arith.constant 0 : i32
    %dma_start3A_809 = tpu.memref_slice %arg3[%add3A_807, %dma_start3A_808] : memref<262144x64xf32, #tpu.memory_space<any>> -> memref<1x64xf32, #tpu.memory_space<any>>
    %dma_start3A_810 = arith.constant 29987 : i32
    %dma_start3A_811 = arith.constant 0 : i32
    %dma_start3A_812 = tpu.memref_slice %arg2[%dma_start3A_810, %dma_start3A_811] : memref<30000x64xf32, #tpu.memory_space<vmem>> -> memref<1x64xf32, #tpu.memory_space<vmem>>
    tpu.enqueue_dma source(%dma_start3A_812 : memref<1x64xf32, #tpu.memory_space<vmem>>) target(%dma_start3A_809 : memref<1x64xf32, #tpu.memory_space<any>>) target_semaphore(%arg6 : memref<!tpu.dma_semaphore, #tpu.memory_space<semaphore_mem>>)
    %dma_wait3A_813 = arith.constant 0 : i32
    %dma_wait3A_814 = tpu.memref_slice %arg3[%add3A_807, %dma_wait3A_813] : memref<262144x64xf32, #tpu.memory_space<any>> -> memref<1x64xf32, #tpu.memory_space<any>>
    %dma_wait3A_815 = arith.constant 29987 : i32
    %dma_wait3A_816 = arith.constant 0 : i32
    %dma_wait3A_817 = tpu.memref_slice %arg2[%dma_wait3A_815, %dma_wait3A_816] : memref<30000x64xf32, #tpu.memory_space<vmem>> -> memref<1x64xf32, #tpu.memory_space<vmem>>
    tpu.wait_dma2 semaphore(%arg6 : memref<!tpu.dma_semaphore, #tpu.memory_space<semaphore_mem>>) src(%dma_wait3A_817 : memref<1x64xf32, #tpu.memory_space<vmem>>) dst(%dma_wait3A_814 : memref<1x64xf32, #tpu.memory_space<any>>)
    %get3A_818 = arith.constant 119953 : index
    %get3A_819 = memref.load %arg1[%get3A_818] : memref<120000xi32, #tpu.memory_space<smem>>
    %get3A_820 = arith.constant 119954 : index
    %get3A_821 = memref.load %arg1[%get3A_820] : memref<120000xi32, #tpu.memory_space<smem>>
    %mul3A_822 = arith.constant 512 : i32
    %mul3A_823 = arith.muli %get3A_821, %mul3A_822 : i32
    %add3A_824 = arith.addi %get3A_819, %mul3A_823 : i32
    %get3A_825 = arith.constant 119955 : index
    %get3A_826 = memref.load %arg1[%get3A_825] : memref<120000xi32, #tpu.memory_space<smem>>
    %add3A_827 = arith.addi %add3A_824, %get3A_826 : i32
    %dma_start3A_828 = arith.constant 0 : i32
    %dma_start3A_829 = tpu.memref_slice %arg3[%add3A_827, %dma_start3A_828] : memref<262144x64xf32, #tpu.memory_space<any>> -> memref<1x64xf32, #tpu.memory_space<any>>
    %dma_start3A_830 = arith.constant 29988 : i32
    %dma_start3A_831 = arith.constant 0 : i32
    %dma_start3A_832 = tpu.memref_slice %arg2[%dma_start3A_830, %dma_start3A_831] : memref<30000x64xf32, #tpu.memory_space<vmem>> -> memref<1x64xf32, #tpu.memory_space<vmem>>
    tpu.enqueue_dma source(%dma_start3A_832 : memref<1x64xf32, #tpu.memory_space<vmem>>) target(%dma_start3A_829 : memref<1x64xf32, #tpu.memory_space<any>>) target_semaphore(%arg6 : memref<!tpu.dma_semaphore, #tpu.memory_space<semaphore_mem>>)
    %dma_wait3A_833 = arith.constant 0 : i32
    %dma_wait3A_834 = tpu.memref_slice %arg3[%add3A_827, %dma_wait3A_833] : memref<262144x64xf32, #tpu.memory_space<any>> -> memref<1x64xf32, #tpu.memory_space<any>>
    %dma_wait3A_835 = arith.constant 29988 : i32
    %dma_wait3A_836 = arith.constant 0 : i32
    %dma_wait3A_837 = tpu.memref_slice %arg2[%dma_wait3A_835, %dma_wait3A_836] : memref<30000x64xf32, #tpu.memory_space<vmem>> -> memref<1x64xf32, #tpu.memory_space<vmem>>
    tpu.wait_dma2 semaphore(%arg6 : memref<!tpu.dma_semaphore, #tpu.memory_space<semaphore_mem>>) src(%dma_wait3A_837 : memref<1x64xf32, #tpu.memory_space<vmem>>) dst(%dma_wait3A_834 : memref<1x64xf32, #tpu.memory_space<any>>)
    %get3A_838 = arith.constant 119957 : index
    %get3A_839 = memref.load %arg1[%get3A_838] : memref<120000xi32, #tpu.memory_space<smem>>
    %get3A_840 = arith.constant 119958 : index
    %get3A_841 = memref.load %arg1[%get3A_840] : memref<120000xi32, #tpu.memory_space<smem>>
    %mul3A_842 = arith.constant 512 : i32
    %mul3A_843 = arith.muli %get3A_841, %mul3A_842 : i32
    %add3A_844 = arith.addi %get3A_839, %mul3A_843 : i32
    %get3A_845 = arith.constant 119959 : index
    %get3A_846 = memref.load %arg1[%get3A_845] : memref<120000xi32, #tpu.memory_space<smem>>
    %add3A_847 = arith.addi %add3A_844, %get3A_846 : i32
    %dma_start3A_848 = arith.constant 0 : i32
    %dma_start3A_849 = tpu.memref_slice %arg3[%add3A_847, %dma_start3A_848] : memref<262144x64xf32, #tpu.memory_space<any>> -> memref<1x64xf32, #tpu.memory_space<any>>
    %dma_start3A_850 = arith.constant 29989 : i32
    %dma_start3A_851 = arith.constant 0 : i32
    %dma_start3A_852 = tpu.memref_slice %arg2[%dma_start3A_850, %dma_start3A_851] : memref<30000x64xf32, #tpu.memory_space<vmem>> -> memref<1x64xf32, #tpu.memory_space<vmem>>
    tpu.enqueue_dma source(%dma_start3A_852 : memref<1x64xf32, #tpu.memory_space<vmem>>) target(%dma_start3A_849 : memref<1x64xf32, #tpu.memory_space<any>>) target_semaphore(%arg6 : memref<!tpu.dma_semaphore, #tpu.memory_space<semaphore_mem>>)
    %dma_wait3A_853 = arith.constant 0 : i32
    %dma_wait3A_854 = tpu.memref_slice %arg3[%add3A_847, %dma_wait3A_853] : memref<262144x64xf32, #tpu.memory_space<any>> -> memref<1x64xf32, #tpu.memory_space<any>>
    %dma_wait3A_855 = arith.constant 29989 : i32
    %dma_wait3A_856 = arith.constant 0 : i32
    %dma_wait3A_857 = tpu.memref_slice %arg2[%dma_wait3A_855, %dma_wait3A_856] : memref<30000x64xf32, #tpu.memory_space<vmem>> -> memref<1x64xf32, #tpu.memory_space<vmem>>
    tpu.wait_dma2 semaphore(%arg6 : memref<!tpu.dma_semaphore, #tpu.memory_space<semaphore_mem>>) src(%dma_wait3A_857 : memref<1x64xf32, #tpu.memory_space<vmem>>) dst(%dma_wait3A_854 : memref<1x64xf32, #tpu.memory_space<any>>)
    %get3A_858 = arith.constant 119961 : index
    %get3A_859 = memref.load %arg1[%get3A_858] : memref<120000xi32, #tpu.memory_space<smem>>
    %get3A_860 = arith.constant 119962 : index
    %get3A_861 = memref.load %arg1[%get3A_860] : memref<120000xi32, #tpu.memory_space<smem>>
    %mul3A_862 = arith.constant 512 : i32
    %mul3A_863 = arith.muli %get3A_861, %mul3A_862 : i32
    %add3A_864 = arith.addi %get3A_859, %mul3A_863 : i32
    %get3A_865 = arith.constant 119963 : index
    %get3A_866 = memref.load %arg1[%get3A_865] : memref<120000xi32, #tpu.memory_space<smem>>
    %add3A_867 = arith.addi %add3A_864, %get3A_866 : i32
    %dma_start3A_868 = arith.constant 0 : i32
    %dma_start3A_869 = tpu.memref_slice %arg3[%add3A_867, %dma_start3A_868] : memref<262144x64xf32, #tpu.memory_space<any>> -> memref<1x64xf32, #tpu.memory_space<any>>
    %dma_start3A_870 = arith.constant 29990 : i32
    %dma_start3A_871 = arith.constant 0 : i32
    %dma_start3A_872 = tpu.memref_slice %arg2[%dma_start3A_870, %dma_start3A_871] : memref<30000x64xf32, #tpu.memory_space<vmem>> -> memref<1x64xf32, #tpu.memory_space<vmem>>
    tpu.enqueue_dma source(%dma_start3A_872 : memref<1x64xf32, #tpu.memory_space<vmem>>) target(%dma_start3A_869 : memref<1x64xf32, #tpu.memory_space<any>>) target_semaphore(%arg6 : memref<!tpu.dma_semaphore, #tpu.memory_space<semaphore_mem>>)
    %dma_wait3A_873 = arith.constant 0 : i32
    %dma_wait3A_874 = tpu.memref_slice %arg3[%add3A_867, %dma_wait3A_873] : memref<262144x64xf32, #tpu.memory_space<any>> -> memref<1x64xf32, #tpu.memory_space<any>>
    %dma_wait3A_875 = arith.constant 29990 : i32
    %dma_wait3A_876 = arith.constant 0 : i32
    %dma_wait3A_877 = tpu.memref_slice %arg2[%dma_wait3A_875, %dma_wait3A_876] : memref<30000x64xf32, #tpu.memory_space<vmem>> -> memref<1x64xf32, #tpu.memory_space<vmem>>
    tpu.wait_dma2 semaphore(%arg6 : memref<!tpu.dma_semaphore, #tpu.memory_space<semaphore_mem>>) src(%dma_wait3A_877 : memref<1x64xf32, #tpu.memory_space<vmem>>) dst(%dma_wait3A_874 : memref<1x64xf32, #tpu.memory_space<any>>)
    %get3A_878 = arith.constant 119965 : index
    %get3A_879 = memref.load %arg1[%get3A_878] : memref<120000xi32, #tpu.memory_space<smem>>
    %get3A_880 = arith.constant 119966 : index
    %get3A_881 = memref.load %arg1[%get3A_880] : memref<120000xi32, #tpu.memory_space<smem>>
    %mul3A_882 = arith.constant 512 : i32
    %mul3A_883 = arith.muli %get3A_881, %mul3A_882 : i32
    %add3A_884 = arith.addi %get3A_879, %mul3A_883 : i32
    %get3A_885 = arith.constant 119967 : index
    %get3A_886 = memref.load %arg1[%get3A_885] : memref<120000xi32, #tpu.memory_space<smem>>
    %add3A_887 = arith.addi %add3A_884, %get3A_886 : i32
    %dma_start3A_888 = arith.constant 0 : i32
    %dma_start3A_889 = tpu.memref_slice %arg3[%add3A_887, %dma_start3A_888] : memref<262144x64xf32, #tpu.memory_space<any>> -> memref<1x64xf32, #tpu.memory_space<any>>
    %dma_start3A_890 = arith.constant 29991 : i32
    %dma_start3A_891 = arith.constant 0 : i32
    %dma_start3A_892 = tpu.memref_slice %arg2[%dma_start3A_890, %dma_start3A_891] : memref<30000x64xf32, #tpu.memory_space<vmem>> -> memref<1x64xf32, #tpu.memory_space<vmem>>
    tpu.enqueue_dma source(%dma_start3A_892 : memref<1x64xf32, #tpu.memory_space<vmem>>) target(%dma_start3A_889 : memref<1x64xf32, #tpu.memory_space<any>>) target_semaphore(%arg6 : memref<!tpu.dma_semaphore, #tpu.memory_space<semaphore_mem>>)
    %dma_wait3A_893 = arith.constant 0 : i32
    %dma_wait3A_894 = tpu.memref_slice %arg3[%add3A_887, %dma_wait3A_893] : memref<262144x64xf32, #tpu.memory_space<any>> -> memref<1x64xf32, #tpu.memory_space<any>>
    %dma_wait3A_895 = arith.constant 29991 : i32
    %dma_wait3A_896 = arith.constant 0 : i32
    %dma_wait3A_897 = tpu.memref_slice %arg2[%dma_wait3A_895, %dma_wait3A_896] : memref<30000x64xf32, #tpu.memory_space<vmem>> -> memref<1x64xf32, #tpu.memory_space<vmem>>
    tpu.wait_dma2 semaphore(%arg6 : memref<!tpu.dma_semaphore, #tpu.memory_space<semaphore_mem>>) src(%dma_wait3A_897 : memref<1x64xf32, #tpu.memory_space<vmem>>) dst(%dma_wait3A_894 : memref<1x64xf32, #tpu.memory_space<any>>)
    %get3A_898 = arith.constant 119969 : index
    %get3A_899 = memref.load %arg1[%get3A_898] : memref<120000xi32, #tpu.memory_space<smem>>
    %get3A_900 = arith.constant 119970 : index
    %get3A_901 = memref.load %arg1[%get3A_900] : memref<120000xi32, #tpu.memory_space<smem>>
    %mul3A_902 = arith.constant 512 : i32
    %mul3A_903 = arith.muli %get3A_901, %mul3A_902 : i32
    %add3A_904 = arith.addi %get3A_899, %mul3A_903 : i32
    %get3A_905 = arith.constant 119971 : index
    %get3A_906 = memref.load %arg1[%get3A_905] : memref<120000xi32, #tpu.memory_space<smem>>
    %add3A_907 = arith.addi %add3A_904, %get3A_906 : i32
    %dma_start3A_908 = arith.constant 0 : i32
    %dma_start3A_909 = tpu.memref_slice %arg3[%add3A_907, %dma_start3A_908] : memref<262144x64xf32, #tpu.memory_space<any>> -> memref<1x64xf32, #tpu.memory_space<any>>
    %dma_start3A_910 = arith.constant 29992 : i32
    %dma_start3A_911 = arith.constant 0 : i32
    %dma_start3A_912 = tpu.memref_slice %arg2[%dma_start3A_910, %dma_start3A_911] : memref<30000x64xf32, #tpu.memory_space<vmem>> -> memref<1x64xf32, #tpu.memory_space<vmem>>
    tpu.enqueue_dma source(%dma_start3A_912 : memref<1x64xf32, #tpu.memory_space<vmem>>) target(%dma_start3A_909 : memref<1x64xf32, #tpu.memory_space<any>>) target_semaphore(%arg6 : memref<!tpu.dma_semaphore, #tpu.memory_space<semaphore_mem>>)
    %dma_wait3A_913 = arith.constant 0 : i32
    %dma_wait3A_914 = tpu.memref_slice %arg3[%add3A_907, %dma_wait3A_913] : memref<262144x64xf32, #tpu.memory_space<any>> -> memref<1x64xf32, #tpu.memory_space<any>>
    %dma_wait3A_915 = arith.constant 29992 : i32
    %dma_wait3A_916 = arith.constant 0 : i32
    %dma_wait3A_917 = tpu.memref_slice %arg2[%dma_wait3A_915, %dma_wait3A_916] : memref<30000x64xf32, #tpu.memory_space<vmem>> -> memref<1x64xf32, #tpu.memory_space<vmem>>
    tpu.wait_dma2 semaphore(%arg6 : memref<!tpu.dma_semaphore, #tpu.memory_space<semaphore_mem>>) src(%dma_wait3A_917 : memref<1x64xf32, #tpu.memory_space<vmem>>) dst(%dma_wait3A_914 : memref<1x64xf32, #tpu.memory_space<any>>)
    %get3A_918 = arith.constant 119973 : index
    %get3A_919 = memref.load %arg1[%get3A_918] : memref<120000xi32, #tpu.memory_space<smem>>
    %get3A_920 = arith.constant 119974 : index
    %get3A_921 = memref.load %arg1[%get3A_920] : memref<120000xi32, #tpu.memory_space<smem>>
    %mul3A_922 = arith.constant 512 : i32
    %mul3A_923 = arith.muli %get3A_921, %mul3A_922 : i32
    %add3A_924 = arith.addi %get3A_919, %mul3A_923 : i32
    %get3A_925 = arith.constant 119975 : index
    %get3A_926 = memref.load %arg1[%get3A_925] : memref<120000xi32, #tpu.memory_space<smem>>
    %add3A_927 = arith.addi %add3A_924, %get3A_926 : i32
    %dma_start3A_928 = arith.constant 0 : i32
    %dma_start3A_929 = tpu.memref_slice %arg3[%add3A_927, %dma_start3A_928] : memref<262144x64xf32, #tpu.memory_space<any>> -> memref<1x64xf32, #tpu.memory_space<any>>
    %dma_start3A_930 = arith.constant 29993 : i32
    %dma_start3A_931 = arith.constant 0 : i32
    %dma_start3A_932 = tpu.memref_slice %arg2[%dma_start3A_930, %dma_start3A_931] : memref<30000x64xf32, #tpu.memory_space<vmem>> -> memref<1x64xf32, #tpu.memory_space<vmem>>
    tpu.enqueue_dma source(%dma_start3A_932 : memref<1x64xf32, #tpu.memory_space<vmem>>) target(%dma_start3A_929 : memref<1x64xf32, #tpu.memory_space<any>>) target_semaphore(%arg6 : memref<!tpu.dma_semaphore, #tpu.memory_space<semaphore_mem>>)
    %dma_wait3A_933 = arith.constant 0 : i32
    %dma_wait3A_934 = tpu.memref_slice %arg3[%add3A_927, %dma_wait3A_933] : memref<262144x64xf32, #tpu.memory_space<any>> -> memref<1x64xf32, #tpu.memory_space<any>>
    %dma_wait3A_935 = arith.constant 29993 : i32
    %dma_wait3A_936 = arith.constant 0 : i32
    %dma_wait3A_937 = tpu.memref_slice %arg2[%dma_wait3A_935, %dma_wait3A_936] : memref<30000x64xf32, #tpu.memory_space<vmem>> -> memref<1x64xf32, #tpu.memory_space<vmem>>
    tpu.wait_dma2 semaphore(%arg6 : memref<!tpu.dma_semaphore, #tpu.memory_space<semaphore_mem>>) src(%dma_wait3A_937 : memref<1x64xf32, #tpu.memory_space<vmem>>) dst(%dma_wait3A_934 : memref<1x64xf32, #tpu.memory_space<any>>)
    %get3A_938 = arith.constant 119977 : index
    %get3A_939 = memref.load %arg1[%get3A_938] : memref<120000xi32, #tpu.memory_space<smem>>
    %get3A_940 = arith.constant 119978 : index
    %get3A_941 = memref.load %arg1[%get3A_940] : memref<120000xi32, #tpu.memory_space<smem>>
    %mul3A_942 = arith.constant 512 : i32
    %mul3A_943 = arith.muli %get3A_941, %mul3A_942 : i32
    %add3A_944 = arith.addi %get3A_939, %mul3A_943 : i32
    %get3A_945 = arith.constant 119979 : index
    %get3A_946 = memref.load %arg1[%get3A_945] : memref<120000xi32, #tpu.memory_space<smem>>
    %add3A_947 = arith.addi %add3A_944, %get3A_946 : i32
    %dma_start3A_948 = arith.constant 0 : i32
    %dma_start3A_949 = tpu.memref_slice %arg3[%add3A_947, %dma_start3A_948] : memref<262144x64xf32, #tpu.memory_space<any>> -> memref<1x64xf32, #tpu.memory_space<any>>
    %dma_start3A_950 = arith.constant 29994 : i32
    %dma_start3A_951 = arith.constant 0 : i32
    %dma_start3A_952 = tpu.memref_slice %arg2[%dma_start3A_950, %dma_start3A_951] : memref<30000x64xf32, #tpu.memory_space<vmem>> -> memref<1x64xf32, #tpu.memory_space<vmem>>
    tpu.enqueue_dma source(%dma_start3A_952 : memref<1x64xf32, #tpu.memory_space<vmem>>) target(%dma_start3A_949 : memref<1x64xf32, #tpu.memory_space<any>>) target_semaphore(%arg6 : memref<!tpu.dma_semaphore, #tpu.memory_space<semaphore_mem>>)
    %dma_wait3A_953 = arith.constant 0 : i32
    %dma_wait3A_954 = tpu.memref_slice %arg3[%add3A_947, %dma_wait3A_953] : memref<262144x64xf32, #tpu.memory_space<any>> -> memref<1x64xf32, #tpu.memory_space<any>>
    %dma_wait3A_955 = arith.constant 29994 : i32
    %dma_wait3A_956 = arith.constant 0 : i32
    %dma_wait3A_957 = tpu.memref_slice %arg2[%dma_wait3A_955, %dma_wait3A_956] : memref<30000x64xf32, #tpu.memory_space<vmem>> -> memref<1x64xf32, #tpu.memory_space<vmem>>
    tpu.wait_dma2 semaphore(%arg6 : memref<!tpu.dma_semaphore, #tpu.memory_space<semaphore_mem>>) src(%dma_wait3A_957 : memref<1x64xf32, #tpu.memory_space<vmem>>) dst(%dma_wait3A_954 : memref<1x64xf32, #tpu.memory_space<any>>)
    %get3A_958 = arith.constant 119981 : index
    %get3A_959 = memref.load %arg1[%get3A_958] : memref<120000xi32, #tpu.memory_space<smem>>
    %get3A_960 = arith.constant 119982 : index
    %get3A_961 = memref.load %arg1[%get3A_960] : memref<120000xi32, #tpu.memory_space<smem>>
    %mul3A_962 = arith.constant 512 : i32
    %mul3A_963 = arith.muli %get3A_961, %mul3A_962 : i32
    %add3A_964 = arith.addi %get3A_959, %mul3A_963 : i32
    %get3A_965 = arith.constant 119983 : index
    %get3A_966 = memref.load %arg1[%get3A_965] : memref<120000xi32, #tpu.memory_space<smem>>
    %add3A_967 = arith.addi %add3A_964, %get3A_966 : i32
    %dma_start3A_968 = arith.constant 0 : i32
    %dma_start3A_969 = tpu.memref_slice %arg3[%add3A_967, %dma_start3A_968] : memref<262144x64xf32, #tpu.memory_space<any>> -> memref<1x64xf32, #tpu.memory_space<any>>
    %dma_start3A_970 = arith.constant 29995 : i32
    %dma_start3A_971 = arith.constant 0 : i32
    %dma_start3A_972 = tpu.memref_slice %arg2[%dma_start3A_970, %dma_start3A_971] : memref<30000x64xf32, #tpu.memory_space<vmem>> -> memref<1x64xf32, #tpu.memory_space<vmem>>
    tpu.enqueue_dma source(%dma_start3A_972 : memref<1x64xf32, #tpu.memory_space<vmem>>) target(%dma_start3A_969 : memref<1x64xf32, #tpu.memory_space<any>>) target_semaphore(%arg6 : memref<!tpu.dma_semaphore, #tpu.memory_space<semaphore_mem>>)
    %dma_wait3A_973 = arith.constant 0 : i32
    %dma_wait3A_974 = tpu.memref_slice %arg3[%add3A_967, %dma_wait3A_973] : memref<262144x64xf32, #tpu.memory_space<any>> -> memref<1x64xf32, #tpu.memory_space<any>>
    %dma_wait3A_975 = arith.constant 29995 : i32
    %dma_wait3A_976 = arith.constant 0 : i32
    %dma_wait3A_977 = tpu.memref_slice %arg2[%dma_wait3A_975, %dma_wait3A_976] : memref<30000x64xf32, #tpu.memory_space<vmem>> -> memref<1x64xf32, #tpu.memory_space<vmem>>
    tpu.wait_dma2 semaphore(%arg6 : memref<!tpu.dma_semaphore, #tpu.memory_space<semaphore_mem>>) src(%dma_wait3A_977 : memref<1x64xf32, #tpu.memory_space<vmem>>) dst(%dma_wait3A_974 : memref<1x64xf32, #tpu.memory_space<any>>)
    %get3A_978 = arith.constant 119985 : index
    %get3A_979 = memref.load %arg1[%get3A_978] : memref<120000xi32, #tpu.memory_space<smem>>
    %get3A_980 = arith.constant 119986 : index
    %get3A_981 = memref.load %arg1[%get3A_980] : memref<120000xi32, #tpu.memory_space<smem>>
    %mul3A_982 = arith.constant 512 : i32
    %mul3A_983 = arith.muli %get3A_981, %mul3A_982 : i32
    %add3A_984 = arith.addi %get3A_979, %mul3A_983 : i32
    %get3A_985 = arith.constant 119987 : index
    %get3A_986 = memref.load %arg1[%get3A_985] : memref<120000xi32, #tpu.memory_space<smem>>
    %add3A_987 = arith.addi %add3A_984, %get3A_986 : i32
    %dma_start3A_988 = arith.constant 0 : i32
    %dma_start3A_989 = tpu.memref_slice %arg3[%add3A_987, %dma_start3A_988] : memref<262144x64xf32, #tpu.memory_space<any>> -> memref<1x64xf32, #tpu.memory_space<any>>
    %dma_start3A_990 = arith.constant 29996 : i32
    %dma_start3A_991 = arith.constant 0 : i32
    %dma_start3A_992 = tpu.memref_slice %arg2[%dma_start3A_990, %dma_start3A_991] : memref<30000x64xf32, #tpu.memory_space<vmem>> -> memref<1x64xf32, #tpu.memory_space<vmem>>
    tpu.enqueue_dma source(%dma_start3A_992 : memref<1x64xf32, #tpu.memory_space<vmem>>) target(%dma_start3A_989 : memref<1x64xf32, #tpu.memory_space<any>>) target_semaphore(%arg6 : memref<!tpu.dma_semaphore, #tpu.memory_space<semaphore_mem>>)
    %dma_wait3A_993 = arith.constant 0 : i32
    %dma_wait3A_994 = tpu.memref_slice %arg3[%add3A_987, %dma_wait3A_993] : memref<262144x64xf32, #tpu.memory_space<any>> -> memref<1x64xf32, #tpu.memory_space<any>>
    %dma_wait3A_995 = arith.constant 29996 : i32
    %dma_wait3A_996 = arith.constant 0 : i32
    %dma_wait3A_997 = tpu.memref_slice %arg2[%dma_wait3A_995, %dma_wait3A_996] : memref<30000x64xf32, #tpu.memory_space<vmem>> -> memref<1x64xf32, #tpu.memory_space<vmem>>
    tpu.wait_dma2 semaphore(%arg6 : memref<!tpu.dma_semaphore, #tpu.memory_space<semaphore_mem>>) src(%dma_wait3A_997 : memref<1x64xf32, #tpu.memory_space<vmem>>) dst(%dma_wait3A_994 : memref<1x64xf32, #tpu.memory_space<any>>)
    %get3A_998 = arith.constant 119989 : index
    %get3A_999 = memref.load %arg1[%get3A_998] : memref<120000xi32, #tpu.memory_space<smem>>
    %get3A_1000 = arith.constant 119990 : index
    %get3A_1001 = memref.load %arg1[%get3A_1000] : memref<120000xi32, #tpu.memory_space<smem>>
    %mul3A_1002 = arith.constant 512 : i32
    %mul3A_1003 = arith.muli %get3A_1001, %mul3A_1002 : i32
    %add3A_1004 = arith.addi %get3A_999, %mul3A_1003 : i32
    %get3A_1005 = arith.constant 119991 : index
    %get3A_1006 = memref.load %arg1[%get3A_1005] : memref<120000xi32, #tpu.memory_space<smem>>
    %add3A_1007 = arith.addi %add3A_1004, %get3A_1006 : i32
    %dma_start3A_1008 = arith.constant 0 : i32
    %dma_start3A_1009 = tpu.memref_slice %arg3[%add3A_1007, %dma_start3A_1008] : memref<262144x64xf32, #tpu.memory_space<any>> -> memref<1x64xf32, #tpu.memory_space<any>>
    %dma_start3A_1010 = arith.constant 29997 : i32
    %dma_start3A_1011 = arith.constant 0 : i32
    %dma_start3A_1012 = tpu.memref_slice %arg2[%dma_start3A_1010, %dma_start3A_1011] : memref<30000x64xf32, #tpu.memory_space<vmem>> -> memref<1x64xf32, #tpu.memory_space<vmem>>
    tpu.enqueue_dma source(%dma_start3A_1012 : memref<1x64xf32, #tpu.memory_space<vmem>>) target(%dma_start3A_1009 : memref<1x64xf32, #tpu.memory_space<any>>) target_semaphore(%arg6 : memref<!tpu.dma_semaphore, #tpu.memory_space<semaphore_mem>>)
    %dma_wait3A_1013 = arith.constant 0 : i32
    %dma_wait3A_1014 = tpu.memref_slice %arg3[%add3A_1007, %dma_wait3A_1013] : memref<262144x64xf32, #tpu.memory_space<any>> -> memref<1x64xf32, #tpu.memory_space<any>>
    %dma_wait3A_1015 = arith.constant 29997 : i32
    %dma_wait3A_1016 = arith.constant 0 : i32
    %dma_wait3A_1017 = tpu.memref_slice %arg2[%dma_wait3A_1015, %dma_wait3A_1016] : memref<30000x64xf32, #tpu.memory_space<vmem>> -> memref<1x64xf32, #tpu.memory_space<vmem>>
    tpu.wait_dma2 semaphore(%arg6 : memref<!tpu.dma_semaphore, #tpu.memory_space<semaphore_mem>>) src(%dma_wait3A_1017 : memref<1x64xf32, #tpu.memory_space<vmem>>) dst(%dma_wait3A_1014 : memref<1x64xf32, #tpu.memory_space<any>>)
    %get3A_1018 = arith.constant 119993 : index
    %get3A_1019 = memref.load %arg1[%get3A_1018] : memref<120000xi32, #tpu.memory_space<smem>>
    %get3A_1020 = arith.constant 119994 : index
    %get3A_1021 = memref.load %arg1[%get3A_1020] : memref<120000xi32, #tpu.memory_space<smem>>
    %mul3A_1022 = arith.constant 512 : i32
    %mul3A_1023 = arith.muli %get3A_1021, %mul3A_1022 : i32
    %add3A_1024 = arith.addi %get3A_1019, %mul3A_1023 : i32
    %get3A_1025 = arith.constant 119995 : index
    %get3A_1026 = memref.load %arg1[%get3A_1025] : memref<120000xi32, #tpu.memory_space<smem>>
    %add3A_1027 = arith.addi %add3A_1024, %get3A_1026 : i32
    %dma_start3A_1028 = arith.constant 0 : i32
    %dma_start3A_1029 = tpu.memref_slice %arg3[%add3A_1027, %dma_start3A_1028] : memref<262144x64xf32, #tpu.memory_space<any>> -> memref<1x64xf32, #tpu.memory_space<any>>
    %dma_start3A_1030 = arith.constant 29998 : i32
    %dma_start3A_1031 = arith.constant 0 : i32
    %dma_start3A_1032 = tpu.memref_slice %arg2[%dma_start3A_1030, %dma_start3A_1031] : memref<30000x64xf32, #tpu.memory_space<vmem>> -> memref<1x64xf32, #tpu.memory_space<vmem>>
    tpu.enqueue_dma source(%dma_start3A_1032 : memref<1x64xf32, #tpu.memory_space<vmem>>) target(%dma_start3A_1029 : memref<1x64xf32, #tpu.memory_space<any>>) target_semaphore(%arg6 : memref<!tpu.dma_semaphore, #tpu.memory_space<semaphore_mem>>)
    %dma_wait3A_1033 = arith.constant 0 : i32
    %dma_wait3A_1034 = tpu.memref_slice %arg3[%add3A_1027, %dma_wait3A_1033] : memref<262144x64xf32, #tpu.memory_space<any>> -> memref<1x64xf32, #tpu.memory_space<any>>
    %dma_wait3A_1035 = arith.constant 29998 : i32
    %dma_wait3A_1036 = arith.constant 0 : i32
    %dma_wait3A_1037 = tpu.memref_slice %arg2[%dma_wait3A_1035, %dma_wait3A_1036] : memref<30000x64xf32, #tpu.memory_space<vmem>> -> memref<1x64xf32, #tpu.memory_space<vmem>>
    tpu.wait_dma2 semaphore(%arg6 : memref<!tpu.dma_semaphore, #tpu.memory_space<semaphore_mem>>) src(%dma_wait3A_1037 : memref<1x64xf32, #tpu.memory_space<vmem>>) dst(%dma_wait3A_1034 : memref<1x64xf32, #tpu.memory_space<any>>)
    %get3A_1038 = arith.constant 119997 : index
    %get3A_1039 = memref.load %arg1[%get3A_1038] : memref<120000xi32, #tpu.memory_space<smem>>
    %get3A_1040 = arith.constant 119998 : index
    %get3A_1041 = memref.load %arg1[%get3A_1040] : memref<120000xi32, #tpu.memory_space<smem>>
    %mul3A_1042 = arith.constant 512 : i32
    %mul3A_1043 = arith.muli %get3A_1041, %mul3A_1042 : i32
    %add3A_1044 = arith.addi %get3A_1039, %mul3A_1043 : i32
    %get3A_1045 = arith.constant 119999 : index
    %get3A_1046 = memref.load %arg1[%get3A_1045] : memref<120000xi32, #tpu.memory_space<smem>>
    %add3A_1047 = arith.addi %add3A_1044, %get3A_1046 : i32
    %dma_start3A_1048 = arith.constant 0 : i32
    %dma_start3A_1049 = tpu.memref_slice %arg3[%add3A_1047, %dma_start3A_1048] : memref<262144x64xf32, #tpu.memory_space<any>> -> memref<1x64xf32, #tpu.memory_space<any>>
    %dma_start3A_1050 = arith.constant 29999 : i32
    %dma_start3A_1051 = arith.constant 0 : i32
    %dma_start3A_1052 = tpu.memref_slice %arg2[%dma_start3A_1050, %dma_start3A_1051] : memref<30000x64xf32, #tpu.memory_space<vmem>> -> memref<1x64xf32, #tpu.memory_space<vmem>>
    tpu.enqueue_dma source(%dma_start3A_1052 : memref<1x64xf32, #tpu.memory_space<vmem>>) target(%dma_start3A_1049 : memref<1x64xf32, #tpu.memory_space<any>>) target_semaphore(%arg6 : memref<!tpu.dma_semaphore, #tpu.memory_space<semaphore_mem>>)
    %dma_wait3A_1053 = arith.constant 0 : i32
    %dma_wait3A_1054 = tpu.memref_slice %arg3[%add3A_1047, %dma_wait3A_1053] : memref<262144x64xf32, #tpu.memory_space<any>> -> memref<1x64xf32, #tpu.memory_space<any>>
    %dma_wait3A_1055 = arith.constant 29999 : i32
    %dma_wait3A_1056 = arith.constant 0 : i32
    %dma_wait3A_1057 = tpu.memref_slice %arg2[%dma_wait3A_1055, %dma_wait3A_1056] : memref<30000x64xf32, #tpu.memory_space<vmem>> -> memref<1x64xf32, #tpu.memory_space<vmem>>
    tpu.wait_dma2 semaphore(%arg6 : memref<!tpu.dma_semaphore, #tpu.memory_space<semaphore_mem>>) src(%dma_wait3A_1057 : memref<1x64xf32, #tpu.memory_space<vmem>>) dst(%dma_wait3A_1054 : memref<1x64xf32, #tpu.memory_space<any>>)
    return
  }
  func.func @transform_0(%arg0: i32, %arg1: memref<120000xi32, #tpu.memory_space<smem>>) -> (i32, i32) {
    %c0_i32 = arith.constant 0 : i32
    %c0_i32_0 = arith.constant 0 : i32
    %c0_i32_1 = arith.constant 0 : i32
    return %c0_i32, %c0_i32_0 : i32, i32
  }
}

module attributes {stable_mosaic.version = 14 : i64} {
  func.func @_transpose_body(%arg0: i32, %arg1: memref<2048x64xf32, #tpu.memory_space<vmem>>, %arg2: memref<64x2048xf32, #tpu.memory_space<vmem>>) attributes {dimension_semantics = [#tpu.dimension_semantics<arbitrary>], iteration_bounds = array<i64: 128>, scalar_prefetch = 0 : i64, scratch_operands = 0 : i64, tpu.core_type = #tpu.core_type<tc>, window_params = [{transform_indices = @transform_0, window_bounds = array<i64: 2048, 64>}, {transform_indices = @transform_1, window_bounds = array<i64: 64, 2048>}]} {
    %get3A = arith.constant 0 : index
    %get3A_0 = arith.constant 0 : index
    %get3A_1 = vector.load %arg1[%get3A, %get3A_0] : memref<2048x64xf32, #tpu.memory_space<vmem>>, vector<2048x64xf32>
    %transpose3A = tpu.transpose %get3A_1, [1, 0] : vector<2048x64xf32> -> vector<64x2048xf32>
    %swap3A = arith.constant 0 : index
    %swap3A_2 = arith.constant 0 : index
    %swap3A_3 = vector.load %arg2[%swap3A, %swap3A_2] : memref<64x2048xf32, #tpu.memory_space<vmem>>, vector<64x2048xf32>
    tpu.vector_store %arg2[%swap3A, %swap3A_2], %transpose3A {strides = array<i32>} : memref<64x2048xf32, #tpu.memory_space<vmem>>, vector<64x2048xf32>,
    return
  }
  func.func @transform_0(%arg0: i32) -> (i32, i32) {
    %c0_i32 = arith.constant 0 : i32
    %c0_i32_0 = arith.constant 0 : i32
    return %arg0, %c0_i32 : i32, i32
  }
  func.func @transform_1(%arg0: i32) -> (i32, i32) {
    %c0_i32 = arith.constant 0 : i32
    %c0_i32_0 = arith.constant 0 : i32
    return %c0_i32, %arg0 : i32, i32
  }
}

</mosaic_0001>

<sc_bundles>
// kernel: sparse-core-data-format-call.cloned.1.call-start
scs
called_computation_lowered:
.L_overlay_start_0:
0x0: {  	s2 =	sld [smem:$0x3FD9]  }
0x1: {  	s3 =	sld [smem:$0x3FFE];
	_ =	sdelay $0x1  }
0x2: {  	s1 =	srdreg.scid  }
0x3: {  	s0 =	sand.u32 $0x1, s1  }
0x4: {  	s18 =	sshll.u32 s0, $0xA;
	s2 =	sadd.s32 s3, s2  }
0x5: {  	s2 =	sadd.s32 s2, s18  }
0x6: {  	[smem:$0x3FC6] =	sst s2  }
0x7: {  	_ = 	snop  }
0x8: {  	s2 =	sld [smem:$0x3FD0];
	(tm) =	ssettm $0x1  }
0x9: {  	s19 =	sld [smem:$0x3FFB];
	_ =	sdelay $0x3  }
0xa: {  	_ =	strace s19  }
0xb: {  	s3 =	sld [smem:$0x3FFC];
	_ =	sdelay $0x3  }
0xc: {  	_ =	strace s3  }
0xd: {  	s3 =	sld [smem:$0x3FFD];
	_ =	sdelay $0x3  }
0xe: {  	_ =	strace s3  }
0xf: {  	_ =	strace $0x8FFFFFFF  }
0x10: {  	s20 =	sld [smem:$0x3FDB];
	_ =	sdelay $0x1  }
0x11: {  	s4 =	simm.s32 $_scs_section_size  }
0x12: {  	s5 =	simm.s32 $_size__tile_overlayer_lowered;
	s6 =	simm.s32 $_tile_overlayer_lowered  }
0x13: {  	s23 =	simm.s32 $0x1BFF;
	s22 =	sshll.u32 s6, $0x1;
	s3 =	sadd.s32 s4, s20  }
0x14: {  	s7 =	simm.s32 $0x0;
	s21 =	sshll.u32 s5, $0x1;
	s5 =	sadd.s32 s22, s3  }
0x15: {  	[timem:s7], [sflag:s23] =	dma.local [hbm:s5], s21  }
0x16: {  	_ =	swait.ge [sflag:s23], s21  }
0x17: {  	s4 =	ssub.s32 $0x0, s21;
	[sflag:s23] =	ssyncset.done $0x0  }
0x18: {  	[sflag:s23] =	ssyncadd.s32 s4;
	_ =	sdelay $0x1  }
0x19: {  	s24 =	simm.s32 $0x1B8B  }
0x1a: {  	_ =	swait.ge [sflag:s24], $0x1  }
0x1b: {  	[sflag:s24] =	ssyncset.done $0x0  }
0x1c: {  	s26 =	simm.s32 $0x1B8E;
	s25 =	sld [smem:$0x3FFE];
	[sflag:s24] =	ssyncadd.s32 $0xFFFFFFFF  }
0x1d: {  	s27 =	simm.s32 $execute0_lowered;
	[smem:$0x3FD2] =	sst s26  }
0x1e: {  	s5 =	sshll.u32 s27, $0x1;
	_ =	strace $0x80000046;
	[dreg:$0x1] =	wrdreg $0xFFFFFFFF  }
0x1f: {  	s28 =	simm.s32 $_size_execute0_lowered;
	s3 =	sadd.s32 s3, s5;
	[dreg:$0x0] =	wrdreg $0x0  }
0x20: {  	s5 =	sshll.u32 s28, $0x1;
	[dreg:$0x2] =	wrdreg s3  }
0x21: {  	[dreg:$0x3] =	wrdreg s5  }
0x22: {  	[dreg:$0x4] =	wrdreg $0xC0  }
0x23: {  	_ =	task [dreg:s7], $0x5FFFF  }
0x24: {  	[dreg:$0x1] =	wrdreg $0xFFFFFFFF  }
0x25: {  	[dreg:$0x0] =	wrdreg $0x60  }
0x26: {  	[dreg:$0x2] =	wrdreg s25  }
0x27: {  	[dreg:$0x3] =	wrdreg s2  }
0x28: {  	[dreg:$0x4] =	wrdreg $0x9  }
0x29: {  	_ =	task.clear_ibuf [dreg:s7], $0x5FFFF;
	_ =	strace $0x90000046  }
0x2a: {  	s29 =	simm.s32 $0x9;
	_ =	strace $0x80000048  }
0x2b: {  	_ =	swait.ge [sflag:s29], $0x1  }
0x2c: {  	[sflag:s29] =	ssyncadd.s32 $0xFFFFFFFF  }
0x2d: {  	_ =	strace $0x90000048  }
0x2e: {  	_ =	sfence  }
0x2f: {  	s30 =	sld [smem:$0x0];
	_ =	sdelay $0x2  }
0x30: {  	s31 =	sshll.u32 s1, $0xD;
	s1 =	sshrl.u32 s1, $0x2  }
0x31: {  	s3 =	sand.u32 $0x4000, s31;
	s1 =	sadd.s32 s1, s30  }
0x32: {  	s0 =	sor.u32 s3, s0;
	s1 =	sshll.u32 s1, $0x11  }
0x33: {  	s0 =	sor.u32 s1, s0  }
0x34: {  	s0 =	sadd.s32 $0x8F2B, s0  }
0x35: {  	[sflag:s0] =	ssyncadd.remote.s32 $0x1  }
0x36: {  	_ =	sfence.sel $0xFFFF  }
0x37: {  	[dreg:$0x0] =	wrdreg $0xFFFFFFFF;
	(pc) =	sbr.abs _section_cstart, $3  }
0x38: {  	[dreg:$0x1] =	wrdreg $0xFFFFFFFF  }
0x39: {  	_ =	task.clear_ibuf [dreg:s7], $0x2FFFF;
	_ =	strace $0x9FFFFFFF  }
0x3a: {  	(tm) =	ssettm $0x7FFFFFFF  }
0x3b: {  	_ =	shalt  }
tec
execute0_lowered:
.L_overlay_start_1:
0x0: {  	(tag) =	ssettag $0x1  }
0x1: {  	s0 =	srdreg.scid  }
0x2: {  	s5 =	stileid.u32;
	s1 =	rddreg [dreg:$0x0]  }
0x3: {  	s2 =	rddreg [dreg:$0x1];
	_ =	strace $0x80000047;
	s6 =	simm.s32 $0x1  }
0x4: {  	s7 =	simm.s32 $0x2;
	s16 =	simm.s32 $0x0;
	s9 =	simm.s32 $0x40000  }
0x5: {  	s10 =	simm.s32 $0x0;
	s17 =	simm.s32 $0x0;
	s0 =	sshll.u32 s0, $0x4  }
0x6: {  	s19 =	simm.s32 $0x0;
	s18 =	simm.s32 $0x0;
	s0 =	sor.u32 s5, s0  }
0x7: {  	s11 =	simm.s32 $0x0;
	s12 =	simm.s32 $0x0;
	s3 =	sand.u32 $0x18, s0  }
0x8: {  	s15 =	simm.s32 $0x0;
	s25 =	simm.s32 $0x0;
	s0 =	ssub.s32 $0x200, s3  }
.Ltmp0:
0x9: {  	s4 =	sadd.s32 $0x400400, s1;
	s31 =	sand.u32 $0x18, s0;
	(pc) =	sbr.rel .LBB1_1-.Ltmp0, $4  }
0xa: {  	s1 =	simm.s32 $0x1;
	[sflag:s6] =	ssyncpa.u1 $0x0;
	p0 =	sne.s32 s31, $0x0  }
0xb: {  	s5 =	sand.u32 $0x7, s5;
	s0 =	sshrl.u32 s0, $0x5;
	s1 =	simm.s32 @!p0 $0x0  }
0xc: {  	[sflag:s7] =	ssyncpa.u1 $0x0;
	s14 =	smov.u32 s5;
	s0 =	sadd.s32 s1, s0  }
0xd: {  	s13 =	smov.u32 s3;
	s7 =	sshll.u32 s0, $0x1;
	s8 =	sshllo.u32 s0, $0x1  }
.LBB1_7:
0xe: {  	s0 =	sadd.s32 $0x100, s11  }
0xf: {  	s1 =	sadd.s32 $0x8, s12;
	s20 =	smov.u32 s12;
	p1 =	sgt.s32 s0, $0x1FF  }
0x10: {  	s20 =	smov.u32 @p1 s1  }
0x11: {  	s21 =	smov.u32 s13;
	s1 =	sadd.s32 $0x20, s13;
	p2 =	sgt.s32 s20, $0x7  }
0x12: {  	s21 =	smov.u32 @p2 s1  }
0x13: {  	s22 =	smov.u32 s14;
	s1 =	sadd.s32 $0x8, s14;
	p3 =	sgt.s32 s21, $0x1FF  }
0x14: {  	p0 =	slt.u32 s15, $0x2;
	s22 =	smov.u32 @p3 s1  }
0x15: {  	s16 =	smov.u32 s11;
	s0 =	simm.s32 @p1 $0x0;
	p1 =	sgt.s32 s22, $0x7  }
0x16: {  	s17 =	smov.u32 s12;
	s22 =	smov.u32 @p1 s5;
	p1 =	sne.s32 s15, s8  }
.Ltmp1:
0x17: {  	s19 =	smov.u32 s13;
	s18 =	smov.u32 s14;
	(pc) =	sbr.rel @!p1 .LBB1_8-.Ltmp1, $4  }
0x18: {  	s10 =	sadd.s32 $0x4000, s10;
	s11 =	smov.u32 s0;
	s1 =	simm.s32 @!p0 $0x2  }
0x19: {  	s20 =	simm.s32 @p2 $0x0;
	s21 =	smov.u32 @p3 s3;
	_ =	swait.ge @!p0 [sflag:s1], $0x4000  }
0x1a: {  	s12 =	smov.u32 s20;
	s13 =	smov.u32 s21;
	[sflag:s1] =	ssyncset.done @!p0 $0x0  }
0x1b: {  	s15 =	sadd.s32 $0x1, s15;
	[sflag:s1] =	ssyncadd.s32 @!p0 $0xFFFFC000;
	s14 =	smov.u32 s22  }
.LBB1_1:
0x1c: {  	p0 =	sge.u32 s15, s7  }
0x1d: {  	s31 =	sadd.s32 $0xFFFFFFFF, s15;
	s0 =	sxor.u32 @!p0 $0xFFFFFFFF, s15;
	s1 =	sshll.u32 @!p0 s11, $0x3  }
0x1e: {  	s20 =	sshll.u32 @!p0 s12, $0x7;
	s21 =	sand.u32 @!p0 $0x78, s11;
	s22 =	sshll.u32 @!p0 s14, $0x12  }
0x1f: {  	s23 =	sshll.u32 @!p0 s13, $0x9;
	s0 =	sshll.u32 @!p0 s0, $0xE;
	s20 =	sand.u32 @!p0 $0x380, s20  }
0x20: {  	s1 =	sand.u32 @!p0 $0xC00, s1;
	s0 =	sand.u32 @!p0 $0x4000, s0;
	s20 =	sor.u32 @!p0 s21, s20  }
0x21: {  	s21 =	sand.u32 @!p0 $0x7, s11;
	s1 =	sor.u32 @!p0 s1, s20;
	s20 =	sadd.s32 @!p0 s4, s22  }
0x22: {  	s21 =	sshll.u32 @!p0 s21, $0x12;
	s1 =	sshrl.u32 @!p0 s1, $0x3;
	s20 =	sadd.s32 @!p0 s23, s20  }
0x23: {  	s1 =	sadd.s32 @!p0 s1, s20;
	s20 =	sor.u32 @!p0 $0x800, s21;
	s21 =	simm.s32 @!p0 $0x1000  }
0x24: {  	[tilespmem:s0], [sflag:$0x1] =	stream.strided.gather @!p0 [hbm4b:s1+s20], $0x4000, s21, s20, $0x38;
	[tilespmem:$0x10000] =	vst v63  }
0x25: {  	p0 =	sge.u32 s31, s7  }
.Ltmp2:
0x26: {  	_ = 	snop;
	(pc) =	sbr.rel @p0 .LBB1_7-.Ltmp2, $1  }
0x27: {  	_ =	sdelay $0x3  }
0x28: {  	s0 =	sshll.u32 s10, $0x2;
	_ =	swait.ge [sflag:s6], $0x4000;
	s1 =	sshll.u32 s15, $0xE  }
0x29: {  	p0 =	por $0x0, $0x0;
	s26 =	simm.s32 $0x0;
	s27 =	simm.s32 $0x0  }
0x2a: {  	s0 =	sand.u32 $0x10000, s0;
	[sflag:s6] =	ssyncset.done $0x0;
	s23 =	sand.u32 $0x4000, s1  }
0x2b: {  	s0 =	sshrl.u32 s0, $0x2;
	[sflag:s6] =	ssyncadd.s32 $0xFFFFC000;
	s20 =	sor.u32 $0x8000, s23  }
0x2c: {  	s21 =	sor.u32 $0x40, s0;
	s22 =	sor.u32 $0x8410, s0;
	s24 =	sadd.s32 $0x8400, s0  }
.LBB1_3:
0x2d: {  	v1 =	vld [tilespmem:s21+$0xFFFFFFD0]  }
0x2e: {  	v2 =	vld [tilespmem:s21+$0x430]  }
0x2f: {  	s0 =	sshll.u32 s27, $0xB;
	v4 =	vld [tilespmem:s21+$0xFFFFFFE0]  }
0x30: {  	v7 =	vld [tilespmem:s21+$0xFFFFFFF0];
	v0 =	vmov s0  }
0x31: {  	v8 =	vld [tilespmem:s21+$0x0]  }
0x32: {  	v9 =	vld [tilespmem:s21+$0x10];
	s0 =	sand.u32 $0x300, s25  }
0x33: {  	s1 =	sand.u32 $0x80, s25;
	v10 =	vld [tilespmem:s21+$0x20];
	s0 =	sadd.s32 s0, s23  }
0x34: {  	v11 =	vld [tilespmem:s21+$0x30];
	s0 =	sadd.s32 s1, s0;
	s1 =	simm.s32 $0x1;
	[tilespmem:s22+$0x60] =	vst v2  }
0x35: {  	s1 =	simm.s32 @!p0 $0x0;
	[tilespmem:s22+$0xFFFFFC00] =	vst v1;
	v3 =	vld.idx.msk [tilespmem:v0+s0+$0x400 ss:$0x1], $0xffff;
	s0 =	sshll.u32 s26, $0x2  }
0x36: {  	v6 =	vld [tilespmem:s21+$0x3D0];
	s1 =	sshll.u32 s1, $0x9;
	[tilespmem:s22+$0xFFFFFC10] =	vst v4;
	s0 =	sand.u32 $0xFFFFFC00, s0  }
0x37: {  	v5 =	vld [tilespmem:s21+$0x3E0];
	[tilespmem:s22+$0xFFFFFC20] =	vst v7;
	s0 =	sor.u32 s1, s0  }
0x38: {  	[tilespmem:s22+$0xFFFFFC30] =	vst v8;
	v4 =	vld [tilespmem:s21+$0x400];
	s0 =	sshrl.u32 s0, $0x2  }
0x39: {  	[tilespmem:s22+$0xFFFFFC40] =	vst v9;
	v1 =	vld [tilespmem:s21+$0x410];
	s28 =	sadd.s32 s0, s24  }
0x3a: {  	[tilespmem:s28+$0x0] =	vst v3;
	v3 =	vld [tilespmem:s21+$0x3F0]  }
0x3b: {  	s31 =	simm.s32 $0x100;
	[tilespmem:s22+$0xFFFFFC50] =	vst v10;
	v2 =	vld [tilespmem:s21+$0x420];
	s1 =	simm.s32 $0x80  }
0x3c: {  	s29 =	sadd.s32 $0x80, s21;
	s30 =	smov.u32 s22;
	v7 =	vld [tilespmem:s21+$0xFFFFFFC0];
	[tilespmem:s22+$0xFFFFFC60] =	vst v11;
	s0 =	sand.u32 $0x300, s1  }
.LBB1_4:
0x3d: {  	p1 =	sne.s32 s31, $0x380;
	v8 =	vld [tilespmem:s29+$0xFFFFFFD0];
	s1 =	sand.u32 $0x80, s1;
	s0 =	sadd.s32 s0, s23;
	[tilespmem:s30+$0x0] =	vst v6  }
0x3e: {  	s0 =	sadd.s32 s1, s0;
	v6 =	vld [tilespmem:s29+$0x430];
	[tilespmem:s30+$0x10] =	vst v5;
	s1 =	smov.u32 s31  }
0x3f: {  	v5 =	vld.idx.msk [tilespmem:v0+s0+$0x400 ss:$0x1], $0xffff;
	[tilespmem:s30+$0x20] =	vst v3  }
0x40: {  	v3 =	vld [tilespmem:s29+$0xFFFFFFE0];
	[tilespmem:s30+$0x30] =	vst v4  }
0x41: {  	v4 =	vld [tilespmem:s29+$0xFFFFFFF0];
	[tilespmem:s30+$0xFFFFFBF0] =	vst v7  }
0x42: {  	v7 =	vld [tilespmem:s29+$0x0];
	[tilespmem:s30+$0x40] =	vst v1  }
0x43: {  	v1 =	vld [tilespmem:s29+$0x10];
	[tilespmem:s30+$0x50] =	vst v2;
	s30 =	sadd.s32 $0x800, s30  }
0x44: {  	s28 =	sadd.s32 $0x800, s28;
	v2 =	vld [tilespmem:s29+$0x20];
	[tilespmem:s30+$0x60] =	vst v6  }
0x45: {  	v9 =	vld [tilespmem:s29+$0x30];
	[tilespmem:s28+$0x0] =	vst v5  }
0x46: {  	[tilespmem:s30+$0xFFFFFC00] =	vst v8;
	v6 =	vld [tilespmem:s29+$0x3D0]  }
0x47: {  	[tilespmem:s30+$0xFFFFFC10] =	vst v3;
	v5 =	vld [tilespmem:s29+$0x3E0]  }
.Ltmp3:
0x48: {  	[tilespmem:s30+$0xFFFFFC20] =	vst v4;
	v3 =	vld [tilespmem:s29+$0x3F0];
	(pc) =	sbr.rel @p1 .LBB1_4-.Ltmp3, $4  }
0x49: {  	[tilespmem:s30+$0xFFFFFC30] =	vst v7;
	v4 =	vld [tilespmem:s29+$0x400]  }
0x4a: {  	[tilespmem:s30+$0xFFFFFC40] =	vst v1;
	v1 =	vld [tilespmem:s29+$0x410]  }
0x4b: {  	[tilespmem:s30+$0xFFFFFC50] =	vst v2;
	v2 =	vld [tilespmem:s29+$0x420]  }
0x4c: {  	s31 =	sadd.s32 $0x80, s31;
	s0 =	sand.u32 $0x300, s1;
	v7 =	vld [tilespmem:s29+$0xFFFFFFC0];
	[tilespmem:s30+$0xFFFFFC60] =	vst v9;
	s29 =	sadd.s32 $0x80, s29  }
0x4d: {  	[tilespmem:s30+$0x0] =	vst v6  }
0x4e: {  	[tilespmem:s30+$0x10] =	vst v5  }
0x4f: {  	v49 =	vld [tilespmem:s29+$0x430];
	[tilespmem:s30+$0x20] =	vst v3  }
0x50: {  	v50 =	vld [tilespmem:s29+$0xFFFFFFD0];
	[tilespmem:s30+$0x30] =	vst v4  }
0x51: {  	v51 =	vld [tilespmem:s29+$0xFFFFFFE0];
	[tilespmem:s30+$0x40] =	vst v1  }
0x52: {  	v52 =	vld [tilespmem:s29+$0xFFFFFFF0];
	[tilespmem:s30+$0x50] =	vst v2  }
0x53: {  	v53 =	vld [tilespmem:s29+$0x0];
	[tilespmem:s30+$0xFFFFFBF0] =	vst v7;
	s30 =	sadd.s32 $0x800, s30  }
0x54: {  	v54 =	vld [tilespmem:s29+$0x10];
	[tilespmem:s30+$0x60] =	vst v49  }
0x55: {  	v55 =	vld [tilespmem:s29+$0x20];
	[tilespmem:s30+$0xFFFFFC00] =	vst v50  }
0x56: {  	v56 =	vld [tilespmem:s29+$0x30];
	[tilespmem:s30+$0xFFFFFC10] =	vst v51  }
0x57: {  	v57 =	vld [tilespmem:s29+$0x3D0];
	[tilespmem:s30+$0xFFFFFC20] =	vst v52  }
0x58: {  	v58 =	vld [tilespmem:s29+$0x3E0];
	[tilespmem:s30+$0xFFFFFC30] =	vst v53  }
0x59: {  	v59 =	vld [tilespmem:s29+$0x3F0];
	[tilespmem:s30+$0xFFFFFC40] =	vst v54  }
0x5a: {  	v60 =	vld [tilespmem:s29+$0x400];
	[tilespmem:s30+$0xFFFFFC50] =	vst v55  }
0x5b: {  	v61 =	vld [tilespmem:s29+$0xFFFFFFC0];
	[tilespmem:s30+$0xFFFFFC60] =	vst v56  }
0x5c: {  	s1 =	sand.u32 $0x80, s1;
	s0 =	sadd.s32 s0, s23;
	v62 =	vld [tilespmem:s29+$0x410];
	[tilespmem:s30+$0x0] =	vst v57  }
0x5d: {  	v63 =	vld [tilespmem:s29+$0x420];
	s27 =	sadd.s32 $0x1, s27;
	s0 =	sadd.s32 s1, s0;
	[tilespmem:s30+$0x10] =	vst v58  }
0x5e: {  	p1 =	sne.s32 s27, $0x8;
	v0 =	vld.idx.msk [tilespmem:v0+s0+$0x400 ss:$0x1], $0xffff;
	[tilespmem:s30+$0x20] =	vst v59  }
.Ltmp4:
0x5f: {  	[tilespmem:s30+$0x30] =	vst v60;
	(pc) =	sbr.rel @p1 .LBB1_3-.Ltmp4, $4  }
0x60: {  	[tilespmem:s30+$0xFFFFFBF0] =	vst v61  }
0x61: {  	[tilespmem:s30+$0x40] =	vst v62  }
0x62: {  	s31 =	sadd.s32 $0x800, s28;
	s21 =	sadd.s32 $0x800, s21;
	[tilespmem:s30+$0x50] =	vst v63  }
0x63: {  	s26 =	sadd.s32 $0x80, s26;
	p0 =	por !p0, !p0;
	s22 =	sadd.s32 $0x80, s22;
	[tilespmem:s31+$0x0] =	vst v0  }
0x64: {  	s0 =	sand.u32 $0x78, s16  }
0x65: {  	s1 =	sshll.u32 s19, $0x9;
	s21 =	sshll.u32 s16, $0x3;
	s28 =	sshll.u32 s19, $0x7  }
0x66: {  	s18 =	sshll.u32 s18, $0x12;
	s17 =	sshll.u32 s17, $0xF;
	s30 =	sand.u32 $0x7, s16  }
0x67: {  	s1 =	sand.u32 $0x3F000, s1;
	s21 =	sand.u32 $0x3FC00, s21;
	s29 =	sand.u32 $0x200, s28  }
0x68: {  	s19 =	sand.u32 $0x180, s28;
	s18 =	sadd.s32 s2, s18;
	s1 =	sadd.s32 s1, s21  }
.Ltmp5:
0x69: {  	s0 =	sor.u32 s19, s0;
	s1 =	sor.u32 s29, s1;
	(pc) =	sbr.rel .LBB1_7-.Ltmp5, $4  }
0x6a: {  	s17 =	sadd.s32 s17, s18;
	s0 =	sshrl.u32 s0, $0x3;
	s1 =	sshrl.u32 s1, $0x3  }
0x6b: {  	s16 =	sshll.u32 s30, $0x12;
	s0 =	sadd.s32 s0, s17;
	s1 =	sand.u32 $0x7FC0, s1  }
0x6c: {  	s31 =	sor.u32 $0x800, s16;
	s0 =	sadd.s32 s1, s0  }
0x6d: {  	[hbm4b:s0+s31] =	stream.strided.scatter [tilespmem:s20], [sflag:$0x2], $0x4000, s9, s31, $0x38;
	[tilespmem:$0x10000] =	vst v63  }
.LBB1_8:
0x6e: {  	_ =	sfence.sel $0x180000  }
0x6f: {  	s0 =	simm.s32 $0x1;
	[bflag:$0x0] =	sbarrier.arrive $0xFFFF  }
0x70: {  	s30 =	simm.s32 $0x2;
	[sflag:s0] =	ssyncpa.u1 $0x1  }
0x71: {  	[sflag:s30] =	ssyncpa.u1 $0x1  }
0x72: {  	_ =	strace $0x90000047  }
0x73: {  	s31 =	stileid.u32;
	[bflag:$0x2] =	sbarrier.arrive $0xFFFF  }
0x74: {  	p0 =	sne.s32 s31, $0x0;
	s0 =	rddreg [dreg:$0x2]  }
0x75: {  	s0 =	sadd.s32 @!p0 $0x100000, s0  }
0x76: {  	[sflag:s0] =	ssyncadd.tile.s32 @!p0 $0x1;
	_ =	shalt  }
.Lfunc_end1:
_tile_overlayer_lowered:
.L_overlay_start_2:
0x77: {  	(tag) =	ssettag $0x2  }
0x78: {  	s0 =	rddreg [dreg:$0x0];
	s2 =	stileid.u32  }
0x79: {  	s1 =	rddreg [dreg:$0x1];
	p0 =	sne.s32 s2, $0x0  }
0x7a: {  	s3 =	rddreg [dreg:$0x2];
	[bflag:$0x3] =	sbarrier.arrive $0xFFFF;
	s2 =	simm.s32 @!p0 $0x1C01  }
0x7b: {  	[timem:s3], [sflag:s2] =	dma.local @!p0 [hbm:s0], s1  }
0x7c: {  	s0 =	simm.s32 @!p0 $0x1  }
0x7d: {  	_ =	swait.ge @!p0 [sflag:s0], s1  }
0x7e: {  	s1 =	ssub.s32 @!p0 $0x0, s1;
	[sflag:s0] =	ssyncset.done @!p0 $0x0  }
0x7f: {  	[sflag:s0] =	ssyncadd.s32 @!p0 s1  }
0x80: {  	[bflag:$0x3] =	sbarrier.arrive $0xFFFF  }
0x81: {  	_ =	shalt  }

</sc_bundles>
